<compile_context>
chip_gen: v7x
topology: tpu7x:2x2x1
jax: 0.10.2.dev20260603
libtpu: 0.0.44.dev20260713+nightly
codegen_flags: <defaults>
</compile_context>

<pallas_src>
import functools

import jax
import jax.numpy as jnp
from jax import lax
from jax.experimental import pallas as pl
from jax.experimental.pallas import tpu as pltpu
from jax.experimental.pallas import tpu_sc as plsc

EMBED_D = 128
C_LEN = 100
B3 = 3072
NUM_CORES = 2
NUM_SUBCORES = 16
NW = NUM_CORES * NUM_SUBCORES
NB = 4
TG = 4
T_BLK = 20
T_OUTER = C_LEN // T_BLK
N_CHUNK = 3
BC = B3 // N_CHUNK
BPW = BC // NW


def _sc_gather_body(ids_hbm, pcontent_hbm, wembed_hbm, emb_hbm,
                    ids_v, tok_v, tok_t, buf0, buf1, buf2, buf3, sg, ss):
    bufs = (buf0, buf1, buf2, buf3)
    wid = lax.axis_index("s") * NUM_CORES + lax.axis_index("c")
    base = wid * BPW
    pltpu.sync_copy(ids_hbm.at[pl.ds(base, BPW)], ids_v)
    pltpu.async_copy(pcontent_hbm.at[ids_v], tok_v, sg.at[0]).wait()

    iota = lax.iota(jnp.int32, 16)

    def transpose_row(t, carry):
        for i0 in range(BPW // 16):
            rows = iota + (i0 * 16)
            cols = iota * 0 + t
            tok_t[pl.ds(t * BPW + i0 * 16, 16)] = plsc.load_gather(
                tok_v, [rows, cols])
        return carry

    lax.fori_loop(0, C_LEN, transpose_row, 0)

    def gather_g(g, slot):
        pltpu.async_copy(
            wembed_hbm.at[tok_t.at[pl.ds(g * TG * BPW, TG * BPW)]],
            bufs[slot], sg.at[slot])

    def wait_gather(g, slot):
        pltpu.make_async_copy(
            wembed_hbm.at[tok_t.at[pl.ds(g * TG * BPW, TG * BPW)]],
            bufs[slot], sg.at[slot]).wait()

    def fire_scatters(g, slot):
        for i in range(TG):
            pltpu.async_copy(
                bufs[slot].at[pl.ds(i * BPW, BPW)],
                emb_hbm.at[pl.ds((g * TG + i) * BC + base, BPW)],
                ss.at[slot])

    def drain_scatter(slot):
        pltpu.make_async_copy(
            bufs[slot], emb_hbm.at[pl.ds(0, TG * BPW)], ss.at[slot]).wait()

    NG = C_LEN // TG
    for j in range(2):
        gather_g(j, j)

    def round_body(r, carry):
        for j in range(NB):
            g = r * NB + j
            wait_gather(g, j)
            fire_scatters(g, j)
            f = g + 2
            fs = (j + 2) % NB

            @pl.when(f < NG)
            def _fire():
                @pl.when(g >= 2)
                def _drain():
                    drain_scatter(fs)
                gather_g(f, fs)
        return carry

    lax.fori_loop(0, NG // NB, round_body, 0)
    for j in range(NG % NB):
        g_tail = (NG // NB) * NB + j
        wait_gather(g_tail, j)
        fire_scatters(g_tail, j)
    for j in range(NB):
        drain_scatter(j)


def _sc_gather(flat_ids, p_content_pad, word_embed):
    mesh = plsc.VectorSubcoreMesh(
        core_axis_name="c", subcore_axis_name="s",
        num_cores=NUM_CORES, num_subcores=NUM_SUBCORES)
    run = pl.kernel(
        _sc_gather_body,
        out_type=jax.ShapeDtypeStruct((C_LEN * BC, EMBED_D), jnp.float32),
        mesh=mesh,
        scratch_types=[
            pltpu.VMEM((BPW,), jnp.int32),
            pltpu.VMEM((BPW, 128), jnp.int32),
            pltpu.VMEM((C_LEN * BPW,), jnp.int32),
            pltpu.VMEM((TG * BPW, EMBED_D), jnp.float32),
            pltpu.VMEM((TG * BPW, EMBED_D), jnp.float32),
            pltpu.VMEM((TG * BPW, EMBED_D), jnp.float32),
            pltpu.VMEM((TG * BPW, EMBED_D), jnp.float32),
            pltpu.SemaphoreType.DMA((NB,)),
            pltpu.SemaphoreType.DMA((NB,)),
        ],
        compiler_params=pltpu.CompilerParams(needs_layout_passes=False),
    )
    return run(flat_ids, p_content_pad, word_embed)


def _pad_body(src_ref, dst_ref):
    dst_ref[:, 0:C_LEN] = src_ref[...]


def _pad_tokens(p_content_i32):
    return pl.pallas_call(
        _pad_body,
        grid=(10,),
        in_specs=[pl.BlockSpec((2000, C_LEN), lambda i: (i, 0))],
        out_specs=pl.BlockSpec((2000, 128), lambda i: (i, 0)),
        out_shape=jax.ShapeDtypeStruct((20000, 128), jnp.int32),
    )(p_content_i32)


def _lstm_body(emb_ref, wcat_ref, bias_ref, out_ref, h_ref, c_ref):
    t = pl.program_id(0)

    @pl.when(t == 0)
    def _init():
        h_ref[...] = jnp.zeros_like(h_ref)
        c_ref[...] = jnp.zeros_like(c_ref)
        out_ref[...] = jnp.zeros_like(out_ref)

    acc = out_ref[...]
    h = h_ref[...]
    c = c_ref[...]
    for k in range(T_BLK):
        x = emb_ref[pl.ds(k * BC, BC), :].astype(jnp.bfloat16)
        z = jnp.concatenate([x, h.astype(jnp.bfloat16)], axis=1)
        gates = (
            jnp.dot(z, wcat_ref[...], preferred_element_type=jnp.float32)
            + bias_ref[0:1, :]
        )
        th_i = jnp.tanh(gates[:, 0:EMBED_D])
        th_f = jnp.tanh(gates[:, EMBED_D:2 * EMBED_D])
        g = jnp.tanh(gates[:, 2 * EMBED_D:3 * EMBED_D])
        th_o = jnp.tanh(gates[:, 3 * EMBED_D:4 * EMBED_D])
        c = 0.5 * ((1.0 + th_f) * c + (1.0 + th_i) * g)
        h = (1.0 + th_o) * jnp.tanh(c)
        acc += h
    h_ref[...] = h
    c_ref[...] = c
    out_ref[...] = acc

    @pl.when(t == T_OUTER - 1)
    def _finish():
        out_ref[...] = acc * (1.0 / (2 * C_LEN))


def _lstm(emb_tm, wcat, bias):
    return pl.pallas_call(
        _lstm_body,
        grid=(T_OUTER,),
        in_specs=[
            pl.BlockSpec((T_BLK * BC, EMBED_D), lambda t: (t, 0)),
            pl.BlockSpec((2 * EMBED_D, 4 * EMBED_D), lambda t: (0, 0)),
            pl.BlockSpec((8, 4 * EMBED_D), lambda t: (0, 0)),
        ],
        out_specs=pl.BlockSpec((BC, EMBED_D), lambda t: (0, 0)),
        out_shape=jax.ShapeDtypeStruct((BC, EMBED_D), jnp.float32),
        scratch_shapes=[
            pltpu.VMEM((BC, EMBED_D), jnp.float32),
            pltpu.VMEM((BC, EMBED_D), jnp.float32),
        ],
        compiler_params=pltpu.CompilerParams(
            vmem_limit_bytes=100 * 1024 * 1024),
    )(emb_tm, wcat, bias)


def kernel(triple_batch, triple_index, word_embed, p_content, W_ih, W_hh,
           b_ih, b_hh):
    flat_ids = jnp.transpose(triple_batch.astype(jnp.int32)).reshape(B3)
    p_content_pad = _pad_tokens(p_content.astype(jnp.int32))

    gate_scale = jnp.concatenate([
        jnp.full((2 * EMBED_D,), 0.5, jnp.float32),
        jnp.ones((EMBED_D,), jnp.float32),
        jnp.full((EMBED_D,), 0.5, jnp.float32),
    ])
    wih_t = jnp.transpose(W_ih) * gate_scale[None, :]
    whh_t2 = jnp.transpose(W_hh) * gate_scale[None, :] * 0.5
    wcat = jnp.concatenate([wih_t, whh_t2], axis=0).astype(jnp.bfloat16)
    bias = jnp.broadcast_to(
        ((b_ih + b_hh) * gate_scale)[None, :], (8, 4 * EMBED_D))

    embs = [
        _sc_gather(flat_ids[c * BC:(c + 1) * BC], p_content_pad, word_embed)
        for c in range(N_CHUNK)
    ]
    outs = [_lstm(emb, wcat, bias) for emb in embs]
    return (outs[0], outs[1], outs[2])

# --- scband reference (transcript-rebuilt; emitter-appended) ---
"""Pipeline reference for scband-shne-encoder-53386443489493 (READ-ONLY COPY).

The authoritative reference and input builder live on the scoring server;
editing this copy changes nothing except your own understanding.
"""

import jax, jax.numpy as jnp
import numpy as np

EMBED_D = 128
C_LEN = 100
VOCAB = 100000
P_N = 20000
BATCH = 1024


def lstm_forward(x_seq, W_ih, W_hh, b_ih, b_hh):
    # x_seq: [T, B, D]; single-layer unidirectional LSTM, PyTorch gate order (i, f, g, o)
    T, B, D = x_seq.shape
    H = W_hh.shape[1]
    h0 = jnp.zeros((B, H), dtype=x_seq.dtype)
    c0 = jnp.zeros((B, H), dtype=x_seq.dtype)

    def step(carry, x_t):
        h, c = carry
        gates = x_t @ W_ih.T + h @ W_hh.T + b_ih + b_hh
        i, f, g, o = jnp.split(gates, 4, axis=-1)
        i = jax.nn.sigmoid(i)
        f = jax.nn.sigmoid(f)
        g = jnp.tanh(g)
        o = jax.nn.sigmoid(o)
        c_new = f * c + i * g
        h_new = o * jnp.tanh(c_new)
        return (h_new, c_new), h_new

    (_, _), hs = jax.lax.scan(step, (h0, c0), x_seq)
    return hs  # [T, B, H]


def p_encode(id_batch, p_content, word_embed, W_ih, W_hh, b_ih, b_hh):
    # gather content word ids: [B, c_len]
    tokens = jnp.take(p_content, id_batch, axis=0)
    # embedding lookup: [B, c_len, D]
    emb = jnp.take(word_embed, tokens, axis=0)
    # [c_len, B, D] (seq-major like torch LSTM default)
    emb = jnp.transpose(emb, (1, 0, 2))
    hs = lstm_forward(emb, W_ih, W_hh, b_ih, b_hh)
    return jnp.mean(hs, axis=0)  # [B, D]


def setup_inputs(seed: int = 0) -> dict:
    key = jax.random.key(seed)
    k1, k2, k3, k4, k5, k6, k7 = jax.random.split(key, 7)
    triple_batch = jax.random.randint(k1, (BATCH, 3), 0, P_N, dtype=jnp.int64 if jax.config.jax_enable_x64 else jnp.int32)
    p_content = jax.random.randint(k2, (P_N, C_LEN), 0, VOCAB)
    word_embed = jax.random.normal(k3, (VOCAB, EMBED_D), dtype=jnp.float32) * 0.02
    s = 1.0 / np.sqrt(EMBED_D)
    W_ih = jax.random.uniform(k4, (4 * EMBED_D, EMBED_D), minval=-s, maxval=s, dtype=jnp.float32)
    W_hh = jax.random.uniform(k5, (4 * EMBED_D, EMBED_D), minval=-s, maxval=s, dtype=jnp.float32)
    b_ih = jax.random.uniform(k6, (4 * EMBED_D,), minval=-s, maxval=s, dtype=jnp.float32)
    b_hh = jax.random.uniform(k7, (4 * EMBED_D,), minval=-s, maxval=s, dtype=jnp.float32)
    return {
        "triple_batch": triple_batch,
        "triple_index": 4,
        "word_embed": word_embed,
        "p_content": p_content,
        "W_ih": W_ih,
        "W_hh": W_hh,
        "b_ih": b_ih,
        "b_hh": b_hh,
    }


def reference(triple_batch, triple_index, word_embed, p_content, W_ih, W_hh, b_ih, b_hh):
    # triple_index == 4 path: p_encode for center, positive, negative ids
    c_ids = triple_batch[:, 0]
    pos_ids = triple_batch[:, 1]
    neg_ids = triple_batch[:, 2]
    c_embed = p_encode(c_ids, p_content, word_embed, W_ih, W_hh, b_ih, b_hh)
    pos_embed = p_encode(pos_ids, p_content, word_embed, W_ih, W_hh, b_ih, b_hh)
    neg_embed = p_encode(neg_ids, p_content, word_embed, W_ih, W_hh, b_ih, b_hh)
    return (c_embed, pos_embed, neg_embed)

if __name__ == "__main__":
    import jax
    _d = setup_inputs()
    print(jax.jit(kernel)(*tuple(_d.values())))

</pallas_src>

<mosaic_0001>
#map = affine_map<(d0, d1) -> (0)>
#map1 = affine_map<(d0, d1) -> (0, 0)>
module attributes {stable_mosaic.version = 14 : i64} {
  func.func @_sc_gather_body(%arg0: i32, %arg1: i32, %arg2: memref<1024xi32, #tpu.memory_space<hbm>>, %arg3: memref<20000x128xi32, #tpu.memory_space<hbm>>, %arg4: memref<100000x128xf32, #tpu.memory_space<hbm>>, %arg5: memref<102400x128xf32, #tpu.memory_space<hbm>>, %arg6: memref<32xi32, #tpu.memory_space<vmem>>, %arg7: memref<32x128xi32, #tpu.memory_space<vmem>>, %arg8: memref<3200xi32, #tpu.memory_space<vmem>>, %arg9: memref<128x128xf32, #tpu.memory_space<vmem>>, %arg10: memref<128x128xf32, #tpu.memory_space<vmem>>, %arg11: memref<128x128xf32, #tpu.memory_space<vmem>>, %arg12: memref<128x128xf32, #tpu.memory_space<vmem>>, %arg13: memref<4x!tpu.dma_semaphore, #tpu.memory_space<semaphore_mem>>, %arg14: memref<4x!tpu.dma_semaphore, #tpu.memory_space<semaphore_mem>>) attributes {dimension_semantics = [#tpu.dimension_semantics<core_parallel>, #tpu.dimension_semantics<subcore_parallel>], iteration_bounds = array<i64: 2, 16>, scalar_prefetch = 0 : i64, scratch_operands = 9 : i64, tpu.core_type = #tpu.core_type<sc_vector_subcore>, window_params = [{transform_indices = #map}, {transform_indices = #map1}, {transform_indices = #map1}, {transform_indices = #map1}]} {
    %mul3A = arith.constant 2 : i32
    %mul3A_0 = arith.muli %arg1, %mul3A : i32
    %add3A = arith.addi %mul3A_0, %arg0 : i32
    %mul3A_1 = arith.constant 32 : i32
    %mul3A_2 = arith.muli %add3A, %mul3A_1 : i32
    "tpu.region"() ({
      %run_scoped3A = tpu.sem_alloc : memref<!tpu.dma_semaphore, #tpu.memory_space<semaphore_mem>>
      %dma_start3A_144 = tpu.memref_slice %arg2[%mul3A_2] : memref<1024xi32, #tpu.memory_space<hbm>> -> memref<32xi32, #tpu.memory_space<hbm>>
      %dma_start3A_145 = tpu.memref_slice %arg2[%mul3A_2] : memref<1024xi32, #tpu.memory_space<hbm>> -> memref<32xi32, #tpu.memory_space<hbm>>
      tpu.enqueue_dma source(%dma_start3A_145 : memref<32xi32, #tpu.memory_space<hbm>>) target(%arg6 : memref<32xi32, #tpu.memory_space<vmem>>) target_semaphore(%run_scoped3A : memref<!tpu.dma_semaphore, #tpu.memory_space<semaphore_mem>>)
      %dma_wait3A_146 = tpu.memref_slice %arg2[%mul3A_2] : memref<1024xi32, #tpu.memory_space<hbm>> -> memref<32xi32, #tpu.memory_space<hbm>>
      %dma_wait3A_147 = tpu.memref_slice %arg2[%mul3A_2] : memref<1024xi32, #tpu.memory_space<hbm>> -> memref<32xi32, #tpu.memory_space<hbm>>
      tpu.wait_dma2 semaphore(%run_scoped3A : memref<!tpu.dma_semaphore, #tpu.memory_space<semaphore_mem>>) src(%dma_wait3A_147 : memref<32xi32, #tpu.memory_space<hbm>>) dst(%arg6 : memref<32xi32, #tpu.memory_space<vmem>>)
      tpu.yield
    }) : () -> ()
    %dma_start3A = arith.constant 0 : i32
    %dma_start3A_3 = arith.constant 0 : i32
    %dma_start3A_4 = arith.constant 0 : i32
    %dma_start3A_5 = tpu.memref_slice %arg3[%dma_start3A_3, %dma_start3A_4] : memref<20000x128xi32, #tpu.memory_space<hbm>> -> memref<20000x128xi32, #tpu.memory_space<hbm>>
    %dma_start3A_6 = tpu.memref_slice %arg13[%dma_start3A] : memref<4x!tpu.dma_semaphore, #tpu.memory_space<semaphore_mem>> -> memref<1x!tpu.dma_semaphore, #tpu.memory_space<semaphore_mem>>
    %dma_start3A_7 = tpu.memref_squeeze %dma_start3A_6 : memref<1x!tpu.dma_semaphore, #tpu.memory_space<semaphore_mem>> -> memref<!tpu.dma_semaphore, #tpu.memory_space<semaphore_mem>>
    tpu.enqueue_indirect_dma source(%dma_start3A_5 : memref<20000x128xi32, #tpu.memory_space<hbm>>) target(%arg7 : memref<32x128xi32, #tpu.memory_space<vmem>>) offsets(%arg6 : memref<32xi32, #tpu.memory_space<vmem>>) semaphore(%dma_start3A_7 : memref<!tpu.dma_semaphore, #tpu.memory_space<semaphore_mem>>)
    %dma_wait3A = arith.constant 0 : i32
    %dma_wait3A_8 = arith.constant 0 : i32
    %dma_wait3A_9 = arith.constant 0 : i32
    %dma_wait3A_10 = tpu.memref_slice %arg3[%dma_wait3A_8, %dma_wait3A_9] : memref<20000x128xi32, #tpu.memory_space<hbm>> -> memref<20000x128xi32, #tpu.memory_space<hbm>>
    %dma_wait3A_11 = tpu.memref_slice %arg13[%dma_wait3A] : memref<4x!tpu.dma_semaphore, #tpu.memory_space<semaphore_mem>> -> memref<1x!tpu.dma_semaphore, #tpu.memory_space<semaphore_mem>>
    %dma_wait3A_12 = tpu.memref_squeeze %dma_wait3A_11 : memref<1x!tpu.dma_semaphore, #tpu.memory_space<semaphore_mem>> -> memref<!tpu.dma_semaphore, #tpu.memory_space<semaphore_mem>>
    tpu.wait_indirect_dma semaphore(%dma_wait3A_12 : memref<!tpu.dma_semaphore, #tpu.memory_space<semaphore_mem>>) src(%dma_wait3A_10 : memref<20000x128xi32, #tpu.memory_space<hbm>>) dst(%arg7 : memref<32x128xi32, #tpu.memory_space<vmem>>)
    %iota3A = tpu.iota {dimensions = array<i32: 0>} : vector<16xi32>
    %scan3A = arith.constant 0 : i32
    %scan3A_13 = arith.constant 0 : i32
    %scan3A_14 = arith.constant 100 : i32
    %scan3A_15 = arith.addi %scan3A_13, %scan3A_14 : i32
    %scan3A_16 = arith.constant 1 : i32
    scf.for %scan3A_144 = %scan3A_13 to %scan3A_15 step %scan3A_16  : i32 {
      %add3A_145 = arith.constant 0 : i32
      %add3A_146 = vector.broadcast %add3A_145 : i32 to vector<16xi32>
      %add3A_147 = arith.addi %iota3A, %add3A_146 : vector<16xi32>
      %mul3A_148 = arith.constant 0 : i32
      %mul3A_149 = vector.broadcast %mul3A_148 : i32 to vector<16xi32>
      %mul3A_150 = arith.muli %iota3A, %mul3A_149 : vector<16xi32>
      %add3A_151 = vector.broadcast %scan3A_144 : i32 to vector<16xi32>
      %add3A_152 = arith.addi %mul3A_150, %add3A_151 : vector<16xi32>
      %gather3A = tpu.vector_load_idx %arg7[%add3A_147, %add3A_152] : memref<32x128xi32, #tpu.memory_space<vmem>>[vector<16xi32>, vector<16xi32>], vector<16xi32>,
      %mul3A_153 = arith.constant 32 : i32
      %mul3A_154 = arith.muli %scan3A_144, %mul3A_153 : i32
      %add3A_155 = arith.constant 0 : i32
      %add3A_156 = arith.addi %mul3A_154, %add3A_155 : i32
      %swap3A = arith.index_cast %add3A_156 : i32 to index
      %swap3A_157 = tpu.vector_load %arg8[%swap3A] {strides = array<i32>} : memref<3200xi32, #tpu.memory_space<vmem>>, vector<16xi32>,
      tpu.vector_store %arg8[%swap3A], %gather3A {strides = array<i32>} : memref<3200xi32, #tpu.memory_space<vmem>>, vector<16xi32>,
      %add3A_158 = arith.constant 16 : i32
      %add3A_159 = vector.broadcast %add3A_158 : i32 to vector<16xi32>
      %add3A_160 = arith.addi %iota3A, %add3A_159 : vector<16xi32>
      %mul3A_161 = arith.constant 0 : i32
      %mul3A_162 = vector.broadcast %mul3A_161 : i32 to vector<16xi32>
      %mul3A_163 = arith.muli %iota3A, %mul3A_162 : vector<16xi32>
      %add3A_164 = vector.broadcast %scan3A_144 : i32 to vector<16xi32>
      %add3A_165 = arith.addi %mul3A_163, %add3A_164 : vector<16xi32>
      %gather3A_166 = tpu.vector_load_idx %arg7[%add3A_160, %add3A_165] : memref<32x128xi32, #tpu.memory_space<vmem>>[vector<16xi32>, vector<16xi32>], vector<16xi32>,
      %mul3A_167 = arith.constant 32 : i32
      %mul3A_168 = arith.muli %scan3A_144, %mul3A_167 : i32
      %add3A_169 = arith.constant 16 : i32
      %add3A_170 = arith.addi %mul3A_168, %add3A_169 : i32
      %swap3A_171 = arith.index_cast %add3A_170 : i32 to index
      %swap3A_172 = tpu.vector_load %arg8[%swap3A_171] {strides = array<i32>} : memref<3200xi32, #tpu.memory_space<vmem>>, vector<16xi32>,
      tpu.vector_store %arg8[%swap3A_171], %gather3A_166 {strides = array<i32>} : memref<3200xi32, #tpu.memory_space<vmem>>, vector<16xi32>,
    }
    %scan3A_17 = arith.constant 100 : i32
    %dma_start3A_18 = arith.constant 0 : i32
    %dma_start3A_19 = arith.constant 0 : i32
    %dma_start3A_20 = tpu.memref_slice %arg8[%dma_start3A_19] : memref<3200xi32, #tpu.memory_space<vmem>> -> memref<128xi32, #tpu.memory_space<vmem>>
    %dma_start3A_21 = arith.constant 0 : i32
    %dma_start3A_22 = arith.constant 0 : i32
    %dma_start3A_23 = tpu.memref_slice %arg4[%dma_start3A_21, %dma_start3A_22] : memref<100000x128xf32, #tpu.memory_space<hbm>> -> memref<100000x128xf32, #tpu.memory_space<hbm>>
    %dma_start3A_24 = tpu.memref_slice %arg13[%dma_start3A_18] : memref<4x!tpu.dma_semaphore, #tpu.memory_space<semaphore_mem>> -> memref<1x!tpu.dma_semaphore, #tpu.memory_space<semaphore_mem>>
    %dma_start3A_25 = tpu.memref_squeeze %dma_start3A_24 : memref<1x!tpu.dma_semaphore, #tpu.memory_space<semaphore_mem>> -> memref<!tpu.dma_semaphore, #tpu.memory_space<semaphore_mem>>
    tpu.enqueue_indirect_dma source(%dma_start3A_23 : memref<100000x128xf32, #tpu.memory_space<hbm>>) target(%arg9 : memref<128x128xf32, #tpu.memory_space<vmem>>) offsets(%dma_start3A_20 : memref<128xi32, #tpu.memory_space<vmem>>) semaphore(%dma_start3A_25 : memref<!tpu.dma_semaphore, #tpu.memory_space<semaphore_mem>>)
    %dma_start3A_26 = arith.constant 1 : i32
    %dma_start3A_27 = arith.constant 128 : i32
    %dma_start3A_28 = tpu.memref_slice %arg8[%dma_start3A_27] : memref<3200xi32, #tpu.memory_space<vmem>> -> memref<128xi32, #tpu.memory_space<vmem>>
    %dma_start3A_29 = arith.constant 0 : i32
    %dma_start3A_30 = arith.constant 0 : i32
    %dma_start3A_31 = tpu.memref_slice %arg4[%dma_start3A_29, %dma_start3A_30] : memref<100000x128xf32, #tpu.memory_space<hbm>> -> memref<100000x128xf32, #tpu.memory_space<hbm>>
    %dma_start3A_32 = tpu.memref_slice %arg13[%dma_start3A_26] : memref<4x!tpu.dma_semaphore, #tpu.memory_space<semaphore_mem>> -> memref<1x!tpu.dma_semaphore, #tpu.memory_space<semaphore_mem>>
    %dma_start3A_33 = tpu.memref_squeeze %dma_start3A_32 : memref<1x!tpu.dma_semaphore, #tpu.memory_space<semaphore_mem>> -> memref<!tpu.dma_semaphore, #tpu.memory_space<semaphore_mem>>
    tpu.enqueue_indirect_dma source(%dma_start3A_31 : memref<100000x128xf32, #tpu.memory_space<hbm>>) target(%arg10 : memref<128x128xf32, #tpu.memory_space<vmem>>) offsets(%dma_start3A_28 : memref<128xi32, #tpu.memory_space<vmem>>) semaphore(%dma_start3A_33 : memref<!tpu.dma_semaphore, #tpu.memory_space<semaphore_mem>>)
    %scan3A_34 = arith.constant 0 : i32
    %scan3A_35 = arith.constant 0 : i32
    %scan3A_36 = arith.constant 6 : i32
    %scan3A_37 = arith.addi %scan3A_35, %scan3A_36 : i32
    %scan3A_38 = arith.constant 1 : i32
    scf.for %scan3A_144 = %scan3A_35 to %scan3A_37 step %scan3A_38  : i32 {
      %mul3A_145 = arith.constant 4 : i32
      %mul3A_146 = arith.muli %scan3A_144, %mul3A_145 : i32
      %add3A_147 = arith.constant 0 : i32
      %add3A_148 = arith.addi %mul3A_146, %add3A_147 : i32
      %mul3A_149 = arith.constant 4 : i32
      %mul3A_150 = arith.muli %add3A_148, %mul3A_149 : i32
      %mul3A_151 = arith.constant 32 : i32
      %mul3A_152 = arith.muli %mul3A_150, %mul3A_151 : i32
      %dma_wait3A_153 = arith.constant 0 : i32
      %dma_wait3A_154 = tpu.memref_slice %arg8[%mul3A_152] : memref<3200xi32, #tpu.memory_space<vmem>> -> memref<128xi32, #tpu.memory_space<vmem>>
      %dma_wait3A_155 = arith.constant 0 : i32
      %dma_wait3A_156 = arith.constant 0 : i32
      %dma_wait3A_157 = tpu.memref_slice %arg4[%dma_wait3A_155, %dma_wait3A_156] : memref<100000x128xf32, #tpu.memory_space<hbm>> -> memref<100000x128xf32, #tpu.memory_space<hbm>>
      %dma_wait3A_158 = tpu.memref_slice %arg13[%dma_wait3A_153] : memref<4x!tpu.dma_semaphore, #tpu.memory_space<semaphore_mem>> -> memref<1x!tpu.dma_semaphore, #tpu.memory_space<semaphore_mem>>
      %dma_wait3A_159 = tpu.memref_squeeze %dma_wait3A_158 : memref<1x!tpu.dma_semaphore, #tpu.memory_space<semaphore_mem>> -> memref<!tpu.dma_semaphore, #tpu.memory_space<semaphore_mem>>
      tpu.wait_indirect_dma semaphore(%dma_wait3A_159 : memref<!tpu.dma_semaphore, #tpu.memory_space<semaphore_mem>>) src(%dma_wait3A_157 : memref<100000x128xf32, #tpu.memory_space<hbm>>) dst(%arg9 : memref<128x128xf32, #tpu.memory_space<vmem>>)
      %mul3A_160 = arith.constant 4 : i32
      %mul3A_161 = arith.muli %add3A_148, %mul3A_160 : i32
      %add3A_162 = arith.constant 0 : i32
      %add3A_163 = arith.addi %mul3A_161, %add3A_162 : i32
      %mul3A_164 = arith.constant 1024 : i32
      %mul3A_165 = arith.muli %add3A_163, %mul3A_164 : i32
      %add3A_166 = arith.addi %mul3A_165, %mul3A_2 : i32
      %dma_start3A_167 = arith.constant 0 : i32
      %dma_start3A_168 = arith.constant 0 : i32
      %dma_start3A_169 = arith.constant 0 : i32
      %dma_start3A_170 = tpu.memref_slice %arg9[%dma_start3A_168, %dma_start3A_169] : memref<128x128xf32, #tpu.memory_space<vmem>> -> memref<32x128xf32, #tpu.memory_space<vmem>>
      %dma_start3A_171 = arith.constant 0 : i32
      %dma_start3A_172 = tpu.memref_slice %arg5[%add3A_166, %dma_start3A_171] : memref<102400x128xf32, #tpu.memory_space<hbm>> -> memref<32x128xf32, #tpu.memory_space<hbm>>
      %dma_start3A_173 = tpu.memref_slice %arg14[%dma_start3A_167] : memref<4x!tpu.dma_semaphore, #tpu.memory_space<semaphore_mem>> -> memref<1x!tpu.dma_semaphore, #tpu.memory_space<semaphore_mem>>
      %dma_start3A_174 = tpu.memref_squeeze %dma_start3A_173 : memref<1x!tpu.dma_semaphore, #tpu.memory_space<semaphore_mem>> -> memref<!tpu.dma_semaphore, #tpu.memory_space<semaphore_mem>>
      %dma_start3A_175 = arith.constant 0 : i32
      %dma_start3A_176 = tpu.memref_slice %arg5[%add3A_166, %dma_start3A_175] : memref<102400x128xf32, #tpu.memory_space<hbm>> -> memref<32x128xf32, #tpu.memory_space<hbm>>
      %dma_start3A_177 = arith.constant 0 : i32
      %dma_start3A_178 = arith.constant 0 : i32
      %dma_start3A_179 = tpu.memref_slice %arg9[%dma_start3A_177, %dma_start3A_178] : memref<128x128xf32, #tpu.memory_space<vmem>> -> memref<32x128xf32, #tpu.memory_space<vmem>>
      tpu.enqueue_dma source(%dma_start3A_179 : memref<32x128xf32, #tpu.memory_space<vmem>>) target(%dma_start3A_176 : memref<32x128xf32, #tpu.memory_space<hbm>>) target_semaphore(%dma_start3A_174 : memref<!tpu.dma_semaphore, #tpu.memory_space<semaphore_mem>>)
      %mul3A_180 = arith.constant 4 : i32
      %mul3A_181 = arith.muli %add3A_148, %mul3A_180 : i32
      %add3A_182 = arith.constant 1 : i32
      %add3A_183 = arith.addi %mul3A_181, %add3A_182 : i32
      %mul3A_184 = arith.constant 1024 : i32
      %mul3A_185 = arith.muli %add3A_183, %mul3A_184 : i32
      %add3A_186 = arith.addi %mul3A_185, %mul3A_2 : i32
      %dma_start3A_187 = arith.constant 0 : i32
      %dma_start3A_188 = arith.constant 32 : i32
      %dma_start3A_189 = arith.constant 0 : i32
      %dma_start3A_190 = tpu.memref_slice %arg9[%dma_start3A_188, %dma_start3A_189] : memref<128x128xf32, #tpu.memory_space<vmem>> -> memref<32x128xf32, #tpu.memory_space<vmem>>
      %dma_start3A_191 = arith.constant 0 : i32
      %dma_start3A_192 = tpu.memref_slice %arg5[%add3A_186, %dma_start3A_191] : memref<102400x128xf32, #tpu.memory_space<hbm>> -> memref<32x128xf32, #tpu.memory_space<hbm>>
      %dma_start3A_193 = tpu.memref_slice %arg14[%dma_start3A_187] : memref<4x!tpu.dma_semaphore, #tpu.memory_space<semaphore_mem>> -> memref<1x!tpu.dma_semaphore, #tpu.memory_space<semaphore_mem>>
      %dma_start3A_194 = tpu.memref_squeeze %dma_start3A_193 : memref<1x!tpu.dma_semaphore, #tpu.memory_space<semaphore_mem>> -> memref<!tpu.dma_semaphore, #tpu.memory_space<semaphore_mem>>
      %dma_start3A_195 = arith.constant 0 : i32
      %dma_start3A_196 = tpu.memref_slice %arg5[%add3A_186, %dma_start3A_195] : memref<102400x128xf32, #tpu.memory_space<hbm>> -> memref<32x128xf32, #tpu.memory_space<hbm>>
      %dma_start3A_197 = arith.constant 32 : i32
      %dma_start3A_198 = arith.constant 0 : i32
      %dma_start3A_199 = tpu.memref_slice %arg9[%dma_start3A_197, %dma_start3A_198] : memref<128x128xf32, #tpu.memory_space<vmem>> -> memref<32x128xf32, #tpu.memory_space<vmem>>
      tpu.enqueue_dma source(%dma_start3A_199 : memref<32x128xf32, #tpu.memory_space<vmem>>) target(%dma_start3A_196 : memref<32x128xf32, #tpu.memory_space<hbm>>) target_semaphore(%dma_start3A_194 : memref<!tpu.dma_semaphore, #tpu.memory_space<semaphore_mem>>)
      %mul3A_200 = arith.constant 4 : i32
      %mul3A_201 = arith.muli %add3A_148, %mul3A_200 : i32
      %add3A_202 = arith.constant 2 : i32
      %add3A_203 = arith.addi %mul3A_201, %add3A_202 : i32
      %mul3A_204 = arith.constant 1024 : i32
      %mul3A_205 = arith.muli %add3A_203, %mul3A_204 : i32
      %add3A_206 = arith.addi %mul3A_205, %mul3A_2 : i32
      %dma_start3A_207 = arith.constant 0 : i32
      %dma_start3A_208 = arith.constant 64 : i32
      %dma_start3A_209 = arith.constant 0 : i32
      %dma_start3A_210 = tpu.memref_slice %arg9[%dma_start3A_208, %dma_start3A_209] : memref<128x128xf32, #tpu.memory_space<vmem>> -> memref<32x128xf32, #tpu.memory_space<vmem>>
      %dma_start3A_211 = arith.constant 0 : i32
      %dma_start3A_212 = tpu.memref_slice %arg5[%add3A_206, %dma_start3A_211] : memref<102400x128xf32, #tpu.memory_space<hbm>> -> memref<32x128xf32, #tpu.memory_space<hbm>>
      %dma_start3A_213 = tpu.memref_slice %arg14[%dma_start3A_207] : memref<4x!tpu.dma_semaphore, #tpu.memory_space<semaphore_mem>> -> memref<1x!tpu.dma_semaphore, #tpu.memory_space<semaphore_mem>>
      %dma_start3A_214 = tpu.memref_squeeze %dma_start3A_213 : memref<1x!tpu.dma_semaphore, #tpu.memory_space<semaphore_mem>> -> memref<!tpu.dma_semaphore, #tpu.memory_space<semaphore_mem>>
      %dma_start3A_215 = arith.constant 0 : i32
      %dma_start3A_216 = tpu.memref_slice %arg5[%add3A_206, %dma_start3A_215] : memref<102400x128xf32, #tpu.memory_space<hbm>> -> memref<32x128xf32, #tpu.memory_space<hbm>>
      %dma_start3A_217 = arith.constant 64 : i32
      %dma_start3A_218 = arith.constant 0 : i32
      %dma_start3A_219 = tpu.memref_slice %arg9[%dma_start3A_217, %dma_start3A_218] : memref<128x128xf32, #tpu.memory_space<vmem>> -> memref<32x128xf32, #tpu.memory_space<vmem>>
      tpu.enqueue_dma source(%dma_start3A_219 : memref<32x128xf32, #tpu.memory_space<vmem>>) target(%dma_start3A_216 : memref<32x128xf32, #tpu.memory_space<hbm>>) target_semaphore(%dma_start3A_214 : memref<!tpu.dma_semaphore, #tpu.memory_space<semaphore_mem>>)
      %mul3A_220 = arith.constant 4 : i32
      %mul3A_221 = arith.muli %add3A_148, %mul3A_220 : i32
      %add3A_222 = arith.constant 3 : i32
      %add3A_223 = arith.addi %mul3A_221, %add3A_222 : i32
      %mul3A_224 = arith.constant 1024 : i32
      %mul3A_225 = arith.muli %add3A_223, %mul3A_224 : i32
      %add3A_226 = arith.addi %mul3A_225, %mul3A_2 : i32
      %dma_start3A_227 = arith.constant 0 : i32
      %dma_start3A_228 = arith.constant 96 : i32
      %dma_start3A_229 = arith.constant 0 : i32
      %dma_start3A_230 = tpu.memref_slice %arg9[%dma_start3A_228, %dma_start3A_229] : memref<128x128xf32, #tpu.memory_space<vmem>> -> memref<32x128xf32, #tpu.memory_space<vmem>>
      %dma_start3A_231 = arith.constant 0 : i32
      %dma_start3A_232 = tpu.memref_slice %arg5[%add3A_226, %dma_start3A_231] : memref<102400x128xf32, #tpu.memory_space<hbm>> -> memref<32x128xf32, #tpu.memory_space<hbm>>
      %dma_start3A_233 = tpu.memref_slice %arg14[%dma_start3A_227] : memref<4x!tpu.dma_semaphore, #tpu.memory_space<semaphore_mem>> -> memref<1x!tpu.dma_semaphore, #tpu.memory_space<semaphore_mem>>
      %dma_start3A_234 = tpu.memref_squeeze %dma_start3A_233 : memref<1x!tpu.dma_semaphore, #tpu.memory_space<semaphore_mem>> -> memref<!tpu.dma_semaphore, #tpu.memory_space<semaphore_mem>>
      %dma_start3A_235 = arith.constant 0 : i32
      %dma_start3A_236 = tpu.memref_slice %arg5[%add3A_226, %dma_start3A_235] : memref<102400x128xf32, #tpu.memory_space<hbm>> -> memref<32x128xf32, #tpu.memory_space<hbm>>
      %dma_start3A_237 = arith.constant 96 : i32
      %dma_start3A_238 = arith.constant 0 : i32
      %dma_start3A_239 = tpu.memref_slice %arg9[%dma_start3A_237, %dma_start3A_238] : memref<128x128xf32, #tpu.memory_space<vmem>> -> memref<32x128xf32, #tpu.memory_space<vmem>>
      tpu.enqueue_dma source(%dma_start3A_239 : memref<32x128xf32, #tpu.memory_space<vmem>>) target(%dma_start3A_236 : memref<32x128xf32, #tpu.memory_space<hbm>>) target_semaphore(%dma_start3A_234 : memref<!tpu.dma_semaphore, #tpu.memory_space<semaphore_mem>>)
      %add3A_240 = arith.constant 2 : i32
      %add3A_241 = arith.addi %add3A_148, %add3A_240 : i32
      %lt3A = arith.constant 25 : i32
      %lt3A_242 = arith.cmpi slt, %add3A_241, %lt3A : i32
      %convert_element_type3A = arith.extui %lt3A_242 : i1 to i32
      %cond3A = arith.constant 0 : i32
      %cond3A_243 = arith.cmpi ne, %convert_element_type3A, %cond3A : i32
      scf.if %cond3A_243 {
        %ge3A = arith.constant 2 : i32
        %ge3A_550 = arith.cmpi sge, %add3A_148, %ge3A : i32
        %convert_element_type3A_551 = arith.extui %ge3A_550 : i1 to i32
        %cond3A_552 = arith.constant 0 : i32
        %cond3A_553 = arith.cmpi ne, %convert_element_type3A_551, %cond3A_552 : i32
        scf.if %cond3A_553 {
          %dma_wait3A_565 = arith.constant 2 : i32
          %dma_wait3A_566 = arith.constant 0 : i32
          %dma_wait3A_567 = arith.constant 0 : i32
          %dma_wait3A_568 = tpu.memref_slice %arg5[%dma_wait3A_566, %dma_wait3A_567] : memref<102400x128xf32, #tpu.memory_space<hbm>> -> memref<128x128xf32, #tpu.memory_space<hbm>>
          %dma_wait3A_569 = tpu.memref_slice %arg14[%dma_wait3A_565] : memref<4x!tpu.dma_semaphore, #tpu.memory_space<semaphore_mem>> -> memref<1x!tpu.dma_semaphore, #tpu.memory_space<semaphore_mem>>
          %dma_wait3A_570 = tpu.memref_squeeze %dma_wait3A_569 : memref<1x!tpu.dma_semaphore, #tpu.memory_space<semaphore_mem>> -> memref<!tpu.dma_semaphore, #tpu.memory_space<semaphore_mem>>
          %dma_wait3A_571 = arith.constant 0 : i32
          %dma_wait3A_572 = arith.constant 0 : i32
          %dma_wait3A_573 = tpu.memref_slice %arg5[%dma_wait3A_571, %dma_wait3A_572] : memref<102400x128xf32, #tpu.memory_space<hbm>> -> memref<128x128xf32, #tpu.memory_space<hbm>>
          tpu.wait_dma2 semaphore(%dma_wait3A_570 : memref<!tpu.dma_semaphore, #tpu.memory_space<semaphore_mem>>) src(%arg11 : memref<128x128xf32, #tpu.memory_space<vmem>>) dst(%dma_wait3A_573 : memref<128x128xf32, #tpu.memory_space<hbm>>)
        } else {
        }
        %mul3A_554 = arith.constant 4 : i32
        %mul3A_555 = arith.muli %add3A_241, %mul3A_554 : i32
        %mul3A_556 = arith.constant 32 : i32
        %mul3A_557 = arith.muli %mul3A_555, %mul3A_556 : i32
        %dma_start3A_558 = arith.constant 2 : i32
        %dma_start3A_559 = tpu.memref_slice %arg8[%mul3A_557] : memref<3200xi32, #tpu.memory_space<vmem>> -> memref<128xi32, #tpu.memory_space<vmem>>
        %dma_start3A_560 = arith.constant 0 : i32
        %dma_start3A_561 = arith.constant 0 : i32
        %dma_start3A_562 = tpu.memref_slice %arg4[%dma_start3A_560, %dma_start3A_561] : memref<100000x128xf32, #tpu.memory_space<hbm>> -> memref<100000x128xf32, #tpu.memory_space<hbm>>
        %dma_start3A_563 = tpu.memref_slice %arg13[%dma_start3A_558] : memref<4x!tpu.dma_semaphore, #tpu.memory_space<semaphore_mem>> -> memref<1x!tpu.dma_semaphore, #tpu.memory_space<semaphore_mem>>
        %dma_start3A_564 = tpu.memref_squeeze %dma_start3A_563 : memref<1x!tpu.dma_semaphore, #tpu.memory_space<semaphore_mem>> -> memref<!tpu.dma_semaphore, #tpu.memory_space<semaphore_mem>>
        tpu.enqueue_indirect_dma source(%dma_start3A_562 : memref<100000x128xf32, #tpu.memory_space<hbm>>) target(%arg11 : memref<128x128xf32, #tpu.memory_space<vmem>>) offsets(%dma_start3A_559 : memref<128xi32, #tpu.memory_space<vmem>>) semaphore(%dma_start3A_564 : memref<!tpu.dma_semaphore, #tpu.memory_space<semaphore_mem>>)
      } else {
      }
      %mul3A_244 = arith.constant 4 : i32
      %mul3A_245 = arith.muli %scan3A_144, %mul3A_244 : i32
      %add3A_246 = arith.constant 1 : i32
      %add3A_247 = arith.addi %mul3A_245, %add3A_246 : i32
      %mul3A_248 = arith.constant 4 : i32
      %mul3A_249 = arith.muli %add3A_247, %mul3A_248 : i32
      %mul3A_250 = arith.constant 32 : i32
      %mul3A_251 = arith.muli %mul3A_249, %mul3A_250 : i32
      %dma_wait3A_252 = arith.constant 1 : i32
      %dma_wait3A_253 = tpu.memref_slice %arg8[%mul3A_251] : memref<3200xi32, #tpu.memory_space<vmem>> -> memref<128xi32, #tpu.memory_space<vmem>>
      %dma_wait3A_254 = arith.constant 0 : i32
      %dma_wait3A_255 = arith.constant 0 : i32
      %dma_wait3A_256 = tpu.memref_slice %arg4[%dma_wait3A_254, %dma_wait3A_255] : memref<100000x128xf32, #tpu.memory_space<hbm>> -> memref<100000x128xf32, #tpu.memory_space<hbm>>
      %dma_wait3A_257 = tpu.memref_slice %arg13[%dma_wait3A_252] : memref<4x!tpu.dma_semaphore, #tpu.memory_space<semaphore_mem>> -> memref<1x!tpu.dma_semaphore, #tpu.memory_space<semaphore_mem>>
      %dma_wait3A_258 = tpu.memref_squeeze %dma_wait3A_257 : memref<1x!tpu.dma_semaphore, #tpu.memory_space<semaphore_mem>> -> memref<!tpu.dma_semaphore, #tpu.memory_space<semaphore_mem>>
      tpu.wait_indirect_dma semaphore(%dma_wait3A_258 : memref<!tpu.dma_semaphore, #tpu.memory_space<semaphore_mem>>) src(%dma_wait3A_256 : memref<100000x128xf32, #tpu.memory_space<hbm>>) dst(%arg10 : memref<128x128xf32, #tpu.memory_space<vmem>>)
      %mul3A_259 = arith.constant 4 : i32
      %mul3A_260 = arith.muli %add3A_247, %mul3A_259 : i32
      %add3A_261 = arith.constant 0 : i32
      %add3A_262 = arith.addi %mul3A_260, %add3A_261 : i32
      %mul3A_263 = arith.constant 1024 : i32
      %mul3A_264 = arith.muli %add3A_262, %mul3A_263 : i32
      %add3A_265 = arith.addi %mul3A_264, %mul3A_2 : i32
      %dma_start3A_266 = arith.constant 1 : i32
      %dma_start3A_267 = arith.constant 0 : i32
      %dma_start3A_268 = arith.constant 0 : i32
      %dma_start3A_269 = tpu.memref_slice %arg10[%dma_start3A_267, %dma_start3A_268] : memref<128x128xf32, #tpu.memory_space<vmem>> -> memref<32x128xf32, #tpu.memory_space<vmem>>
      %dma_start3A_270 = arith.constant 0 : i32
      %dma_start3A_271 = tpu.memref_slice %arg5[%add3A_265, %dma_start3A_270] : memref<102400x128xf32, #tpu.memory_space<hbm>> -> memref<32x128xf32, #tpu.memory_space<hbm>>
      %dma_start3A_272 = tpu.memref_slice %arg14[%dma_start3A_266] : memref<4x!tpu.dma_semaphore, #tpu.memory_space<semaphore_mem>> -> memref<1x!tpu.dma_semaphore, #tpu.memory_space<semaphore_mem>>
      %dma_start3A_273 = tpu.memref_squeeze %dma_start3A_272 : memref<1x!tpu.dma_semaphore, #tpu.memory_space<semaphore_mem>> -> memref<!tpu.dma_semaphore, #tpu.memory_space<semaphore_mem>>
      %dma_start3A_274 = arith.constant 0 : i32
      %dma_start3A_275 = tpu.memref_slice %arg5[%add3A_265, %dma_start3A_274] : memref<102400x128xf32, #tpu.memory_space<hbm>> -> memref<32x128xf32, #tpu.memory_space<hbm>>
      %dma_start3A_276 = arith.constant 0 : i32
      %dma_start3A_277 = arith.constant 0 : i32
      %dma_start3A_278 = tpu.memref_slice %arg10[%dma_start3A_276, %dma_start3A_277] : memref<128x128xf32, #tpu.memory_space<vmem>> -> memref<32x128xf32, #tpu.memory_space<vmem>>
      tpu.enqueue_dma source(%dma_start3A_278 : memref<32x128xf32, #tpu.memory_space<vmem>>) target(%dma_start3A_275 : memref<32x128xf32, #tpu.memory_space<hbm>>) target_semaphore(%dma_start3A_273 : memref<!tpu.dma_semaphore, #tpu.memory_space<semaphore_mem>>)
      %mul3A_279 = arith.constant 4 : i32
      %mul3A_280 = arith.muli %add3A_247, %mul3A_279 : i32
      %add3A_281 = arith.constant 1 : i32
      %add3A_282 = arith.addi %mul3A_280, %add3A_281 : i32
      %mul3A_283 = arith.constant 1024 : i32
      %mul3A_284 = arith.muli %add3A_282, %mul3A_283 : i32
      %add3A_285 = arith.addi %mul3A_284, %mul3A_2 : i32
      %dma_start3A_286 = arith.constant 1 : i32
      %dma_start3A_287 = arith.constant 32 : i32
      %dma_start3A_288 = arith.constant 0 : i32
      %dma_start3A_289 = tpu.memref_slice %arg10[%dma_start3A_287, %dma_start3A_288] : memref<128x128xf32, #tpu.memory_space<vmem>> -> memref<32x128xf32, #tpu.memory_space<vmem>>
      %dma_start3A_290 = arith.constant 0 : i32
      %dma_start3A_291 = tpu.memref_slice %arg5[%add3A_285, %dma_start3A_290] : memref<102400x128xf32, #tpu.memory_space<hbm>> -> memref<32x128xf32, #tpu.memory_space<hbm>>
      %dma_start3A_292 = tpu.memref_slice %arg14[%dma_start3A_286] : memref<4x!tpu.dma_semaphore, #tpu.memory_space<semaphore_mem>> -> memref<1x!tpu.dma_semaphore, #tpu.memory_space<semaphore_mem>>
      %dma_start3A_293 = tpu.memref_squeeze %dma_start3A_292 : memref<1x!tpu.dma_semaphore, #tpu.memory_space<semaphore_mem>> -> memref<!tpu.dma_semaphore, #tpu.memory_space<semaphore_mem>>
      %dma_start3A_294 = arith.constant 0 : i32
      %dma_start3A_295 = tpu.memref_slice %arg5[%add3A_285, %dma_start3A_294] : memref<102400x128xf32, #tpu.memory_space<hbm>> -> memref<32x128xf32, #tpu.memory_space<hbm>>
      %dma_start3A_296 = arith.constant 32 : i32
      %dma_start3A_297 = arith.constant 0 : i32
      %dma_start3A_298 = tpu.memref_slice %arg10[%dma_start3A_296, %dma_start3A_297] : memref<128x128xf32, #tpu.memory_space<vmem>> -> memref<32x128xf32, #tpu.memory_space<vmem>>
      tpu.enqueue_dma source(%dma_start3A_298 : memref<32x128xf32, #tpu.memory_space<vmem>>) target(%dma_start3A_295 : memref<32x128xf32, #tpu.memory_space<hbm>>) target_semaphore(%dma_start3A_293 : memref<!tpu.dma_semaphore, #tpu.memory_space<semaphore_mem>>)
      %mul3A_299 = arith.constant 4 : i32
      %mul3A_300 = arith.muli %add3A_247, %mul3A_299 : i32
      %add3A_301 = arith.constant 2 : i32
      %add3A_302 = arith.addi %mul3A_300, %add3A_301 : i32
      %mul3A_303 = arith.constant 1024 : i32
      %mul3A_304 = arith.muli %add3A_302, %mul3A_303 : i32
      %add3A_305 = arith.addi %mul3A_304, %mul3A_2 : i32
      %dma_start3A_306 = arith.constant 1 : i32
      %dma_start3A_307 = arith.constant 64 : i32
      %dma_start3A_308 = arith.constant 0 : i32
      %dma_start3A_309 = tpu.memref_slice %arg10[%dma_start3A_307, %dma_start3A_308] : memref<128x128xf32, #tpu.memory_space<vmem>> -> memref<32x128xf32, #tpu.memory_space<vmem>>
      %dma_start3A_310 = arith.constant 0 : i32
      %dma_start3A_311 = tpu.memref_slice %arg5[%add3A_305, %dma_start3A_310] : memref<102400x128xf32, #tpu.memory_space<hbm>> -> memref<32x128xf32, #tpu.memory_space<hbm>>
      %dma_start3A_312 = tpu.memref_slice %arg14[%dma_start3A_306] : memref<4x!tpu.dma_semaphore, #tpu.memory_space<semaphore_mem>> -> memref<1x!tpu.dma_semaphore, #tpu.memory_space<semaphore_mem>>
      %dma_start3A_313 = tpu.memref_squeeze %dma_start3A_312 : memref<1x!tpu.dma_semaphore, #tpu.memory_space<semaphore_mem>> -> memref<!tpu.dma_semaphore, #tpu.memory_space<semaphore_mem>>
      %dma_start3A_314 = arith.constant 0 : i32
      %dma_start3A_315 = tpu.memref_slice %arg5[%add3A_305, %dma_start3A_314] : memref<102400x128xf32, #tpu.memory_space<hbm>> -> memref<32x128xf32, #tpu.memory_space<hbm>>
      %dma_start3A_316 = arith.constant 64 : i32
      %dma_start3A_317 = arith.constant 0 : i32
      %dma_start3A_318 = tpu.memref_slice %arg10[%dma_start3A_316, %dma_start3A_317] : memref<128x128xf32, #tpu.memory_space<vmem>> -> memref<32x128xf32, #tpu.memory_space<vmem>>
      tpu.enqueue_dma source(%dma_start3A_318 : memref<32x128xf32, #tpu.memory_space<vmem>>) target(%dma_start3A_315 : memref<32x128xf32, #tpu.memory_space<hbm>>) target_semaphore(%dma_start3A_313 : memref<!tpu.dma_semaphore, #tpu.memory_space<semaphore_mem>>)
      %mul3A_319 = arith.constant 4 : i32
      %mul3A_320 = arith.muli %add3A_247, %mul3A_319 : i32
      %add3A_321 = arith.constant 3 : i32
      %add3A_322 = arith.addi %mul3A_320, %add3A_321 : i32
      %mul3A_323 = arith.constant 1024 : i32
      %mul3A_324 = arith.muli %add3A_322, %mul3A_323 : i32
      %add3A_325 = arith.addi %mul3A_324, %mul3A_2 : i32
      %dma_start3A_326 = arith.constant 1 : i32
      %dma_start3A_327 = arith.constant 96 : i32
      %dma_start3A_328 = arith.constant 0 : i32
      %dma_start3A_329 = tpu.memref_slice %arg10[%dma_start3A_327, %dma_start3A_328] : memref<128x128xf32, #tpu.memory_space<vmem>> -> memref<32x128xf32, #tpu.memory_space<vmem>>
      %dma_start3A_330 = arith.constant 0 : i32
      %dma_start3A_331 = tpu.memref_slice %arg5[%add3A_325, %dma_start3A_330] : memref<102400x128xf32, #tpu.memory_space<hbm>> -> memref<32x128xf32, #tpu.memory_space<hbm>>
      %dma_start3A_332 = tpu.memref_slice %arg14[%dma_start3A_326] : memref<4x!tpu.dma_semaphore, #tpu.memory_space<semaphore_mem>> -> memref<1x!tpu.dma_semaphore, #tpu.memory_space<semaphore_mem>>
      %dma_start3A_333 = tpu.memref_squeeze %dma_start3A_332 : memref<1x!tpu.dma_semaphore, #tpu.memory_space<semaphore_mem>> -> memref<!tpu.dma_semaphore, #tpu.memory_space<semaphore_mem>>
      %dma_start3A_334 = arith.constant 0 : i32
      %dma_start3A_335 = tpu.memref_slice %arg5[%add3A_325, %dma_start3A_334] : memref<102400x128xf32, #tpu.memory_space<hbm>> -> memref<32x128xf32, #tpu.memory_space<hbm>>
      %dma_start3A_336 = arith.constant 96 : i32
      %dma_start3A_337 = arith.constant 0 : i32
      %dma_start3A_338 = tpu.memref_slice %arg10[%dma_start3A_336, %dma_start3A_337] : memref<128x128xf32, #tpu.memory_space<vmem>> -> memref<32x128xf32, #tpu.memory_space<vmem>>
      tpu.enqueue_dma source(%dma_start3A_338 : memref<32x128xf32, #tpu.memory_space<vmem>>) target(%dma_start3A_335 : memref<32x128xf32, #tpu.memory_space<hbm>>) target_semaphore(%dma_start3A_333 : memref<!tpu.dma_semaphore, #tpu.memory_space<semaphore_mem>>)
      %add3A_339 = arith.constant 2 : i32
      %add3A_340 = arith.addi %add3A_247, %add3A_339 : i32
      %lt3A_341 = arith.constant 25 : i32
      %lt3A_342 = arith.cmpi slt, %add3A_340, %lt3A_341 : i32
      %convert_element_type3A_343 = arith.extui %lt3A_342 : i1 to i32
      %cond3A_344 = arith.constant 0 : i32
      %cond3A_345 = arith.cmpi ne, %convert_element_type3A_343, %cond3A_344 : i32
      scf.if %cond3A_345 {
        %ge3A = arith.constant 2 : i32
        %ge3A_550 = arith.cmpi sge, %add3A_247, %ge3A : i32
        %convert_element_type3A_551 = arith.extui %ge3A_550 : i1 to i32
        %cond3A_552 = arith.constant 0 : i32
        %cond3A_553 = arith.cmpi ne, %convert_element_type3A_551, %cond3A_552 : i32
        scf.if %cond3A_553 {
          %dma_wait3A_565 = arith.constant 3 : i32
          %dma_wait3A_566 = arith.constant 0 : i32
          %dma_wait3A_567 = arith.constant 0 : i32
          %dma_wait3A_568 = tpu.memref_slice %arg5[%dma_wait3A_566, %dma_wait3A_567] : memref<102400x128xf32, #tpu.memory_space<hbm>> -> memref<128x128xf32, #tpu.memory_space<hbm>>
          %dma_wait3A_569 = tpu.memref_slice %arg14[%dma_wait3A_565] : memref<4x!tpu.dma_semaphore, #tpu.memory_space<semaphore_mem>> -> memref<1x!tpu.dma_semaphore, #tpu.memory_space<semaphore_mem>>
          %dma_wait3A_570 = tpu.memref_squeeze %dma_wait3A_569 : memref<1x!tpu.dma_semaphore, #tpu.memory_space<semaphore_mem>> -> memref<!tpu.dma_semaphore, #tpu.memory_space<semaphore_mem>>
          %dma_wait3A_571 = arith.constant 0 : i32
          %dma_wait3A_572 = arith.constant 0 : i32
          %dma_wait3A_573 = tpu.memref_slice %arg5[%dma_wait3A_571, %dma_wait3A_572] : memref<102400x128xf32, #tpu.memory_space<hbm>> -> memref<128x128xf32, #tpu.memory_space<hbm>>
          tpu.wait_dma2 semaphore(%dma_wait3A_570 : memref<!tpu.dma_semaphore, #tpu.memory_space<semaphore_mem>>) src(%arg12 : memref<128x128xf32, #tpu.memory_space<vmem>>) dst(%dma_wait3A_573 : memref<128x128xf32, #tpu.memory_space<hbm>>)
        } else {
        }
        %mul3A_554 = arith.constant 4 : i32
        %mul3A_555 = arith.muli %add3A_340, %mul3A_554 : i32
        %mul3A_556 = arith.constant 32 : i32
        %mul3A_557 = arith.muli %mul3A_555, %mul3A_556 : i32
        %dma_start3A_558 = arith.constant 3 : i32
        %dma_start3A_559 = tpu.memref_slice %arg8[%mul3A_557] : memref<3200xi32, #tpu.memory_space<vmem>> -> memref<128xi32, #tpu.memory_space<vmem>>
        %dma_start3A_560 = arith.constant 0 : i32
        %dma_start3A_561 = arith.constant 0 : i32
        %dma_start3A_562 = tpu.memref_slice %arg4[%dma_start3A_560, %dma_start3A_561] : memref<100000x128xf32, #tpu.memory_space<hbm>> -> memref<100000x128xf32, #tpu.memory_space<hbm>>
        %dma_start3A_563 = tpu.memref_slice %arg13[%dma_start3A_558] : memref<4x!tpu.dma_semaphore, #tpu.memory_space<semaphore_mem>> -> memref<1x!tpu.dma_semaphore, #tpu.memory_space<semaphore_mem>>
        %dma_start3A_564 = tpu.memref_squeeze %dma_start3A_563 : memref<1x!tpu.dma_semaphore, #tpu.memory_space<semaphore_mem>> -> memref<!tpu.dma_semaphore, #tpu.memory_space<semaphore_mem>>
        tpu.enqueue_indirect_dma source(%dma_start3A_562 : memref<100000x128xf32, #tpu.memory_space<hbm>>) target(%arg12 : memref<128x128xf32, #tpu.memory_space<vmem>>) offsets(%dma_start3A_559 : memref<128xi32, #tpu.memory_space<vmem>>) semaphore(%dma_start3A_564 : memref<!tpu.dma_semaphore, #tpu.memory_space<semaphore_mem>>)
      } else {
      }
      %mul3A_346 = arith.constant 4 : i32
      %mul3A_347 = arith.muli %scan3A_144, %mul3A_346 : i32
      %add3A_348 = arith.constant 2 : i32
      %add3A_349 = arith.addi %mul3A_347, %add3A_348 : i32
      %mul3A_350 = arith.constant 4 : i32
      %mul3A_351 = arith.muli %add3A_349, %mul3A_350 : i32
      %mul3A_352 = arith.constant 32 : i32
      %mul3A_353 = arith.muli %mul3A_351, %mul3A_352 : i32
      %dma_wait3A_354 = arith.constant 2 : i32
      %dma_wait3A_355 = tpu.memref_slice %arg8[%mul3A_353] : memref<3200xi32, #tpu.memory_space<vmem>> -> memref<128xi32, #tpu.memory_space<vmem>>
      %dma_wait3A_356 = arith.constant 0 : i32
      %dma_wait3A_357 = arith.constant 0 : i32
      %dma_wait3A_358 = tpu.memref_slice %arg4[%dma_wait3A_356, %dma_wait3A_357] : memref<100000x128xf32, #tpu.memory_space<hbm>> -> memref<100000x128xf32, #tpu.memory_space<hbm>>
      %dma_wait3A_359 = tpu.memref_slice %arg13[%dma_wait3A_354] : memref<4x!tpu.dma_semaphore, #tpu.memory_space<semaphore_mem>> -> memref<1x!tpu.dma_semaphore, #tpu.memory_space<semaphore_mem>>
      %dma_wait3A_360 = tpu.memref_squeeze %dma_wait3A_359 : memref<1x!tpu.dma_semaphore, #tpu.memory_space<semaphore_mem>> -> memref<!tpu.dma_semaphore, #tpu.memory_space<semaphore_mem>>
      tpu.wait_indirect_dma semaphore(%dma_wait3A_360 : memref<!tpu.dma_semaphore, #tpu.memory_space<semaphore_mem>>) src(%dma_wait3A_358 : memref<100000x128xf32, #tpu.memory_space<hbm>>) dst(%arg11 : memref<128x128xf32, #tpu.memory_space<vmem>>)
      %mul3A_361 = arith.constant 4 : i32
      %mul3A_362 = arith.muli %add3A_349, %mul3A_361 : i32
      %add3A_363 = arith.constant 0 : i32
      %add3A_364 = arith.addi %mul3A_362, %add3A_363 : i32
      %mul3A_365 = arith.constant 1024 : i32
      %mul3A_366 = arith.muli %add3A_364, %mul3A_365 : i32
      %add3A_367 = arith.addi %mul3A_366, %mul3A_2 : i32
      %dma_start3A_368 = arith.constant 2 : i32
      %dma_start3A_369 = arith.constant 0 : i32
      %dma_start3A_370 = arith.constant 0 : i32
      %dma_start3A_371 = tpu.memref_slice %arg11[%dma_start3A_369, %dma_start3A_370] : memref<128x128xf32, #tpu.memory_space<vmem>> -> memref<32x128xf32, #tpu.memory_space<vmem>>
      %dma_start3A_372 = arith.constant 0 : i32
      %dma_start3A_373 = tpu.memref_slice %arg5[%add3A_367, %dma_start3A_372] : memref<102400x128xf32, #tpu.memory_space<hbm>> -> memref<32x128xf32, #tpu.memory_space<hbm>>
      %dma_start3A_374 = tpu.memref_slice %arg14[%dma_start3A_368] : memref<4x!tpu.dma_semaphore, #tpu.memory_space<semaphore_mem>> -> memref<1x!tpu.dma_semaphore, #tpu.memory_space<semaphore_mem>>
      %dma_start3A_375 = tpu.memref_squeeze %dma_start3A_374 : memref<1x!tpu.dma_semaphore, #tpu.memory_space<semaphore_mem>> -> memref<!tpu.dma_semaphore, #tpu.memory_space<semaphore_mem>>
      %dma_start3A_376 = arith.constant 0 : i32
      %dma_start3A_377 = tpu.memref_slice %arg5[%add3A_367, %dma_start3A_376] : memref<102400x128xf32, #tpu.memory_space<hbm>> -> memref<32x128xf32, #tpu.memory_space<hbm>>
      %dma_start3A_378 = arith.constant 0 : i32
      %dma_start3A_379 = arith.constant 0 : i32
      %dma_start3A_380 = tpu.memref_slice %arg11[%dma_start3A_378, %dma_start3A_379] : memref<128x128xf32, #tpu.memory_space<vmem>> -> memref<32x128xf32, #tpu.memory_space<vmem>>
      tpu.enqueue_dma source(%dma_start3A_380 : memref<32x128xf32, #tpu.memory_space<vmem>>) target(%dma_start3A_377 : memref<32x128xf32, #tpu.memory_space<hbm>>) target_semaphore(%dma_start3A_375 : memref<!tpu.dma_semaphore, #tpu.memory_space<semaphore_mem>>)
      %mul3A_381 = arith.constant 4 : i32
      %mul3A_382 = arith.muli %add3A_349, %mul3A_381 : i32
      %add3A_383 = arith.constant 1 : i32
      %add3A_384 = arith.addi %mul3A_382, %add3A_383 : i32
      %mul3A_385 = arith.constant 1024 : i32
      %mul3A_386 = arith.muli %add3A_384, %mul3A_385 : i32
      %add3A_387 = arith.addi %mul3A_386, %mul3A_2 : i32
      %dma_start3A_388 = arith.constant 2 : i32
      %dma_start3A_389 = arith.constant 32 : i32
      %dma_start3A_390 = arith.constant 0 : i32
      %dma_start3A_391 = tpu.memref_slice %arg11[%dma_start3A_389, %dma_start3A_390] : memref<128x128xf32, #tpu.memory_space<vmem>> -> memref<32x128xf32, #tpu.memory_space<vmem>>
      %dma_start3A_392 = arith.constant 0 : i32
      %dma_start3A_393 = tpu.memref_slice %arg5[%add3A_387, %dma_start3A_392] : memref<102400x128xf32, #tpu.memory_space<hbm>> -> memref<32x128xf32, #tpu.memory_space<hbm>>
      %dma_start3A_394 = tpu.memref_slice %arg14[%dma_start3A_388] : memref<4x!tpu.dma_semaphore, #tpu.memory_space<semaphore_mem>> -> memref<1x!tpu.dma_semaphore, #tpu.memory_space<semaphore_mem>>
      %dma_start3A_395 = tpu.memref_squeeze %dma_start3A_394 : memref<1x!tpu.dma_semaphore, #tpu.memory_space<semaphore_mem>> -> memref<!tpu.dma_semaphore, #tpu.memory_space<semaphore_mem>>
      %dma_start3A_396 = arith.constant 0 : i32
      %dma_start3A_397 = tpu.memref_slice %arg5[%add3A_387, %dma_start3A_396] : memref<102400x128xf32, #tpu.memory_space<hbm>> -> memref<32x128xf32, #tpu.memory_space<hbm>>
      %dma_start3A_398 = arith.constant 32 : i32
      %dma_start3A_399 = arith.constant 0 : i32
      %dma_start3A_400 = tpu.memref_slice %arg11[%dma_start3A_398, %dma_start3A_399] : memref<128x128xf32, #tpu.memory_space<vmem>> -> memref<32x128xf32, #tpu.memory_space<vmem>>
      tpu.enqueue_dma source(%dma_start3A_400 : memref<32x128xf32, #tpu.memory_space<vmem>>) target(%dma_start3A_397 : memref<32x128xf32, #tpu.memory_space<hbm>>) target_semaphore(%dma_start3A_395 : memref<!tpu.dma_semaphore, #tpu.memory_space<semaphore_mem>>)
      %mul3A_401 = arith.constant 4 : i32
      %mul3A_402 = arith.muli %add3A_349, %mul3A_401 : i32
      %add3A_403 = arith.constant 2 : i32
      %add3A_404 = arith.addi %mul3A_402, %add3A_403 : i32
      %mul3A_405 = arith.constant 1024 : i32
      %mul3A_406 = arith.muli %add3A_404, %mul3A_405 : i32
      %add3A_407 = arith.addi %mul3A_406, %mul3A_2 : i32
      %dma_start3A_408 = arith.constant 2 : i32
      %dma_start3A_409 = arith.constant 64 : i32
      %dma_start3A_410 = arith.constant 0 : i32
      %dma_start3A_411 = tpu.memref_slice %arg11[%dma_start3A_409, %dma_start3A_410] : memref<128x128xf32, #tpu.memory_space<vmem>> -> memref<32x128xf32, #tpu.memory_space<vmem>>
      %dma_start3A_412 = arith.constant 0 : i32
      %dma_start3A_413 = tpu.memref_slice %arg5[%add3A_407, %dma_start3A_412] : memref<102400x128xf32, #tpu.memory_space<hbm>> -> memref<32x128xf32, #tpu.memory_space<hbm>>
      %dma_start3A_414 = tpu.memref_slice %arg14[%dma_start3A_408] : memref<4x!tpu.dma_semaphore, #tpu.memory_space<semaphore_mem>> -> memref<1x!tpu.dma_semaphore, #tpu.memory_space<semaphore_mem>>
      %dma_start3A_415 = tpu.memref_squeeze %dma_start3A_414 : memref<1x!tpu.dma_semaphore, #tpu.memory_space<semaphore_mem>> -> memref<!tpu.dma_semaphore, #tpu.memory_space<semaphore_mem>>
      %dma_start3A_416 = arith.constant 0 : i32
      %dma_start3A_417 = tpu.memref_slice %arg5[%add3A_407, %dma_start3A_416] : memref<102400x128xf32, #tpu.memory_space<hbm>> -> memref<32x128xf32, #tpu.memory_space<hbm>>
      %dma_start3A_418 = arith.constant 64 : i32
      %dma_start3A_419 = arith.constant 0 : i32
      %dma_start3A_420 = tpu.memref_slice %arg11[%dma_start3A_418, %dma_start3A_419] : memref<128x128xf32, #tpu.memory_space<vmem>> -> memref<32x128xf32, #tpu.memory_space<vmem>>
      tpu.enqueue_dma source(%dma_start3A_420 : memref<32x128xf32, #tpu.memory_space<vmem>>) target(%dma_start3A_417 : memref<32x128xf32, #tpu.memory_space<hbm>>) target_semaphore(%dma_start3A_415 : memref<!tpu.dma_semaphore, #tpu.memory_space<semaphore_mem>>)
      %mul3A_421 = arith.constant 4 : i32
      %mul3A_422 = arith.muli %add3A_349, %mul3A_421 : i32
      %add3A_423 = arith.constant 3 : i32
      %add3A_424 = arith.addi %mul3A_422, %add3A_423 : i32
      %mul3A_425 = arith.constant 1024 : i32
      %mul3A_426 = arith.muli %add3A_424, %mul3A_425 : i32
      %add3A_427 = arith.addi %mul3A_426, %mul3A_2 : i32
      %dma_start3A_428 = arith.constant 2 : i32
      %dma_start3A_429 = arith.constant 96 : i32
      %dma_start3A_430 = arith.constant 0 : i32
      %dma_start3A_431 = tpu.memref_slice %arg11[%dma_start3A_429, %dma_start3A_430] : memref<128x128xf32, #tpu.memory_space<vmem>> -> memref<32x128xf32, #tpu.memory_space<vmem>>
      %dma_start3A_432 = arith.constant 0 : i32
      %dma_start3A_433 = tpu.memref_slice %arg5[%add3A_427, %dma_start3A_432] : memref<102400x128xf32, #tpu.memory_space<hbm>> -> memref<32x128xf32, #tpu.memory_space<hbm>>
      %dma_start3A_434 = tpu.memref_slice %arg14[%dma_start3A_428] : memref<4x!tpu.dma_semaphore, #tpu.memory_space<semaphore_mem>> -> memref<1x!tpu.dma_semaphore, #tpu.memory_space<semaphore_mem>>
      %dma_start3A_435 = tpu.memref_squeeze %dma_start3A_434 : memref<1x!tpu.dma_semaphore, #tpu.memory_space<semaphore_mem>> -> memref<!tpu.dma_semaphore, #tpu.memory_space<semaphore_mem>>
      %dma_start3A_436 = arith.constant 0 : i32
      %dma_start3A_437 = tpu.memref_slice %arg5[%add3A_427, %dma_start3A_436] : memref<102400x128xf32, #tpu.memory_space<hbm>> -> memref<32x128xf32, #tpu.memory_space<hbm>>
      %dma_start3A_438 = arith.constant 96 : i32
      %dma_start3A_439 = arith.constant 0 : i32
      %dma_start3A_440 = tpu.memref_slice %arg11[%dma_start3A_438, %dma_start3A_439] : memref<128x128xf32, #tpu.memory_space<vmem>> -> memref<32x128xf32, #tpu.memory_space<vmem>>
      tpu.enqueue_dma source(%dma_start3A_440 : memref<32x128xf32, #tpu.memory_space<vmem>>) target(%dma_start3A_437 : memref<32x128xf32, #tpu.memory_space<hbm>>) target_semaphore(%dma_start3A_435 : memref<!tpu.dma_semaphore, #tpu.memory_space<semaphore_mem>>)
      %add3A_441 = arith.constant 2 : i32
      %add3A_442 = arith.addi %add3A_349, %add3A_441 : i32
      %lt3A_443 = arith.constant 25 : i32
      %lt3A_444 = arith.cmpi slt, %add3A_442, %lt3A_443 : i32
      %convert_element_type3A_445 = arith.extui %lt3A_444 : i1 to i32
      %cond3A_446 = arith.constant 0 : i32
      %cond3A_447 = arith.cmpi ne, %convert_element_type3A_445, %cond3A_446 : i32
      scf.if %cond3A_447 {
        %ge3A = arith.constant 2 : i32
        %ge3A_550 = arith.cmpi sge, %add3A_349, %ge3A : i32
        %convert_element_type3A_551 = arith.extui %ge3A_550 : i1 to i32
        %cond3A_552 = arith.constant 0 : i32
        %cond3A_553 = arith.cmpi ne, %convert_element_type3A_551, %cond3A_552 : i32
        scf.if %cond3A_553 {
          %dma_wait3A_565 = arith.constant 0 : i32
          %dma_wait3A_566 = arith.constant 0 : i32
          %dma_wait3A_567 = arith.constant 0 : i32
          %dma_wait3A_568 = tpu.memref_slice %arg5[%dma_wait3A_566, %dma_wait3A_567] : memref<102400x128xf32, #tpu.memory_space<hbm>> -> memref<128x128xf32, #tpu.memory_space<hbm>>
          %dma_wait3A_569 = tpu.memref_slice %arg14[%dma_wait3A_565] : memref<4x!tpu.dma_semaphore, #tpu.memory_space<semaphore_mem>> -> memref<1x!tpu.dma_semaphore, #tpu.memory_space<semaphore_mem>>
          %dma_wait3A_570 = tpu.memref_squeeze %dma_wait3A_569 : memref<1x!tpu.dma_semaphore, #tpu.memory_space<semaphore_mem>> -> memref<!tpu.dma_semaphore, #tpu.memory_space<semaphore_mem>>
          %dma_wait3A_571 = arith.constant 0 : i32
          %dma_wait3A_572 = arith.constant 0 : i32
          %dma_wait3A_573 = tpu.memref_slice %arg5[%dma_wait3A_571, %dma_wait3A_572] : memref<102400x128xf32, #tpu.memory_space<hbm>> -> memref<128x128xf32, #tpu.memory_space<hbm>>
          tpu.wait_dma2 semaphore(%dma_wait3A_570 : memref<!tpu.dma_semaphore, #tpu.memory_space<semaphore_mem>>) src(%arg9 : memref<128x128xf32, #tpu.memory_space<vmem>>) dst(%dma_wait3A_573 : memref<128x128xf32, #tpu.memory_space<hbm>>)
        } else {
        }
        %mul3A_554 = arith.constant 4 : i32
        %mul3A_555 = arith.muli %add3A_442, %mul3A_554 : i32
        %mul3A_556 = arith.constant 32 : i32
        %mul3A_557 = arith.muli %mul3A_555, %mul3A_556 : i32
        %dma_start3A_558 = arith.constant 0 : i32
        %dma_start3A_559 = tpu.memref_slice %arg8[%mul3A_557] : memref<3200xi32, #tpu.memory_space<vmem>> -> memref<128xi32, #tpu.memory_space<vmem>>
        %dma_start3A_560 = arith.constant 0 : i32
        %dma_start3A_561 = arith.constant 0 : i32
        %dma_start3A_562 = tpu.memref_slice %arg4[%dma_start3A_560, %dma_start3A_561] : memref<100000x128xf32, #tpu.memory_space<hbm>> -> memref<100000x128xf32, #tpu.memory_space<hbm>>
        %dma_start3A_563 = tpu.memref_slice %arg13[%dma_start3A_558] : memref<4x!tpu.dma_semaphore, #tpu.memory_space<semaphore_mem>> -> memref<1x!tpu.dma_semaphore, #tpu.memory_space<semaphore_mem>>
        %dma_start3A_564 = tpu.memref_squeeze %dma_start3A_563 : memref<1x!tpu.dma_semaphore, #tpu.memory_space<semaphore_mem>> -> memref<!tpu.dma_semaphore, #tpu.memory_space<semaphore_mem>>
        tpu.enqueue_indirect_dma source(%dma_start3A_562 : memref<100000x128xf32, #tpu.memory_space<hbm>>) target(%arg9 : memref<128x128xf32, #tpu.memory_space<vmem>>) offsets(%dma_start3A_559 : memref<128xi32, #tpu.memory_space<vmem>>) semaphore(%dma_start3A_564 : memref<!tpu.dma_semaphore, #tpu.memory_space<semaphore_mem>>)
      } else {
      }
      %mul3A_448 = arith.constant 4 : i32
      %mul3A_449 = arith.muli %scan3A_144, %mul3A_448 : i32
      %add3A_450 = arith.constant 3 : i32
      %add3A_451 = arith.addi %mul3A_449, %add3A_450 : i32
      %mul3A_452 = arith.constant 4 : i32
      %mul3A_453 = arith.muli %add3A_451, %mul3A_452 : i32
      %mul3A_454 = arith.constant 32 : i32
      %mul3A_455 = arith.muli %mul3A_453, %mul3A_454 : i32
      %dma_wait3A_456 = arith.constant 3 : i32
      %dma_wait3A_457 = tpu.memref_slice %arg8[%mul3A_455] : memref<3200xi32, #tpu.memory_space<vmem>> -> memref<128xi32, #tpu.memory_space<vmem>>
      %dma_wait3A_458 = arith.constant 0 : i32
      %dma_wait3A_459 = arith.constant 0 : i32
      %dma_wait3A_460 = tpu.memref_slice %arg4[%dma_wait3A_458, %dma_wait3A_459] : memref<100000x128xf32, #tpu.memory_space<hbm>> -> memref<100000x128xf32, #tpu.memory_space<hbm>>
      %dma_wait3A_461 = tpu.memref_slice %arg13[%dma_wait3A_456] : memref<4x!tpu.dma_semaphore, #tpu.memory_space<semaphore_mem>> -> memref<1x!tpu.dma_semaphore, #tpu.memory_space<semaphore_mem>>
      %dma_wait3A_462 = tpu.memref_squeeze %dma_wait3A_461 : memref<1x!tpu.dma_semaphore, #tpu.memory_space<semaphore_mem>> -> memref<!tpu.dma_semaphore, #tpu.memory_space<semaphore_mem>>
      tpu.wait_indirect_dma semaphore(%dma_wait3A_462 : memref<!tpu.dma_semaphore, #tpu.memory_space<semaphore_mem>>) src(%dma_wait3A_460 : memref<100000x128xf32, #tpu.memory_space<hbm>>) dst(%arg12 : memref<128x128xf32, #tpu.memory_space<vmem>>)
      %mul3A_463 = arith.constant 4 : i32
      %mul3A_464 = arith.muli %add3A_451, %mul3A_463 : i32
      %add3A_465 = arith.constant 0 : i32
      %add3A_466 = arith.addi %mul3A_464, %add3A_465 : i32
      %mul3A_467 = arith.constant 1024 : i32
      %mul3A_468 = arith.muli %add3A_466, %mul3A_467 : i32
      %add3A_469 = arith.addi %mul3A_468, %mul3A_2 : i32
      %dma_start3A_470 = arith.constant 3 : i32
      %dma_start3A_471 = arith.constant 0 : i32
      %dma_start3A_472 = arith.constant 0 : i32
      %dma_start3A_473 = tpu.memref_slice %arg12[%dma_start3A_471, %dma_start3A_472] : memref<128x128xf32, #tpu.memory_space<vmem>> -> memref<32x128xf32, #tpu.memory_space<vmem>>
      %dma_start3A_474 = arith.constant 0 : i32
      %dma_start3A_475 = tpu.memref_slice %arg5[%add3A_469, %dma_start3A_474] : memref<102400x128xf32, #tpu.memory_space<hbm>> -> memref<32x128xf32, #tpu.memory_space<hbm>>
      %dma_start3A_476 = tpu.memref_slice %arg14[%dma_start3A_470] : memref<4x!tpu.dma_semaphore, #tpu.memory_space<semaphore_mem>> -> memref<1x!tpu.dma_semaphore, #tpu.memory_space<semaphore_mem>>
      %dma_start3A_477 = tpu.memref_squeeze %dma_start3A_476 : memref<1x!tpu.dma_semaphore, #tpu.memory_space<semaphore_mem>> -> memref<!tpu.dma_semaphore, #tpu.memory_space<semaphore_mem>>
      %dma_start3A_478 = arith.constant 0 : i32
      %dma_start3A_479 = tpu.memref_slice %arg5[%add3A_469, %dma_start3A_478] : memref<102400x128xf32, #tpu.memory_space<hbm>> -> memref<32x128xf32, #tpu.memory_space<hbm>>
      %dma_start3A_480 = arith.constant 0 : i32
      %dma_start3A_481 = arith.constant 0 : i32
      %dma_start3A_482 = tpu.memref_slice %arg12[%dma_start3A_480, %dma_start3A_481] : memref<128x128xf32, #tpu.memory_space<vmem>> -> memref<32x128xf32, #tpu.memory_space<vmem>>
      tpu.enqueue_dma source(%dma_start3A_482 : memref<32x128xf32, #tpu.memory_space<vmem>>) target(%dma_start3A_479 : memref<32x128xf32, #tpu.memory_space<hbm>>) target_semaphore(%dma_start3A_477 : memref<!tpu.dma_semaphore, #tpu.memory_space<semaphore_mem>>)
      %mul3A_483 = arith.constant 4 : i32
      %mul3A_484 = arith.muli %add3A_451, %mul3A_483 : i32
      %add3A_485 = arith.constant 1 : i32
      %add3A_486 = arith.addi %mul3A_484, %add3A_485 : i32
      %mul3A_487 = arith.constant 1024 : i32
      %mul3A_488 = arith.muli %add3A_486, %mul3A_487 : i32
      %add3A_489 = arith.addi %mul3A_488, %mul3A_2 : i32
      %dma_start3A_490 = arith.constant 3 : i32
      %dma_start3A_491 = arith.constant 32 : i32
      %dma_start3A_492 = arith.constant 0 : i32
      %dma_start3A_493 = tpu.memref_slice %arg12[%dma_start3A_491, %dma_start3A_492] : memref<128x128xf32, #tpu.memory_space<vmem>> -> memref<32x128xf32, #tpu.memory_space<vmem>>
      %dma_start3A_494 = arith.constant 0 : i32
      %dma_start3A_495 = tpu.memref_slice %arg5[%add3A_489, %dma_start3A_494] : memref<102400x128xf32, #tpu.memory_space<hbm>> -> memref<32x128xf32, #tpu.memory_space<hbm>>
      %dma_start3A_496 = tpu.memref_slice %arg14[%dma_start3A_490] : memref<4x!tpu.dma_semaphore, #tpu.memory_space<semaphore_mem>> -> memref<1x!tpu.dma_semaphore, #tpu.memory_space<semaphore_mem>>
      %dma_start3A_497 = tpu.memref_squeeze %dma_start3A_496 : memref<1x!tpu.dma_semaphore, #tpu.memory_space<semaphore_mem>> -> memref<!tpu.dma_semaphore, #tpu.memory_space<semaphore_mem>>
      %dma_start3A_498 = arith.constant 0 : i32
      %dma_start3A_499 = tpu.memref_slice %arg5[%add3A_489, %dma_start3A_498] : memref<102400x128xf32, #tpu.memory_space<hbm>> -> memref<32x128xf32, #tpu.memory_space<hbm>>
      %dma_start3A_500 = arith.constant 32 : i32
      %dma_start3A_501 = arith.constant 0 : i32
      %dma_start3A_502 = tpu.memref_slice %arg12[%dma_start3A_500, %dma_start3A_501] : memref<128x128xf32, #tpu.memory_space<vmem>> -> memref<32x128xf32, #tpu.memory_space<vmem>>
      tpu.enqueue_dma source(%dma_start3A_502 : memref<32x128xf32, #tpu.memory_space<vmem>>) target(%dma_start3A_499 : memref<32x128xf32, #tpu.memory_space<hbm>>) target_semaphore(%dma_start3A_497 : memref<!tpu.dma_semaphore, #tpu.memory_space<semaphore_mem>>)
      %mul3A_503 = arith.constant 4 : i32
      %mul3A_504 = arith.muli %add3A_451, %mul3A_503 : i32
      %add3A_505 = arith.constant 2 : i32
      %add3A_506 = arith.addi %mul3A_504, %add3A_505 : i32
      %mul3A_507 = arith.constant 1024 : i32
      %mul3A_508 = arith.muli %add3A_506, %mul3A_507 : i32
      %add3A_509 = arith.addi %mul3A_508, %mul3A_2 : i32
      %dma_start3A_510 = arith.constant 3 : i32
      %dma_start3A_511 = arith.constant 64 : i32
      %dma_start3A_512 = arith.constant 0 : i32
      %dma_start3A_513 = tpu.memref_slice %arg12[%dma_start3A_511, %dma_start3A_512] : memref<128x128xf32, #tpu.memory_space<vmem>> -> memref<32x128xf32, #tpu.memory_space<vmem>>
      %dma_start3A_514 = arith.constant 0 : i32
      %dma_start3A_515 = tpu.memref_slice %arg5[%add3A_509, %dma_start3A_514] : memref<102400x128xf32, #tpu.memory_space<hbm>> -> memref<32x128xf32, #tpu.memory_space<hbm>>
      %dma_start3A_516 = tpu.memref_slice %arg14[%dma_start3A_510] : memref<4x!tpu.dma_semaphore, #tpu.memory_space<semaphore_mem>> -> memref<1x!tpu.dma_semaphore, #tpu.memory_space<semaphore_mem>>
      %dma_start3A_517 = tpu.memref_squeeze %dma_start3A_516 : memref<1x!tpu.dma_semaphore, #tpu.memory_space<semaphore_mem>> -> memref<!tpu.dma_semaphore, #tpu.memory_space<semaphore_mem>>
      %dma_start3A_518 = arith.constant 0 : i32
      %dma_start3A_519 = tpu.memref_slice %arg5[%add3A_509, %dma_start3A_518] : memref<102400x128xf32, #tpu.memory_space<hbm>> -> memref<32x128xf32, #tpu.memory_space<hbm>>
      %dma_start3A_520 = arith.constant 64 : i32
      %dma_start3A_521 = arith.constant 0 : i32
      %dma_start3A_522 = tpu.memref_slice %arg12[%dma_start3A_520, %dma_start3A_521] : memref<128x128xf32, #tpu.memory_space<vmem>> -> memref<32x128xf32, #tpu.memory_space<vmem>>
      tpu.enqueue_dma source(%dma_start3A_522 : memref<32x128xf32, #tpu.memory_space<vmem>>) target(%dma_start3A_519 : memref<32x128xf32, #tpu.memory_space<hbm>>) target_semaphore(%dma_start3A_517 : memref<!tpu.dma_semaphore, #tpu.memory_space<semaphore_mem>>)
      %mul3A_523 = arith.constant 4 : i32
      %mul3A_524 = arith.muli %add3A_451, %mul3A_523 : i32
      %add3A_525 = arith.constant 3 : i32
      %add3A_526 = arith.addi %mul3A_524, %add3A_525 : i32
      %mul3A_527 = arith.constant 1024 : i32
      %mul3A_528 = arith.muli %add3A_526, %mul3A_527 : i32
      %add3A_529 = arith.addi %mul3A_528, %mul3A_2 : i32
      %dma_start3A_530 = arith.constant 3 : i32
      %dma_start3A_531 = arith.constant 96 : i32
      %dma_start3A_532 = arith.constant 0 : i32
      %dma_start3A_533 = tpu.memref_slice %arg12[%dma_start3A_531, %dma_start3A_532] : memref<128x128xf32, #tpu.memory_space<vmem>> -> memref<32x128xf32, #tpu.memory_space<vmem>>
      %dma_start3A_534 = arith.constant 0 : i32
      %dma_start3A_535 = tpu.memref_slice %arg5[%add3A_529, %dma_start3A_534] : memref<102400x128xf32, #tpu.memory_space<hbm>> -> memref<32x128xf32, #tpu.memory_space<hbm>>
      %dma_start3A_536 = tpu.memref_slice %arg14[%dma_start3A_530] : memref<4x!tpu.dma_semaphore, #tpu.memory_space<semaphore_mem>> -> memref<1x!tpu.dma_semaphore, #tpu.memory_space<semaphore_mem>>
      %dma_start3A_537 = tpu.memref_squeeze %dma_start3A_536 : memref<1x!tpu.dma_semaphore, #tpu.memory_space<semaphore_mem>> -> memref<!tpu.dma_semaphore, #tpu.memory_space<semaphore_mem>>
      %dma_start3A_538 = arith.constant 0 : i32
      %dma_start3A_539 = tpu.memref_slice %arg5[%add3A_529, %dma_start3A_538] : memref<102400x128xf32, #tpu.memory_space<hbm>> -> memref<32x128xf32, #tpu.memory_space<hbm>>
      %dma_start3A_540 = arith.constant 96 : i32
      %dma_start3A_541 = arith.constant 0 : i32
      %dma_start3A_542 = tpu.memref_slice %arg12[%dma_start3A_540, %dma_start3A_541] : memref<128x128xf32, #tpu.memory_space<vmem>> -> memref<32x128xf32, #tpu.memory_space<vmem>>
      tpu.enqueue_dma source(%dma_start3A_542 : memref<32x128xf32, #tpu.memory_space<vmem>>) target(%dma_start3A_539 : memref<32x128xf32, #tpu.memory_space<hbm>>) target_semaphore(%dma_start3A_537 : memref<!tpu.dma_semaphore, #tpu.memory_space<semaphore_mem>>)
      %add3A_543 = arith.constant 2 : i32
      %add3A_544 = arith.addi %add3A_451, %add3A_543 : i32
      %lt3A_545 = arith.constant 25 : i32
      %lt3A_546 = arith.cmpi slt, %add3A_544, %lt3A_545 : i32
      %convert_element_type3A_547 = arith.extui %lt3A_546 : i1 to i32
      %cond3A_548 = arith.constant 0 : i32
      %cond3A_549 = arith.cmpi ne, %convert_element_type3A_547, %cond3A_548 : i32
      scf.if %cond3A_549 {
        %ge3A = arith.constant 2 : i32
        %ge3A_550 = arith.cmpi sge, %add3A_451, %ge3A : i32
        %convert_element_type3A_551 = arith.extui %ge3A_550 : i1 to i32
        %cond3A_552 = arith.constant 0 : i32
        %cond3A_553 = arith.cmpi ne, %convert_element_type3A_551, %cond3A_552 : i32
        scf.if %cond3A_553 {
          %dma_wait3A_565 = arith.constant 1 : i32
          %dma_wait3A_566 = arith.constant 0 : i32
          %dma_wait3A_567 = arith.constant 0 : i32
          %dma_wait3A_568 = tpu.memref_slice %arg5[%dma_wait3A_566, %dma_wait3A_567] : memref<102400x128xf32, #tpu.memory_space<hbm>> -> memref<128x128xf32, #tpu.memory_space<hbm>>
          %dma_wait3A_569 = tpu.memref_slice %arg14[%dma_wait3A_565] : memref<4x!tpu.dma_semaphore, #tpu.memory_space<semaphore_mem>> -> memref<1x!tpu.dma_semaphore, #tpu.memory_space<semaphore_mem>>
          %dma_wait3A_570 = tpu.memref_squeeze %dma_wait3A_569 : memref<1x!tpu.dma_semaphore, #tpu.memory_space<semaphore_mem>> -> memref<!tpu.dma_semaphore, #tpu.memory_space<semaphore_mem>>
          %dma_wait3A_571 = arith.constant 0 : i32
          %dma_wait3A_572 = arith.constant 0 : i32
          %dma_wait3A_573 = tpu.memref_slice %arg5[%dma_wait3A_571, %dma_wait3A_572] : memref<102400x128xf32, #tpu.memory_space<hbm>> -> memref<128x128xf32, #tpu.memory_space<hbm>>
          tpu.wait_dma2 semaphore(%dma_wait3A_570 : memref<!tpu.dma_semaphore, #tpu.memory_space<semaphore_mem>>) src(%arg10 : memref<128x128xf32, #tpu.memory_space<vmem>>) dst(%dma_wait3A_573 : memref<128x128xf32, #tpu.memory_space<hbm>>)
        } else {
        }
        %mul3A_554 = arith.constant 4 : i32
        %mul3A_555 = arith.muli %add3A_544, %mul3A_554 : i32
        %mul3A_556 = arith.constant 32 : i32
        %mul3A_557 = arith.muli %mul3A_555, %mul3A_556 : i32
        %dma_start3A_558 = arith.constant 1 : i32
        %dma_start3A_559 = tpu.memref_slice %arg8[%mul3A_557] : memref<3200xi32, #tpu.memory_space<vmem>> -> memref<128xi32, #tpu.memory_space<vmem>>
        %dma_start3A_560 = arith.constant 0 : i32
        %dma_start3A_561 = arith.constant 0 : i32
        %dma_start3A_562 = tpu.memref_slice %arg4[%dma_start3A_560, %dma_start3A_561] : memref<100000x128xf32, #tpu.memory_space<hbm>> -> memref<100000x128xf32, #tpu.memory_space<hbm>>
        %dma_start3A_563 = tpu.memref_slice %arg13[%dma_start3A_558] : memref<4x!tpu.dma_semaphore, #tpu.memory_space<semaphore_mem>> -> memref<1x!tpu.dma_semaphore, #tpu.memory_space<semaphore_mem>>
        %dma_start3A_564 = tpu.memref_squeeze %dma_start3A_563 : memref<1x!tpu.dma_semaphore, #tpu.memory_space<semaphore_mem>> -> memref<!tpu.dma_semaphore, #tpu.memory_space<semaphore_mem>>
        tpu.enqueue_indirect_dma source(%dma_start3A_562 : memref<100000x128xf32, #tpu.memory_space<hbm>>) target(%arg10 : memref<128x128xf32, #tpu.memory_space<vmem>>) offsets(%dma_start3A_559 : memref<128xi32, #tpu.memory_space<vmem>>) semaphore(%dma_start3A_564 : memref<!tpu.dma_semaphore, #tpu.memory_space<semaphore_mem>>)
      } else {
      }
    }
    %scan3A_39 = arith.constant 6 : i32
    %dma_wait3A_40 = arith.constant 0 : i32
    %dma_wait3A_41 = arith.constant 3072 : i32
    %dma_wait3A_42 = tpu.memref_slice %arg8[%dma_wait3A_41] : memref<3200xi32, #tpu.memory_space<vmem>> -> memref<128xi32, #tpu.memory_space<vmem>>
    %dma_wait3A_43 = arith.constant 0 : i32
    %dma_wait3A_44 = arith.constant 0 : i32
    %dma_wait3A_45 = tpu.memref_slice %arg4[%dma_wait3A_43, %dma_wait3A_44] : memref<100000x128xf32, #tpu.memory_space<hbm>> -> memref<100000x128xf32, #tpu.memory_space<hbm>>
    %dma_wait3A_46 = tpu.memref_slice %arg13[%dma_wait3A_40] : memref<4x!tpu.dma_semaphore, #tpu.memory_space<semaphore_mem>> -> memref<1x!tpu.dma_semaphore, #tpu.memory_space<semaphore_mem>>
    %dma_wait3A_47 = tpu.memref_squeeze %dma_wait3A_46 : memref<1x!tpu.dma_semaphore, #tpu.memory_space<semaphore_mem>> -> memref<!tpu.dma_semaphore, #tpu.memory_space<semaphore_mem>>
    tpu.wait_indirect_dma semaphore(%dma_wait3A_47 : memref<!tpu.dma_semaphore, #tpu.memory_space<semaphore_mem>>) src(%dma_wait3A_45 : memref<100000x128xf32, #tpu.memory_space<hbm>>) dst(%arg9 : memref<128x128xf32, #tpu.memory_space<vmem>>)
    %add3A_48 = arith.constant 98304 : i32
    %add3A_49 = arith.addi %add3A_48, %mul3A_2 : i32
    %dma_start3A_50 = arith.constant 0 : i32
    %dma_start3A_51 = arith.constant 0 : i32
    %dma_start3A_52 = arith.constant 0 : i32
    %dma_start3A_53 = tpu.memref_slice %arg9[%dma_start3A_51, %dma_start3A_52] : memref<128x128xf32, #tpu.memory_space<vmem>> -> memref<32x128xf32, #tpu.memory_space<vmem>>
    %dma_start3A_54 = arith.constant 0 : i32
    %dma_start3A_55 = tpu.memref_slice %arg5[%add3A_49, %dma_start3A_54] : memref<102400x128xf32, #tpu.memory_space<hbm>> -> memref<32x128xf32, #tpu.memory_space<hbm>>
    %dma_start3A_56 = tpu.memref_slice %arg14[%dma_start3A_50] : memref<4x!tpu.dma_semaphore, #tpu.memory_space<semaphore_mem>> -> memref<1x!tpu.dma_semaphore, #tpu.memory_space<semaphore_mem>>
    %dma_start3A_57 = tpu.memref_squeeze %dma_start3A_56 : memref<1x!tpu.dma_semaphore, #tpu.memory_space<semaphore_mem>> -> memref<!tpu.dma_semaphore, #tpu.memory_space<semaphore_mem>>
    %dma_start3A_58 = arith.constant 0 : i32
    %dma_start3A_59 = tpu.memref_slice %arg5[%add3A_49, %dma_start3A_58] : memref<102400x128xf32, #tpu.memory_space<hbm>> -> memref<32x128xf32, #tpu.memory_space<hbm>>
    %dma_start3A_60 = arith.constant 0 : i32
    %dma_start3A_61 = arith.constant 0 : i32
    %dma_start3A_62 = tpu.memref_slice %arg9[%dma_start3A_60, %dma_start3A_61] : memref<128x128xf32, #tpu.memory_space<vmem>> -> memref<32x128xf32, #tpu.memory_space<vmem>>
    tpu.enqueue_dma source(%dma_start3A_62 : memref<32x128xf32, #tpu.memory_space<vmem>>) target(%dma_start3A_59 : memref<32x128xf32, #tpu.memory_space<hbm>>) target_semaphore(%dma_start3A_57 : memref<!tpu.dma_semaphore, #tpu.memory_space<semaphore_mem>>)
    %add3A_63 = arith.constant 99328 : i32
    %add3A_64 = arith.addi %add3A_63, %mul3A_2 : i32
    %dma_start3A_65 = arith.constant 0 : i32
    %dma_start3A_66 = arith.constant 32 : i32
    %dma_start3A_67 = arith.constant 0 : i32
    %dma_start3A_68 = tpu.memref_slice %arg9[%dma_start3A_66, %dma_start3A_67] : memref<128x128xf32, #tpu.memory_space<vmem>> -> memref<32x128xf32, #tpu.memory_space<vmem>>
    %dma_start3A_69 = arith.constant 0 : i32
    %dma_start3A_70 = tpu.memref_slice %arg5[%add3A_64, %dma_start3A_69] : memref<102400x128xf32, #tpu.memory_space<hbm>> -> memref<32x128xf32, #tpu.memory_space<hbm>>
    %dma_start3A_71 = tpu.memref_slice %arg14[%dma_start3A_65] : memref<4x!tpu.dma_semaphore, #tpu.memory_space<semaphore_mem>> -> memref<1x!tpu.dma_semaphore, #tpu.memory_space<semaphore_mem>>
    %dma_start3A_72 = tpu.memref_squeeze %dma_start3A_71 : memref<1x!tpu.dma_semaphore, #tpu.memory_space<semaphore_mem>> -> memref<!tpu.dma_semaphore, #tpu.memory_space<semaphore_mem>>
    %dma_start3A_73 = arith.constant 0 : i32
    %dma_start3A_74 = tpu.memref_slice %arg5[%add3A_64, %dma_start3A_73] : memref<102400x128xf32, #tpu.memory_space<hbm>> -> memref<32x128xf32, #tpu.memory_space<hbm>>
    %dma_start3A_75 = arith.constant 32 : i32
    %dma_start3A_76 = arith.constant 0 : i32
    %dma_start3A_77 = tpu.memref_slice %arg9[%dma_start3A_75, %dma_start3A_76] : memref<128x128xf32, #tpu.memory_space<vmem>> -> memref<32x128xf32, #tpu.memory_space<vmem>>
    tpu.enqueue_dma source(%dma_start3A_77 : memref<32x128xf32, #tpu.memory_space<vmem>>) target(%dma_start3A_74 : memref<32x128xf32, #tpu.memory_space<hbm>>) target_semaphore(%dma_start3A_72 : memref<!tpu.dma_semaphore, #tpu.memory_space<semaphore_mem>>)
    %add3A_78 = arith.constant 100352 : i32
    %add3A_79 = arith.addi %add3A_78, %mul3A_2 : i32
    %dma_start3A_80 = arith.constant 0 : i32
    %dma_start3A_81 = arith.constant 64 : i32
    %dma_start3A_82 = arith.constant 0 : i32
    %dma_start3A_83 = tpu.memref_slice %arg9[%dma_start3A_81, %dma_start3A_82] : memref<128x128xf32, #tpu.memory_space<vmem>> -> memref<32x128xf32, #tpu.memory_space<vmem>>
    %dma_start3A_84 = arith.constant 0 : i32
    %dma_start3A_85 = tpu.memref_slice %arg5[%add3A_79, %dma_start3A_84] : memref<102400x128xf32, #tpu.memory_space<hbm>> -> memref<32x128xf32, #tpu.memory_space<hbm>>
    %dma_start3A_86 = tpu.memref_slice %arg14[%dma_start3A_80] : memref<4x!tpu.dma_semaphore, #tpu.memory_space<semaphore_mem>> -> memref<1x!tpu.dma_semaphore, #tpu.memory_space<semaphore_mem>>
    %dma_start3A_87 = tpu.memref_squeeze %dma_start3A_86 : memref<1x!tpu.dma_semaphore, #tpu.memory_space<semaphore_mem>> -> memref<!tpu.dma_semaphore, #tpu.memory_space<semaphore_mem>>
    %dma_start3A_88 = arith.constant 0 : i32
    %dma_start3A_89 = tpu.memref_slice %arg5[%add3A_79, %dma_start3A_88] : memref<102400x128xf32, #tpu.memory_space<hbm>> -> memref<32x128xf32, #tpu.memory_space<hbm>>
    %dma_start3A_90 = arith.constant 64 : i32
    %dma_start3A_91 = arith.constant 0 : i32
    %dma_start3A_92 = tpu.memref_slice %arg9[%dma_start3A_90, %dma_start3A_91] : memref<128x128xf32, #tpu.memory_space<vmem>> -> memref<32x128xf32, #tpu.memory_space<vmem>>
    tpu.enqueue_dma source(%dma_start3A_92 : memref<32x128xf32, #tpu.memory_space<vmem>>) target(%dma_start3A_89 : memref<32x128xf32, #tpu.memory_space<hbm>>) target_semaphore(%dma_start3A_87 : memref<!tpu.dma_semaphore, #tpu.memory_space<semaphore_mem>>)
    %add3A_93 = arith.constant 101376 : i32
    %add3A_94 = arith.addi %add3A_93, %mul3A_2 : i32
    %dma_start3A_95 = arith.constant 0 : i32
    %dma_start3A_96 = arith.constant 96 : i32
    %dma_start3A_97 = arith.constant 0 : i32
    %dma_start3A_98 = tpu.memref_slice %arg9[%dma_start3A_96, %dma_start3A_97] : memref<128x128xf32, #tpu.memory_space<vmem>> -> memref<32x128xf32, #tpu.memory_space<vmem>>
    %dma_start3A_99 = arith.constant 0 : i32
    %dma_start3A_100 = tpu.memref_slice %arg5[%add3A_94, %dma_start3A_99] : memref<102400x128xf32, #tpu.memory_space<hbm>> -> memref<32x128xf32, #tpu.memory_space<hbm>>
    %dma_start3A_101 = tpu.memref_slice %arg14[%dma_start3A_95] : memref<4x!tpu.dma_semaphore, #tpu.memory_space<semaphore_mem>> -> memref<1x!tpu.dma_semaphore, #tpu.memory_space<semaphore_mem>>
    %dma_start3A_102 = tpu.memref_squeeze %dma_start3A_101 : memref<1x!tpu.dma_semaphore, #tpu.memory_space<semaphore_mem>> -> memref<!tpu.dma_semaphore, #tpu.memory_space<semaphore_mem>>
    %dma_start3A_103 = arith.constant 0 : i32
    %dma_start3A_104 = tpu.memref_slice %arg5[%add3A_94, %dma_start3A_103] : memref<102400x128xf32, #tpu.memory_space<hbm>> -> memref<32x128xf32, #tpu.memory_space<hbm>>
    %dma_start3A_105 = arith.constant 96 : i32
    %dma_start3A_106 = arith.constant 0 : i32
    %dma_start3A_107 = tpu.memref_slice %arg9[%dma_start3A_105, %dma_start3A_106] : memref<128x128xf32, #tpu.memory_space<vmem>> -> memref<32x128xf32, #tpu.memory_space<vmem>>
    tpu.enqueue_dma source(%dma_start3A_107 : memref<32x128xf32, #tpu.memory_space<vmem>>) target(%dma_start3A_104 : memref<32x128xf32, #tpu.memory_space<hbm>>) target_semaphore(%dma_start3A_102 : memref<!tpu.dma_semaphore, #tpu.memory_space<semaphore_mem>>)
    %dma_wait3A_108 = arith.constant 0 : i32
    %dma_wait3A_109 = arith.constant 0 : i32
    %dma_wait3A_110 = arith.constant 0 : i32
    %dma_wait3A_111 = tpu.memref_slice %arg5[%dma_wait3A_109, %dma_wait3A_110] : memref<102400x128xf32, #tpu.memory_space<hbm>> -> memref<128x128xf32, #tpu.memory_space<hbm>>
    %dma_wait3A_112 = tpu.memref_slice %arg14[%dma_wait3A_108] : memref<4x!tpu.dma_semaphore, #tpu.memory_space<semaphore_mem>> -> memref<1x!tpu.dma_semaphore, #tpu.memory_space<semaphore_mem>>
    %dma_wait3A_113 = tpu.memref_squeeze %dma_wait3A_112 : memref<1x!tpu.dma_semaphore, #tpu.memory_space<semaphore_mem>> -> memref<!tpu.dma_semaphore, #tpu.memory_space<semaphore_mem>>
    %dma_wait3A_114 = arith.constant 0 : i32
    %dma_wait3A_115 = arith.constant 0 : i32
    %dma_wait3A_116 = tpu.memref_slice %arg5[%dma_wait3A_114, %dma_wait3A_115] : memref<102400x128xf32, #tpu.memory_space<hbm>> -> memref<128x128xf32, #tpu.memory_space<hbm>>
    tpu.wait_dma2 semaphore(%dma_wait3A_113 : memref<!tpu.dma_semaphore, #tpu.memory_space<semaphore_mem>>) src(%arg9 : memref<128x128xf32, #tpu.memory_space<vmem>>) dst(%dma_wait3A_116 : memref<128x128xf32, #tpu.memory_space<hbm>>)
    %dma_wait3A_117 = arith.constant 1 : i32
    %dma_wait3A_118 = arith.constant 0 : i32
    %dma_wait3A_119 = arith.constant 0 : i32
    %dma_wait3A_120 = tpu.memref_slice %arg5[%dma_wait3A_118, %dma_wait3A_119] : memref<102400x128xf32, #tpu.memory_space<hbm>> -> memref<128x128xf32, #tpu.memory_space<hbm>>
    %dma_wait3A_121 = tpu.memref_slice %arg14[%dma_wait3A_117] : memref<4x!tpu.dma_semaphore, #tpu.memory_space<semaphore_mem>> -> memref<1x!tpu.dma_semaphore, #tpu.memory_space<semaphore_mem>>
    %dma_wait3A_122 = tpu.memref_squeeze %dma_wait3A_121 : memref<1x!tpu.dma_semaphore, #tpu.memory_space<semaphore_mem>> -> memref<!tpu.dma_semaphore, #tpu.memory_space<semaphore_mem>>
    %dma_wait3A_123 = arith.constant 0 : i32
    %dma_wait3A_124 = arith.constant 0 : i32
    %dma_wait3A_125 = tpu.memref_slice %arg5[%dma_wait3A_123, %dma_wait3A_124] : memref<102400x128xf32, #tpu.memory_space<hbm>> -> memref<128x128xf32, #tpu.memory_space<hbm>>
    tpu.wait_dma2 semaphore(%dma_wait3A_122 : memref<!tpu.dma_semaphore, #tpu.memory_space<semaphore_mem>>) src(%arg10 : memref<128x128xf32, #tpu.memory_space<vmem>>) dst(%dma_wait3A_125 : memref<128x128xf32, #tpu.memory_space<hbm>>)
    %dma_wait3A_126 = arith.constant 2 : i32
    %dma_wait3A_127 = arith.constant 0 : i32
    %dma_wait3A_128 = arith.constant 0 : i32
    %dma_wait3A_129 = tpu.memref_slice %arg5[%dma_wait3A_127, %dma_wait3A_128] : memref<102400x128xf32, #tpu.memory_space<hbm>> -> memref<128x128xf32, #tpu.memory_space<hbm>>
    %dma_wait3A_130 = tpu.memref_slice %arg14[%dma_wait3A_126] : memref<4x!tpu.dma_semaphore, #tpu.memory_space<semaphore_mem>> -> memref<1x!tpu.dma_semaphore, #tpu.memory_space<semaphore_mem>>
    %dma_wait3A_131 = tpu.memref_squeeze %dma_wait3A_130 : memref<1x!tpu.dma_semaphore, #tpu.memory_space<semaphore_mem>> -> memref<!tpu.dma_semaphore, #tpu.memory_space<semaphore_mem>>
    %dma_wait3A_132 = arith.constant 0 : i32
    %dma_wait3A_133 = arith.constant 0 : i32
    %dma_wait3A_134 = tpu.memref_slice %arg5[%dma_wait3A_132, %dma_wait3A_133] : memref<102400x128xf32, #tpu.memory_space<hbm>> -> memref<128x128xf32, #tpu.memory_space<hbm>>
    tpu.wait_dma2 semaphore(%dma_wait3A_131 : memref<!tpu.dma_semaphore, #tpu.memory_space<semaphore_mem>>) src(%arg11 : memref<128x128xf32, #tpu.memory_space<vmem>>) dst(%dma_wait3A_134 : memref<128x128xf32, #tpu.memory_space<hbm>>)
    %dma_wait3A_135 = arith.constant 3 : i32
    %dma_wait3A_136 = arith.constant 0 : i32
    %dma_wait3A_137 = arith.constant 0 : i32
    %dma_wait3A_138 = tpu.memref_slice %arg5[%dma_wait3A_136, %dma_wait3A_137] : memref<102400x128xf32, #tpu.memory_space<hbm>> -> memref<128x128xf32, #tpu.memory_space<hbm>>
    %dma_wait3A_139 = tpu.memref_slice %arg14[%dma_wait3A_135] : memref<4x!tpu.dma_semaphore, #tpu.memory_space<semaphore_mem>> -> memref<1x!tpu.dma_semaphore, #tpu.memory_space<semaphore_mem>>
    %dma_wait3A_140 = tpu.memref_squeeze %dma_wait3A_139 : memref<1x!tpu.dma_semaphore, #tpu.memory_space<semaphore_mem>> -> memref<!tpu.dma_semaphore, #tpu.memory_space<semaphore_mem>>
    %dma_wait3A_141 = arith.constant 0 : i32
    %dma_wait3A_142 = arith.constant 0 : i32
    %dma_wait3A_143 = tpu.memref_slice %arg5[%dma_wait3A_141, %dma_wait3A_142] : memref<102400x128xf32, #tpu.memory_space<hbm>> -> memref<128x128xf32, #tpu.memory_space<hbm>>
    tpu.wait_dma2 semaphore(%dma_wait3A_140 : memref<!tpu.dma_semaphore, #tpu.memory_space<semaphore_mem>>) src(%arg12 : memref<128x128xf32, #tpu.memory_space<vmem>>) dst(%dma_wait3A_143 : memref<128x128xf32, #tpu.memory_space<hbm>>)
    return
  }
}

#map = affine_map<(d0, d1) -> (0)>
#map1 = affine_map<(d0, d1) -> (0, 0)>
module attributes {stable_mosaic.version = 14 : i64} {
  func.func @_sc_gather_body(%arg0: i32, %arg1: i32, %arg2: memref<1024xi32, #tpu.memory_space<hbm>>, %arg3: memref<20000x128xi32, #tpu.memory_space<hbm>>, %arg4: memref<100000x128xf32, #tpu.memory_space<hbm>>, %arg5: memref<102400x128xf32, #tpu.memory_space<hbm>>, %arg6: memref<32xi32, #tpu.memory_space<vmem>>, %arg7: memref<32x128xi32, #tpu.memory_space<vmem>>, %arg8: memref<3200xi32, #tpu.memory_space<vmem>>, %arg9: memref<128x128xf32, #tpu.memory_space<vmem>>, %arg10: memref<128x128xf32, #tpu.memory_space<vmem>>, %arg11: memref<128x128xf32, #tpu.memory_space<vmem>>, %arg12: memref<128x128xf32, #tpu.memory_space<vmem>>, %arg13: memref<4x!tpu.dma_semaphore, #tpu.memory_space<semaphore_mem>>, %arg14: memref<4x!tpu.dma_semaphore, #tpu.memory_space<semaphore_mem>>) attributes {dimension_semantics = [#tpu.dimension_semantics<core_parallel>, #tpu.dimension_semantics<subcore_parallel>], iteration_bounds = array<i64: 2, 16>, scalar_prefetch = 0 : i64, scratch_operands = 9 : i64, tpu.core_type = #tpu.core_type<sc_vector_subcore>, window_params = [{transform_indices = #map}, {transform_indices = #map1}, {transform_indices = #map1}, {transform_indices = #map1}]} {
    %mul3A = arith.constant 2 : i32
    %mul3A_0 = arith.muli %arg1, %mul3A : i32
    %add3A = arith.addi %mul3A_0, %arg0 : i32
    %mul3A_1 = arith.constant 32 : i32
    %mul3A_2 = arith.muli %add3A, %mul3A_1 : i32
    "tpu.region"() ({
      %run_scoped3A = tpu.sem_alloc : memref<!tpu.dma_semaphore, #tpu.memory_space<semaphore_mem>>
      %dma_start3A_144 = tpu.memref_slice %arg2[%mul3A_2] : memref<1024xi32, #tpu.memory_space<hbm>> -> memref<32xi32, #tpu.memory_space<hbm>>
      %dma_start3A_145 = tpu.memref_slice %arg2[%mul3A_2] : memref<1024xi32, #tpu.memory_space<hbm>> -> memref<32xi32, #tpu.memory_space<hbm>>
      tpu.enqueue_dma source(%dma_start3A_145 : memref<32xi32, #tpu.memory_space<hbm>>) target(%arg6 : memref<32xi32, #tpu.memory_space<vmem>>) target_semaphore(%run_scoped3A : memref<!tpu.dma_semaphore, #tpu.memory_space<semaphore_mem>>)
      %dma_wait3A_146 = tpu.memref_slice %arg2[%mul3A_2] : memref<1024xi32, #tpu.memory_space<hbm>> -> memref<32xi32, #tpu.memory_space<hbm>>
      %dma_wait3A_147 = tpu.memref_slice %arg2[%mul3A_2] : memref<1024xi32, #tpu.memory_space<hbm>> -> memref<32xi32, #tpu.memory_space<hbm>>
      tpu.wait_dma2 semaphore(%run_scoped3A : memref<!tpu.dma_semaphore, #tpu.memory_space<semaphore_mem>>) src(%dma_wait3A_147 : memref<32xi32, #tpu.memory_space<hbm>>) dst(%arg6 : memref<32xi32, #tpu.memory_space<vmem>>)
      tpu.yield
    }) : () -> ()
    %dma_start3A = arith.constant 0 : i32
    %dma_start3A_3 = arith.constant 0 : i32
    %dma_start3A_4 = arith.constant 0 : i32
    %dma_start3A_5 = tpu.memref_slice %arg3[%dma_start3A_3, %dma_start3A_4] : memref<20000x128xi32, #tpu.memory_space<hbm>> -> memref<20000x128xi32, #tpu.memory_space<hbm>>
    %dma_start3A_6 = tpu.memref_slice %arg13[%dma_start3A] : memref<4x!tpu.dma_semaphore, #tpu.memory_space<semaphore_mem>> -> memref<1x!tpu.dma_semaphore, #tpu.memory_space<semaphore_mem>>
    %dma_start3A_7 = tpu.memref_squeeze %dma_start3A_6 : memref<1x!tpu.dma_semaphore, #tpu.memory_space<semaphore_mem>> -> memref<!tpu.dma_semaphore, #tpu.memory_space<semaphore_mem>>
    tpu.enqueue_indirect_dma source(%dma_start3A_5 : memref<20000x128xi32, #tpu.memory_space<hbm>>) target(%arg7 : memref<32x128xi32, #tpu.memory_space<vmem>>) offsets(%arg6 : memref<32xi32, #tpu.memory_space<vmem>>) semaphore(%dma_start3A_7 : memref<!tpu.dma_semaphore, #tpu.memory_space<semaphore_mem>>)
    %dma_wait3A = arith.constant 0 : i32
    %dma_wait3A_8 = arith.constant 0 : i32
    %dma_wait3A_9 = arith.constant 0 : i32
    %dma_wait3A_10 = tpu.memref_slice %arg3[%dma_wait3A_8, %dma_wait3A_9] : memref<20000x128xi32, #tpu.memory_space<hbm>> -> memref<20000x128xi32, #tpu.memory_space<hbm>>
    %dma_wait3A_11 = tpu.memref_slice %arg13[%dma_wait3A] : memref<4x!tpu.dma_semaphore, #tpu.memory_space<semaphore_mem>> -> memref<1x!tpu.dma_semaphore, #tpu.memory_space<semaphore_mem>>
    %dma_wait3A_12 = tpu.memref_squeeze %dma_wait3A_11 : memref<1x!tpu.dma_semaphore, #tpu.memory_space<semaphore_mem>> -> memref<!tpu.dma_semaphore, #tpu.memory_space<semaphore_mem>>
    tpu.wait_indirect_dma semaphore(%dma_wait3A_12 : memref<!tpu.dma_semaphore, #tpu.memory_space<semaphore_mem>>) src(%dma_wait3A_10 : memref<20000x128xi32, #tpu.memory_space<hbm>>) dst(%arg7 : memref<32x128xi32, #tpu.memory_space<vmem>>)
    %iota3A = tpu.iota {dimensions = array<i32: 0>} : vector<16xi32>
    %scan3A = arith.constant 0 : i32
    %scan3A_13 = arith.constant 0 : i32
    %scan3A_14 = arith.constant 100 : i32
    %scan3A_15 = arith.addi %scan3A_13, %scan3A_14 : i32
    %scan3A_16 = arith.constant 1 : i32
    scf.for %scan3A_144 = %scan3A_13 to %scan3A_15 step %scan3A_16  : i32 {
      %add3A_145 = arith.constant 0 : i32
      %add3A_146 = vector.broadcast %add3A_145 : i32 to vector<16xi32>
      %add3A_147 = arith.addi %iota3A, %add3A_146 : vector<16xi32>
      %mul3A_148 = arith.constant 0 : i32
      %mul3A_149 = vector.broadcast %mul3A_148 : i32 to vector<16xi32>
      %mul3A_150 = arith.muli %iota3A, %mul3A_149 : vector<16xi32>
      %add3A_151 = vector.broadcast %scan3A_144 : i32 to vector<16xi32>
      %add3A_152 = arith.addi %mul3A_150, %add3A_151 : vector<16xi32>
      %gather3A = tpu.vector_load_idx %arg7[%add3A_147, %add3A_152] : memref<32x128xi32, #tpu.memory_space<vmem>>[vector<16xi32>, vector<16xi32>], vector<16xi32>,
      %mul3A_153 = arith.constant 32 : i32
      %mul3A_154 = arith.muli %scan3A_144, %mul3A_153 : i32
      %add3A_155 = arith.constant 0 : i32
      %add3A_156 = arith.addi %mul3A_154, %add3A_155 : i32
      %swap3A = arith.index_cast %add3A_156 : i32 to index
      %swap3A_157 = tpu.vector_load %arg8[%swap3A] {strides = array<i32>} : memref<3200xi32, #tpu.memory_space<vmem>>, vector<16xi32>,
      tpu.vector_store %arg8[%swap3A], %gather3A {strides = array<i32>} : memref<3200xi32, #tpu.memory_space<vmem>>, vector<16xi32>,
      %add3A_158 = arith.constant 16 : i32
      %add3A_159 = vector.broadcast %add3A_158 : i32 to vector<16xi32>
      %add3A_160 = arith.addi %iota3A, %add3A_159 : vector<16xi32>
      %mul3A_161 = arith.constant 0 : i32
      %mul3A_162 = vector.broadcast %mul3A_161 : i32 to vector<16xi32>
      %mul3A_163 = arith.muli %iota3A, %mul3A_162 : vector<16xi32>
      %add3A_164 = vector.broadcast %scan3A_144 : i32 to vector<16xi32>
      %add3A_165 = arith.addi %mul3A_163, %add3A_164 : vector<16xi32>
      %gather3A_166 = tpu.vector_load_idx %arg7[%add3A_160, %add3A_165] : memref<32x128xi32, #tpu.memory_space<vmem>>[vector<16xi32>, vector<16xi32>], vector<16xi32>,
      %mul3A_167 = arith.constant 32 : i32
      %mul3A_168 = arith.muli %scan3A_144, %mul3A_167 : i32
      %add3A_169 = arith.constant 16 : i32
      %add3A_170 = arith.addi %mul3A_168, %add3A_169 : i32
      %swap3A_171 = arith.index_cast %add3A_170 : i32 to index
      %swap3A_172 = tpu.vector_load %arg8[%swap3A_171] {strides = array<i32>} : memref<3200xi32, #tpu.memory_space<vmem>>, vector<16xi32>,
      tpu.vector_store %arg8[%swap3A_171], %gather3A_166 {strides = array<i32>} : memref<3200xi32, #tpu.memory_space<vmem>>, vector<16xi32>,
    }
    %scan3A_17 = arith.constant 100 : i32
    %dma_start3A_18 = arith.constant 0 : i32
    %dma_start3A_19 = arith.constant 0 : i32
    %dma_start3A_20 = tpu.memref_slice %arg8[%dma_start3A_19] : memref<3200xi32, #tpu.memory_space<vmem>> -> memref<128xi32, #tpu.memory_space<vmem>>
    %dma_start3A_21 = arith.constant 0 : i32
    %dma_start3A_22 = arith.constant 0 : i32
    %dma_start3A_23 = tpu.memref_slice %arg4[%dma_start3A_21, %dma_start3A_22] : memref<100000x128xf32, #tpu.memory_space<hbm>> -> memref<100000x128xf32, #tpu.memory_space<hbm>>
    %dma_start3A_24 = tpu.memref_slice %arg13[%dma_start3A_18] : memref<4x!tpu.dma_semaphore, #tpu.memory_space<semaphore_mem>> -> memref<1x!tpu.dma_semaphore, #tpu.memory_space<semaphore_mem>>
    %dma_start3A_25 = tpu.memref_squeeze %dma_start3A_24 : memref<1x!tpu.dma_semaphore, #tpu.memory_space<semaphore_mem>> -> memref<!tpu.dma_semaphore, #tpu.memory_space<semaphore_mem>>
    tpu.enqueue_indirect_dma source(%dma_start3A_23 : memref<100000x128xf32, #tpu.memory_space<hbm>>) target(%arg9 : memref<128x128xf32, #tpu.memory_space<vmem>>) offsets(%dma_start3A_20 : memref<128xi32, #tpu.memory_space<vmem>>) semaphore(%dma_start3A_25 : memref<!tpu.dma_semaphore, #tpu.memory_space<semaphore_mem>>)
    %dma_start3A_26 = arith.constant 1 : i32
    %dma_start3A_27 = arith.constant 128 : i32
    %dma_start3A_28 = tpu.memref_slice %arg8[%dma_start3A_27] : memref<3200xi32, #tpu.memory_space<vmem>> -> memref<128xi32, #tpu.memory_space<vmem>>
    %dma_start3A_29 = arith.constant 0 : i32
    %dma_start3A_30 = arith.constant 0 : i32
    %dma_start3A_31 = tpu.memref_slice %arg4[%dma_start3A_29, %dma_start3A_30] : memref<100000x128xf32, #tpu.memory_space<hbm>> -> memref<100000x128xf32, #tpu.memory_space<hbm>>
    %dma_start3A_32 = tpu.memref_slice %arg13[%dma_start3A_26] : memref<4x!tpu.dma_semaphore, #tpu.memory_space<semaphore_mem>> -> memref<1x!tpu.dma_semaphore, #tpu.memory_space<semaphore_mem>>
    %dma_start3A_33 = tpu.memref_squeeze %dma_start3A_32 : memref<1x!tpu.dma_semaphore, #tpu.memory_space<semaphore_mem>> -> memref<!tpu.dma_semaphore, #tpu.memory_space<semaphore_mem>>
    tpu.enqueue_indirect_dma source(%dma_start3A_31 : memref<100000x128xf32, #tpu.memory_space<hbm>>) target(%arg10 : memref<128x128xf32, #tpu.memory_space<vmem>>) offsets(%dma_start3A_28 : memref<128xi32, #tpu.memory_space<vmem>>) semaphore(%dma_start3A_33 : memref<!tpu.dma_semaphore, #tpu.memory_space<semaphore_mem>>)
    %scan3A_34 = arith.constant 0 : i32
    %scan3A_35 = arith.constant 0 : i32
    %scan3A_36 = arith.constant 6 : i32
    %scan3A_37 = arith.addi %scan3A_35, %scan3A_36 : i32
    %scan3A_38 = arith.constant 1 : i32
    scf.for %scan3A_144 = %scan3A_35 to %scan3A_37 step %scan3A_38  : i32 {
      %mul3A_145 = arith.constant 4 : i32
      %mul3A_146 = arith.muli %scan3A_144, %mul3A_145 : i32
      %add3A_147 = arith.constant 0 : i32
      %add3A_148 = arith.addi %mul3A_146, %add3A_147 : i32
      %mul3A_149 = arith.constant 4 : i32
      %mul3A_150 = arith.muli %add3A_148, %mul3A_149 : i32
      %mul3A_151 = arith.constant 32 : i32
      %mul3A_152 = arith.muli %mul3A_150, %mul3A_151 : i32
      %dma_wait3A_153 = arith.constant 0 : i32
      %dma_wait3A_154 = tpu.memref_slice %arg8[%mul3A_152] : memref<3200xi32, #tpu.memory_space<vmem>> -> memref<128xi32, #tpu.memory_space<vmem>>
      %dma_wait3A_155 = arith.constant 0 : i32
      %dma_wait3A_156 = arith.constant 0 : i32
      %dma_wait3A_157 = tpu.memref_slice %arg4[%dma_wait3A_155, %dma_wait3A_156] : memref<100000x128xf32, #tpu.memory_space<hbm>> -> memref<100000x128xf32, #tpu.memory_space<hbm>>
      %dma_wait3A_158 = tpu.memref_slice %arg13[%dma_wait3A_153] : memref<4x!tpu.dma_semaphore, #tpu.memory_space<semaphore_mem>> -> memref<1x!tpu.dma_semaphore, #tpu.memory_space<semaphore_mem>>
      %dma_wait3A_159 = tpu.memref_squeeze %dma_wait3A_158 : memref<1x!tpu.dma_semaphore, #tpu.memory_space<semaphore_mem>> -> memref<!tpu.dma_semaphore, #tpu.memory_space<semaphore_mem>>
      tpu.wait_indirect_dma semaphore(%dma_wait3A_159 : memref<!tpu.dma_semaphore, #tpu.memory_space<semaphore_mem>>) src(%dma_wait3A_157 : memref<100000x128xf32, #tpu.memory_space<hbm>>) dst(%arg9 : memref<128x128xf32, #tpu.memory_space<vmem>>)
      %mul3A_160 = arith.constant 4 : i32
      %mul3A_161 = arith.muli %add3A_148, %mul3A_160 : i32
      %add3A_162 = arith.constant 0 : i32
      %add3A_163 = arith.addi %mul3A_161, %add3A_162 : i32
      %mul3A_164 = arith.constant 1024 : i32
      %mul3A_165 = arith.muli %add3A_163, %mul3A_164 : i32
      %add3A_166 = arith.addi %mul3A_165, %mul3A_2 : i32
      %dma_start3A_167 = arith.constant 0 : i32
      %dma_start3A_168 = arith.constant 0 : i32
      %dma_start3A_169 = arith.constant 0 : i32
      %dma_start3A_170 = tpu.memref_slice %arg9[%dma_start3A_168, %dma_start3A_169] : memref<128x128xf32, #tpu.memory_space<vmem>> -> memref<32x128xf32, #tpu.memory_space<vmem>>
      %dma_start3A_171 = arith.constant 0 : i32
      %dma_start3A_172 = tpu.memref_slice %arg5[%add3A_166, %dma_start3A_171] : memref<102400x128xf32, #tpu.memory_space<hbm>> -> memref<32x128xf32, #tpu.memory_space<hbm>>
      %dma_start3A_173 = tpu.memref_slice %arg14[%dma_start3A_167] : memref<4x!tpu.dma_semaphore, #tpu.memory_space<semaphore_mem>> -> memref<1x!tpu.dma_semaphore, #tpu.memory_space<semaphore_mem>>
      %dma_start3A_174 = tpu.memref_squeeze %dma_start3A_173 : memref<1x!tpu.dma_semaphore, #tpu.memory_space<semaphore_mem>> -> memref<!tpu.dma_semaphore, #tpu.memory_space<semaphore_mem>>
      %dma_start3A_175 = arith.constant 0 : i32
      %dma_start3A_176 = tpu.memref_slice %arg5[%add3A_166, %dma_start3A_175] : memref<102400x128xf32, #tpu.memory_space<hbm>> -> memref<32x128xf32, #tpu.memory_space<hbm>>
      %dma_start3A_177 = arith.constant 0 : i32
      %dma_start3A_178 = arith.constant 0 : i32
      %dma_start3A_179 = tpu.memref_slice %arg9[%dma_start3A_177, %dma_start3A_178] : memref<128x128xf32, #tpu.memory_space<vmem>> -> memref<32x128xf32, #tpu.memory_space<vmem>>
      tpu.enqueue_dma source(%dma_start3A_179 : memref<32x128xf32, #tpu.memory_space<vmem>>) target(%dma_start3A_176 : memref<32x128xf32, #tpu.memory_space<hbm>>) target_semaphore(%dma_start3A_174 : memref<!tpu.dma_semaphore, #tpu.memory_space<semaphore_mem>>)
      %mul3A_180 = arith.constant 4 : i32
      %mul3A_181 = arith.muli %add3A_148, %mul3A_180 : i32
      %add3A_182 = arith.constant 1 : i32
      %add3A_183 = arith.addi %mul3A_181, %add3A_182 : i32
      %mul3A_184 = arith.constant 1024 : i32
      %mul3A_185 = arith.muli %add3A_183, %mul3A_184 : i32
      %add3A_186 = arith.addi %mul3A_185, %mul3A_2 : i32
      %dma_start3A_187 = arith.constant 0 : i32
      %dma_start3A_188 = arith.constant 32 : i32
      %dma_start3A_189 = arith.constant 0 : i32
      %dma_start3A_190 = tpu.memref_slice %arg9[%dma_start3A_188, %dma_start3A_189] : memref<128x128xf32, #tpu.memory_space<vmem>> -> memref<32x128xf32, #tpu.memory_space<vmem>>
      %dma_start3A_191 = arith.constant 0 : i32
      %dma_start3A_192 = tpu.memref_slice %arg5[%add3A_186, %dma_start3A_191] : memref<102400x128xf32, #tpu.memory_space<hbm>> -> memref<32x128xf32, #tpu.memory_space<hbm>>
      %dma_start3A_193 = tpu.memref_slice %arg14[%dma_start3A_187] : memref<4x!tpu.dma_semaphore, #tpu.memory_space<semaphore_mem>> -> memref<1x!tpu.dma_semaphore, #tpu.memory_space<semaphore_mem>>
      %dma_start3A_194 = tpu.memref_squeeze %dma_start3A_193 : memref<1x!tpu.dma_semaphore, #tpu.memory_space<semaphore_mem>> -> memref<!tpu.dma_semaphore, #tpu.memory_space<semaphore_mem>>
      %dma_start3A_195 = arith.constant 0 : i32
      %dma_start3A_196 = tpu.memref_slice %arg5[%add3A_186, %dma_start3A_195] : memref<102400x128xf32, #tpu.memory_space<hbm>> -> memref<32x128xf32, #tpu.memory_space<hbm>>
      %dma_start3A_197 = arith.constant 32 : i32
      %dma_start3A_198 = arith.constant 0 : i32
      %dma_start3A_199 = tpu.memref_slice %arg9[%dma_start3A_197, %dma_start3A_198] : memref<128x128xf32, #tpu.memory_space<vmem>> -> memref<32x128xf32, #tpu.memory_space<vmem>>
      tpu.enqueue_dma source(%dma_start3A_199 : memref<32x128xf32, #tpu.memory_space<vmem>>) target(%dma_start3A_196 : memref<32x128xf32, #tpu.memory_space<hbm>>) target_semaphore(%dma_start3A_194 : memref<!tpu.dma_semaphore, #tpu.memory_space<semaphore_mem>>)
      %mul3A_200 = arith.constant 4 : i32
      %mul3A_201 = arith.muli %add3A_148, %mul3A_200 : i32
      %add3A_202 = arith.constant 2 : i32
      %add3A_203 = arith.addi %mul3A_201, %add3A_202 : i32
      %mul3A_204 = arith.constant 1024 : i32
      %mul3A_205 = arith.muli %add3A_203, %mul3A_204 : i32
      %add3A_206 = arith.addi %mul3A_205, %mul3A_2 : i32
      %dma_start3A_207 = arith.constant 0 : i32
      %dma_start3A_208 = arith.constant 64 : i32
      %dma_start3A_209 = arith.constant 0 : i32
      %dma_start3A_210 = tpu.memref_slice %arg9[%dma_start3A_208, %dma_start3A_209] : memref<128x128xf32, #tpu.memory_space<vmem>> -> memref<32x128xf32, #tpu.memory_space<vmem>>
      %dma_start3A_211 = arith.constant 0 : i32
      %dma_start3A_212 = tpu.memref_slice %arg5[%add3A_206, %dma_start3A_211] : memref<102400x128xf32, #tpu.memory_space<hbm>> -> memref<32x128xf32, #tpu.memory_space<hbm>>
      %dma_start3A_213 = tpu.memref_slice %arg14[%dma_start3A_207] : memref<4x!tpu.dma_semaphore, #tpu.memory_space<semaphore_mem>> -> memref<1x!tpu.dma_semaphore, #tpu.memory_space<semaphore_mem>>
      %dma_start3A_214 = tpu.memref_squeeze %dma_start3A_213 : memref<1x!tpu.dma_semaphore, #tpu.memory_space<semaphore_mem>> -> memref<!tpu.dma_semaphore, #tpu.memory_space<semaphore_mem>>
      %dma_start3A_215 = arith.constant 0 : i32
      %dma_start3A_216 = tpu.memref_slice %arg5[%add3A_206, %dma_start3A_215] : memref<102400x128xf32, #tpu.memory_space<hbm>> -> memref<32x128xf32, #tpu.memory_space<hbm>>
      %dma_start3A_217 = arith.constant 64 : i32
      %dma_start3A_218 = arith.constant 0 : i32
      %dma_start3A_219 = tpu.memref_slice %arg9[%dma_start3A_217, %dma_start3A_218] : memref<128x128xf32, #tpu.memory_space<vmem>> -> memref<32x128xf32, #tpu.memory_space<vmem>>
      tpu.enqueue_dma source(%dma_start3A_219 : memref<32x128xf32, #tpu.memory_space<vmem>>) target(%dma_start3A_216 : memref<32x128xf32, #tpu.memory_space<hbm>>) target_semaphore(%dma_start3A_214 : memref<!tpu.dma_semaphore, #tpu.memory_space<semaphore_mem>>)
      %mul3A_220 = arith.constant 4 : i32
      %mul3A_221 = arith.muli %add3A_148, %mul3A_220 : i32
      %add3A_222 = arith.constant 3 : i32
      %add3A_223 = arith.addi %mul3A_221, %add3A_222 : i32
      %mul3A_224 = arith.constant 1024 : i32
      %mul3A_225 = arith.muli %add3A_223, %mul3A_224 : i32
      %add3A_226 = arith.addi %mul3A_225, %mul3A_2 : i32
      %dma_start3A_227 = arith.constant 0 : i32
      %dma_start3A_228 = arith.constant 96 : i32
      %dma_start3A_229 = arith.constant 0 : i32
      %dma_start3A_230 = tpu.memref_slice %arg9[%dma_start3A_228, %dma_start3A_229] : memref<128x128xf32, #tpu.memory_space<vmem>> -> memref<32x128xf32, #tpu.memory_space<vmem>>
      %dma_start3A_231 = arith.constant 0 : i32
      %dma_start3A_232 = tpu.memref_slice %arg5[%add3A_226, %dma_start3A_231] : memref<102400x128xf32, #tpu.memory_space<hbm>> -> memref<32x128xf32, #tpu.memory_space<hbm>>
      %dma_start3A_233 = tpu.memref_slice %arg14[%dma_start3A_227] : memref<4x!tpu.dma_semaphore, #tpu.memory_space<semaphore_mem>> -> memref<1x!tpu.dma_semaphore, #tpu.memory_space<semaphore_mem>>
      %dma_start3A_234 = tpu.memref_squeeze %dma_start3A_233 : memref<1x!tpu.dma_semaphore, #tpu.memory_space<semaphore_mem>> -> memref<!tpu.dma_semaphore, #tpu.memory_space<semaphore_mem>>
      %dma_start3A_235 = arith.constant 0 : i32
      %dma_start3A_236 = tpu.memref_slice %arg5[%add3A_226, %dma_start3A_235] : memref<102400x128xf32, #tpu.memory_space<hbm>> -> memref<32x128xf32, #tpu.memory_space<hbm>>
      %dma_start3A_237 = arith.constant 96 : i32
      %dma_start3A_238 = arith.constant 0 : i32
      %dma_start3A_239 = tpu.memref_slice %arg9[%dma_start3A_237, %dma_start3A_238] : memref<128x128xf32, #tpu.memory_space<vmem>> -> memref<32x128xf32, #tpu.memory_space<vmem>>
      tpu.enqueue_dma source(%dma_start3A_239 : memref<32x128xf32, #tpu.memory_space<vmem>>) target(%dma_start3A_236 : memref<32x128xf32, #tpu.memory_space<hbm>>) target_semaphore(%dma_start3A_234 : memref<!tpu.dma_semaphore, #tpu.memory_space<semaphore_mem>>)
      %add3A_240 = arith.constant 2 : i32
      %add3A_241 = arith.addi %add3A_148, %add3A_240 : i32
      %lt3A = arith.constant 25 : i32
      %lt3A_242 = arith.cmpi slt, %add3A_241, %lt3A : i32
      %convert_element_type3A = arith.extui %lt3A_242 : i1 to i32
      %cond3A = arith.constant 0 : i32
      %cond3A_243 = arith.cmpi ne, %convert_element_type3A, %cond3A : i32
      scf.if %cond3A_243 {
        %ge3A = arith.constant 2 : i32
        %ge3A_550 = arith.cmpi sge, %add3A_148, %ge3A : i32
        %convert_element_type3A_551 = arith.extui %ge3A_550 : i1 to i32
        %cond3A_552 = arith.constant 0 : i32
        %cond3A_553 = arith.cmpi ne, %convert_element_type3A_551, %cond3A_552 : i32
        scf.if %cond3A_553 {
          %dma_wait3A_565 = arith.constant 2 : i32
          %dma_wait3A_566 = arith.constant 0 : i32
          %dma_wait3A_567 = arith.constant 0 : i32
          %dma_wait3A_568 = tpu.memref_slice %arg5[%dma_wait3A_566, %dma_wait3A_567] : memref<102400x128xf32, #tpu.memory_space<hbm>> -> memref<128x128xf32, #tpu.memory_space<hbm>>
          %dma_wait3A_569 = tpu.memref_slice %arg14[%dma_wait3A_565] : memref<4x!tpu.dma_semaphore, #tpu.memory_space<semaphore_mem>> -> memref<1x!tpu.dma_semaphore, #tpu.memory_space<semaphore_mem>>
          %dma_wait3A_570 = tpu.memref_squeeze %dma_wait3A_569 : memref<1x!tpu.dma_semaphore, #tpu.memory_space<semaphore_mem>> -> memref<!tpu.dma_semaphore, #tpu.memory_space<semaphore_mem>>
          %dma_wait3A_571 = arith.constant 0 : i32
          %dma_wait3A_572 = arith.constant 0 : i32
          %dma_wait3A_573 = tpu.memref_slice %arg5[%dma_wait3A_571, %dma_wait3A_572] : memref<102400x128xf32, #tpu.memory_space<hbm>> -> memref<128x128xf32, #tpu.memory_space<hbm>>
          tpu.wait_dma2 semaphore(%dma_wait3A_570 : memref<!tpu.dma_semaphore, #tpu.memory_space<semaphore_mem>>) src(%arg11 : memref<128x128xf32, #tpu.memory_space<vmem>>) dst(%dma_wait3A_573 : memref<128x128xf32, #tpu.memory_space<hbm>>)
        } else {
        }
        %mul3A_554 = arith.constant 4 : i32
        %mul3A_555 = arith.muli %add3A_241, %mul3A_554 : i32
        %mul3A_556 = arith.constant 32 : i32
        %mul3A_557 = arith.muli %mul3A_555, %mul3A_556 : i32
        %dma_start3A_558 = arith.constant 2 : i32
        %dma_start3A_559 = tpu.memref_slice %arg8[%mul3A_557] : memref<3200xi32, #tpu.memory_space<vmem>> -> memref<128xi32, #tpu.memory_space<vmem>>
        %dma_start3A_560 = arith.constant 0 : i32
        %dma_start3A_561 = arith.constant 0 : i32
        %dma_start3A_562 = tpu.memref_slice %arg4[%dma_start3A_560, %dma_start3A_561] : memref<100000x128xf32, #tpu.memory_space<hbm>> -> memref<100000x128xf32, #tpu.memory_space<hbm>>
        %dma_start3A_563 = tpu.memref_slice %arg13[%dma_start3A_558] : memref<4x!tpu.dma_semaphore, #tpu.memory_space<semaphore_mem>> -> memref<1x!tpu.dma_semaphore, #tpu.memory_space<semaphore_mem>>
        %dma_start3A_564 = tpu.memref_squeeze %dma_start3A_563 : memref<1x!tpu.dma_semaphore, #tpu.memory_space<semaphore_mem>> -> memref<!tpu.dma_semaphore, #tpu.memory_space<semaphore_mem>>
        tpu.enqueue_indirect_dma source(%dma_start3A_562 : memref<100000x128xf32, #tpu.memory_space<hbm>>) target(%arg11 : memref<128x128xf32, #tpu.memory_space<vmem>>) offsets(%dma_start3A_559 : memref<128xi32, #tpu.memory_space<vmem>>) semaphore(%dma_start3A_564 : memref<!tpu.dma_semaphore, #tpu.memory_space<semaphore_mem>>)
      } else {
      }
      %mul3A_244 = arith.constant 4 : i32
      %mul3A_245 = arith.muli %scan3A_144, %mul3A_244 : i32
      %add3A_246 = arith.constant 1 : i32
      %add3A_247 = arith.addi %mul3A_245, %add3A_246 : i32
      %mul3A_248 = arith.constant 4 : i32
      %mul3A_249 = arith.muli %add3A_247, %mul3A_248 : i32
      %mul3A_250 = arith.constant 32 : i32
      %mul3A_251 = arith.muli %mul3A_249, %mul3A_250 : i32
      %dma_wait3A_252 = arith.constant 1 : i32
      %dma_wait3A_253 = tpu.memref_slice %arg8[%mul3A_251] : memref<3200xi32, #tpu.memory_space<vmem>> -> memref<128xi32, #tpu.memory_space<vmem>>
      %dma_wait3A_254 = arith.constant 0 : i32
      %dma_wait3A_255 = arith.constant 0 : i32
      %dma_wait3A_256 = tpu.memref_slice %arg4[%dma_wait3A_254, %dma_wait3A_255] : memref<100000x128xf32, #tpu.memory_space<hbm>> -> memref<100000x128xf32, #tpu.memory_space<hbm>>
      %dma_wait3A_257 = tpu.memref_slice %arg13[%dma_wait3A_252] : memref<4x!tpu.dma_semaphore, #tpu.memory_space<semaphore_mem>> -> memref<1x!tpu.dma_semaphore, #tpu.memory_space<semaphore_mem>>
      %dma_wait3A_258 = tpu.memref_squeeze %dma_wait3A_257 : memref<1x!tpu.dma_semaphore, #tpu.memory_space<semaphore_mem>> -> memref<!tpu.dma_semaphore, #tpu.memory_space<semaphore_mem>>
      tpu.wait_indirect_dma semaphore(%dma_wait3A_258 : memref<!tpu.dma_semaphore, #tpu.memory_space<semaphore_mem>>) src(%dma_wait3A_256 : memref<100000x128xf32, #tpu.memory_space<hbm>>) dst(%arg10 : memref<128x128xf32, #tpu.memory_space<vmem>>)
      %mul3A_259 = arith.constant 4 : i32
      %mul3A_260 = arith.muli %add3A_247, %mul3A_259 : i32
      %add3A_261 = arith.constant 0 : i32
      %add3A_262 = arith.addi %mul3A_260, %add3A_261 : i32
      %mul3A_263 = arith.constant 1024 : i32
      %mul3A_264 = arith.muli %add3A_262, %mul3A_263 : i32
      %add3A_265 = arith.addi %mul3A_264, %mul3A_2 : i32
      %dma_start3A_266 = arith.constant 1 : i32
      %dma_start3A_267 = arith.constant 0 : i32
      %dma_start3A_268 = arith.constant 0 : i32
      %dma_start3A_269 = tpu.memref_slice %arg10[%dma_start3A_267, %dma_start3A_268] : memref<128x128xf32, #tpu.memory_space<vmem>> -> memref<32x128xf32, #tpu.memory_space<vmem>>
      %dma_start3A_270 = arith.constant 0 : i32
      %dma_start3A_271 = tpu.memref_slice %arg5[%add3A_265, %dma_start3A_270] : memref<102400x128xf32, #tpu.memory_space<hbm>> -> memref<32x128xf32, #tpu.memory_space<hbm>>
      %dma_start3A_272 = tpu.memref_slice %arg14[%dma_start3A_266] : memref<4x!tpu.dma_semaphore, #tpu.memory_space<semaphore_mem>> -> memref<1x!tpu.dma_semaphore, #tpu.memory_space<semaphore_mem>>
      %dma_start3A_273 = tpu.memref_squeeze %dma_start3A_272 : memref<1x!tpu.dma_semaphore, #tpu.memory_space<semaphore_mem>> -> memref<!tpu.dma_semaphore, #tpu.memory_space<semaphore_mem>>
      %dma_start3A_274 = arith.constant 0 : i32
      %dma_start3A_275 = tpu.memref_slice %arg5[%add3A_265, %dma_start3A_274] : memref<102400x128xf32, #tpu.memory_space<hbm>> -> memref<32x128xf32, #tpu.memory_space<hbm>>
      %dma_start3A_276 = arith.constant 0 : i32
      %dma_start3A_277 = arith.constant 0 : i32
      %dma_start3A_278 = tpu.memref_slice %arg10[%dma_start3A_276, %dma_start3A_277] : memref<128x128xf32, #tpu.memory_space<vmem>> -> memref<32x128xf32, #tpu.memory_space<vmem>>
      tpu.enqueue_dma source(%dma_start3A_278 : memref<32x128xf32, #tpu.memory_space<vmem>>) target(%dma_start3A_275 : memref<32x128xf32, #tpu.memory_space<hbm>>) target_semaphore(%dma_start3A_273 : memref<!tpu.dma_semaphore, #tpu.memory_space<semaphore_mem>>)
      %mul3A_279 = arith.constant 4 : i32
      %mul3A_280 = arith.muli %add3A_247, %mul3A_279 : i32
      %add3A_281 = arith.constant 1 : i32
      %add3A_282 = arith.addi %mul3A_280, %add3A_281 : i32
      %mul3A_283 = arith.constant 1024 : i32
      %mul3A_284 = arith.muli %add3A_282, %mul3A_283 : i32
      %add3A_285 = arith.addi %mul3A_284, %mul3A_2 : i32
      %dma_start3A_286 = arith.constant 1 : i32
      %dma_start3A_287 = arith.constant 32 : i32
      %dma_start3A_288 = arith.constant 0 : i32
      %dma_start3A_289 = tpu.memref_slice %arg10[%dma_start3A_287, %dma_start3A_288] : memref<128x128xf32, #tpu.memory_space<vmem>> -> memref<32x128xf32, #tpu.memory_space<vmem>>
      %dma_start3A_290 = arith.constant 0 : i32
      %dma_start3A_291 = tpu.memref_slice %arg5[%add3A_285, %dma_start3A_290] : memref<102400x128xf32, #tpu.memory_space<hbm>> -> memref<32x128xf32, #tpu.memory_space<hbm>>
      %dma_start3A_292 = tpu.memref_slice %arg14[%dma_start3A_286] : memref<4x!tpu.dma_semaphore, #tpu.memory_space<semaphore_mem>> -> memref<1x!tpu.dma_semaphore, #tpu.memory_space<semaphore_mem>>
      %dma_start3A_293 = tpu.memref_squeeze %dma_start3A_292 : memref<1x!tpu.dma_semaphore, #tpu.memory_space<semaphore_mem>> -> memref<!tpu.dma_semaphore, #tpu.memory_space<semaphore_mem>>
      %dma_start3A_294 = arith.constant 0 : i32
      %dma_start3A_295 = tpu.memref_slice %arg5[%add3A_285, %dma_start3A_294] : memref<102400x128xf32, #tpu.memory_space<hbm>> -> memref<32x128xf32, #tpu.memory_space<hbm>>
      %dma_start3A_296 = arith.constant 32 : i32
      %dma_start3A_297 = arith.constant 0 : i32
      %dma_start3A_298 = tpu.memref_slice %arg10[%dma_start3A_296, %dma_start3A_297] : memref<128x128xf32, #tpu.memory_space<vmem>> -> memref<32x128xf32, #tpu.memory_space<vmem>>
      tpu.enqueue_dma source(%dma_start3A_298 : memref<32x128xf32, #tpu.memory_space<vmem>>) target(%dma_start3A_295 : memref<32x128xf32, #tpu.memory_space<hbm>>) target_semaphore(%dma_start3A_293 : memref<!tpu.dma_semaphore, #tpu.memory_space<semaphore_mem>>)
      %mul3A_299 = arith.constant 4 : i32
      %mul3A_300 = arith.muli %add3A_247, %mul3A_299 : i32
      %add3A_301 = arith.constant 2 : i32
      %add3A_302 = arith.addi %mul3A_300, %add3A_301 : i32
      %mul3A_303 = arith.constant 1024 : i32
      %mul3A_304 = arith.muli %add3A_302, %mul3A_303 : i32
      %add3A_305 = arith.addi %mul3A_304, %mul3A_2 : i32
      %dma_start3A_306 = arith.constant 1 : i32
      %dma_start3A_307 = arith.constant 64 : i32
      %dma_start3A_308 = arith.constant 0 : i32
      %dma_start3A_309 = tpu.memref_slice %arg10[%dma_start3A_307, %dma_start3A_308] : memref<128x128xf32, #tpu.memory_space<vmem>> -> memref<32x128xf32, #tpu.memory_space<vmem>>
      %dma_start3A_310 = arith.constant 0 : i32
      %dma_start3A_311 = tpu.memref_slice %arg5[%add3A_305, %dma_start3A_310] : memref<102400x128xf32, #tpu.memory_space<hbm>> -> memref<32x128xf32, #tpu.memory_space<hbm>>
      %dma_start3A_312 = tpu.memref_slice %arg14[%dma_start3A_306] : memref<4x!tpu.dma_semaphore, #tpu.memory_space<semaphore_mem>> -> memref<1x!tpu.dma_semaphore, #tpu.memory_space<semaphore_mem>>
      %dma_start3A_313 = tpu.memref_squeeze %dma_start3A_312 : memref<1x!tpu.dma_semaphore, #tpu.memory_space<semaphore_mem>> -> memref<!tpu.dma_semaphore, #tpu.memory_space<semaphore_mem>>
      %dma_start3A_314 = arith.constant 0 : i32
      %dma_start3A_315 = tpu.memref_slice %arg5[%add3A_305, %dma_start3A_314] : memref<102400x128xf32, #tpu.memory_space<hbm>> -> memref<32x128xf32, #tpu.memory_space<hbm>>
      %dma_start3A_316 = arith.constant 64 : i32
      %dma_start3A_317 = arith.constant 0 : i32
      %dma_start3A_318 = tpu.memref_slice %arg10[%dma_start3A_316, %dma_start3A_317] : memref<128x128xf32, #tpu.memory_space<vmem>> -> memref<32x128xf32, #tpu.memory_space<vmem>>
      tpu.enqueue_dma source(%dma_start3A_318 : memref<32x128xf32, #tpu.memory_space<vmem>>) target(%dma_start3A_315 : memref<32x128xf32, #tpu.memory_space<hbm>>) target_semaphore(%dma_start3A_313 : memref<!tpu.dma_semaphore, #tpu.memory_space<semaphore_mem>>)
      %mul3A_319 = arith.constant 4 : i32
      %mul3A_320 = arith.muli %add3A_247, %mul3A_319 : i32
      %add3A_321 = arith.constant 3 : i32
      %add3A_322 = arith.addi %mul3A_320, %add3A_321 : i32
      %mul3A_323 = arith.constant 1024 : i32
      %mul3A_324 = arith.muli %add3A_322, %mul3A_323 : i32
      %add3A_325 = arith.addi %mul3A_324, %mul3A_2 : i32
      %dma_start3A_326 = arith.constant 1 : i32
      %dma_start3A_327 = arith.constant 96 : i32
      %dma_start3A_328 = arith.constant 0 : i32
      %dma_start3A_329 = tpu.memref_slice %arg10[%dma_start3A_327, %dma_start3A_328] : memref<128x128xf32, #tpu.memory_space<vmem>> -> memref<32x128xf32, #tpu.memory_space<vmem>>
      %dma_start3A_330 = arith.constant 0 : i32
      %dma_start3A_331 = tpu.memref_slice %arg5[%add3A_325, %dma_start3A_330] : memref<102400x128xf32, #tpu.memory_space<hbm>> -> memref<32x128xf32, #tpu.memory_space<hbm>>
      %dma_start3A_332 = tpu.memref_slice %arg14[%dma_start3A_326] : memref<4x!tpu.dma_semaphore, #tpu.memory_space<semaphore_mem>> -> memref<1x!tpu.dma_semaphore, #tpu.memory_space<semaphore_mem>>
      %dma_start3A_333 = tpu.memref_squeeze %dma_start3A_332 : memref<1x!tpu.dma_semaphore, #tpu.memory_space<semaphore_mem>> -> memref<!tpu.dma_semaphore, #tpu.memory_space<semaphore_mem>>
      %dma_start3A_334 = arith.constant 0 : i32
      %dma_start3A_335 = tpu.memref_slice %arg5[%add3A_325, %dma_start3A_334] : memref<102400x128xf32, #tpu.memory_space<hbm>> -> memref<32x128xf32, #tpu.memory_space<hbm>>
      %dma_start3A_336 = arith.constant 96 : i32
      %dma_start3A_337 = arith.constant 0 : i32
      %dma_start3A_338 = tpu.memref_slice %arg10[%dma_start3A_336, %dma_start3A_337] : memref<128x128xf32, #tpu.memory_space<vmem>> -> memref<32x128xf32, #tpu.memory_space<vmem>>
      tpu.enqueue_dma source(%dma_start3A_338 : memref<32x128xf32, #tpu.memory_space<vmem>>) target(%dma_start3A_335 : memref<32x128xf32, #tpu.memory_space<hbm>>) target_semaphore(%dma_start3A_333 : memref<!tpu.dma_semaphore, #tpu.memory_space<semaphore_mem>>)
      %add3A_339 = arith.constant 2 : i32
      %add3A_340 = arith.addi %add3A_247, %add3A_339 : i32
      %lt3A_341 = arith.constant 25 : i32
      %lt3A_342 = arith.cmpi slt, %add3A_340, %lt3A_341 : i32
      %convert_element_type3A_343 = arith.extui %lt3A_342 : i1 to i32
      %cond3A_344 = arith.constant 0 : i32
      %cond3A_345 = arith.cmpi ne, %convert_element_type3A_343, %cond3A_344 : i32
      scf.if %cond3A_345 {
        %ge3A = arith.constant 2 : i32
        %ge3A_550 = arith.cmpi sge, %add3A_247, %ge3A : i32
        %convert_element_type3A_551 = arith.extui %ge3A_550 : i1 to i32
        %cond3A_552 = arith.constant 0 : i32
        %cond3A_553 = arith.cmpi ne, %convert_element_type3A_551, %cond3A_552 : i32
        scf.if %cond3A_553 {
          %dma_wait3A_565 = arith.constant 3 : i32
          %dma_wait3A_566 = arith.constant 0 : i32
          %dma_wait3A_567 = arith.constant 0 : i32
          %dma_wait3A_568 = tpu.memref_slice %arg5[%dma_wait3A_566, %dma_wait3A_567] : memref<102400x128xf32, #tpu.memory_space<hbm>> -> memref<128x128xf32, #tpu.memory_space<hbm>>
          %dma_wait3A_569 = tpu.memref_slice %arg14[%dma_wait3A_565] : memref<4x!tpu.dma_semaphore, #tpu.memory_space<semaphore_mem>> -> memref<1x!tpu.dma_semaphore, #tpu.memory_space<semaphore_mem>>
          %dma_wait3A_570 = tpu.memref_squeeze %dma_wait3A_569 : memref<1x!tpu.dma_semaphore, #tpu.memory_space<semaphore_mem>> -> memref<!tpu.dma_semaphore, #tpu.memory_space<semaphore_mem>>
          %dma_wait3A_571 = arith.constant 0 : i32
          %dma_wait3A_572 = arith.constant 0 : i32
          %dma_wait3A_573 = tpu.memref_slice %arg5[%dma_wait3A_571, %dma_wait3A_572] : memref<102400x128xf32, #tpu.memory_space<hbm>> -> memref<128x128xf32, #tpu.memory_space<hbm>>
          tpu.wait_dma2 semaphore(%dma_wait3A_570 : memref<!tpu.dma_semaphore, #tpu.memory_space<semaphore_mem>>) src(%arg12 : memref<128x128xf32, #tpu.memory_space<vmem>>) dst(%dma_wait3A_573 : memref<128x128xf32, #tpu.memory_space<hbm>>)
        } else {
        }
        %mul3A_554 = arith.constant 4 : i32
        %mul3A_555 = arith.muli %add3A_340, %mul3A_554 : i32
        %mul3A_556 = arith.constant 32 : i32
        %mul3A_557 = arith.muli %mul3A_555, %mul3A_556 : i32
        %dma_start3A_558 = arith.constant 3 : i32
        %dma_start3A_559 = tpu.memref_slice %arg8[%mul3A_557] : memref<3200xi32, #tpu.memory_space<vmem>> -> memref<128xi32, #tpu.memory_space<vmem>>
        %dma_start3A_560 = arith.constant 0 : i32
        %dma_start3A_561 = arith.constant 0 : i32
        %dma_start3A_562 = tpu.memref_slice %arg4[%dma_start3A_560, %dma_start3A_561] : memref<100000x128xf32, #tpu.memory_space<hbm>> -> memref<100000x128xf32, #tpu.memory_space<hbm>>
        %dma_start3A_563 = tpu.memref_slice %arg13[%dma_start3A_558] : memref<4x!tpu.dma_semaphore, #tpu.memory_space<semaphore_mem>> -> memref<1x!tpu.dma_semaphore, #tpu.memory_space<semaphore_mem>>
        %dma_start3A_564 = tpu.memref_squeeze %dma_start3A_563 : memref<1x!tpu.dma_semaphore, #tpu.memory_space<semaphore_mem>> -> memref<!tpu.dma_semaphore, #tpu.memory_space<semaphore_mem>>
        tpu.enqueue_indirect_dma source(%dma_start3A_562 : memref<100000x128xf32, #tpu.memory_space<hbm>>) target(%arg12 : memref<128x128xf32, #tpu.memory_space<vmem>>) offsets(%dma_start3A_559 : memref<128xi32, #tpu.memory_space<vmem>>) semaphore(%dma_start3A_564 : memref<!tpu.dma_semaphore, #tpu.memory_space<semaphore_mem>>)
      } else {
      }
      %mul3A_346 = arith.constant 4 : i32
      %mul3A_347 = arith.muli %scan3A_144, %mul3A_346 : i32
      %add3A_348 = arith.constant 2 : i32
      %add3A_349 = arith.addi %mul3A_347, %add3A_348 : i32
      %mul3A_350 = arith.constant 4 : i32
      %mul3A_351 = arith.muli %add3A_349, %mul3A_350 : i32
      %mul3A_352 = arith.constant 32 : i32
      %mul3A_353 = arith.muli %mul3A_351, %mul3A_352 : i32
      %dma_wait3A_354 = arith.constant 2 : i32
      %dma_wait3A_355 = tpu.memref_slice %arg8[%mul3A_353] : memref<3200xi32, #tpu.memory_space<vmem>> -> memref<128xi32, #tpu.memory_space<vmem>>
      %dma_wait3A_356 = arith.constant 0 : i32
      %dma_wait3A_357 = arith.constant 0 : i32
      %dma_wait3A_358 = tpu.memref_slice %arg4[%dma_wait3A_356, %dma_wait3A_357] : memref<100000x128xf32, #tpu.memory_space<hbm>> -> memref<100000x128xf32, #tpu.memory_space<hbm>>
      %dma_wait3A_359 = tpu.memref_slice %arg13[%dma_wait3A_354] : memref<4x!tpu.dma_semaphore, #tpu.memory_space<semaphore_mem>> -> memref<1x!tpu.dma_semaphore, #tpu.memory_space<semaphore_mem>>
      %dma_wait3A_360 = tpu.memref_squeeze %dma_wait3A_359 : memref<1x!tpu.dma_semaphore, #tpu.memory_space<semaphore_mem>> -> memref<!tpu.dma_semaphore, #tpu.memory_space<semaphore_mem>>
      tpu.wait_indirect_dma semaphore(%dma_wait3A_360 : memref<!tpu.dma_semaphore, #tpu.memory_space<semaphore_mem>>) src(%dma_wait3A_358 : memref<100000x128xf32, #tpu.memory_space<hbm>>) dst(%arg11 : memref<128x128xf32, #tpu.memory_space<vmem>>)
      %mul3A_361 = arith.constant 4 : i32
      %mul3A_362 = arith.muli %add3A_349, %mul3A_361 : i32
      %add3A_363 = arith.constant 0 : i32
      %add3A_364 = arith.addi %mul3A_362, %add3A_363 : i32
      %mul3A_365 = arith.constant 1024 : i32
      %mul3A_366 = arith.muli %add3A_364, %mul3A_365 : i32
      %add3A_367 = arith.addi %mul3A_366, %mul3A_2 : i32
      %dma_start3A_368 = arith.constant 2 : i32
      %dma_start3A_369 = arith.constant 0 : i32
      %dma_start3A_370 = arith.constant 0 : i32
      %dma_start3A_371 = tpu.memref_slice %arg11[%dma_start3A_369, %dma_start3A_370] : memref<128x128xf32, #tpu.memory_space<vmem>> -> memref<32x128xf32, #tpu.memory_space<vmem>>
      %dma_start3A_372 = arith.constant 0 : i32
      %dma_start3A_373 = tpu.memref_slice %arg5[%add3A_367, %dma_start3A_372] : memref<102400x128xf32, #tpu.memory_space<hbm>> -> memref<32x128xf32, #tpu.memory_space<hbm>>
      %dma_start3A_374 = tpu.memref_slice %arg14[%dma_start3A_368] : memref<4x!tpu.dma_semaphore, #tpu.memory_space<semaphore_mem>> -> memref<1x!tpu.dma_semaphore, #tpu.memory_space<semaphore_mem>>
      %dma_start3A_375 = tpu.memref_squeeze %dma_start3A_374 : memref<1x!tpu.dma_semaphore, #tpu.memory_space<semaphore_mem>> -> memref<!tpu.dma_semaphore, #tpu.memory_space<semaphore_mem>>
      %dma_start3A_376 = arith.constant 0 : i32
      %dma_start3A_377 = tpu.memref_slice %arg5[%add3A_367, %dma_start3A_376] : memref<102400x128xf32, #tpu.memory_space<hbm>> -> memref<32x128xf32, #tpu.memory_space<hbm>>
      %dma_start3A_378 = arith.constant 0 : i32
      %dma_start3A_379 = arith.constant 0 : i32
      %dma_start3A_380 = tpu.memref_slice %arg11[%dma_start3A_378, %dma_start3A_379] : memref<128x128xf32, #tpu.memory_space<vmem>> -> memref<32x128xf32, #tpu.memory_space<vmem>>
      tpu.enqueue_dma source(%dma_start3A_380 : memref<32x128xf32, #tpu.memory_space<vmem>>) target(%dma_start3A_377 : memref<32x128xf32, #tpu.memory_space<hbm>>) target_semaphore(%dma_start3A_375 : memref<!tpu.dma_semaphore, #tpu.memory_space<semaphore_mem>>)
      %mul3A_381 = arith.constant 4 : i32
      %mul3A_382 = arith.muli %add3A_349, %mul3A_381 : i32
      %add3A_383 = arith.constant 1 : i32
      %add3A_384 = arith.addi %mul3A_382, %add3A_383 : i32
      %mul3A_385 = arith.constant 1024 : i32
      %mul3A_386 = arith.muli %add3A_384, %mul3A_385 : i32
      %add3A_387 = arith.addi %mul3A_386, %mul3A_2 : i32
      %dma_start3A_388 = arith.constant 2 : i32
      %dma_start3A_389 = arith.constant 32 : i32
      %dma_start3A_390 = arith.constant 0 : i32
      %dma_start3A_391 = tpu.memref_slice %arg11[%dma_start3A_389, %dma_start3A_390] : memref<128x128xf32, #tpu.memory_space<vmem>> -> memref<32x128xf32, #tpu.memory_space<vmem>>
      %dma_start3A_392 = arith.constant 0 : i32
      %dma_start3A_393 = tpu.memref_slice %arg5[%add3A_387, %dma_start3A_392] : memref<102400x128xf32, #tpu.memory_space<hbm>> -> memref<32x128xf32, #tpu.memory_space<hbm>>
      %dma_start3A_394 = tpu.memref_slice %arg14[%dma_start3A_388] : memref<4x!tpu.dma_semaphore, #tpu.memory_space<semaphore_mem>> -> memref<1x!tpu.dma_semaphore, #tpu.memory_space<semaphore_mem>>
      %dma_start3A_395 = tpu.memref_squeeze %dma_start3A_394 : memref<1x!tpu.dma_semaphore, #tpu.memory_space<semaphore_mem>> -> memref<!tpu.dma_semaphore, #tpu.memory_space<semaphore_mem>>
      %dma_start3A_396 = arith.constant 0 : i32
      %dma_start3A_397 = tpu.memref_slice %arg5[%add3A_387, %dma_start3A_396] : memref<102400x128xf32, #tpu.memory_space<hbm>> -> memref<32x128xf32, #tpu.memory_space<hbm>>
      %dma_start3A_398 = arith.constant 32 : i32
      %dma_start3A_399 = arith.constant 0 : i32
      %dma_start3A_400 = tpu.memref_slice %arg11[%dma_start3A_398, %dma_start3A_399] : memref<128x128xf32, #tpu.memory_space<vmem>> -> memref<32x128xf32, #tpu.memory_space<vmem>>
      tpu.enqueue_dma source(%dma_start3A_400 : memref<32x128xf32, #tpu.memory_space<vmem>>) target(%dma_start3A_397 : memref<32x128xf32, #tpu.memory_space<hbm>>) target_semaphore(%dma_start3A_395 : memref<!tpu.dma_semaphore, #tpu.memory_space<semaphore_mem>>)
      %mul3A_401 = arith.constant 4 : i32
      %mul3A_402 = arith.muli %add3A_349, %mul3A_401 : i32
      %add3A_403 = arith.constant 2 : i32
      %add3A_404 = arith.addi %mul3A_402, %add3A_403 : i32
      %mul3A_405 = arith.constant 1024 : i32
      %mul3A_406 = arith.muli %add3A_404, %mul3A_405 : i32
      %add3A_407 = arith.addi %mul3A_406, %mul3A_2 : i32
      %dma_start3A_408 = arith.constant 2 : i32
      %dma_start3A_409 = arith.constant 64 : i32
      %dma_start3A_410 = arith.constant 0 : i32
      %dma_start3A_411 = tpu.memref_slice %arg11[%dma_start3A_409, %dma_start3A_410] : memref<128x128xf32, #tpu.memory_space<vmem>> -> memref<32x128xf32, #tpu.memory_space<vmem>>
      %dma_start3A_412 = arith.constant 0 : i32
      %dma_start3A_413 = tpu.memref_slice %arg5[%add3A_407, %dma_start3A_412] : memref<102400x128xf32, #tpu.memory_space<hbm>> -> memref<32x128xf32, #tpu.memory_space<hbm>>
      %dma_start3A_414 = tpu.memref_slice %arg14[%dma_start3A_408] : memref<4x!tpu.dma_semaphore, #tpu.memory_space<semaphore_mem>> -> memref<1x!tpu.dma_semaphore, #tpu.memory_space<semaphore_mem>>
      %dma_start3A_415 = tpu.memref_squeeze %dma_start3A_414 : memref<1x!tpu.dma_semaphore, #tpu.memory_space<semaphore_mem>> -> memref<!tpu.dma_semaphore, #tpu.memory_space<semaphore_mem>>
      %dma_start3A_416 = arith.constant 0 : i32
      %dma_start3A_417 = tpu.memref_slice %arg5[%add3A_407, %dma_start3A_416] : memref<102400x128xf32, #tpu.memory_space<hbm>> -> memref<32x128xf32, #tpu.memory_space<hbm>>
      %dma_start3A_418 = arith.constant 64 : i32
      %dma_start3A_419 = arith.constant 0 : i32
      %dma_start3A_420 = tpu.memref_slice %arg11[%dma_start3A_418, %dma_start3A_419] : memref<128x128xf32, #tpu.memory_space<vmem>> -> memref<32x128xf32, #tpu.memory_space<vmem>>
      tpu.enqueue_dma source(%dma_start3A_420 : memref<32x128xf32, #tpu.memory_space<vmem>>) target(%dma_start3A_417 : memref<32x128xf32, #tpu.memory_space<hbm>>) target_semaphore(%dma_start3A_415 : memref<!tpu.dma_semaphore, #tpu.memory_space<semaphore_mem>>)
      %mul3A_421 = arith.constant 4 : i32
      %mul3A_422 = arith.muli %add3A_349, %mul3A_421 : i32
      %add3A_423 = arith.constant 3 : i32
      %add3A_424 = arith.addi %mul3A_422, %add3A_423 : i32
      %mul3A_425 = arith.constant 1024 : i32
      %mul3A_426 = arith.muli %add3A_424, %mul3A_425 : i32
      %add3A_427 = arith.addi %mul3A_426, %mul3A_2 : i32
      %dma_start3A_428 = arith.constant 2 : i32
      %dma_start3A_429 = arith.constant 96 : i32
      %dma_start3A_430 = arith.constant 0 : i32
      %dma_start3A_431 = tpu.memref_slice %arg11[%dma_start3A_429, %dma_start3A_430] : memref<128x128xf32, #tpu.memory_space<vmem>> -> memref<32x128xf32, #tpu.memory_space<vmem>>
      %dma_start3A_432 = arith.constant 0 : i32
      %dma_start3A_433 = tpu.memref_slice %arg5[%add3A_427, %dma_start3A_432] : memref<102400x128xf32, #tpu.memory_space<hbm>> -> memref<32x128xf32, #tpu.memory_space<hbm>>
      %dma_start3A_434 = tpu.memref_slice %arg14[%dma_start3A_428] : memref<4x!tpu.dma_semaphore, #tpu.memory_space<semaphore_mem>> -> memref<1x!tpu.dma_semaphore, #tpu.memory_space<semaphore_mem>>
      %dma_start3A_435 = tpu.memref_squeeze %dma_start3A_434 : memref<1x!tpu.dma_semaphore, #tpu.memory_space<semaphore_mem>> -> memref<!tpu.dma_semaphore, #tpu.memory_space<semaphore_mem>>
      %dma_start3A_436 = arith.constant 0 : i32
      %dma_start3A_437 = tpu.memref_slice %arg5[%add3A_427, %dma_start3A_436] : memref<102400x128xf32, #tpu.memory_space<hbm>> -> memref<32x128xf32, #tpu.memory_space<hbm>>
      %dma_start3A_438 = arith.constant 96 : i32
      %dma_start3A_439 = arith.constant 0 : i32
      %dma_start3A_440 = tpu.memref_slice %arg11[%dma_start3A_438, %dma_start3A_439] : memref<128x128xf32, #tpu.memory_space<vmem>> -> memref<32x128xf32, #tpu.memory_space<vmem>>
      tpu.enqueue_dma source(%dma_start3A_440 : memref<32x128xf32, #tpu.memory_space<vmem>>) target(%dma_start3A_437 : memref<32x128xf32, #tpu.memory_space<hbm>>) target_semaphore(%dma_start3A_435 : memref<!tpu.dma_semaphore, #tpu.memory_space<semaphore_mem>>)
      %add3A_441 = arith.constant 2 : i32
      %add3A_442 = arith.addi %add3A_349, %add3A_441 : i32
      %lt3A_443 = arith.constant 25 : i32
      %lt3A_444 = arith.cmpi slt, %add3A_442, %lt3A_443 : i32
      %convert_element_type3A_445 = arith.extui %lt3A_444 : i1 to i32
      %cond3A_446 = arith.constant 0 : i32
      %cond3A_447 = arith.cmpi ne, %convert_element_type3A_445, %cond3A_446 : i32
      scf.if %cond3A_447 {
        %ge3A = arith.constant 2 : i32
        %ge3A_550 = arith.cmpi sge, %add3A_349, %ge3A : i32
        %convert_element_type3A_551 = arith.extui %ge3A_550 : i1 to i32
        %cond3A_552 = arith.constant 0 : i32
        %cond3A_553 = arith.cmpi ne, %convert_element_type3A_551, %cond3A_552 : i32
        scf.if %cond3A_553 {
          %dma_wait3A_565 = arith.constant 0 : i32
          %dma_wait3A_566 = arith.constant 0 : i32
          %dma_wait3A_567 = arith.constant 0 : i32
          %dma_wait3A_568 = tpu.memref_slice %arg5[%dma_wait3A_566, %dma_wait3A_567] : memref<102400x128xf32, #tpu.memory_space<hbm>> -> memref<128x128xf32, #tpu.memory_space<hbm>>
          %dma_wait3A_569 = tpu.memref_slice %arg14[%dma_wait3A_565] : memref<4x!tpu.dma_semaphore, #tpu.memory_space<semaphore_mem>> -> memref<1x!tpu.dma_semaphore, #tpu.memory_space<semaphore_mem>>
          %dma_wait3A_570 = tpu.memref_squeeze %dma_wait3A_569 : memref<1x!tpu.dma_semaphore, #tpu.memory_space<semaphore_mem>> -> memref<!tpu.dma_semaphore, #tpu.memory_space<semaphore_mem>>
          %dma_wait3A_571 = arith.constant 0 : i32
          %dma_wait3A_572 = arith.constant 0 : i32
          %dma_wait3A_573 = tpu.memref_slice %arg5[%dma_wait3A_571, %dma_wait3A_572] : memref<102400x128xf32, #tpu.memory_space<hbm>> -> memref<128x128xf32, #tpu.memory_space<hbm>>
          tpu.wait_dma2 semaphore(%dma_wait3A_570 : memref<!tpu.dma_semaphore, #tpu.memory_space<semaphore_mem>>) src(%arg9 : memref<128x128xf32, #tpu.memory_space<vmem>>) dst(%dma_wait3A_573 : memref<128x128xf32, #tpu.memory_space<hbm>>)
        } else {
        }
        %mul3A_554 = arith.constant 4 : i32
        %mul3A_555 = arith.muli %add3A_442, %mul3A_554 : i32
        %mul3A_556 = arith.constant 32 : i32
        %mul3A_557 = arith.muli %mul3A_555, %mul3A_556 : i32
        %dma_start3A_558 = arith.constant 0 : i32
        %dma_start3A_559 = tpu.memref_slice %arg8[%mul3A_557] : memref<3200xi32, #tpu.memory_space<vmem>> -> memref<128xi32, #tpu.memory_space<vmem>>
        %dma_start3A_560 = arith.constant 0 : i32
        %dma_start3A_561 = arith.constant 0 : i32
        %dma_start3A_562 = tpu.memref_slice %arg4[%dma_start3A_560, %dma_start3A_561] : memref<100000x128xf32, #tpu.memory_space<hbm>> -> memref<100000x128xf32, #tpu.memory_space<hbm>>
        %dma_start3A_563 = tpu.memref_slice %arg13[%dma_start3A_558] : memref<4x!tpu.dma_semaphore, #tpu.memory_space<semaphore_mem>> -> memref<1x!tpu.dma_semaphore, #tpu.memory_space<semaphore_mem>>
        %dma_start3A_564 = tpu.memref_squeeze %dma_start3A_563 : memref<1x!tpu.dma_semaphore, #tpu.memory_space<semaphore_mem>> -> memref<!tpu.dma_semaphore, #tpu.memory_space<semaphore_mem>>
        tpu.enqueue_indirect_dma source(%dma_start3A_562 : memref<100000x128xf32, #tpu.memory_space<hbm>>) target(%arg9 : memref<128x128xf32, #tpu.memory_space<vmem>>) offsets(%dma_start3A_559 : memref<128xi32, #tpu.memory_space<vmem>>) semaphore(%dma_start3A_564 : memref<!tpu.dma_semaphore, #tpu.memory_space<semaphore_mem>>)
      } else {
      }
      %mul3A_448 = arith.constant 4 : i32
      %mul3A_449 = arith.muli %scan3A_144, %mul3A_448 : i32
      %add3A_450 = arith.constant 3 : i32
      %add3A_451 = arith.addi %mul3A_449, %add3A_450 : i32
      %mul3A_452 = arith.constant 4 : i32
      %mul3A_453 = arith.muli %add3A_451, %mul3A_452 : i32
      %mul3A_454 = arith.constant 32 : i32
      %mul3A_455 = arith.muli %mul3A_453, %mul3A_454 : i32
      %dma_wait3A_456 = arith.constant 3 : i32
      %dma_wait3A_457 = tpu.memref_slice %arg8[%mul3A_455] : memref<3200xi32, #tpu.memory_space<vmem>> -> memref<128xi32, #tpu.memory_space<vmem>>
      %dma_wait3A_458 = arith.constant 0 : i32
      %dma_wait3A_459 = arith.constant 0 : i32
      %dma_wait3A_460 = tpu.memref_slice %arg4[%dma_wait3A_458, %dma_wait3A_459] : memref<100000x128xf32, #tpu.memory_space<hbm>> -> memref<100000x128xf32, #tpu.memory_space<hbm>>
      %dma_wait3A_461 = tpu.memref_slice %arg13[%dma_wait3A_456] : memref<4x!tpu.dma_semaphore, #tpu.memory_space<semaphore_mem>> -> memref<1x!tpu.dma_semaphore, #tpu.memory_space<semaphore_mem>>
      %dma_wait3A_462 = tpu.memref_squeeze %dma_wait3A_461 : memref<1x!tpu.dma_semaphore, #tpu.memory_space<semaphore_mem>> -> memref<!tpu.dma_semaphore, #tpu.memory_space<semaphore_mem>>
      tpu.wait_indirect_dma semaphore(%dma_wait3A_462 : memref<!tpu.dma_semaphore, #tpu.memory_space<semaphore_mem>>) src(%dma_wait3A_460 : memref<100000x128xf32, #tpu.memory_space<hbm>>) dst(%arg12 : memref<128x128xf32, #tpu.memory_space<vmem>>)
      %mul3A_463 = arith.constant 4 : i32
      %mul3A_464 = arith.muli %add3A_451, %mul3A_463 : i32
      %add3A_465 = arith.constant 0 : i32
      %add3A_466 = arith.addi %mul3A_464, %add3A_465 : i32
      %mul3A_467 = arith.constant 1024 : i32
      %mul3A_468 = arith.muli %add3A_466, %mul3A_467 : i32
      %add3A_469 = arith.addi %mul3A_468, %mul3A_2 : i32
      %dma_start3A_470 = arith.constant 3 : i32
      %dma_start3A_471 = arith.constant 0 : i32
      %dma_start3A_472 = arith.constant 0 : i32
      %dma_start3A_473 = tpu.memref_slice %arg12[%dma_start3A_471, %dma_start3A_472] : memref<128x128xf32, #tpu.memory_space<vmem>> -> memref<32x128xf32, #tpu.memory_space<vmem>>
      %dma_start3A_474 = arith.constant 0 : i32
      %dma_start3A_475 = tpu.memref_slice %arg5[%add3A_469, %dma_start3A_474] : memref<102400x128xf32, #tpu.memory_space<hbm>> -> memref<32x128xf32, #tpu.memory_space<hbm>>
      %dma_start3A_476 = tpu.memref_slice %arg14[%dma_start3A_470] : memref<4x!tpu.dma_semaphore, #tpu.memory_space<semaphore_mem>> -> memref<1x!tpu.dma_semaphore, #tpu.memory_space<semaphore_mem>>
      %dma_start3A_477 = tpu.memref_squeeze %dma_start3A_476 : memref<1x!tpu.dma_semaphore, #tpu.memory_space<semaphore_mem>> -> memref<!tpu.dma_semaphore, #tpu.memory_space<semaphore_mem>>
      %dma_start3A_478 = arith.constant 0 : i32
      %dma_start3A_479 = tpu.memref_slice %arg5[%add3A_469, %dma_start3A_478] : memref<102400x128xf32, #tpu.memory_space<hbm>> -> memref<32x128xf32, #tpu.memory_space<hbm>>
      %dma_start3A_480 = arith.constant 0 : i32
      %dma_start3A_481 = arith.constant 0 : i32
      %dma_start3A_482 = tpu.memref_slice %arg12[%dma_start3A_480, %dma_start3A_481] : memref<128x128xf32, #tpu.memory_space<vmem>> -> memref<32x128xf32, #tpu.memory_space<vmem>>
      tpu.enqueue_dma source(%dma_start3A_482 : memref<32x128xf32, #tpu.memory_space<vmem>>) target(%dma_start3A_479 : memref<32x128xf32, #tpu.memory_space<hbm>>) target_semaphore(%dma_start3A_477 : memref<!tpu.dma_semaphore, #tpu.memory_space<semaphore_mem>>)
      %mul3A_483 = arith.constant 4 : i32
      %mul3A_484 = arith.muli %add3A_451, %mul3A_483 : i32
      %add3A_485 = arith.constant 1 : i32
      %add3A_486 = arith.addi %mul3A_484, %add3A_485 : i32
      %mul3A_487 = arith.constant 1024 : i32
      %mul3A_488 = arith.muli %add3A_486, %mul3A_487 : i32
      %add3A_489 = arith.addi %mul3A_488, %mul3A_2 : i32
      %dma_start3A_490 = arith.constant 3 : i32
      %dma_start3A_491 = arith.constant 32 : i32
      %dma_start3A_492 = arith.constant 0 : i32
      %dma_start3A_493 = tpu.memref_slice %arg12[%dma_start3A_491, %dma_start3A_492] : memref<128x128xf32, #tpu.memory_space<vmem>> -> memref<32x128xf32, #tpu.memory_space<vmem>>
      %dma_start3A_494 = arith.constant 0 : i32
      %dma_start3A_495 = tpu.memref_slice %arg5[%add3A_489, %dma_start3A_494] : memref<102400x128xf32, #tpu.memory_space<hbm>> -> memref<32x128xf32, #tpu.memory_space<hbm>>
      %dma_start3A_496 = tpu.memref_slice %arg14[%dma_start3A_490] : memref<4x!tpu.dma_semaphore, #tpu.memory_space<semaphore_mem>> -> memref<1x!tpu.dma_semaphore, #tpu.memory_space<semaphore_mem>>
      %dma_start3A_497 = tpu.memref_squeeze %dma_start3A_496 : memref<1x!tpu.dma_semaphore, #tpu.memory_space<semaphore_mem>> -> memref<!tpu.dma_semaphore, #tpu.memory_space<semaphore_mem>>
      %dma_start3A_498 = arith.constant 0 : i32
      %dma_start3A_499 = tpu.memref_slice %arg5[%add3A_489, %dma_start3A_498] : memref<102400x128xf32, #tpu.memory_space<hbm>> -> memref<32x128xf32, #tpu.memory_space<hbm>>
      %dma_start3A_500 = arith.constant 32 : i32
      %dma_start3A_501 = arith.constant 0 : i32
      %dma_start3A_502 = tpu.memref_slice %arg12[%dma_start3A_500, %dma_start3A_501] : memref<128x128xf32, #tpu.memory_space<vmem>> -> memref<32x128xf32, #tpu.memory_space<vmem>>
      tpu.enqueue_dma source(%dma_start3A_502 : memref<32x128xf32, #tpu.memory_space<vmem>>) target(%dma_start3A_499 : memref<32x128xf32, #tpu.memory_space<hbm>>) target_semaphore(%dma_start3A_497 : memref<!tpu.dma_semaphore, #tpu.memory_space<semaphore_mem>>)
      %mul3A_503 = arith.constant 4 : i32
      %mul3A_504 = arith.muli %add3A_451, %mul3A_503 : i32
      %add3A_505 = arith.constant 2 : i32
      %add3A_506 = arith.addi %mul3A_504, %add3A_505 : i32
      %mul3A_507 = arith.constant 1024 : i32
      %mul3A_508 = arith.muli %add3A_506, %mul3A_507 : i32
      %add3A_509 = arith.addi %mul3A_508, %mul3A_2 : i32
      %dma_start3A_510 = arith.constant 3 : i32
      %dma_start3A_511 = arith.constant 64 : i32
      %dma_start3A_512 = arith.constant 0 : i32
      %dma_start3A_513 = tpu.memref_slice %arg12[%dma_start3A_511, %dma_start3A_512] : memref<128x128xf32, #tpu.memory_space<vmem>> -> memref<32x128xf32, #tpu.memory_space<vmem>>
      %dma_start3A_514 = arith.constant 0 : i32
      %dma_start3A_515 = tpu.memref_slice %arg5[%add3A_509, %dma_start3A_514] : memref<102400x128xf32, #tpu.memory_space<hbm>> -> memref<32x128xf32, #tpu.memory_space<hbm>>
      %dma_start3A_516 = tpu.memref_slice %arg14[%dma_start3A_510] : memref<4x!tpu.dma_semaphore, #tpu.memory_space<semaphore_mem>> -> memref<1x!tpu.dma_semaphore, #tpu.memory_space<semaphore_mem>>
      %dma_start3A_517 = tpu.memref_squeeze %dma_start3A_516 : memref<1x!tpu.dma_semaphore, #tpu.memory_space<semaphore_mem>> -> memref<!tpu.dma_semaphore, #tpu.memory_space<semaphore_mem>>
      %dma_start3A_518 = arith.constant 0 : i32
      %dma_start3A_519 = tpu.memref_slice %arg5[%add3A_509, %dma_start3A_518] : memref<102400x128xf32, #tpu.memory_space<hbm>> -> memref<32x128xf32, #tpu.memory_space<hbm>>
      %dma_start3A_520 = arith.constant 64 : i32
      %dma_start3A_521 = arith.constant 0 : i32
      %dma_start3A_522 = tpu.memref_slice %arg12[%dma_start3A_520, %dma_start3A_521] : memref<128x128xf32, #tpu.memory_space<vmem>> -> memref<32x128xf32, #tpu.memory_space<vmem>>
      tpu.enqueue_dma source(%dma_start3A_522 : memref<32x128xf32, #tpu.memory_space<vmem>>) target(%dma_start3A_519 : memref<32x128xf32, #tpu.memory_space<hbm>>) target_semaphore(%dma_start3A_517 : memref<!tpu.dma_semaphore, #tpu.memory_space<semaphore_mem>>)
      %mul3A_523 = arith.constant 4 : i32
      %mul3A_524 = arith.muli %add3A_451, %mul3A_523 : i32
      %add3A_525 = arith.constant 3 : i32
      %add3A_526 = arith.addi %mul3A_524, %add3A_525 : i32
      %mul3A_527 = arith.constant 1024 : i32
      %mul3A_528 = arith.muli %add3A_526, %mul3A_527 : i32
      %add3A_529 = arith.addi %mul3A_528, %mul3A_2 : i32
      %dma_start3A_530 = arith.constant 3 : i32
      %dma_start3A_531 = arith.constant 96 : i32
      %dma_start3A_532 = arith.constant 0 : i32
      %dma_start3A_533 = tpu.memref_slice %arg12[%dma_start3A_531, %dma_start3A_532] : memref<128x128xf32, #tpu.memory_space<vmem>> -> memref<32x128xf32, #tpu.memory_space<vmem>>
      %dma_start3A_534 = arith.constant 0 : i32
      %dma_start3A_535 = tpu.memref_slice %arg5[%add3A_529, %dma_start3A_534] : memref<102400x128xf32, #tpu.memory_space<hbm>> -> memref<32x128xf32, #tpu.memory_space<hbm>>
      %dma_start3A_536 = tpu.memref_slice %arg14[%dma_start3A_530] : memref<4x!tpu.dma_semaphore, #tpu.memory_space<semaphore_mem>> -> memref<1x!tpu.dma_semaphore, #tpu.memory_space<semaphore_mem>>
      %dma_start3A_537 = tpu.memref_squeeze %dma_start3A_536 : memref<1x!tpu.dma_semaphore, #tpu.memory_space<semaphore_mem>> -> memref<!tpu.dma_semaphore, #tpu.memory_space<semaphore_mem>>
      %dma_start3A_538 = arith.constant 0 : i32
      %dma_start3A_539 = tpu.memref_slice %arg5[%add3A_529, %dma_start3A_538] : memref<102400x128xf32, #tpu.memory_space<hbm>> -> memref<32x128xf32, #tpu.memory_space<hbm>>
      %dma_start3A_540 = arith.constant 96 : i32
      %dma_start3A_541 = arith.constant 0 : i32
      %dma_start3A_542 = tpu.memref_slice %arg12[%dma_start3A_540, %dma_start3A_541] : memref<128x128xf32, #tpu.memory_space<vmem>> -> memref<32x128xf32, #tpu.memory_space<vmem>>
      tpu.enqueue_dma source(%dma_start3A_542 : memref<32x128xf32, #tpu.memory_space<vmem>>) target(%dma_start3A_539 : memref<32x128xf32, #tpu.memory_space<hbm>>) target_semaphore(%dma_start3A_537 : memref<!tpu.dma_semaphore, #tpu.memory_space<semaphore_mem>>)
      %add3A_543 = arith.constant 2 : i32
      %add3A_544 = arith.addi %add3A_451, %add3A_543 : i32
      %lt3A_545 = arith.constant 25 : i32
      %lt3A_546 = arith.cmpi slt, %add3A_544, %lt3A_545 : i32
      %convert_element_type3A_547 = arith.extui %lt3A_546 : i1 to i32
      %cond3A_548 = arith.constant 0 : i32
      %cond3A_549 = arith.cmpi ne, %convert_element_type3A_547, %cond3A_548 : i32
      scf.if %cond3A_549 {
        %ge3A = arith.constant 2 : i32
        %ge3A_550 = arith.cmpi sge, %add3A_451, %ge3A : i32
        %convert_element_type3A_551 = arith.extui %ge3A_550 : i1 to i32
        %cond3A_552 = arith.constant 0 : i32
        %cond3A_553 = arith.cmpi ne, %convert_element_type3A_551, %cond3A_552 : i32
        scf.if %cond3A_553 {
          %dma_wait3A_565 = arith.constant 1 : i32
          %dma_wait3A_566 = arith.constant 0 : i32
          %dma_wait3A_567 = arith.constant 0 : i32
          %dma_wait3A_568 = tpu.memref_slice %arg5[%dma_wait3A_566, %dma_wait3A_567] : memref<102400x128xf32, #tpu.memory_space<hbm>> -> memref<128x128xf32, #tpu.memory_space<hbm>>
          %dma_wait3A_569 = tpu.memref_slice %arg14[%dma_wait3A_565] : memref<4x!tpu.dma_semaphore, #tpu.memory_space<semaphore_mem>> -> memref<1x!tpu.dma_semaphore, #tpu.memory_space<semaphore_mem>>
          %dma_wait3A_570 = tpu.memref_squeeze %dma_wait3A_569 : memref<1x!tpu.dma_semaphore, #tpu.memory_space<semaphore_mem>> -> memref<!tpu.dma_semaphore, #tpu.memory_space<semaphore_mem>>
          %dma_wait3A_571 = arith.constant 0 : i32
          %dma_wait3A_572 = arith.constant 0 : i32
          %dma_wait3A_573 = tpu.memref_slice %arg5[%dma_wait3A_571, %dma_wait3A_572] : memref<102400x128xf32, #tpu.memory_space<hbm>> -> memref<128x128xf32, #tpu.memory_space<hbm>>
          tpu.wait_dma2 semaphore(%dma_wait3A_570 : memref<!tpu.dma_semaphore, #tpu.memory_space<semaphore_mem>>) src(%arg10 : memref<128x128xf32, #tpu.memory_space<vmem>>) dst(%dma_wait3A_573 : memref<128x128xf32, #tpu.memory_space<hbm>>)
        } else {
        }
        %mul3A_554 = arith.constant 4 : i32
        %mul3A_555 = arith.muli %add3A_544, %mul3A_554 : i32
        %mul3A_556 = arith.constant 32 : i32
        %mul3A_557 = arith.muli %mul3A_555, %mul3A_556 : i32
        %dma_start3A_558 = arith.constant 1 : i32
        %dma_start3A_559 = tpu.memref_slice %arg8[%mul3A_557] : memref<3200xi32, #tpu.memory_space<vmem>> -> memref<128xi32, #tpu.memory_space<vmem>>
        %dma_start3A_560 = arith.constant 0 : i32
        %dma_start3A_561 = arith.constant 0 : i32
        %dma_start3A_562 = tpu.memref_slice %arg4[%dma_start3A_560, %dma_start3A_561] : memref<100000x128xf32, #tpu.memory_space<hbm>> -> memref<100000x128xf32, #tpu.memory_space<hbm>>
        %dma_start3A_563 = tpu.memref_slice %arg13[%dma_start3A_558] : memref<4x!tpu.dma_semaphore, #tpu.memory_space<semaphore_mem>> -> memref<1x!tpu.dma_semaphore, #tpu.memory_space<semaphore_mem>>
        %dma_start3A_564 = tpu.memref_squeeze %dma_start3A_563 : memref<1x!tpu.dma_semaphore, #tpu.memory_space<semaphore_mem>> -> memref<!tpu.dma_semaphore, #tpu.memory_space<semaphore_mem>>
        tpu.enqueue_indirect_dma source(%dma_start3A_562 : memref<100000x128xf32, #tpu.memory_space<hbm>>) target(%arg10 : memref<128x128xf32, #tpu.memory_space<vmem>>) offsets(%dma_start3A_559 : memref<128xi32, #tpu.memory_space<vmem>>) semaphore(%dma_start3A_564 : memref<!tpu.dma_semaphore, #tpu.memory_space<semaphore_mem>>)
      } else {
      }
    }
    %scan3A_39 = arith.constant 6 : i32
    %dma_wait3A_40 = arith.constant 0 : i32
    %dma_wait3A_41 = arith.constant 3072 : i32
    %dma_wait3A_42 = tpu.memref_slice %arg8[%dma_wait3A_41] : memref<3200xi32, #tpu.memory_space<vmem>> -> memref<128xi32, #tpu.memory_space<vmem>>
    %dma_wait3A_43 = arith.constant 0 : i32
    %dma_wait3A_44 = arith.constant 0 : i32
    %dma_wait3A_45 = tpu.memref_slice %arg4[%dma_wait3A_43, %dma_wait3A_44] : memref<100000x128xf32, #tpu.memory_space<hbm>> -> memref<100000x128xf32, #tpu.memory_space<hbm>>
    %dma_wait3A_46 = tpu.memref_slice %arg13[%dma_wait3A_40] : memref<4x!tpu.dma_semaphore, #tpu.memory_space<semaphore_mem>> -> memref<1x!tpu.dma_semaphore, #tpu.memory_space<semaphore_mem>>
    %dma_wait3A_47 = tpu.memref_squeeze %dma_wait3A_46 : memref<1x!tpu.dma_semaphore, #tpu.memory_space<semaphore_mem>> -> memref<!tpu.dma_semaphore, #tpu.memory_space<semaphore_mem>>
    tpu.wait_indirect_dma semaphore(%dma_wait3A_47 : memref<!tpu.dma_semaphore, #tpu.memory_space<semaphore_mem>>) src(%dma_wait3A_45 : memref<100000x128xf32, #tpu.memory_space<hbm>>) dst(%arg9 : memref<128x128xf32, #tpu.memory_space<vmem>>)
    %add3A_48 = arith.constant 98304 : i32
    %add3A_49 = arith.addi %add3A_48, %mul3A_2 : i32
    %dma_start3A_50 = arith.constant 0 : i32
    %dma_start3A_51 = arith.constant 0 : i32
    %dma_start3A_52 = arith.constant 0 : i32
    %dma_start3A_53 = tpu.memref_slice %arg9[%dma_start3A_51, %dma_start3A_52] : memref<128x128xf32, #tpu.memory_space<vmem>> -> memref<32x128xf32, #tpu.memory_space<vmem>>
    %dma_start3A_54 = arith.constant 0 : i32
    %dma_start3A_55 = tpu.memref_slice %arg5[%add3A_49, %dma_start3A_54] : memref<102400x128xf32, #tpu.memory_space<hbm>> -> memref<32x128xf32, #tpu.memory_space<hbm>>
    %dma_start3A_56 = tpu.memref_slice %arg14[%dma_start3A_50] : memref<4x!tpu.dma_semaphore, #tpu.memory_space<semaphore_mem>> -> memref<1x!tpu.dma_semaphore, #tpu.memory_space<semaphore_mem>>
    %dma_start3A_57 = tpu.memref_squeeze %dma_start3A_56 : memref<1x!tpu.dma_semaphore, #tpu.memory_space<semaphore_mem>> -> memref<!tpu.dma_semaphore, #tpu.memory_space<semaphore_mem>>
    %dma_start3A_58 = arith.constant 0 : i32
    %dma_start3A_59 = tpu.memref_slice %arg5[%add3A_49, %dma_start3A_58] : memref<102400x128xf32, #tpu.memory_space<hbm>> -> memref<32x128xf32, #tpu.memory_space<hbm>>
    %dma_start3A_60 = arith.constant 0 : i32
    %dma_start3A_61 = arith.constant 0 : i32
    %dma_start3A_62 = tpu.memref_slice %arg9[%dma_start3A_60, %dma_start3A_61] : memref<128x128xf32, #tpu.memory_space<vmem>> -> memref<32x128xf32, #tpu.memory_space<vmem>>
    tpu.enqueue_dma source(%dma_start3A_62 : memref<32x128xf32, #tpu.memory_space<vmem>>) target(%dma_start3A_59 : memref<32x128xf32, #tpu.memory_space<hbm>>) target_semaphore(%dma_start3A_57 : memref<!tpu.dma_semaphore, #tpu.memory_space<semaphore_mem>>)
    %add3A_63 = arith.constant 99328 : i32
    %add3A_64 = arith.addi %add3A_63, %mul3A_2 : i32
    %dma_start3A_65 = arith.constant 0 : i32
    %dma_start3A_66 = arith.constant 32 : i32
    %dma_start3A_67 = arith.constant 0 : i32
    %dma_start3A_68 = tpu.memref_slice %arg9[%dma_start3A_66, %dma_start3A_67] : memref<128x128xf32, #tpu.memory_space<vmem>> -> memref<32x128xf32, #tpu.memory_space<vmem>>
    %dma_start3A_69 = arith.constant 0 : i32
    %dma_start3A_70 = tpu.memref_slice %arg5[%add3A_64, %dma_start3A_69] : memref<102400x128xf32, #tpu.memory_space<hbm>> -> memref<32x128xf32, #tpu.memory_space<hbm>>
    %dma_start3A_71 = tpu.memref_slice %arg14[%dma_start3A_65] : memref<4x!tpu.dma_semaphore, #tpu.memory_space<semaphore_mem>> -> memref<1x!tpu.dma_semaphore, #tpu.memory_space<semaphore_mem>>
    %dma_start3A_72 = tpu.memref_squeeze %dma_start3A_71 : memref<1x!tpu.dma_semaphore, #tpu.memory_space<semaphore_mem>> -> memref<!tpu.dma_semaphore, #tpu.memory_space<semaphore_mem>>
    %dma_start3A_73 = arith.constant 0 : i32
    %dma_start3A_74 = tpu.memref_slice %arg5[%add3A_64, %dma_start3A_73] : memref<102400x128xf32, #tpu.memory_space<hbm>> -> memref<32x128xf32, #tpu.memory_space<hbm>>
    %dma_start3A_75 = arith.constant 32 : i32
    %dma_start3A_76 = arith.constant 0 : i32
    %dma_start3A_77 = tpu.memref_slice %arg9[%dma_start3A_75, %dma_start3A_76] : memref<128x128xf32, #tpu.memory_space<vmem>> -> memref<32x128xf32, #tpu.memory_space<vmem>>
    tpu.enqueue_dma source(%dma_start3A_77 : memref<32x128xf32, #tpu.memory_space<vmem>>) target(%dma_start3A_74 : memref<32x128xf32, #tpu.memory_space<hbm>>) target_semaphore(%dma_start3A_72 : memref<!tpu.dma_semaphore, #tpu.memory_space<semaphore_mem>>)
    %add3A_78 = arith.constant 100352 : i32
    %add3A_79 = arith.addi %add3A_78, %mul3A_2 : i32
    %dma_start3A_80 = arith.constant 0 : i32
    %dma_start3A_81 = arith.constant 64 : i32
    %dma_start3A_82 = arith.constant 0 : i32
    %dma_start3A_83 = tpu.memref_slice %arg9[%dma_start3A_81, %dma_start3A_82] : memref<128x128xf32, #tpu.memory_space<vmem>> -> memref<32x128xf32, #tpu.memory_space<vmem>>
    %dma_start3A_84 = arith.constant 0 : i32
    %dma_start3A_85 = tpu.memref_slice %arg5[%add3A_79, %dma_start3A_84] : memref<102400x128xf32, #tpu.memory_space<hbm>> -> memref<32x128xf32, #tpu.memory_space<hbm>>
    %dma_start3A_86 = tpu.memref_slice %arg14[%dma_start3A_80] : memref<4x!tpu.dma_semaphore, #tpu.memory_space<semaphore_mem>> -> memref<1x!tpu.dma_semaphore, #tpu.memory_space<semaphore_mem>>
    %dma_start3A_87 = tpu.memref_squeeze %dma_start3A_86 : memref<1x!tpu.dma_semaphore, #tpu.memory_space<semaphore_mem>> -> memref<!tpu.dma_semaphore, #tpu.memory_space<semaphore_mem>>
    %dma_start3A_88 = arith.constant 0 : i32
    %dma_start3A_89 = tpu.memref_slice %arg5[%add3A_79, %dma_start3A_88] : memref<102400x128xf32, #tpu.memory_space<hbm>> -> memref<32x128xf32, #tpu.memory_space<hbm>>
    %dma_start3A_90 = arith.constant 64 : i32
    %dma_start3A_91 = arith.constant 0 : i32
    %dma_start3A_92 = tpu.memref_slice %arg9[%dma_start3A_90, %dma_start3A_91] : memref<128x128xf32, #tpu.memory_space<vmem>> -> memref<32x128xf32, #tpu.memory_space<vmem>>
    tpu.enqueue_dma source(%dma_start3A_92 : memref<32x128xf32, #tpu.memory_space<vmem>>) target(%dma_start3A_89 : memref<32x128xf32, #tpu.memory_space<hbm>>) target_semaphore(%dma_start3A_87 : memref<!tpu.dma_semaphore, #tpu.memory_space<semaphore_mem>>)
    %add3A_93 = arith.constant 101376 : i32
    %add3A_94 = arith.addi %add3A_93, %mul3A_2 : i32
    %dma_start3A_95 = arith.constant 0 : i32
    %dma_start3A_96 = arith.constant 96 : i32
    %dma_start3A_97 = arith.constant 0 : i32
    %dma_start3A_98 = tpu.memref_slice %arg9[%dma_start3A_96, %dma_start3A_97] : memref<128x128xf32, #tpu.memory_space<vmem>> -> memref<32x128xf32, #tpu.memory_space<vmem>>
    %dma_start3A_99 = arith.constant 0 : i32
    %dma_start3A_100 = tpu.memref_slice %arg5[%add3A_94, %dma_start3A_99] : memref<102400x128xf32, #tpu.memory_space<hbm>> -> memref<32x128xf32, #tpu.memory_space<hbm>>
    %dma_start3A_101 = tpu.memref_slice %arg14[%dma_start3A_95] : memref<4x!tpu.dma_semaphore, #tpu.memory_space<semaphore_mem>> -> memref<1x!tpu.dma_semaphore, #tpu.memory_space<semaphore_mem>>
    %dma_start3A_102 = tpu.memref_squeeze %dma_start3A_101 : memref<1x!tpu.dma_semaphore, #tpu.memory_space<semaphore_mem>> -> memref<!tpu.dma_semaphore, #tpu.memory_space<semaphore_mem>>
    %dma_start3A_103 = arith.constant 0 : i32
    %dma_start3A_104 = tpu.memref_slice %arg5[%add3A_94, %dma_start3A_103] : memref<102400x128xf32, #tpu.memory_space<hbm>> -> memref<32x128xf32, #tpu.memory_space<hbm>>
    %dma_start3A_105 = arith.constant 96 : i32
    %dma_start3A_106 = arith.constant 0 : i32
    %dma_start3A_107 = tpu.memref_slice %arg9[%dma_start3A_105, %dma_start3A_106] : memref<128x128xf32, #tpu.memory_space<vmem>> -> memref<32x128xf32, #tpu.memory_space<vmem>>
    tpu.enqueue_dma source(%dma_start3A_107 : memref<32x128xf32, #tpu.memory_space<vmem>>) target(%dma_start3A_104 : memref<32x128xf32, #tpu.memory_space<hbm>>) target_semaphore(%dma_start3A_102 : memref<!tpu.dma_semaphore, #tpu.memory_space<semaphore_mem>>)
    %dma_wait3A_108 = arith.constant 0 : i32
    %dma_wait3A_109 = arith.constant 0 : i32
    %dma_wait3A_110 = arith.constant 0 : i32
    %dma_wait3A_111 = tpu.memref_slice %arg5[%dma_wait3A_109, %dma_wait3A_110] : memref<102400x128xf32, #tpu.memory_space<hbm>> -> memref<128x128xf32, #tpu.memory_space<hbm>>
    %dma_wait3A_112 = tpu.memref_slice %arg14[%dma_wait3A_108] : memref<4x!tpu.dma_semaphore, #tpu.memory_space<semaphore_mem>> -> memref<1x!tpu.dma_semaphore, #tpu.memory_space<semaphore_mem>>
    %dma_wait3A_113 = tpu.memref_squeeze %dma_wait3A_112 : memref<1x!tpu.dma_semaphore, #tpu.memory_space<semaphore_mem>> -> memref<!tpu.dma_semaphore, #tpu.memory_space<semaphore_mem>>
    %dma_wait3A_114 = arith.constant 0 : i32
    %dma_wait3A_115 = arith.constant 0 : i32
    %dma_wait3A_116 = tpu.memref_slice %arg5[%dma_wait3A_114, %dma_wait3A_115] : memref<102400x128xf32, #tpu.memory_space<hbm>> -> memref<128x128xf32, #tpu.memory_space<hbm>>
    tpu.wait_dma2 semaphore(%dma_wait3A_113 : memref<!tpu.dma_semaphore, #tpu.memory_space<semaphore_mem>>) src(%arg9 : memref<128x128xf32, #tpu.memory_space<vmem>>) dst(%dma_wait3A_116 : memref<128x128xf32, #tpu.memory_space<hbm>>)
    %dma_wait3A_117 = arith.constant 1 : i32
    %dma_wait3A_118 = arith.constant 0 : i32
    %dma_wait3A_119 = arith.constant 0 : i32
    %dma_wait3A_120 = tpu.memref_slice %arg5[%dma_wait3A_118, %dma_wait3A_119] : memref<102400x128xf32, #tpu.memory_space<hbm>> -> memref<128x128xf32, #tpu.memory_space<hbm>>
    %dma_wait3A_121 = tpu.memref_slice %arg14[%dma_wait3A_117] : memref<4x!tpu.dma_semaphore, #tpu.memory_space<semaphore_mem>> -> memref<1x!tpu.dma_semaphore, #tpu.memory_space<semaphore_mem>>
    %dma_wait3A_122 = tpu.memref_squeeze %dma_wait3A_121 : memref<1x!tpu.dma_semaphore, #tpu.memory_space<semaphore_mem>> -> memref<!tpu.dma_semaphore, #tpu.memory_space<semaphore_mem>>
    %dma_wait3A_123 = arith.constant 0 : i32
    %dma_wait3A_124 = arith.constant 0 : i32
    %dma_wait3A_125 = tpu.memref_slice %arg5[%dma_wait3A_123, %dma_wait3A_124] : memref<102400x128xf32, #tpu.memory_space<hbm>> -> memref<128x128xf32, #tpu.memory_space<hbm>>
    tpu.wait_dma2 semaphore(%dma_wait3A_122 : memref<!tpu.dma_semaphore, #tpu.memory_space<semaphore_mem>>) src(%arg10 : memref<128x128xf32, #tpu.memory_space<vmem>>) dst(%dma_wait3A_125 : memref<128x128xf32, #tpu.memory_space<hbm>>)
    %dma_wait3A_126 = arith.constant 2 : i32
    %dma_wait3A_127 = arith.constant 0 : i32
    %dma_wait3A_128 = arith.constant 0 : i32
    %dma_wait3A_129 = tpu.memref_slice %arg5[%dma_wait3A_127, %dma_wait3A_128] : memref<102400x128xf32, #tpu.memory_space<hbm>> -> memref<128x128xf32, #tpu.memory_space<hbm>>
    %dma_wait3A_130 = tpu.memref_slice %arg14[%dma_wait3A_126] : memref<4x!tpu.dma_semaphore, #tpu.memory_space<semaphore_mem>> -> memref<1x!tpu.dma_semaphore, #tpu.memory_space<semaphore_mem>>
    %dma_wait3A_131 = tpu.memref_squeeze %dma_wait3A_130 : memref<1x!tpu.dma_semaphore, #tpu.memory_space<semaphore_mem>> -> memref<!tpu.dma_semaphore, #tpu.memory_space<semaphore_mem>>
    %dma_wait3A_132 = arith.constant 0 : i32
    %dma_wait3A_133 = arith.constant 0 : i32
    %dma_wait3A_134 = tpu.memref_slice %arg5[%dma_wait3A_132, %dma_wait3A_133] : memref<102400x128xf32, #tpu.memory_space<hbm>> -> memref<128x128xf32, #tpu.memory_space<hbm>>
    tpu.wait_dma2 semaphore(%dma_wait3A_131 : memref<!tpu.dma_semaphore, #tpu.memory_space<semaphore_mem>>) src(%arg11 : memref<128x128xf32, #tpu.memory_space<vmem>>) dst(%dma_wait3A_134 : memref<128x128xf32, #tpu.memory_space<hbm>>)
    %dma_wait3A_135 = arith.constant 3 : i32
    %dma_wait3A_136 = arith.constant 0 : i32
    %dma_wait3A_137 = arith.constant 0 : i32
    %dma_wait3A_138 = tpu.memref_slice %arg5[%dma_wait3A_136, %dma_wait3A_137] : memref<102400x128xf32, #tpu.memory_space<hbm>> -> memref<128x128xf32, #tpu.memory_space<hbm>>
    %dma_wait3A_139 = tpu.memref_slice %arg14[%dma_wait3A_135] : memref<4x!tpu.dma_semaphore, #tpu.memory_space<semaphore_mem>> -> memref<1x!tpu.dma_semaphore, #tpu.memory_space<semaphore_mem>>
    %dma_wait3A_140 = tpu.memref_squeeze %dma_wait3A_139 : memref<1x!tpu.dma_semaphore, #tpu.memory_space<semaphore_mem>> -> memref<!tpu.dma_semaphore, #tpu.memory_space<semaphore_mem>>
    %dma_wait3A_141 = arith.constant 0 : i32
    %dma_wait3A_142 = arith.constant 0 : i32
    %dma_wait3A_143 = tpu.memref_slice %arg5[%dma_wait3A_141, %dma_wait3A_142] : memref<102400x128xf32, #tpu.memory_space<hbm>> -> memref<128x128xf32, #tpu.memory_space<hbm>>
    tpu.wait_dma2 semaphore(%dma_wait3A_140 : memref<!tpu.dma_semaphore, #tpu.memory_space<semaphore_mem>>) src(%arg12 : memref<128x128xf32, #tpu.memory_space<vmem>>) dst(%dma_wait3A_143 : memref<128x128xf32, #tpu.memory_space<hbm>>)
    return
  }
}

#map = affine_map<(d0, d1) -> (0)>
#map1 = affine_map<(d0, d1) -> (0, 0)>
module attributes {stable_mosaic.version = 14 : i64} {
  func.func @_sc_gather_body(%arg0: i32, %arg1: i32, %arg2: memref<1024xi32, #tpu.memory_space<hbm>>, %arg3: memref<20000x128xi32, #tpu.memory_space<hbm>>, %arg4: memref<100000x128xf32, #tpu.memory_space<hbm>>, %arg5: memref<102400x128xf32, #tpu.memory_space<hbm>>, %arg6: memref<32xi32, #tpu.memory_space<vmem>>, %arg7: memref<32x128xi32, #tpu.memory_space<vmem>>, %arg8: memref<3200xi32, #tpu.memory_space<vmem>>, %arg9: memref<128x128xf32, #tpu.memory_space<vmem>>, %arg10: memref<128x128xf32, #tpu.memory_space<vmem>>, %arg11: memref<128x128xf32, #tpu.memory_space<vmem>>, %arg12: memref<128x128xf32, #tpu.memory_space<vmem>>, %arg13: memref<4x!tpu.dma_semaphore, #tpu.memory_space<semaphore_mem>>, %arg14: memref<4x!tpu.dma_semaphore, #tpu.memory_space<semaphore_mem>>) attributes {dimension_semantics = [#tpu.dimension_semantics<core_parallel>, #tpu.dimension_semantics<subcore_parallel>], iteration_bounds = array<i64: 2, 16>, scalar_prefetch = 0 : i64, scratch_operands = 9 : i64, tpu.core_type = #tpu.core_type<sc_vector_subcore>, window_params = [{transform_indices = #map}, {transform_indices = #map1}, {transform_indices = #map1}, {transform_indices = #map1}]} {
    %mul3A = arith.constant 2 : i32
    %mul3A_0 = arith.muli %arg1, %mul3A : i32
    %add3A = arith.addi %mul3A_0, %arg0 : i32
    %mul3A_1 = arith.constant 32 : i32
    %mul3A_2 = arith.muli %add3A, %mul3A_1 : i32
    "tpu.region"() ({
      %run_scoped3A = tpu.sem_alloc : memref<!tpu.dma_semaphore, #tpu.memory_space<semaphore_mem>>
      %dma_start3A_144 = tpu.memref_slice %arg2[%mul3A_2] : memref<1024xi32, #tpu.memory_space<hbm>> -> memref<32xi32, #tpu.memory_space<hbm>>
      %dma_start3A_145 = tpu.memref_slice %arg2[%mul3A_2] : memref<1024xi32, #tpu.memory_space<hbm>> -> memref<32xi32, #tpu.memory_space<hbm>>
      tpu.enqueue_dma source(%dma_start3A_145 : memref<32xi32, #tpu.memory_space<hbm>>) target(%arg6 : memref<32xi32, #tpu.memory_space<vmem>>) target_semaphore(%run_scoped3A : memref<!tpu.dma_semaphore, #tpu.memory_space<semaphore_mem>>)
      %dma_wait3A_146 = tpu.memref_slice %arg2[%mul3A_2] : memref<1024xi32, #tpu.memory_space<hbm>> -> memref<32xi32, #tpu.memory_space<hbm>>
      %dma_wait3A_147 = tpu.memref_slice %arg2[%mul3A_2] : memref<1024xi32, #tpu.memory_space<hbm>> -> memref<32xi32, #tpu.memory_space<hbm>>
      tpu.wait_dma2 semaphore(%run_scoped3A : memref<!tpu.dma_semaphore, #tpu.memory_space<semaphore_mem>>) src(%dma_wait3A_147 : memref<32xi32, #tpu.memory_space<hbm>>) dst(%arg6 : memref<32xi32, #tpu.memory_space<vmem>>)
      tpu.yield
    }) : () -> ()
    %dma_start3A = arith.constant 0 : i32
    %dma_start3A_3 = arith.constant 0 : i32
    %dma_start3A_4 = arith.constant 0 : i32
    %dma_start3A_5 = tpu.memref_slice %arg3[%dma_start3A_3, %dma_start3A_4] : memref<20000x128xi32, #tpu.memory_space<hbm>> -> memref<20000x128xi32, #tpu.memory_space<hbm>>
    %dma_start3A_6 = tpu.memref_slice %arg13[%dma_start3A] : memref<4x!tpu.dma_semaphore, #tpu.memory_space<semaphore_mem>> -> memref<1x!tpu.dma_semaphore, #tpu.memory_space<semaphore_mem>>
    %dma_start3A_7 = tpu.memref_squeeze %dma_start3A_6 : memref<1x!tpu.dma_semaphore, #tpu.memory_space<semaphore_mem>> -> memref<!tpu.dma_semaphore, #tpu.memory_space<semaphore_mem>>
    tpu.enqueue_indirect_dma source(%dma_start3A_5 : memref<20000x128xi32, #tpu.memory_space<hbm>>) target(%arg7 : memref<32x128xi32, #tpu.memory_space<vmem>>) offsets(%arg6 : memref<32xi32, #tpu.memory_space<vmem>>) semaphore(%dma_start3A_7 : memref<!tpu.dma_semaphore, #tpu.memory_space<semaphore_mem>>)
    %dma_wait3A = arith.constant 0 : i32
    %dma_wait3A_8 = arith.constant 0 : i32
    %dma_wait3A_9 = arith.constant 0 : i32
    %dma_wait3A_10 = tpu.memref_slice %arg3[%dma_wait3A_8, %dma_wait3A_9] : memref<20000x128xi32, #tpu.memory_space<hbm>> -> memref<20000x128xi32, #tpu.memory_space<hbm>>
    %dma_wait3A_11 = tpu.memref_slice %arg13[%dma_wait3A] : memref<4x!tpu.dma_semaphore, #tpu.memory_space<semaphore_mem>> -> memref<1x!tpu.dma_semaphore, #tpu.memory_space<semaphore_mem>>
    %dma_wait3A_12 = tpu.memref_squeeze %dma_wait3A_11 : memref<1x!tpu.dma_semaphore, #tpu.memory_space<semaphore_mem>> -> memref<!tpu.dma_semaphore, #tpu.memory_space<semaphore_mem>>
    tpu.wait_indirect_dma semaphore(%dma_wait3A_12 : memref<!tpu.dma_semaphore, #tpu.memory_space<semaphore_mem>>) src(%dma_wait3A_10 : memref<20000x128xi32, #tpu.memory_space<hbm>>) dst(%arg7 : memref<32x128xi32, #tpu.memory_space<vmem>>)
    %iota3A = tpu.iota {dimensions = array<i32: 0>} : vector<16xi32>
    %scan3A = arith.constant 0 : i32
    %scan3A_13 = arith.constant 0 : i32
    %scan3A_14 = arith.constant 100 : i32
    %scan3A_15 = arith.addi %scan3A_13, %scan3A_14 : i32
    %scan3A_16 = arith.constant 1 : i32
    scf.for %scan3A_144 = %scan3A_13 to %scan3A_15 step %scan3A_16  : i32 {
      %add3A_145 = arith.constant 0 : i32
      %add3A_146 = vector.broadcast %add3A_145 : i32 to vector<16xi32>
      %add3A_147 = arith.addi %iota3A, %add3A_146 : vector<16xi32>
      %mul3A_148 = arith.constant 0 : i32
      %mul3A_149 = vector.broadcast %mul3A_148 : i32 to vector<16xi32>
      %mul3A_150 = arith.muli %iota3A, %mul3A_149 : vector<16xi32>
      %add3A_151 = vector.broadcast %scan3A_144 : i32 to vector<16xi32>
      %add3A_152 = arith.addi %mul3A_150, %add3A_151 : vector<16xi32>
      %gather3A = tpu.vector_load_idx %arg7[%add3A_147, %add3A_152] : memref<32x128xi32, #tpu.memory_space<vmem>>[vector<16xi32>, vector<16xi32>], vector<16xi32>,
      %mul3A_153 = arith.constant 32 : i32
      %mul3A_154 = arith.muli %scan3A_144, %mul3A_153 : i32
      %add3A_155 = arith.constant 0 : i32
      %add3A_156 = arith.addi %mul3A_154, %add3A_155 : i32
      %swap3A = arith.index_cast %add3A_156 : i32 to index
      %swap3A_157 = tpu.vector_load %arg8[%swap3A] {strides = array<i32>} : memref<3200xi32, #tpu.memory_space<vmem>>, vector<16xi32>,
      tpu.vector_store %arg8[%swap3A], %gather3A {strides = array<i32>} : memref<3200xi32, #tpu.memory_space<vmem>>, vector<16xi32>,
      %add3A_158 = arith.constant 16 : i32
      %add3A_159 = vector.broadcast %add3A_158 : i32 to vector<16xi32>
      %add3A_160 = arith.addi %iota3A, %add3A_159 : vector<16xi32>
      %mul3A_161 = arith.constant 0 : i32
      %mul3A_162 = vector.broadcast %mul3A_161 : i32 to vector<16xi32>
      %mul3A_163 = arith.muli %iota3A, %mul3A_162 : vector<16xi32>
      %add3A_164 = vector.broadcast %scan3A_144 : i32 to vector<16xi32>
      %add3A_165 = arith.addi %mul3A_163, %add3A_164 : vector<16xi32>
      %gather3A_166 = tpu.vector_load_idx %arg7[%add3A_160, %add3A_165] : memref<32x128xi32, #tpu.memory_space<vmem>>[vector<16xi32>, vector<16xi32>], vector<16xi32>,
      %mul3A_167 = arith.constant 32 : i32
      %mul3A_168 = arith.muli %scan3A_144, %mul3A_167 : i32
      %add3A_169 = arith.constant 16 : i32
      %add3A_170 = arith.addi %mul3A_168, %add3A_169 : i32
      %swap3A_171 = arith.index_cast %add3A_170 : i32 to index
      %swap3A_172 = tpu.vector_load %arg8[%swap3A_171] {strides = array<i32>} : memref<3200xi32, #tpu.memory_space<vmem>>, vector<16xi32>,
      tpu.vector_store %arg8[%swap3A_171], %gather3A_166 {strides = array<i32>} : memref<3200xi32, #tpu.memory_space<vmem>>, vector<16xi32>,
    }
    %scan3A_17 = arith.constant 100 : i32
    %dma_start3A_18 = arith.constant 0 : i32
    %dma_start3A_19 = arith.constant 0 : i32
    %dma_start3A_20 = tpu.memref_slice %arg8[%dma_start3A_19] : memref<3200xi32, #tpu.memory_space<vmem>> -> memref<128xi32, #tpu.memory_space<vmem>>
    %dma_start3A_21 = arith.constant 0 : i32
    %dma_start3A_22 = arith.constant 0 : i32
    %dma_start3A_23 = tpu.memref_slice %arg4[%dma_start3A_21, %dma_start3A_22] : memref<100000x128xf32, #tpu.memory_space<hbm>> -> memref<100000x128xf32, #tpu.memory_space<hbm>>
    %dma_start3A_24 = tpu.memref_slice %arg13[%dma_start3A_18] : memref<4x!tpu.dma_semaphore, #tpu.memory_space<semaphore_mem>> -> memref<1x!tpu.dma_semaphore, #tpu.memory_space<semaphore_mem>>
    %dma_start3A_25 = tpu.memref_squeeze %dma_start3A_24 : memref<1x!tpu.dma_semaphore, #tpu.memory_space<semaphore_mem>> -> memref<!tpu.dma_semaphore, #tpu.memory_space<semaphore_mem>>
    tpu.enqueue_indirect_dma source(%dma_start3A_23 : memref<100000x128xf32, #tpu.memory_space<hbm>>) target(%arg9 : memref<128x128xf32, #tpu.memory_space<vmem>>) offsets(%dma_start3A_20 : memref<128xi32, #tpu.memory_space<vmem>>) semaphore(%dma_start3A_25 : memref<!tpu.dma_semaphore, #tpu.memory_space<semaphore_mem>>)
    %dma_start3A_26 = arith.constant 1 : i32
    %dma_start3A_27 = arith.constant 128 : i32
    %dma_start3A_28 = tpu.memref_slice %arg8[%dma_start3A_27] : memref<3200xi32, #tpu.memory_space<vmem>> -> memref<128xi32, #tpu.memory_space<vmem>>
    %dma_start3A_29 = arith.constant 0 : i32
    %dma_start3A_30 = arith.constant 0 : i32
    %dma_start3A_31 = tpu.memref_slice %arg4[%dma_start3A_29, %dma_start3A_30] : memref<100000x128xf32, #tpu.memory_space<hbm>> -> memref<100000x128xf32, #tpu.memory_space<hbm>>
    %dma_start3A_32 = tpu.memref_slice %arg13[%dma_start3A_26] : memref<4x!tpu.dma_semaphore, #tpu.memory_space<semaphore_mem>> -> memref<1x!tpu.dma_semaphore, #tpu.memory_space<semaphore_mem>>
    %dma_start3A_33 = tpu.memref_squeeze %dma_start3A_32 : memref<1x!tpu.dma_semaphore, #tpu.memory_space<semaphore_mem>> -> memref<!tpu.dma_semaphore, #tpu.memory_space<semaphore_mem>>
    tpu.enqueue_indirect_dma source(%dma_start3A_31 : memref<100000x128xf32, #tpu.memory_space<hbm>>) target(%arg10 : memref<128x128xf32, #tpu.memory_space<vmem>>) offsets(%dma_start3A_28 : memref<128xi32, #tpu.memory_space<vmem>>) semaphore(%dma_start3A_33 : memref<!tpu.dma_semaphore, #tpu.memory_space<semaphore_mem>>)
    %scan3A_34 = arith.constant 0 : i32
    %scan3A_35 = arith.constant 0 : i32
    %scan3A_36 = arith.constant 6 : i32
    %scan3A_37 = arith.addi %scan3A_35, %scan3A_36 : i32
    %scan3A_38 = arith.constant 1 : i32
    scf.for %scan3A_144 = %scan3A_35 to %scan3A_37 step %scan3A_38  : i32 {
      %mul3A_145 = arith.constant 4 : i32
      %mul3A_146 = arith.muli %scan3A_144, %mul3A_145 : i32
      %add3A_147 = arith.constant 0 : i32
      %add3A_148 = arith.addi %mul3A_146, %add3A_147 : i32
      %mul3A_149 = arith.constant 4 : i32
      %mul3A_150 = arith.muli %add3A_148, %mul3A_149 : i32
      %mul3A_151 = arith.constant 32 : i32
      %mul3A_152 = arith.muli %mul3A_150, %mul3A_151 : i32
      %dma_wait3A_153 = arith.constant 0 : i32
      %dma_wait3A_154 = tpu.memref_slice %arg8[%mul3A_152] : memref<3200xi32, #tpu.memory_space<vmem>> -> memref<128xi32, #tpu.memory_space<vmem>>
      %dma_wait3A_155 = arith.constant 0 : i32
      %dma_wait3A_156 = arith.constant 0 : i32
      %dma_wait3A_157 = tpu.memref_slice %arg4[%dma_wait3A_155, %dma_wait3A_156] : memref<100000x128xf32, #tpu.memory_space<hbm>> -> memref<100000x128xf32, #tpu.memory_space<hbm>>
      %dma_wait3A_158 = tpu.memref_slice %arg13[%dma_wait3A_153] : memref<4x!tpu.dma_semaphore, #tpu.memory_space<semaphore_mem>> -> memref<1x!tpu.dma_semaphore, #tpu.memory_space<semaphore_mem>>
      %dma_wait3A_159 = tpu.memref_squeeze %dma_wait3A_158 : memref<1x!tpu.dma_semaphore, #tpu.memory_space<semaphore_mem>> -> memref<!tpu.dma_semaphore, #tpu.memory_space<semaphore_mem>>
      tpu.wait_indirect_dma semaphore(%dma_wait3A_159 : memref<!tpu.dma_semaphore, #tpu.memory_space<semaphore_mem>>) src(%dma_wait3A_157 : memref<100000x128xf32, #tpu.memory_space<hbm>>) dst(%arg9 : memref<128x128xf32, #tpu.memory_space<vmem>>)
      %mul3A_160 = arith.constant 4 : i32
      %mul3A_161 = arith.muli %add3A_148, %mul3A_160 : i32
      %add3A_162 = arith.constant 0 : i32
      %add3A_163 = arith.addi %mul3A_161, %add3A_162 : i32
      %mul3A_164 = arith.constant 1024 : i32
      %mul3A_165 = arith.muli %add3A_163, %mul3A_164 : i32
      %add3A_166 = arith.addi %mul3A_165, %mul3A_2 : i32
      %dma_start3A_167 = arith.constant 0 : i32
      %dma_start3A_168 = arith.constant 0 : i32
      %dma_start3A_169 = arith.constant 0 : i32
      %dma_start3A_170 = tpu.memref_slice %arg9[%dma_start3A_168, %dma_start3A_169] : memref<128x128xf32, #tpu.memory_space<vmem>> -> memref<32x128xf32, #tpu.memory_space<vmem>>
      %dma_start3A_171 = arith.constant 0 : i32
      %dma_start3A_172 = tpu.memref_slice %arg5[%add3A_166, %dma_start3A_171] : memref<102400x128xf32, #tpu.memory_space<hbm>> -> memref<32x128xf32, #tpu.memory_space<hbm>>
      %dma_start3A_173 = tpu.memref_slice %arg14[%dma_start3A_167] : memref<4x!tpu.dma_semaphore, #tpu.memory_space<semaphore_mem>> -> memref<1x!tpu.dma_semaphore, #tpu.memory_space<semaphore_mem>>
      %dma_start3A_174 = tpu.memref_squeeze %dma_start3A_173 : memref<1x!tpu.dma_semaphore, #tpu.memory_space<semaphore_mem>> -> memref<!tpu.dma_semaphore, #tpu.memory_space<semaphore_mem>>
      %dma_start3A_175 = arith.constant 0 : i32
      %dma_start3A_176 = tpu.memref_slice %arg5[%add3A_166, %dma_start3A_175] : memref<102400x128xf32, #tpu.memory_space<hbm>> -> memref<32x128xf32, #tpu.memory_space<hbm>>
      %dma_start3A_177 = arith.constant 0 : i32
      %dma_start3A_178 = arith.constant 0 : i32
      %dma_start3A_179 = tpu.memref_slice %arg9[%dma_start3A_177, %dma_start3A_178] : memref<128x128xf32, #tpu.memory_space<vmem>> -> memref<32x128xf32, #tpu.memory_space<vmem>>
      tpu.enqueue_dma source(%dma_start3A_179 : memref<32x128xf32, #tpu.memory_space<vmem>>) target(%dma_start3A_176 : memref<32x128xf32, #tpu.memory_space<hbm>>) target_semaphore(%dma_start3A_174 : memref<!tpu.dma_semaphore, #tpu.memory_space<semaphore_mem>>)
      %mul3A_180 = arith.constant 4 : i32
      %mul3A_181 = arith.muli %add3A_148, %mul3A_180 : i32
      %add3A_182 = arith.constant 1 : i32
      %add3A_183 = arith.addi %mul3A_181, %add3A_182 : i32
      %mul3A_184 = arith.constant 1024 : i32
      %mul3A_185 = arith.muli %add3A_183, %mul3A_184 : i32
      %add3A_186 = arith.addi %mul3A_185, %mul3A_2 : i32
      %dma_start3A_187 = arith.constant 0 : i32
      %dma_start3A_188 = arith.constant 32 : i32
      %dma_start3A_189 = arith.constant 0 : i32
      %dma_start3A_190 = tpu.memref_slice %arg9[%dma_start3A_188, %dma_start3A_189] : memref<128x128xf32, #tpu.memory_space<vmem>> -> memref<32x128xf32, #tpu.memory_space<vmem>>
      %dma_start3A_191 = arith.constant 0 : i32
      %dma_start3A_192 = tpu.memref_slice %arg5[%add3A_186, %dma_start3A_191] : memref<102400x128xf32, #tpu.memory_space<hbm>> -> memref<32x128xf32, #tpu.memory_space<hbm>>
      %dma_start3A_193 = tpu.memref_slice %arg14[%dma_start3A_187] : memref<4x!tpu.dma_semaphore, #tpu.memory_space<semaphore_mem>> -> memref<1x!tpu.dma_semaphore, #tpu.memory_space<semaphore_mem>>
      %dma_start3A_194 = tpu.memref_squeeze %dma_start3A_193 : memref<1x!tpu.dma_semaphore, #tpu.memory_space<semaphore_mem>> -> memref<!tpu.dma_semaphore, #tpu.memory_space<semaphore_mem>>
      %dma_start3A_195 = arith.constant 0 : i32
      %dma_start3A_196 = tpu.memref_slice %arg5[%add3A_186, %dma_start3A_195] : memref<102400x128xf32, #tpu.memory_space<hbm>> -> memref<32x128xf32, #tpu.memory_space<hbm>>
      %dma_start3A_197 = arith.constant 32 : i32
      %dma_start3A_198 = arith.constant 0 : i32
      %dma_start3A_199 = tpu.memref_slice %arg9[%dma_start3A_197, %dma_start3A_198] : memref<128x128xf32, #tpu.memory_space<vmem>> -> memref<32x128xf32, #tpu.memory_space<vmem>>
      tpu.enqueue_dma source(%dma_start3A_199 : memref<32x128xf32, #tpu.memory_space<vmem>>) target(%dma_start3A_196 : memref<32x128xf32, #tpu.memory_space<hbm>>) target_semaphore(%dma_start3A_194 : memref<!tpu.dma_semaphore, #tpu.memory_space<semaphore_mem>>)
      %mul3A_200 = arith.constant 4 : i32
      %mul3A_201 = arith.muli %add3A_148, %mul3A_200 : i32
      %add3A_202 = arith.constant 2 : i32
      %add3A_203 = arith.addi %mul3A_201, %add3A_202 : i32
      %mul3A_204 = arith.constant 1024 : i32
      %mul3A_205 = arith.muli %add3A_203, %mul3A_204 : i32
      %add3A_206 = arith.addi %mul3A_205, %mul3A_2 : i32
      %dma_start3A_207 = arith.constant 0 : i32
      %dma_start3A_208 = arith.constant 64 : i32
      %dma_start3A_209 = arith.constant 0 : i32
      %dma_start3A_210 = tpu.memref_slice %arg9[%dma_start3A_208, %dma_start3A_209] : memref<128x128xf32, #tpu.memory_space<vmem>> -> memref<32x128xf32, #tpu.memory_space<vmem>>
      %dma_start3A_211 = arith.constant 0 : i32
      %dma_start3A_212 = tpu.memref_slice %arg5[%add3A_206, %dma_start3A_211] : memref<102400x128xf32, #tpu.memory_space<hbm>> -> memref<32x128xf32, #tpu.memory_space<hbm>>
      %dma_start3A_213 = tpu.memref_slice %arg14[%dma_start3A_207] : memref<4x!tpu.dma_semaphore, #tpu.memory_space<semaphore_mem>> -> memref<1x!tpu.dma_semaphore, #tpu.memory_space<semaphore_mem>>
      %dma_start3A_214 = tpu.memref_squeeze %dma_start3A_213 : memref<1x!tpu.dma_semaphore, #tpu.memory_space<semaphore_mem>> -> memref<!tpu.dma_semaphore, #tpu.memory_space<semaphore_mem>>
      %dma_start3A_215 = arith.constant 0 : i32
      %dma_start3A_216 = tpu.memref_slice %arg5[%add3A_206, %dma_start3A_215] : memref<102400x128xf32, #tpu.memory_space<hbm>> -> memref<32x128xf32, #tpu.memory_space<hbm>>
      %dma_start3A_217 = arith.constant 64 : i32
      %dma_start3A_218 = arith.constant 0 : i32
      %dma_start3A_219 = tpu.memref_slice %arg9[%dma_start3A_217, %dma_start3A_218] : memref<128x128xf32, #tpu.memory_space<vmem>> -> memref<32x128xf32, #tpu.memory_space<vmem>>
      tpu.enqueue_dma source(%dma_start3A_219 : memref<32x128xf32, #tpu.memory_space<vmem>>) target(%dma_start3A_216 : memref<32x128xf32, #tpu.memory_space<hbm>>) target_semaphore(%dma_start3A_214 : memref<!tpu.dma_semaphore, #tpu.memory_space<semaphore_mem>>)
      %mul3A_220 = arith.constant 4 : i32
      %mul3A_221 = arith.muli %add3A_148, %mul3A_220 : i32
      %add3A_222 = arith.constant 3 : i32
      %add3A_223 = arith.addi %mul3A_221, %add3A_222 : i32
      %mul3A_224 = arith.constant 1024 : i32
      %mul3A_225 = arith.muli %add3A_223, %mul3A_224 : i32
      %add3A_226 = arith.addi %mul3A_225, %mul3A_2 : i32
      %dma_start3A_227 = arith.constant 0 : i32
      %dma_start3A_228 = arith.constant 96 : i32
      %dma_start3A_229 = arith.constant 0 : i32
      %dma_start3A_230 = tpu.memref_slice %arg9[%dma_start3A_228, %dma_start3A_229] : memref<128x128xf32, #tpu.memory_space<vmem>> -> memref<32x128xf32, #tpu.memory_space<vmem>>
      %dma_start3A_231 = arith.constant 0 : i32
      %dma_start3A_232 = tpu.memref_slice %arg5[%add3A_226, %dma_start3A_231] : memref<102400x128xf32, #tpu.memory_space<hbm>> -> memref<32x128xf32, #tpu.memory_space<hbm>>
      %dma_start3A_233 = tpu.memref_slice %arg14[%dma_start3A_227] : memref<4x!tpu.dma_semaphore, #tpu.memory_space<semaphore_mem>> -> memref<1x!tpu.dma_semaphore, #tpu.memory_space<semaphore_mem>>
      %dma_start3A_234 = tpu.memref_squeeze %dma_start3A_233 : memref<1x!tpu.dma_semaphore, #tpu.memory_space<semaphore_mem>> -> memref<!tpu.dma_semaphore, #tpu.memory_space<semaphore_mem>>
      %dma_start3A_235 = arith.constant 0 : i32
      %dma_start3A_236 = tpu.memref_slice %arg5[%add3A_226, %dma_start3A_235] : memref<102400x128xf32, #tpu.memory_space<hbm>> -> memref<32x128xf32, #tpu.memory_space<hbm>>
      %dma_start3A_237 = arith.constant 96 : i32
      %dma_start3A_238 = arith.constant 0 : i32
      %dma_start3A_239 = tpu.memref_slice %arg9[%dma_start3A_237, %dma_start3A_238] : memref<128x128xf32, #tpu.memory_space<vmem>> -> memref<32x128xf32, #tpu.memory_space<vmem>>
      tpu.enqueue_dma source(%dma_start3A_239 : memref<32x128xf32, #tpu.memory_space<vmem>>) target(%dma_start3A_236 : memref<32x128xf32, #tpu.memory_space<hbm>>) target_semaphore(%dma_start3A_234 : memref<!tpu.dma_semaphore, #tpu.memory_space<semaphore_mem>>)
      %add3A_240 = arith.constant 2 : i32
      %add3A_241 = arith.addi %add3A_148, %add3A_240 : i32
      %lt3A = arith.constant 25 : i32
      %lt3A_242 = arith.cmpi slt, %add3A_241, %lt3A : i32
      %convert_element_type3A = arith.extui %lt3A_242 : i1 to i32
      %cond3A = arith.constant 0 : i32
      %cond3A_243 = arith.cmpi ne, %convert_element_type3A, %cond3A : i32
      scf.if %cond3A_243 {
        %ge3A = arith.constant 2 : i32
        %ge3A_550 = arith.cmpi sge, %add3A_148, %ge3A : i32
        %convert_element_type3A_551 = arith.extui %ge3A_550 : i1 to i32
        %cond3A_552 = arith.constant 0 : i32
        %cond3A_553 = arith.cmpi ne, %convert_element_type3A_551, %cond3A_552 : i32
        scf.if %cond3A_553 {
          %dma_wait3A_565 = arith.constant 2 : i32
          %dma_wait3A_566 = arith.constant 0 : i32
          %dma_wait3A_567 = arith.constant 0 : i32
          %dma_wait3A_568 = tpu.memref_slice %arg5[%dma_wait3A_566, %dma_wait3A_567] : memref<102400x128xf32, #tpu.memory_space<hbm>> -> memref<128x128xf32, #tpu.memory_space<hbm>>
          %dma_wait3A_569 = tpu.memref_slice %arg14[%dma_wait3A_565] : memref<4x!tpu.dma_semaphore, #tpu.memory_space<semaphore_mem>> -> memref<1x!tpu.dma_semaphore, #tpu.memory_space<semaphore_mem>>
          %dma_wait3A_570 = tpu.memref_squeeze %dma_wait3A_569 : memref<1x!tpu.dma_semaphore, #tpu.memory_space<semaphore_mem>> -> memref<!tpu.dma_semaphore, #tpu.memory_space<semaphore_mem>>
          %dma_wait3A_571 = arith.constant 0 : i32
          %dma_wait3A_572 = arith.constant 0 : i32
          %dma_wait3A_573 = tpu.memref_slice %arg5[%dma_wait3A_571, %dma_wait3A_572] : memref<102400x128xf32, #tpu.memory_space<hbm>> -> memref<128x128xf32, #tpu.memory_space<hbm>>
          tpu.wait_dma2 semaphore(%dma_wait3A_570 : memref<!tpu.dma_semaphore, #tpu.memory_space<semaphore_mem>>) src(%arg11 : memref<128x128xf32, #tpu.memory_space<vmem>>) dst(%dma_wait3A_573 : memref<128x128xf32, #tpu.memory_space<hbm>>)
        } else {
        }
        %mul3A_554 = arith.constant 4 : i32
        %mul3A_555 = arith.muli %add3A_241, %mul3A_554 : i32
        %mul3A_556 = arith.constant 32 : i32
        %mul3A_557 = arith.muli %mul3A_555, %mul3A_556 : i32
        %dma_start3A_558 = arith.constant 2 : i32
        %dma_start3A_559 = tpu.memref_slice %arg8[%mul3A_557] : memref<3200xi32, #tpu.memory_space<vmem>> -> memref<128xi32, #tpu.memory_space<vmem>>
        %dma_start3A_560 = arith.constant 0 : i32
        %dma_start3A_561 = arith.constant 0 : i32
        %dma_start3A_562 = tpu.memref_slice %arg4[%dma_start3A_560, %dma_start3A_561] : memref<100000x128xf32, #tpu.memory_space<hbm>> -> memref<100000x128xf32, #tpu.memory_space<hbm>>
        %dma_start3A_563 = tpu.memref_slice %arg13[%dma_start3A_558] : memref<4x!tpu.dma_semaphore, #tpu.memory_space<semaphore_mem>> -> memref<1x!tpu.dma_semaphore, #tpu.memory_space<semaphore_mem>>
        %dma_start3A_564 = tpu.memref_squeeze %dma_start3A_563 : memref<1x!tpu.dma_semaphore, #tpu.memory_space<semaphore_mem>> -> memref<!tpu.dma_semaphore, #tpu.memory_space<semaphore_mem>>
        tpu.enqueue_indirect_dma source(%dma_start3A_562 : memref<100000x128xf32, #tpu.memory_space<hbm>>) target(%arg11 : memref<128x128xf32, #tpu.memory_space<vmem>>) offsets(%dma_start3A_559 : memref<128xi32, #tpu.memory_space<vmem>>) semaphore(%dma_start3A_564 : memref<!tpu.dma_semaphore, #tpu.memory_space<semaphore_mem>>)
      } else {
      }
      %mul3A_244 = arith.constant 4 : i32
      %mul3A_245 = arith.muli %scan3A_144, %mul3A_244 : i32
      %add3A_246 = arith.constant 1 : i32
      %add3A_247 = arith.addi %mul3A_245, %add3A_246 : i32
      %mul3A_248 = arith.constant 4 : i32
      %mul3A_249 = arith.muli %add3A_247, %mul3A_248 : i32
      %mul3A_250 = arith.constant 32 : i32
      %mul3A_251 = arith.muli %mul3A_249, %mul3A_250 : i32
      %dma_wait3A_252 = arith.constant 1 : i32
      %dma_wait3A_253 = tpu.memref_slice %arg8[%mul3A_251] : memref<3200xi32, #tpu.memory_space<vmem>> -> memref<128xi32, #tpu.memory_space<vmem>>
      %dma_wait3A_254 = arith.constant 0 : i32
      %dma_wait3A_255 = arith.constant 0 : i32
      %dma_wait3A_256 = tpu.memref_slice %arg4[%dma_wait3A_254, %dma_wait3A_255] : memref<100000x128xf32, #tpu.memory_space<hbm>> -> memref<100000x128xf32, #tpu.memory_space<hbm>>
      %dma_wait3A_257 = tpu.memref_slice %arg13[%dma_wait3A_252] : memref<4x!tpu.dma_semaphore, #tpu.memory_space<semaphore_mem>> -> memref<1x!tpu.dma_semaphore, #tpu.memory_space<semaphore_mem>>
      %dma_wait3A_258 = tpu.memref_squeeze %dma_wait3A_257 : memref<1x!tpu.dma_semaphore, #tpu.memory_space<semaphore_mem>> -> memref<!tpu.dma_semaphore, #tpu.memory_space<semaphore_mem>>
      tpu.wait_indirect_dma semaphore(%dma_wait3A_258 : memref<!tpu.dma_semaphore, #tpu.memory_space<semaphore_mem>>) src(%dma_wait3A_256 : memref<100000x128xf32, #tpu.memory_space<hbm>>) dst(%arg10 : memref<128x128xf32, #tpu.memory_space<vmem>>)
      %mul3A_259 = arith.constant 4 : i32
      %mul3A_260 = arith.muli %add3A_247, %mul3A_259 : i32
      %add3A_261 = arith.constant 0 : i32
      %add3A_262 = arith.addi %mul3A_260, %add3A_261 : i32
      %mul3A_263 = arith.constant 1024 : i32
      %mul3A_264 = arith.muli %add3A_262, %mul3A_263 : i32
      %add3A_265 = arith.addi %mul3A_264, %mul3A_2 : i32
      %dma_start3A_266 = arith.constant 1 : i32
      %dma_start3A_267 = arith.constant 0 : i32
      %dma_start3A_268 = arith.constant 0 : i32
      %dma_start3A_269 = tpu.memref_slice %arg10[%dma_start3A_267, %dma_start3A_268] : memref<128x128xf32, #tpu.memory_space<vmem>> -> memref<32x128xf32, #tpu.memory_space<vmem>>
      %dma_start3A_270 = arith.constant 0 : i32
      %dma_start3A_271 = tpu.memref_slice %arg5[%add3A_265, %dma_start3A_270] : memref<102400x128xf32, #tpu.memory_space<hbm>> -> memref<32x128xf32, #tpu.memory_space<hbm>>
      %dma_start3A_272 = tpu.memref_slice %arg14[%dma_start3A_266] : memref<4x!tpu.dma_semaphore, #tpu.memory_space<semaphore_mem>> -> memref<1x!tpu.dma_semaphore, #tpu.memory_space<semaphore_mem>>
      %dma_start3A_273 = tpu.memref_squeeze %dma_start3A_272 : memref<1x!tpu.dma_semaphore, #tpu.memory_space<semaphore_mem>> -> memref<!tpu.dma_semaphore, #tpu.memory_space<semaphore_mem>>
      %dma_start3A_274 = arith.constant 0 : i32
      %dma_start3A_275 = tpu.memref_slice %arg5[%add3A_265, %dma_start3A_274] : memref<102400x128xf32, #tpu.memory_space<hbm>> -> memref<32x128xf32, #tpu.memory_space<hbm>>
      %dma_start3A_276 = arith.constant 0 : i32
      %dma_start3A_277 = arith.constant 0 : i32
      %dma_start3A_278 = tpu.memref_slice %arg10[%dma_start3A_276, %dma_start3A_277] : memref<128x128xf32, #tpu.memory_space<vmem>> -> memref<32x128xf32, #tpu.memory_space<vmem>>
      tpu.enqueue_dma source(%dma_start3A_278 : memref<32x128xf32, #tpu.memory_space<vmem>>) target(%dma_start3A_275 : memref<32x128xf32, #tpu.memory_space<hbm>>) target_semaphore(%dma_start3A_273 : memref<!tpu.dma_semaphore, #tpu.memory_space<semaphore_mem>>)
      %mul3A_279 = arith.constant 4 : i32
      %mul3A_280 = arith.muli %add3A_247, %mul3A_279 : i32
      %add3A_281 = arith.constant 1 : i32
      %add3A_282 = arith.addi %mul3A_280, %add3A_281 : i32
      %mul3A_283 = arith.constant 1024 : i32
      %mul3A_284 = arith.muli %add3A_282, %mul3A_283 : i32
      %add3A_285 = arith.addi %mul3A_284, %mul3A_2 : i32
      %dma_start3A_286 = arith.constant 1 : i32
      %dma_start3A_287 = arith.constant 32 : i32
      %dma_start3A_288 = arith.constant 0 : i32
      %dma_start3A_289 = tpu.memref_slice %arg10[%dma_start3A_287, %dma_start3A_288] : memref<128x128xf32, #tpu.memory_space<vmem>> -> memref<32x128xf32, #tpu.memory_space<vmem>>
      %dma_start3A_290 = arith.constant 0 : i32
      %dma_start3A_291 = tpu.memref_slice %arg5[%add3A_285, %dma_start3A_290] : memref<102400x128xf32, #tpu.memory_space<hbm>> -> memref<32x128xf32, #tpu.memory_space<hbm>>
      %dma_start3A_292 = tpu.memref_slice %arg14[%dma_start3A_286] : memref<4x!tpu.dma_semaphore, #tpu.memory_space<semaphore_mem>> -> memref<1x!tpu.dma_semaphore, #tpu.memory_space<semaphore_mem>>
      %dma_start3A_293 = tpu.memref_squeeze %dma_start3A_292 : memref<1x!tpu.dma_semaphore, #tpu.memory_space<semaphore_mem>> -> memref<!tpu.dma_semaphore, #tpu.memory_space<semaphore_mem>>
      %dma_start3A_294 = arith.constant 0 : i32
      %dma_start3A_295 = tpu.memref_slice %arg5[%add3A_285, %dma_start3A_294] : memref<102400x128xf32, #tpu.memory_space<hbm>> -> memref<32x128xf32, #tpu.memory_space<hbm>>
      %dma_start3A_296 = arith.constant 32 : i32
      %dma_start3A_297 = arith.constant 0 : i32
      %dma_start3A_298 = tpu.memref_slice %arg10[%dma_start3A_296, %dma_start3A_297] : memref<128x128xf32, #tpu.memory_space<vmem>> -> memref<32x128xf32, #tpu.memory_space<vmem>>
      tpu.enqueue_dma source(%dma_start3A_298 : memref<32x128xf32, #tpu.memory_space<vmem>>) target(%dma_start3A_295 : memref<32x128xf32, #tpu.memory_space<hbm>>) target_semaphore(%dma_start3A_293 : memref<!tpu.dma_semaphore, #tpu.memory_space<semaphore_mem>>)
      %mul3A_299 = arith.constant 4 : i32
      %mul3A_300 = arith.muli %add3A_247, %mul3A_299 : i32
      %add3A_301 = arith.constant 2 : i32
      %add3A_302 = arith.addi %mul3A_300, %add3A_301 : i32
      %mul3A_303 = arith.constant 1024 : i32
      %mul3A_304 = arith.muli %add3A_302, %mul3A_303 : i32
      %add3A_305 = arith.addi %mul3A_304, %mul3A_2 : i32
      %dma_start3A_306 = arith.constant 1 : i32
      %dma_start3A_307 = arith.constant 64 : i32
      %dma_start3A_308 = arith.constant 0 : i32
      %dma_start3A_309 = tpu.memref_slice %arg10[%dma_start3A_307, %dma_start3A_308] : memref<128x128xf32, #tpu.memory_space<vmem>> -> memref<32x128xf32, #tpu.memory_space<vmem>>
      %dma_start3A_310 = arith.constant 0 : i32
      %dma_start3A_311 = tpu.memref_slice %arg5[%add3A_305, %dma_start3A_310] : memref<102400x128xf32, #tpu.memory_space<hbm>> -> memref<32x128xf32, #tpu.memory_space<hbm>>
      %dma_start3A_312 = tpu.memref_slice %arg14[%dma_start3A_306] : memref<4x!tpu.dma_semaphore, #tpu.memory_space<semaphore_mem>> -> memref<1x!tpu.dma_semaphore, #tpu.memory_space<semaphore_mem>>
      %dma_start3A_313 = tpu.memref_squeeze %dma_start3A_312 : memref<1x!tpu.dma_semaphore, #tpu.memory_space<semaphore_mem>> -> memref<!tpu.dma_semaphore, #tpu.memory_space<semaphore_mem>>
      %dma_start3A_314 = arith.constant 0 : i32
      %dma_start3A_315 = tpu.memref_slice %arg5[%add3A_305, %dma_start3A_314] : memref<102400x128xf32, #tpu.memory_space<hbm>> -> memref<32x128xf32, #tpu.memory_space<hbm>>
      %dma_start3A_316 = arith.constant 64 : i32
      %dma_start3A_317 = arith.constant 0 : i32
      %dma_start3A_318 = tpu.memref_slice %arg10[%dma_start3A_316, %dma_start3A_317] : memref<128x128xf32, #tpu.memory_space<vmem>> -> memref<32x128xf32, #tpu.memory_space<vmem>>
      tpu.enqueue_dma source(%dma_start3A_318 : memref<32x128xf32, #tpu.memory_space<vmem>>) target(%dma_start3A_315 : memref<32x128xf32, #tpu.memory_space<hbm>>) target_semaphore(%dma_start3A_313 : memref<!tpu.dma_semaphore, #tpu.memory_space<semaphore_mem>>)
      %mul3A_319 = arith.constant 4 : i32
      %mul3A_320 = arith.muli %add3A_247, %mul3A_319 : i32
      %add3A_321 = arith.constant 3 : i32
      %add3A_322 = arith.addi %mul3A_320, %add3A_321 : i32
      %mul3A_323 = arith.constant 1024 : i32
      %mul3A_324 = arith.muli %add3A_322, %mul3A_323 : i32
      %add3A_325 = arith.addi %mul3A_324, %mul3A_2 : i32
      %dma_start3A_326 = arith.constant 1 : i32
      %dma_start3A_327 = arith.constant 96 : i32
      %dma_start3A_328 = arith.constant 0 : i32
      %dma_start3A_329 = tpu.memref_slice %arg10[%dma_start3A_327, %dma_start3A_328] : memref<128x128xf32, #tpu.memory_space<vmem>> -> memref<32x128xf32, #tpu.memory_space<vmem>>
      %dma_start3A_330 = arith.constant 0 : i32
      %dma_start3A_331 = tpu.memref_slice %arg5[%add3A_325, %dma_start3A_330] : memref<102400x128xf32, #tpu.memory_space<hbm>> -> memref<32x128xf32, #tpu.memory_space<hbm>>
      %dma_start3A_332 = tpu.memref_slice %arg14[%dma_start3A_326] : memref<4x!tpu.dma_semaphore, #tpu.memory_space<semaphore_mem>> -> memref<1x!tpu.dma_semaphore, #tpu.memory_space<semaphore_mem>>
      %dma_start3A_333 = tpu.memref_squeeze %dma_start3A_332 : memref<1x!tpu.dma_semaphore, #tpu.memory_space<semaphore_mem>> -> memref<!tpu.dma_semaphore, #tpu.memory_space<semaphore_mem>>
      %dma_start3A_334 = arith.constant 0 : i32
      %dma_start3A_335 = tpu.memref_slice %arg5[%add3A_325, %dma_start3A_334] : memref<102400x128xf32, #tpu.memory_space<hbm>> -> memref<32x128xf32, #tpu.memory_space<hbm>>
      %dma_start3A_336 = arith.constant 96 : i32
      %dma_start3A_337 = arith.constant 0 : i32
      %dma_start3A_338 = tpu.memref_slice %arg10[%dma_start3A_336, %dma_start3A_337] : memref<128x128xf32, #tpu.memory_space<vmem>> -> memref<32x128xf32, #tpu.memory_space<vmem>>
      tpu.enqueue_dma source(%dma_start3A_338 : memref<32x128xf32, #tpu.memory_space<vmem>>) target(%dma_start3A_335 : memref<32x128xf32, #tpu.memory_space<hbm>>) target_semaphore(%dma_start3A_333 : memref<!tpu.dma_semaphore, #tpu.memory_space<semaphore_mem>>)
      %add3A_339 = arith.constant 2 : i32
      %add3A_340 = arith.addi %add3A_247, %add3A_339 : i32
      %lt3A_341 = arith.constant 25 : i32
      %lt3A_342 = arith.cmpi slt, %add3A_340, %lt3A_341 : i32
      %convert_element_type3A_343 = arith.extui %lt3A_342 : i1 to i32
      %cond3A_344 = arith.constant 0 : i32
      %cond3A_345 = arith.cmpi ne, %convert_element_type3A_343, %cond3A_344 : i32
      scf.if %cond3A_345 {
        %ge3A = arith.constant 2 : i32
        %ge3A_550 = arith.cmpi sge, %add3A_247, %ge3A : i32
        %convert_element_type3A_551 = arith.extui %ge3A_550 : i1 to i32
        %cond3A_552 = arith.constant 0 : i32
        %cond3A_553 = arith.cmpi ne, %convert_element_type3A_551, %cond3A_552 : i32
        scf.if %cond3A_553 {
          %dma_wait3A_565 = arith.constant 3 : i32
          %dma_wait3A_566 = arith.constant 0 : i32
          %dma_wait3A_567 = arith.constant 0 : i32
          %dma_wait3A_568 = tpu.memref_slice %arg5[%dma_wait3A_566, %dma_wait3A_567] : memref<102400x128xf32, #tpu.memory_space<hbm>> -> memref<128x128xf32, #tpu.memory_space<hbm>>
          %dma_wait3A_569 = tpu.memref_slice %arg14[%dma_wait3A_565] : memref<4x!tpu.dma_semaphore, #tpu.memory_space<semaphore_mem>> -> memref<1x!tpu.dma_semaphore, #tpu.memory_space<semaphore_mem>>
          %dma_wait3A_570 = tpu.memref_squeeze %dma_wait3A_569 : memref<1x!tpu.dma_semaphore, #tpu.memory_space<semaphore_mem>> -> memref<!tpu.dma_semaphore, #tpu.memory_space<semaphore_mem>>
          %dma_wait3A_571 = arith.constant 0 : i32
          %dma_wait3A_572 = arith.constant 0 : i32
          %dma_wait3A_573 = tpu.memref_slice %arg5[%dma_wait3A_571, %dma_wait3A_572] : memref<102400x128xf32, #tpu.memory_space<hbm>> -> memref<128x128xf32, #tpu.memory_space<hbm>>
          tpu.wait_dma2 semaphore(%dma_wait3A_570 : memref<!tpu.dma_semaphore, #tpu.memory_space<semaphore_mem>>) src(%arg12 : memref<128x128xf32, #tpu.memory_space<vmem>>) dst(%dma_wait3A_573 : memref<128x128xf32, #tpu.memory_space<hbm>>)
        } else {
        }
        %mul3A_554 = arith.constant 4 : i32
        %mul3A_555 = arith.muli %add3A_340, %mul3A_554 : i32
        %mul3A_556 = arith.constant 32 : i32
        %mul3A_557 = arith.muli %mul3A_555, %mul3A_556 : i32
        %dma_start3A_558 = arith.constant 3 : i32
        %dma_start3A_559 = tpu.memref_slice %arg8[%mul3A_557] : memref<3200xi32, #tpu.memory_space<vmem>> -> memref<128xi32, #tpu.memory_space<vmem>>
        %dma_start3A_560 = arith.constant 0 : i32
        %dma_start3A_561 = arith.constant 0 : i32
        %dma_start3A_562 = tpu.memref_slice %arg4[%dma_start3A_560, %dma_start3A_561] : memref<100000x128xf32, #tpu.memory_space<hbm>> -> memref<100000x128xf32, #tpu.memory_space<hbm>>
        %dma_start3A_563 = tpu.memref_slice %arg13[%dma_start3A_558] : memref<4x!tpu.dma_semaphore, #tpu.memory_space<semaphore_mem>> -> memref<1x!tpu.dma_semaphore, #tpu.memory_space<semaphore_mem>>
        %dma_start3A_564 = tpu.memref_squeeze %dma_start3A_563 : memref<1x!tpu.dma_semaphore, #tpu.memory_space<semaphore_mem>> -> memref<!tpu.dma_semaphore, #tpu.memory_space<semaphore_mem>>
        tpu.enqueue_indirect_dma source(%dma_start3A_562 : memref<100000x128xf32, #tpu.memory_space<hbm>>) target(%arg12 : memref<128x128xf32, #tpu.memory_space<vmem>>) offsets(%dma_start3A_559 : memref<128xi32, #tpu.memory_space<vmem>>) semaphore(%dma_start3A_564 : memref<!tpu.dma_semaphore, #tpu.memory_space<semaphore_mem>>)
      } else {
      }
      %mul3A_346 = arith.constant 4 : i32
      %mul3A_347 = arith.muli %scan3A_144, %mul3A_346 : i32
      %add3A_348 = arith.constant 2 : i32
      %add3A_349 = arith.addi %mul3A_347, %add3A_348 : i32
      %mul3A_350 = arith.constant 4 : i32
      %mul3A_351 = arith.muli %add3A_349, %mul3A_350 : i32
      %mul3A_352 = arith.constant 32 : i32
      %mul3A_353 = arith.muli %mul3A_351, %mul3A_352 : i32
      %dma_wait3A_354 = arith.constant 2 : i32
      %dma_wait3A_355 = tpu.memref_slice %arg8[%mul3A_353] : memref<3200xi32, #tpu.memory_space<vmem>> -> memref<128xi32, #tpu.memory_space<vmem>>
      %dma_wait3A_356 = arith.constant 0 : i32
      %dma_wait3A_357 = arith.constant 0 : i32
      %dma_wait3A_358 = tpu.memref_slice %arg4[%dma_wait3A_356, %dma_wait3A_357] : memref<100000x128xf32, #tpu.memory_space<hbm>> -> memref<100000x128xf32, #tpu.memory_space<hbm>>
      %dma_wait3A_359 = tpu.memref_slice %arg13[%dma_wait3A_354] : memref<4x!tpu.dma_semaphore, #tpu.memory_space<semaphore_mem>> -> memref<1x!tpu.dma_semaphore, #tpu.memory_space<semaphore_mem>>
      %dma_wait3A_360 = tpu.memref_squeeze %dma_wait3A_359 : memref<1x!tpu.dma_semaphore, #tpu.memory_space<semaphore_mem>> -> memref<!tpu.dma_semaphore, #tpu.memory_space<semaphore_mem>>
      tpu.wait_indirect_dma semaphore(%dma_wait3A_360 : memref<!tpu.dma_semaphore, #tpu.memory_space<semaphore_mem>>) src(%dma_wait3A_358 : memref<100000x128xf32, #tpu.memory_space<hbm>>) dst(%arg11 : memref<128x128xf32, #tpu.memory_space<vmem>>)
      %mul3A_361 = arith.constant 4 : i32
      %mul3A_362 = arith.muli %add3A_349, %mul3A_361 : i32
      %add3A_363 = arith.constant 0 : i32
      %add3A_364 = arith.addi %mul3A_362, %add3A_363 : i32
      %mul3A_365 = arith.constant 1024 : i32
      %mul3A_366 = arith.muli %add3A_364, %mul3A_365 : i32
      %add3A_367 = arith.addi %mul3A_366, %mul3A_2 : i32
      %dma_start3A_368 = arith.constant 2 : i32
      %dma_start3A_369 = arith.constant 0 : i32
      %dma_start3A_370 = arith.constant 0 : i32
      %dma_start3A_371 = tpu.memref_slice %arg11[%dma_start3A_369, %dma_start3A_370] : memref<128x128xf32, #tpu.memory_space<vmem>> -> memref<32x128xf32, #tpu.memory_space<vmem>>
      %dma_start3A_372 = arith.constant 0 : i32
      %dma_start3A_373 = tpu.memref_slice %arg5[%add3A_367, %dma_start3A_372] : memref<102400x128xf32, #tpu.memory_space<hbm>> -> memref<32x128xf32, #tpu.memory_space<hbm>>
      %dma_start3A_374 = tpu.memref_slice %arg14[%dma_start3A_368] : memref<4x!tpu.dma_semaphore, #tpu.memory_space<semaphore_mem>> -> memref<1x!tpu.dma_semaphore, #tpu.memory_space<semaphore_mem>>
      %dma_start3A_375 = tpu.memref_squeeze %dma_start3A_374 : memref<1x!tpu.dma_semaphore, #tpu.memory_space<semaphore_mem>> -> memref<!tpu.dma_semaphore, #tpu.memory_space<semaphore_mem>>
      %dma_start3A_376 = arith.constant 0 : i32
      %dma_start3A_377 = tpu.memref_slice %arg5[%add3A_367, %dma_start3A_376] : memref<102400x128xf32, #tpu.memory_space<hbm>> -> memref<32x128xf32, #tpu.memory_space<hbm>>
      %dma_start3A_378 = arith.constant 0 : i32
      %dma_start3A_379 = arith.constant 0 : i32
      %dma_start3A_380 = tpu.memref_slice %arg11[%dma_start3A_378, %dma_start3A_379] : memref<128x128xf32, #tpu.memory_space<vmem>> -> memref<32x128xf32, #tpu.memory_space<vmem>>
      tpu.enqueue_dma source(%dma_start3A_380 : memref<32x128xf32, #tpu.memory_space<vmem>>) target(%dma_start3A_377 : memref<32x128xf32, #tpu.memory_space<hbm>>) target_semaphore(%dma_start3A_375 : memref<!tpu.dma_semaphore, #tpu.memory_space<semaphore_mem>>)
      %mul3A_381 = arith.constant 4 : i32
      %mul3A_382 = arith.muli %add3A_349, %mul3A_381 : i32
      %add3A_383 = arith.constant 1 : i32
      %add3A_384 = arith.addi %mul3A_382, %add3A_383 : i32
      %mul3A_385 = arith.constant 1024 : i32
      %mul3A_386 = arith.muli %add3A_384, %mul3A_385 : i32
      %add3A_387 = arith.addi %mul3A_386, %mul3A_2 : i32
      %dma_start3A_388 = arith.constant 2 : i32
      %dma_start3A_389 = arith.constant 32 : i32
      %dma_start3A_390 = arith.constant 0 : i32
      %dma_start3A_391 = tpu.memref_slice %arg11[%dma_start3A_389, %dma_start3A_390] : memref<128x128xf32, #tpu.memory_space<vmem>> -> memref<32x128xf32, #tpu.memory_space<vmem>>
      %dma_start3A_392 = arith.constant 0 : i32
      %dma_start3A_393 = tpu.memref_slice %arg5[%add3A_387, %dma_start3A_392] : memref<102400x128xf32, #tpu.memory_space<hbm>> -> memref<32x128xf32, #tpu.memory_space<hbm>>
      %dma_start3A_394 = tpu.memref_slice %arg14[%dma_start3A_388] : memref<4x!tpu.dma_semaphore, #tpu.memory_space<semaphore_mem>> -> memref<1x!tpu.dma_semaphore, #tpu.memory_space<semaphore_mem>>
      %dma_start3A_395 = tpu.memref_squeeze %dma_start3A_394 : memref<1x!tpu.dma_semaphore, #tpu.memory_space<semaphore_mem>> -> memref<!tpu.dma_semaphore, #tpu.memory_space<semaphore_mem>>
      %dma_start3A_396 = arith.constant 0 : i32
      %dma_start3A_397 = tpu.memref_slice %arg5[%add3A_387, %dma_start3A_396] : memref<102400x128xf32, #tpu.memory_space<hbm>> -> memref<32x128xf32, #tpu.memory_space<hbm>>
      %dma_start3A_398 = arith.constant 32 : i32
      %dma_start3A_399 = arith.constant 0 : i32
      %dma_start3A_400 = tpu.memref_slice %arg11[%dma_start3A_398, %dma_start3A_399] : memref<128x128xf32, #tpu.memory_space<vmem>> -> memref<32x128xf32, #tpu.memory_space<vmem>>
      tpu.enqueue_dma source(%dma_start3A_400 : memref<32x128xf32, #tpu.memory_space<vmem>>) target(%dma_start3A_397 : memref<32x128xf32, #tpu.memory_space<hbm>>) target_semaphore(%dma_start3A_395 : memref<!tpu.dma_semaphore, #tpu.memory_space<semaphore_mem>>)
      %mul3A_401 = arith.constant 4 : i32
      %mul3A_402 = arith.muli %add3A_349, %mul3A_401 : i32
      %add3A_403 = arith.constant 2 : i32
      %add3A_404 = arith.addi %mul3A_402, %add3A_403 : i32
      %mul3A_405 = arith.constant 1024 : i32
      %mul3A_406 = arith.muli %add3A_404, %mul3A_405 : i32
      %add3A_407 = arith.addi %mul3A_406, %mul3A_2 : i32
      %dma_start3A_408 = arith.constant 2 : i32
      %dma_start3A_409 = arith.constant 64 : i32
      %dma_start3A_410 = arith.constant 0 : i32
      %dma_start3A_411 = tpu.memref_slice %arg11[%dma_start3A_409, %dma_start3A_410] : memref<128x128xf32, #tpu.memory_space<vmem>> -> memref<32x128xf32, #tpu.memory_space<vmem>>
      %dma_start3A_412 = arith.constant 0 : i32
      %dma_start3A_413 = tpu.memref_slice %arg5[%add3A_407, %dma_start3A_412] : memref<102400x128xf32, #tpu.memory_space<hbm>> -> memref<32x128xf32, #tpu.memory_space<hbm>>
      %dma_start3A_414 = tpu.memref_slice %arg14[%dma_start3A_408] : memref<4x!tpu.dma_semaphore, #tpu.memory_space<semaphore_mem>> -> memref<1x!tpu.dma_semaphore, #tpu.memory_space<semaphore_mem>>
      %dma_start3A_415 = tpu.memref_squeeze %dma_start3A_414 : memref<1x!tpu.dma_semaphore, #tpu.memory_space<semaphore_mem>> -> memref<!tpu.dma_semaphore, #tpu.memory_space<semaphore_mem>>
      %dma_start3A_416 = arith.constant 0 : i32
      %dma_start3A_417 = tpu.memref_slice %arg5[%add3A_407, %dma_start3A_416] : memref<102400x128xf32, #tpu.memory_space<hbm>> -> memref<32x128xf32, #tpu.memory_space<hbm>>
      %dma_start3A_418 = arith.constant 64 : i32
      %dma_start3A_419 = arith.constant 0 : i32
      %dma_start3A_420 = tpu.memref_slice %arg11[%dma_start3A_418, %dma_start3A_419] : memref<128x128xf32, #tpu.memory_space<vmem>> -> memref<32x128xf32, #tpu.memory_space<vmem>>
      tpu.enqueue_dma source(%dma_start3A_420 : memref<32x128xf32, #tpu.memory_space<vmem>>) target(%dma_start3A_417 : memref<32x128xf32, #tpu.memory_space<hbm>>) target_semaphore(%dma_start3A_415 : memref<!tpu.dma_semaphore, #tpu.memory_space<semaphore_mem>>)
      %mul3A_421 = arith.constant 4 : i32
      %mul3A_422 = arith.muli %add3A_349, %mul3A_421 : i32
      %add3A_423 = arith.constant 3 : i32
      %add3A_424 = arith.addi %mul3A_422, %add3A_423 : i32
      %mul3A_425 = arith.constant 1024 : i32
      %mul3A_426 = arith.muli %add3A_424, %mul3A_425 : i32
      %add3A_427 = arith.addi %mul3A_426, %mul3A_2 : i32
      %dma_start3A_428 = arith.constant 2 : i32
      %dma_start3A_429 = arith.constant 96 : i32
      %dma_start3A_430 = arith.constant 0 : i32
      %dma_start3A_431 = tpu.memref_slice %arg11[%dma_start3A_429, %dma_start3A_430] : memref<128x128xf32, #tpu.memory_space<vmem>> -> memref<32x128xf32, #tpu.memory_space<vmem>>
      %dma_start3A_432 = arith.constant 0 : i32
      %dma_start3A_433 = tpu.memref_slice %arg5[%add3A_427, %dma_start3A_432] : memref<102400x128xf32, #tpu.memory_space<hbm>> -> memref<32x128xf32, #tpu.memory_space<hbm>>
      %dma_start3A_434 = tpu.memref_slice %arg14[%dma_start3A_428] : memref<4x!tpu.dma_semaphore, #tpu.memory_space<semaphore_mem>> -> memref<1x!tpu.dma_semaphore, #tpu.memory_space<semaphore_mem>>
      %dma_start3A_435 = tpu.memref_squeeze %dma_start3A_434 : memref<1x!tpu.dma_semaphore, #tpu.memory_space<semaphore_mem>> -> memref<!tpu.dma_semaphore, #tpu.memory_space<semaphore_mem>>
      %dma_start3A_436 = arith.constant 0 : i32
      %dma_start3A_437 = tpu.memref_slice %arg5[%add3A_427, %dma_start3A_436] : memref<102400x128xf32, #tpu.memory_space<hbm>> -> memref<32x128xf32, #tpu.memory_space<hbm>>
      %dma_start3A_438 = arith.constant 96 : i32
      %dma_start3A_439 = arith.constant 0 : i32
      %dma_start3A_440 = tpu.memref_slice %arg11[%dma_start3A_438, %dma_start3A_439] : memref<128x128xf32, #tpu.memory_space<vmem>> -> memref<32x128xf32, #tpu.memory_space<vmem>>
      tpu.enqueue_dma source(%dma_start3A_440 : memref<32x128xf32, #tpu.memory_space<vmem>>) target(%dma_start3A_437 : memref<32x128xf32, #tpu.memory_space<hbm>>) target_semaphore(%dma_start3A_435 : memref<!tpu.dma_semaphore, #tpu.memory_space<semaphore_mem>>)
      %add3A_441 = arith.constant 2 : i32
      %add3A_442 = arith.addi %add3A_349, %add3A_441 : i32
      %lt3A_443 = arith.constant 25 : i32
      %lt3A_444 = arith.cmpi slt, %add3A_442, %lt3A_443 : i32
      %convert_element_type3A_445 = arith.extui %lt3A_444 : i1 to i32
      %cond3A_446 = arith.constant 0 : i32
      %cond3A_447 = arith.cmpi ne, %convert_element_type3A_445, %cond3A_446 : i32
      scf.if %cond3A_447 {
        %ge3A = arith.constant 2 : i32
        %ge3A_550 = arith.cmpi sge, %add3A_349, %ge3A : i32
        %convert_element_type3A_551 = arith.extui %ge3A_550 : i1 to i32
        %cond3A_552 = arith.constant 0 : i32
        %cond3A_553 = arith.cmpi ne, %convert_element_type3A_551, %cond3A_552 : i32
        scf.if %cond3A_553 {
          %dma_wait3A_565 = arith.constant 0 : i32
          %dma_wait3A_566 = arith.constant 0 : i32
          %dma_wait3A_567 = arith.constant 0 : i32
          %dma_wait3A_568 = tpu.memref_slice %arg5[%dma_wait3A_566, %dma_wait3A_567] : memref<102400x128xf32, #tpu.memory_space<hbm>> -> memref<128x128xf32, #tpu.memory_space<hbm>>
          %dma_wait3A_569 = tpu.memref_slice %arg14[%dma_wait3A_565] : memref<4x!tpu.dma_semaphore, #tpu.memory_space<semaphore_mem>> -> memref<1x!tpu.dma_semaphore, #tpu.memory_space<semaphore_mem>>
          %dma_wait3A_570 = tpu.memref_squeeze %dma_wait3A_569 : memref<1x!tpu.dma_semaphore, #tpu.memory_space<semaphore_mem>> -> memref<!tpu.dma_semaphore, #tpu.memory_space<semaphore_mem>>
          %dma_wait3A_571 = arith.constant 0 : i32
          %dma_wait3A_572 = arith.constant 0 : i32
          %dma_wait3A_573 = tpu.memref_slice %arg5[%dma_wait3A_571, %dma_wait3A_572] : memref<102400x128xf32, #tpu.memory_space<hbm>> -> memref<128x128xf32, #tpu.memory_space<hbm>>
          tpu.wait_dma2 semaphore(%dma_wait3A_570 : memref<!tpu.dma_semaphore, #tpu.memory_space<semaphore_mem>>) src(%arg9 : memref<128x128xf32, #tpu.memory_space<vmem>>) dst(%dma_wait3A_573 : memref<128x128xf32, #tpu.memory_space<hbm>>)
        } else {
        }
        %mul3A_554 = arith.constant 4 : i32
        %mul3A_555 = arith.muli %add3A_442, %mul3A_554 : i32
        %mul3A_556 = arith.constant 32 : i32
        %mul3A_557 = arith.muli %mul3A_555, %mul3A_556 : i32
        %dma_start3A_558 = arith.constant 0 : i32
        %dma_start3A_559 = tpu.memref_slice %arg8[%mul3A_557] : memref<3200xi32, #tpu.memory_space<vmem>> -> memref<128xi32, #tpu.memory_space<vmem>>
        %dma_start3A_560 = arith.constant 0 : i32
        %dma_start3A_561 = arith.constant 0 : i32
        %dma_start3A_562 = tpu.memref_slice %arg4[%dma_start3A_560, %dma_start3A_561] : memref<100000x128xf32, #tpu.memory_space<hbm>> -> memref<100000x128xf32, #tpu.memory_space<hbm>>
        %dma_start3A_563 = tpu.memref_slice %arg13[%dma_start3A_558] : memref<4x!tpu.dma_semaphore, #tpu.memory_space<semaphore_mem>> -> memref<1x!tpu.dma_semaphore, #tpu.memory_space<semaphore_mem>>
        %dma_start3A_564 = tpu.memref_squeeze %dma_start3A_563 : memref<1x!tpu.dma_semaphore, #tpu.memory_space<semaphore_mem>> -> memref<!tpu.dma_semaphore, #tpu.memory_space<semaphore_mem>>
        tpu.enqueue_indirect_dma source(%dma_start3A_562 : memref<100000x128xf32, #tpu.memory_space<hbm>>) target(%arg9 : memref<128x128xf32, #tpu.memory_space<vmem>>) offsets(%dma_start3A_559 : memref<128xi32, #tpu.memory_space<vmem>>) semaphore(%dma_start3A_564 : memref<!tpu.dma_semaphore, #tpu.memory_space<semaphore_mem>>)
      } else {
      }
      %mul3A_448 = arith.constant 4 : i32
      %mul3A_449 = arith.muli %scan3A_144, %mul3A_448 : i32
      %add3A_450 = arith.constant 3 : i32
      %add3A_451 = arith.addi %mul3A_449, %add3A_450 : i32
      %mul3A_452 = arith.constant 4 : i32
      %mul3A_453 = arith.muli %add3A_451, %mul3A_452 : i32
      %mul3A_454 = arith.constant 32 : i32
      %mul3A_455 = arith.muli %mul3A_453, %mul3A_454 : i32
      %dma_wait3A_456 = arith.constant 3 : i32
      %dma_wait3A_457 = tpu.memref_slice %arg8[%mul3A_455] : memref<3200xi32, #tpu.memory_space<vmem>> -> memref<128xi32, #tpu.memory_space<vmem>>
      %dma_wait3A_458 = arith.constant 0 : i32
      %dma_wait3A_459 = arith.constant 0 : i32
      %dma_wait3A_460 = tpu.memref_slice %arg4[%dma_wait3A_458, %dma_wait3A_459] : memref<100000x128xf32, #tpu.memory_space<hbm>> -> memref<100000x128xf32, #tpu.memory_space<hbm>>
      %dma_wait3A_461 = tpu.memref_slice %arg13[%dma_wait3A_456] : memref<4x!tpu.dma_semaphore, #tpu.memory_space<semaphore_mem>> -> memref<1x!tpu.dma_semaphore, #tpu.memory_space<semaphore_mem>>
      %dma_wait3A_462 = tpu.memref_squeeze %dma_wait3A_461 : memref<1x!tpu.dma_semaphore, #tpu.memory_space<semaphore_mem>> -> memref<!tpu.dma_semaphore, #tpu.memory_space<semaphore_mem>>
      tpu.wait_indirect_dma semaphore(%dma_wait3A_462 : memref<!tpu.dma_semaphore, #tpu.memory_space<semaphore_mem>>) src(%dma_wait3A_460 : memref<100000x128xf32, #tpu.memory_space<hbm>>) dst(%arg12 : memref<128x128xf32, #tpu.memory_space<vmem>>)
      %mul3A_463 = arith.constant 4 : i32
      %mul3A_464 = arith.muli %add3A_451, %mul3A_463 : i32
      %add3A_465 = arith.constant 0 : i32
      %add3A_466 = arith.addi %mul3A_464, %add3A_465 : i32
      %mul3A_467 = arith.constant 1024 : i32
      %mul3A_468 = arith.muli %add3A_466, %mul3A_467 : i32
      %add3A_469 = arith.addi %mul3A_468, %mul3A_2 : i32
      %dma_start3A_470 = arith.constant 3 : i32
      %dma_start3A_471 = arith.constant 0 : i32
      %dma_start3A_472 = arith.constant 0 : i32
      %dma_start3A_473 = tpu.memref_slice %arg12[%dma_start3A_471, %dma_start3A_472] : memref<128x128xf32, #tpu.memory_space<vmem>> -> memref<32x128xf32, #tpu.memory_space<vmem>>
      %dma_start3A_474 = arith.constant 0 : i32
      %dma_start3A_475 = tpu.memref_slice %arg5[%add3A_469, %dma_start3A_474] : memref<102400x128xf32, #tpu.memory_space<hbm>> -> memref<32x128xf32, #tpu.memory_space<hbm>>
      %dma_start3A_476 = tpu.memref_slice %arg14[%dma_start3A_470] : memref<4x!tpu.dma_semaphore, #tpu.memory_space<semaphore_mem>> -> memref<1x!tpu.dma_semaphore, #tpu.memory_space<semaphore_mem>>
      %dma_start3A_477 = tpu.memref_squeeze %dma_start3A_476 : memref<1x!tpu.dma_semaphore, #tpu.memory_space<semaphore_mem>> -> memref<!tpu.dma_semaphore, #tpu.memory_space<semaphore_mem>>
      %dma_start3A_478 = arith.constant 0 : i32
      %dma_start3A_479 = tpu.memref_slice %arg5[%add3A_469, %dma_start3A_478] : memref<102400x128xf32, #tpu.memory_space<hbm>> -> memref<32x128xf32, #tpu.memory_space<hbm>>
      %dma_start3A_480 = arith.constant 0 : i32
      %dma_start3A_481 = arith.constant 0 : i32
      %dma_start3A_482 = tpu.memref_slice %arg12[%dma_start3A_480, %dma_start3A_481] : memref<128x128xf32, #tpu.memory_space<vmem>> -> memref<32x128xf32, #tpu.memory_space<vmem>>
      tpu.enqueue_dma source(%dma_start3A_482 : memref<32x128xf32, #tpu.memory_space<vmem>>) target(%dma_start3A_479 : memref<32x128xf32, #tpu.memory_space<hbm>>) target_semaphore(%dma_start3A_477 : memref<!tpu.dma_semaphore, #tpu.memory_space<semaphore_mem>>)
      %mul3A_483 = arith.constant 4 : i32
      %mul3A_484 = arith.muli %add3A_451, %mul3A_483 : i32
      %add3A_485 = arith.constant 1 : i32
      %add3A_486 = arith.addi %mul3A_484, %add3A_485 : i32
      %mul3A_487 = arith.constant 1024 : i32
      %mul3A_488 = arith.muli %add3A_486, %mul3A_487 : i32
      %add3A_489 = arith.addi %mul3A_488, %mul3A_2 : i32
      %dma_start3A_490 = arith.constant 3 : i32
      %dma_start3A_491 = arith.constant 32 : i32
      %dma_start3A_492 = arith.constant 0 : i32
      %dma_start3A_493 = tpu.memref_slice %arg12[%dma_start3A_491, %dma_start3A_492] : memref<128x128xf32, #tpu.memory_space<vmem>> -> memref<32x128xf32, #tpu.memory_space<vmem>>
      %dma_start3A_494 = arith.constant 0 : i32
      %dma_start3A_495 = tpu.memref_slice %arg5[%add3A_489, %dma_start3A_494] : memref<102400x128xf32, #tpu.memory_space<hbm>> -> memref<32x128xf32, #tpu.memory_space<hbm>>
      %dma_start3A_496 = tpu.memref_slice %arg14[%dma_start3A_490] : memref<4x!tpu.dma_semaphore, #tpu.memory_space<semaphore_mem>> -> memref<1x!tpu.dma_semaphore, #tpu.memory_space<semaphore_mem>>
      %dma_start3A_497 = tpu.memref_squeeze %dma_start3A_496 : memref<1x!tpu.dma_semaphore, #tpu.memory_space<semaphore_mem>> -> memref<!tpu.dma_semaphore, #tpu.memory_space<semaphore_mem>>
      %dma_start3A_498 = arith.constant 0 : i32
      %dma_start3A_499 = tpu.memref_slice %arg5[%add3A_489, %dma_start3A_498] : memref<102400x128xf32, #tpu.memory_space<hbm>> -> memref<32x128xf32, #tpu.memory_space<hbm>>
      %dma_start3A_500 = arith.constant 32 : i32
      %dma_start3A_501 = arith.constant 0 : i32
      %dma_start3A_502 = tpu.memref_slice %arg12[%dma_start3A_500, %dma_start3A_501] : memref<128x128xf32, #tpu.memory_space<vmem>> -> memref<32x128xf32, #tpu.memory_space<vmem>>
      tpu.enqueue_dma source(%dma_start3A_502 : memref<32x128xf32, #tpu.memory_space<vmem>>) target(%dma_start3A_499 : memref<32x128xf32, #tpu.memory_space<hbm>>) target_semaphore(%dma_start3A_497 : memref<!tpu.dma_semaphore, #tpu.memory_space<semaphore_mem>>)
      %mul3A_503 = arith.constant 4 : i32
      %mul3A_504 = arith.muli %add3A_451, %mul3A_503 : i32
      %add3A_505 = arith.constant 2 : i32
      %add3A_506 = arith.addi %mul3A_504, %add3A_505 : i32
      %mul3A_507 = arith.constant 1024 : i32
      %mul3A_508 = arith.muli %add3A_506, %mul3A_507 : i32
      %add3A_509 = arith.addi %mul3A_508, %mul3A_2 : i32
      %dma_start3A_510 = arith.constant 3 : i32
      %dma_start3A_511 = arith.constant 64 : i32
      %dma_start3A_512 = arith.constant 0 : i32
      %dma_start3A_513 = tpu.memref_slice %arg12[%dma_start3A_511, %dma_start3A_512] : memref<128x128xf32, #tpu.memory_space<vmem>> -> memref<32x128xf32, #tpu.memory_space<vmem>>
      %dma_start3A_514 = arith.constant 0 : i32
      %dma_start3A_515 = tpu.memref_slice %arg5[%add3A_509, %dma_start3A_514] : memref<102400x128xf32, #tpu.memory_space<hbm>> -> memref<32x128xf32, #tpu.memory_space<hbm>>
      %dma_start3A_516 = tpu.memref_slice %arg14[%dma_start3A_510] : memref<4x!tpu.dma_semaphore, #tpu.memory_space<semaphore_mem>> -> memref<1x!tpu.dma_semaphore, #tpu.memory_space<semaphore_mem>>
      %dma_start3A_517 = tpu.memref_squeeze %dma_start3A_516 : memref<1x!tpu.dma_semaphore, #tpu.memory_space<semaphore_mem>> -> memref<!tpu.dma_semaphore, #tpu.memory_space<semaphore_mem>>
      %dma_start3A_518 = arith.constant 0 : i32
      %dma_start3A_519 = tpu.memref_slice %arg5[%add3A_509, %dma_start3A_518] : memref<102400x128xf32, #tpu.memory_space<hbm>> -> memref<32x128xf32, #tpu.memory_space<hbm>>
      %dma_start3A_520 = arith.constant 64 : i32
      %dma_start3A_521 = arith.constant 0 : i32
      %dma_start3A_522 = tpu.memref_slice %arg12[%dma_start3A_520, %dma_start3A_521] : memref<128x128xf32, #tpu.memory_space<vmem>> -> memref<32x128xf32, #tpu.memory_space<vmem>>
      tpu.enqueue_dma source(%dma_start3A_522 : memref<32x128xf32, #tpu.memory_space<vmem>>) target(%dma_start3A_519 : memref<32x128xf32, #tpu.memory_space<hbm>>) target_semaphore(%dma_start3A_517 : memref<!tpu.dma_semaphore, #tpu.memory_space<semaphore_mem>>)
      %mul3A_523 = arith.constant 4 : i32
      %mul3A_524 = arith.muli %add3A_451, %mul3A_523 : i32
      %add3A_525 = arith.constant 3 : i32
      %add3A_526 = arith.addi %mul3A_524, %add3A_525 : i32
      %mul3A_527 = arith.constant 1024 : i32
      %mul3A_528 = arith.muli %add3A_526, %mul3A_527 : i32
      %add3A_529 = arith.addi %mul3A_528, %mul3A_2 : i32
      %dma_start3A_530 = arith.constant 3 : i32
      %dma_start3A_531 = arith.constant 96 : i32
      %dma_start3A_532 = arith.constant 0 : i32
      %dma_start3A_533 = tpu.memref_slice %arg12[%dma_start3A_531, %dma_start3A_532] : memref<128x128xf32, #tpu.memory_space<vmem>> -> memref<32x128xf32, #tpu.memory_space<vmem>>
      %dma_start3A_534 = arith.constant 0 : i32
      %dma_start3A_535 = tpu.memref_slice %arg5[%add3A_529, %dma_start3A_534] : memref<102400x128xf32, #tpu.memory_space<hbm>> -> memref<32x128xf32, #tpu.memory_space<hbm>>
      %dma_start3A_536 = tpu.memref_slice %arg14[%dma_start3A_530] : memref<4x!tpu.dma_semaphore, #tpu.memory_space<semaphore_mem>> -> memref<1x!tpu.dma_semaphore, #tpu.memory_space<semaphore_mem>>
      %dma_start3A_537 = tpu.memref_squeeze %dma_start3A_536 : memref<1x!tpu.dma_semaphore, #tpu.memory_space<semaphore_mem>> -> memref<!tpu.dma_semaphore, #tpu.memory_space<semaphore_mem>>
      %dma_start3A_538 = arith.constant 0 : i32
      %dma_start3A_539 = tpu.memref_slice %arg5[%add3A_529, %dma_start3A_538] : memref<102400x128xf32, #tpu.memory_space<hbm>> -> memref<32x128xf32, #tpu.memory_space<hbm>>
      %dma_start3A_540 = arith.constant 96 : i32
      %dma_start3A_541 = arith.constant 0 : i32
      %dma_start3A_542 = tpu.memref_slice %arg12[%dma_start3A_540, %dma_start3A_541] : memref<128x128xf32, #tpu.memory_space<vmem>> -> memref<32x128xf32, #tpu.memory_space<vmem>>
      tpu.enqueue_dma source(%dma_start3A_542 : memref<32x128xf32, #tpu.memory_space<vmem>>) target(%dma_start3A_539 : memref<32x128xf32, #tpu.memory_space<hbm>>) target_semaphore(%dma_start3A_537 : memref<!tpu.dma_semaphore, #tpu.memory_space<semaphore_mem>>)
      %add3A_543 = arith.constant 2 : i32
      %add3A_544 = arith.addi %add3A_451, %add3A_543 : i32
      %lt3A_545 = arith.constant 25 : i32
      %lt3A_546 = arith.cmpi slt, %add3A_544, %lt3A_545 : i32
      %convert_element_type3A_547 = arith.extui %lt3A_546 : i1 to i32
      %cond3A_548 = arith.constant 0 : i32
      %cond3A_549 = arith.cmpi ne, %convert_element_type3A_547, %cond3A_548 : i32
      scf.if %cond3A_549 {
        %ge3A = arith.constant 2 : i32
        %ge3A_550 = arith.cmpi sge, %add3A_451, %ge3A : i32
        %convert_element_type3A_551 = arith.extui %ge3A_550 : i1 to i32
        %cond3A_552 = arith.constant 0 : i32
        %cond3A_553 = arith.cmpi ne, %convert_element_type3A_551, %cond3A_552 : i32
        scf.if %cond3A_553 {
          %dma_wait3A_565 = arith.constant 1 : i32
          %dma_wait3A_566 = arith.constant 0 : i32
          %dma_wait3A_567 = arith.constant 0 : i32
          %dma_wait3A_568 = tpu.memref_slice %arg5[%dma_wait3A_566, %dma_wait3A_567] : memref<102400x128xf32, #tpu.memory_space<hbm>> -> memref<128x128xf32, #tpu.memory_space<hbm>>
          %dma_wait3A_569 = tpu.memref_slice %arg14[%dma_wait3A_565] : memref<4x!tpu.dma_semaphore, #tpu.memory_space<semaphore_mem>> -> memref<1x!tpu.dma_semaphore, #tpu.memory_space<semaphore_mem>>
          %dma_wait3A_570 = tpu.memref_squeeze %dma_wait3A_569 : memref<1x!tpu.dma_semaphore, #tpu.memory_space<semaphore_mem>> -> memref<!tpu.dma_semaphore, #tpu.memory_space<semaphore_mem>>
          %dma_wait3A_571 = arith.constant 0 : i32
          %dma_wait3A_572 = arith.constant 0 : i32
          %dma_wait3A_573 = tpu.memref_slice %arg5[%dma_wait3A_571, %dma_wait3A_572] : memref<102400x128xf32, #tpu.memory_space<hbm>> -> memref<128x128xf32, #tpu.memory_space<hbm>>
          tpu.wait_dma2 semaphore(%dma_wait3A_570 : memref<!tpu.dma_semaphore, #tpu.memory_space<semaphore_mem>>) src(%arg10 : memref<128x128xf32, #tpu.memory_space<vmem>>) dst(%dma_wait3A_573 : memref<128x128xf32, #tpu.memory_space<hbm>>)
        } else {
        }
        %mul3A_554 = arith.constant 4 : i32
        %mul3A_555 = arith.muli %add3A_544, %mul3A_554 : i32
        %mul3A_556 = arith.constant 32 : i32
        %mul3A_557 = arith.muli %mul3A_555, %mul3A_556 : i32
        %dma_start3A_558 = arith.constant 1 : i32
        %dma_start3A_559 = tpu.memref_slice %arg8[%mul3A_557] : memref<3200xi32, #tpu.memory_space<vmem>> -> memref<128xi32, #tpu.memory_space<vmem>>
        %dma_start3A_560 = arith.constant 0 : i32
        %dma_start3A_561 = arith.constant 0 : i32
        %dma_start3A_562 = tpu.memref_slice %arg4[%dma_start3A_560, %dma_start3A_561] : memref<100000x128xf32, #tpu.memory_space<hbm>> -> memref<100000x128xf32, #tpu.memory_space<hbm>>
        %dma_start3A_563 = tpu.memref_slice %arg13[%dma_start3A_558] : memref<4x!tpu.dma_semaphore, #tpu.memory_space<semaphore_mem>> -> memref<1x!tpu.dma_semaphore, #tpu.memory_space<semaphore_mem>>
        %dma_start3A_564 = tpu.memref_squeeze %dma_start3A_563 : memref<1x!tpu.dma_semaphore, #tpu.memory_space<semaphore_mem>> -> memref<!tpu.dma_semaphore, #tpu.memory_space<semaphore_mem>>
        tpu.enqueue_indirect_dma source(%dma_start3A_562 : memref<100000x128xf32, #tpu.memory_space<hbm>>) target(%arg10 : memref<128x128xf32, #tpu.memory_space<vmem>>) offsets(%dma_start3A_559 : memref<128xi32, #tpu.memory_space<vmem>>) semaphore(%dma_start3A_564 : memref<!tpu.dma_semaphore, #tpu.memory_space<semaphore_mem>>)
      } else {
      }
    }
    %scan3A_39 = arith.constant 6 : i32
    %dma_wait3A_40 = arith.constant 0 : i32
    %dma_wait3A_41 = arith.constant 3072 : i32
    %dma_wait3A_42 = tpu.memref_slice %arg8[%dma_wait3A_41] : memref<3200xi32, #tpu.memory_space<vmem>> -> memref<128xi32, #tpu.memory_space<vmem>>
    %dma_wait3A_43 = arith.constant 0 : i32
    %dma_wait3A_44 = arith.constant 0 : i32
    %dma_wait3A_45 = tpu.memref_slice %arg4[%dma_wait3A_43, %dma_wait3A_44] : memref<100000x128xf32, #tpu.memory_space<hbm>> -> memref<100000x128xf32, #tpu.memory_space<hbm>>
    %dma_wait3A_46 = tpu.memref_slice %arg13[%dma_wait3A_40] : memref<4x!tpu.dma_semaphore, #tpu.memory_space<semaphore_mem>> -> memref<1x!tpu.dma_semaphore, #tpu.memory_space<semaphore_mem>>
    %dma_wait3A_47 = tpu.memref_squeeze %dma_wait3A_46 : memref<1x!tpu.dma_semaphore, #tpu.memory_space<semaphore_mem>> -> memref<!tpu.dma_semaphore, #tpu.memory_space<semaphore_mem>>
    tpu.wait_indirect_dma semaphore(%dma_wait3A_47 : memref<!tpu.dma_semaphore, #tpu.memory_space<semaphore_mem>>) src(%dma_wait3A_45 : memref<100000x128xf32, #tpu.memory_space<hbm>>) dst(%arg9 : memref<128x128xf32, #tpu.memory_space<vmem>>)
    %add3A_48 = arith.constant 98304 : i32
    %add3A_49 = arith.addi %add3A_48, %mul3A_2 : i32
    %dma_start3A_50 = arith.constant 0 : i32
    %dma_start3A_51 = arith.constant 0 : i32
    %dma_start3A_52 = arith.constant 0 : i32
    %dma_start3A_53 = tpu.memref_slice %arg9[%dma_start3A_51, %dma_start3A_52] : memref<128x128xf32, #tpu.memory_space<vmem>> -> memref<32x128xf32, #tpu.memory_space<vmem>>
    %dma_start3A_54 = arith.constant 0 : i32
    %dma_start3A_55 = tpu.memref_slice %arg5[%add3A_49, %dma_start3A_54] : memref<102400x128xf32, #tpu.memory_space<hbm>> -> memref<32x128xf32, #tpu.memory_space<hbm>>
    %dma_start3A_56 = tpu.memref_slice %arg14[%dma_start3A_50] : memref<4x!tpu.dma_semaphore, #tpu.memory_space<semaphore_mem>> -> memref<1x!tpu.dma_semaphore, #tpu.memory_space<semaphore_mem>>
    %dma_start3A_57 = tpu.memref_squeeze %dma_start3A_56 : memref<1x!tpu.dma_semaphore, #tpu.memory_space<semaphore_mem>> -> memref<!tpu.dma_semaphore, #tpu.memory_space<semaphore_mem>>
    %dma_start3A_58 = arith.constant 0 : i32
    %dma_start3A_59 = tpu.memref_slice %arg5[%add3A_49, %dma_start3A_58] : memref<102400x128xf32, #tpu.memory_space<hbm>> -> memref<32x128xf32, #tpu.memory_space<hbm>>
    %dma_start3A_60 = arith.constant 0 : i32
    %dma_start3A_61 = arith.constant 0 : i32
    %dma_start3A_62 = tpu.memref_slice %arg9[%dma_start3A_60, %dma_start3A_61] : memref<128x128xf32, #tpu.memory_space<vmem>> -> memref<32x128xf32, #tpu.memory_space<vmem>>
    tpu.enqueue_dma source(%dma_start3A_62 : memref<32x128xf32, #tpu.memory_space<vmem>>) target(%dma_start3A_59 : memref<32x128xf32, #tpu.memory_space<hbm>>) target_semaphore(%dma_start3A_57 : memref<!tpu.dma_semaphore, #tpu.memory_space<semaphore_mem>>)
    %add3A_63 = arith.constant 99328 : i32
    %add3A_64 = arith.addi %add3A_63, %mul3A_2 : i32
    %dma_start3A_65 = arith.constant 0 : i32
    %dma_start3A_66 = arith.constant 32 : i32
    %dma_start3A_67 = arith.constant 0 : i32
    %dma_start3A_68 = tpu.memref_slice %arg9[%dma_start3A_66, %dma_start3A_67] : memref<128x128xf32, #tpu.memory_space<vmem>> -> memref<32x128xf32, #tpu.memory_space<vmem>>
    %dma_start3A_69 = arith.constant 0 : i32
    %dma_start3A_70 = tpu.memref_slice %arg5[%add3A_64, %dma_start3A_69] : memref<102400x128xf32, #tpu.memory_space<hbm>> -> memref<32x128xf32, #tpu.memory_space<hbm>>
    %dma_start3A_71 = tpu.memref_slice %arg14[%dma_start3A_65] : memref<4x!tpu.dma_semaphore, #tpu.memory_space<semaphore_mem>> -> memref<1x!tpu.dma_semaphore, #tpu.memory_space<semaphore_mem>>
    %dma_start3A_72 = tpu.memref_squeeze %dma_start3A_71 : memref<1x!tpu.dma_semaphore, #tpu.memory_space<semaphore_mem>> -> memref<!tpu.dma_semaphore, #tpu.memory_space<semaphore_mem>>
    %dma_start3A_73 = arith.constant 0 : i32
    %dma_start3A_74 = tpu.memref_slice %arg5[%add3A_64, %dma_start3A_73] : memref<102400x128xf32, #tpu.memory_space<hbm>> -> memref<32x128xf32, #tpu.memory_space<hbm>>
    %dma_start3A_75 = arith.constant 32 : i32
    %dma_start3A_76 = arith.constant 0 : i32
    %dma_start3A_77 = tpu.memref_slice %arg9[%dma_start3A_75, %dma_start3A_76] : memref<128x128xf32, #tpu.memory_space<vmem>> -> memref<32x128xf32, #tpu.memory_space<vmem>>
    tpu.enqueue_dma source(%dma_start3A_77 : memref<32x128xf32, #tpu.memory_space<vmem>>) target(%dma_start3A_74 : memref<32x128xf32, #tpu.memory_space<hbm>>) target_semaphore(%dma_start3A_72 : memref<!tpu.dma_semaphore, #tpu.memory_space<semaphore_mem>>)
    %add3A_78 = arith.constant 100352 : i32
    %add3A_79 = arith.addi %add3A_78, %mul3A_2 : i32
    %dma_start3A_80 = arith.constant 0 : i32
    %dma_start3A_81 = arith.constant 64 : i32
    %dma_start3A_82 = arith.constant 0 : i32
    %dma_start3A_83 = tpu.memref_slice %arg9[%dma_start3A_81, %dma_start3A_82] : memref<128x128xf32, #tpu.memory_space<vmem>> -> memref<32x128xf32, #tpu.memory_space<vmem>>
    %dma_start3A_84 = arith.constant 0 : i32
    %dma_start3A_85 = tpu.memref_slice %arg5[%add3A_79, %dma_start3A_84] : memref<102400x128xf32, #tpu.memory_space<hbm>> -> memref<32x128xf32, #tpu.memory_space<hbm>>
    %dma_start3A_86 = tpu.memref_slice %arg14[%dma_start3A_80] : memref<4x!tpu.dma_semaphore, #tpu.memory_space<semaphore_mem>> -> memref<1x!tpu.dma_semaphore, #tpu.memory_space<semaphore_mem>>
    %dma_start3A_87 = tpu.memref_squeeze %dma_start3A_86 : memref<1x!tpu.dma_semaphore, #tpu.memory_space<semaphore_mem>> -> memref<!tpu.dma_semaphore, #tpu.memory_space<semaphore_mem>>
    %dma_start3A_88 = arith.constant 0 : i32
    %dma_start3A_89 = tpu.memref_slice %arg5[%add3A_79, %dma_start3A_88] : memref<102400x128xf32, #tpu.memory_space<hbm>> -> memref<32x128xf32, #tpu.memory_space<hbm>>
    %dma_start3A_90 = arith.constant 64 : i32
    %dma_start3A_91 = arith.constant 0 : i32
    %dma_start3A_92 = tpu.memref_slice %arg9[%dma_start3A_90, %dma_start3A_91] : memref<128x128xf32, #tpu.memory_space<vmem>> -> memref<32x128xf32, #tpu.memory_space<vmem>>
    tpu.enqueue_dma source(%dma_start3A_92 : memref<32x128xf32, #tpu.memory_space<vmem>>) target(%dma_start3A_89 : memref<32x128xf32, #tpu.memory_space<hbm>>) target_semaphore(%dma_start3A_87 : memref<!tpu.dma_semaphore, #tpu.memory_space<semaphore_mem>>)
    %add3A_93 = arith.constant 101376 : i32
    %add3A_94 = arith.addi %add3A_93, %mul3A_2 : i32
    %dma_start3A_95 = arith.constant 0 : i32
    %dma_start3A_96 = arith.constant 96 : i32
    %dma_start3A_97 = arith.constant 0 : i32
    %dma_start3A_98 = tpu.memref_slice %arg9[%dma_start3A_96, %dma_start3A_97] : memref<128x128xf32, #tpu.memory_space<vmem>> -> memref<32x128xf32, #tpu.memory_space<vmem>>
    %dma_start3A_99 = arith.constant 0 : i32
    %dma_start3A_100 = tpu.memref_slice %arg5[%add3A_94, %dma_start3A_99] : memref<102400x128xf32, #tpu.memory_space<hbm>> -> memref<32x128xf32, #tpu.memory_space<hbm>>
    %dma_start3A_101 = tpu.memref_slice %arg14[%dma_start3A_95] : memref<4x!tpu.dma_semaphore, #tpu.memory_space<semaphore_mem>> -> memref<1x!tpu.dma_semaphore, #tpu.memory_space<semaphore_mem>>
    %dma_start3A_102 = tpu.memref_squeeze %dma_start3A_101 : memref<1x!tpu.dma_semaphore, #tpu.memory_space<semaphore_mem>> -> memref<!tpu.dma_semaphore, #tpu.memory_space<semaphore_mem>>
    %dma_start3A_103 = arith.constant 0 : i32
    %dma_start3A_104 = tpu.memref_slice %arg5[%add3A_94, %dma_start3A_103] : memref<102400x128xf32, #tpu.memory_space<hbm>> -> memref<32x128xf32, #tpu.memory_space<hbm>>
    %dma_start3A_105 = arith.constant 96 : i32
    %dma_start3A_106 = arith.constant 0 : i32
    %dma_start3A_107 = tpu.memref_slice %arg9[%dma_start3A_105, %dma_start3A_106] : memref<128x128xf32, #tpu.memory_space<vmem>> -> memref<32x128xf32, #tpu.memory_space<vmem>>
    tpu.enqueue_dma source(%dma_start3A_107 : memref<32x128xf32, #tpu.memory_space<vmem>>) target(%dma_start3A_104 : memref<32x128xf32, #tpu.memory_space<hbm>>) target_semaphore(%dma_start3A_102 : memref<!tpu.dma_semaphore, #tpu.memory_space<semaphore_mem>>)
    %dma_wait3A_108 = arith.constant 0 : i32
    %dma_wait3A_109 = arith.constant 0 : i32
    %dma_wait3A_110 = arith.constant 0 : i32
    %dma_wait3A_111 = tpu.memref_slice %arg5[%dma_wait3A_109, %dma_wait3A_110] : memref<102400x128xf32, #tpu.memory_space<hbm>> -> memref<128x128xf32, #tpu.memory_space<hbm>>
    %dma_wait3A_112 = tpu.memref_slice %arg14[%dma_wait3A_108] : memref<4x!tpu.dma_semaphore, #tpu.memory_space<semaphore_mem>> -> memref<1x!tpu.dma_semaphore, #tpu.memory_space<semaphore_mem>>
    %dma_wait3A_113 = tpu.memref_squeeze %dma_wait3A_112 : memref<1x!tpu.dma_semaphore, #tpu.memory_space<semaphore_mem>> -> memref<!tpu.dma_semaphore, #tpu.memory_space<semaphore_mem>>
    %dma_wait3A_114 = arith.constant 0 : i32
    %dma_wait3A_115 = arith.constant 0 : i32
    %dma_wait3A_116 = tpu.memref_slice %arg5[%dma_wait3A_114, %dma_wait3A_115] : memref<102400x128xf32, #tpu.memory_space<hbm>> -> memref<128x128xf32, #tpu.memory_space<hbm>>
    tpu.wait_dma2 semaphore(%dma_wait3A_113 : memref<!tpu.dma_semaphore, #tpu.memory_space<semaphore_mem>>) src(%arg9 : memref<128x128xf32, #tpu.memory_space<vmem>>) dst(%dma_wait3A_116 : memref<128x128xf32, #tpu.memory_space<hbm>>)
    %dma_wait3A_117 = arith.constant 1 : i32
    %dma_wait3A_118 = arith.constant 0 : i32
    %dma_wait3A_119 = arith.constant 0 : i32
    %dma_wait3A_120 = tpu.memref_slice %arg5[%dma_wait3A_118, %dma_wait3A_119] : memref<102400x128xf32, #tpu.memory_space<hbm>> -> memref<128x128xf32, #tpu.memory_space<hbm>>
    %dma_wait3A_121 = tpu.memref_slice %arg14[%dma_wait3A_117] : memref<4x!tpu.dma_semaphore, #tpu.memory_space<semaphore_mem>> -> memref<1x!tpu.dma_semaphore, #tpu.memory_space<semaphore_mem>>
    %dma_wait3A_122 = tpu.memref_squeeze %dma_wait3A_121 : memref<1x!tpu.dma_semaphore, #tpu.memory_space<semaphore_mem>> -> memref<!tpu.dma_semaphore, #tpu.memory_space<semaphore_mem>>
    %dma_wait3A_123 = arith.constant 0 : i32
    %dma_wait3A_124 = arith.constant 0 : i32
    %dma_wait3A_125 = tpu.memref_slice %arg5[%dma_wait3A_123, %dma_wait3A_124] : memref<102400x128xf32, #tpu.memory_space<hbm>> -> memref<128x128xf32, #tpu.memory_space<hbm>>
    tpu.wait_dma2 semaphore(%dma_wait3A_122 : memref<!tpu.dma_semaphore, #tpu.memory_space<semaphore_mem>>) src(%arg10 : memref<128x128xf32, #tpu.memory_space<vmem>>) dst(%dma_wait3A_125 : memref<128x128xf32, #tpu.memory_space<hbm>>)
    %dma_wait3A_126 = arith.constant 2 : i32
    %dma_wait3A_127 = arith.constant 0 : i32
    %dma_wait3A_128 = arith.constant 0 : i32
    %dma_wait3A_129 = tpu.memref_slice %arg5[%dma_wait3A_127, %dma_wait3A_128] : memref<102400x128xf32, #tpu.memory_space<hbm>> -> memref<128x128xf32, #tpu.memory_space<hbm>>
    %dma_wait3A_130 = tpu.memref_slice %arg14[%dma_wait3A_126] : memref<4x!tpu.dma_semaphore, #tpu.memory_space<semaphore_mem>> -> memref<1x!tpu.dma_semaphore, #tpu.memory_space<semaphore_mem>>
    %dma_wait3A_131 = tpu.memref_squeeze %dma_wait3A_130 : memref<1x!tpu.dma_semaphore, #tpu.memory_space<semaphore_mem>> -> memref<!tpu.dma_semaphore, #tpu.memory_space<semaphore_mem>>
    %dma_wait3A_132 = arith.constant 0 : i32
    %dma_wait3A_133 = arith.constant 0 : i32
    %dma_wait3A_134 = tpu.memref_slice %arg5[%dma_wait3A_132, %dma_wait3A_133] : memref<102400x128xf32, #tpu.memory_space<hbm>> -> memref<128x128xf32, #tpu.memory_space<hbm>>
    tpu.wait_dma2 semaphore(%dma_wait3A_131 : memref<!tpu.dma_semaphore, #tpu.memory_space<semaphore_mem>>) src(%arg11 : memref<128x128xf32, #tpu.memory_space<vmem>>) dst(%dma_wait3A_134 : memref<128x128xf32, #tpu.memory_space<hbm>>)
    %dma_wait3A_135 = arith.constant 3 : i32
    %dma_wait3A_136 = arith.constant 0 : i32
    %dma_wait3A_137 = arith.constant 0 : i32
    %dma_wait3A_138 = tpu.memref_slice %arg5[%dma_wait3A_136, %dma_wait3A_137] : memref<102400x128xf32, #tpu.memory_space<hbm>> -> memref<128x128xf32, #tpu.memory_space<hbm>>
    %dma_wait3A_139 = tpu.memref_slice %arg14[%dma_wait3A_135] : memref<4x!tpu.dma_semaphore, #tpu.memory_space<semaphore_mem>> -> memref<1x!tpu.dma_semaphore, #tpu.memory_space<semaphore_mem>>
    %dma_wait3A_140 = tpu.memref_squeeze %dma_wait3A_139 : memref<1x!tpu.dma_semaphore, #tpu.memory_space<semaphore_mem>> -> memref<!tpu.dma_semaphore, #tpu.memory_space<semaphore_mem>>
    %dma_wait3A_141 = arith.constant 0 : i32
    %dma_wait3A_142 = arith.constant 0 : i32
    %dma_wait3A_143 = tpu.memref_slice %arg5[%dma_wait3A_141, %dma_wait3A_142] : memref<102400x128xf32, #tpu.memory_space<hbm>> -> memref<128x128xf32, #tpu.memory_space<hbm>>
    tpu.wait_dma2 semaphore(%dma_wait3A_140 : memref<!tpu.dma_semaphore, #tpu.memory_space<semaphore_mem>>) src(%arg12 : memref<128x128xf32, #tpu.memory_space<vmem>>) dst(%dma_wait3A_143 : memref<128x128xf32, #tpu.memory_space<hbm>>)
    return
  }
}

module attributes {stable_mosaic.version = 14 : i64} {
  func.func @_pad_body(%arg0: i32, %arg1: memref<2000x100xi32, #tpu.memory_space<vmem>>, %arg2: memref<2000x128xi32, #tpu.memory_space<vmem>>) attributes {dimension_semantics = [#tpu.dimension_semantics<arbitrary>], iteration_bounds = array<i64: 10>, scalar_prefetch = 0 : i64, scratch_operands = 0 : i64, tpu.core_type = #tpu.core_type<tc>, window_params = [{transform_indices = @transform_0, window_bounds = array<i64: 2000, 100>}, {transform_indices = @transform_1, window_bounds = array<i64: 2000, 128>}]} {
    %get3A = arith.constant 0 : index
    %get3A_0 = arith.constant 0 : index
    %get3A_1 = vector.load %arg1[%get3A, %get3A_0] : memref<2000x100xi32, #tpu.memory_space<vmem>>, vector<2000x100xi32>
    %swap3A = arith.constant 0 : index
    %swap3A_2 = arith.constant 0 : index
    %swap3A_3 = vector.load %arg2[%swap3A, %swap3A_2] : memref<2000x128xi32, #tpu.memory_space<vmem>>, vector<2000x100xi32>
    tpu.vector_store %arg2[%swap3A, %swap3A_2], %get3A_1 {strides = array<i32>} : memref<2000x128xi32, #tpu.memory_space<vmem>>, vector<2000x100xi32>,
    return
  }
  func.func @transform_0(%arg0: i32) -> (i32, i32) {
    %c0_i32 = arith.constant 0 : i32
    %c0_i32_0 = arith.constant 0 : i32
    return %arg0, %c0_i32 : i32, i32
  }
  func.func @transform_1(%arg0: i32) -> (i32, i32) {
    %c0_i32 = arith.constant 0 : i32
    %c0_i32_0 = arith.constant 0 : i32
    return %arg0, %c0_i32 : i32, i32
  }
}

module attributes {stable_mosaic.version = 14 : i64} {
  func.func @_lstm_body(%arg0: i32, %arg1: memref<20480x128xf32, #tpu.memory_space<vmem>>, %arg2: memref<256x512xbf16, #tpu.memory_space<vmem>>, %arg3: memref<8x512xf32, #tpu.memory_space<vmem>>, %arg4: memref<1024x128xf32, #tpu.memory_space<vmem>>, %arg5: memref<1024x128xf32, #tpu.memory_space<vmem>>, %arg6: memref<1024x128xf32, #tpu.memory_space<vmem>>) attributes {dimension_semantics = [#tpu.dimension_semantics<arbitrary>], iteration_bounds = array<i64: 5>, scalar_prefetch = 0 : i64, scratch_operands = 2 : i64, tpu.core_type = #tpu.core_type<tc>, window_params = [{transform_indices = @transform_0, window_bounds = array<i64: 20480, 128>}, {pipeline_mode = #tpu.pipeline_mode<synchronous>, transform_indices = @transform_1, window_bounds = array<i64: 256, 512>}, {pipeline_mode = #tpu.pipeline_mode<synchronous>, transform_indices = @transform_2, window_bounds = array<i64: 8, 512>}, {pipeline_mode = #tpu.pipeline_mode<synchronous>, transform_indices = @transform_3, window_bounds = array<i64: 1024, 128>}]} {
    %eq3A = arith.constant 0 : i32
    %eq3A_0 = arith.cmpi eq, %arg0, %eq3A : i32
    %convert_element_type3A = arith.extui %eq3A_0 : i1 to i32
    %cond3A = arith.constant 0 : i32
    %cond3A_1 = arith.cmpi ne, %convert_element_type3A, %cond3A : i32
    scf.if %cond3A_1 {
      %broadcast_in_dim3A = arith.constant 0.000000e+00 : f32
      %broadcast_in_dim3A_857 = vector.broadcast %broadcast_in_dim3A : f32 to vector<1024x128xf32>
      %swap3A_858 = arith.constant 0 : index
      %swap3A_859 = arith.constant 0 : index
      %swap3A_860 = vector.load %arg5[%swap3A_858, %swap3A_859] : memref<1024x128xf32, #tpu.memory_space<vmem>>, vector<1024x128xf32>
      tpu.vector_store %arg5[%swap3A_858, %swap3A_859], %broadcast_in_dim3A_857 {strides = array<i32>} : memref<1024x128xf32, #tpu.memory_space<vmem>>, vector<1024x128xf32>,
      %broadcast_in_dim3A_861 = arith.constant 0.000000e+00 : f32
      %broadcast_in_dim3A_862 = vector.broadcast %broadcast_in_dim3A_861 : f32 to vector<1024x128xf32>
      %swap3A_863 = arith.constant 0 : index
      %swap3A_864 = arith.constant 0 : index
      %swap3A_865 = vector.load %arg6[%swap3A_863, %swap3A_864] : memref<1024x128xf32, #tpu.memory_space<vmem>>, vector<1024x128xf32>
      tpu.vector_store %arg6[%swap3A_863, %swap3A_864], %broadcast_in_dim3A_862 {strides = array<i32>} : memref<1024x128xf32, #tpu.memory_space<vmem>>, vector<1024x128xf32>,
      %broadcast_in_dim3A_866 = arith.constant 0.000000e+00 : f32
      %broadcast_in_dim3A_867 = vector.broadcast %broadcast_in_dim3A_866 : f32 to vector<1024x128xf32>
      %swap3A_868 = arith.constant 0 : index
      %swap3A_869 = arith.constant 0 : index
      %swap3A_870 = vector.load %arg4[%swap3A_868, %swap3A_869] : memref<1024x128xf32, #tpu.memory_space<vmem>>, vector<1024x128xf32>
      tpu.vector_store %arg4[%swap3A_868, %swap3A_869], %broadcast_in_dim3A_867 {strides = array<i32>} : memref<1024x128xf32, #tpu.memory_space<vmem>>, vector<1024x128xf32>,
    } else {
    }
    %get3A = arith.constant 0 : index
    %get3A_2 = arith.constant 0 : index
    %get3A_3 = vector.load %arg4[%get3A, %get3A_2] : memref<1024x128xf32, #tpu.memory_space<vmem>>, vector<1024x128xf32>
    %get3A_4 = arith.constant 0 : index
    %get3A_5 = arith.constant 0 : index
    %get3A_6 = vector.load %arg5[%get3A_4, %get3A_5] : memref<1024x128xf32, #tpu.memory_space<vmem>>, vector<1024x128xf32>
    %get3A_7 = arith.constant 0 : index
    %get3A_8 = arith.constant 0 : index
    %get3A_9 = vector.load %arg6[%get3A_7, %get3A_8] : memref<1024x128xf32, #tpu.memory_space<vmem>>, vector<1024x128xf32>
    %get3A_10 = arith.constant 0 : index
    %get3A_11 = arith.constant 0 : index
    %get3A_12 = vector.load %arg1[%get3A_10, %get3A_11] : memref<20480x128xf32, #tpu.memory_space<vmem>>, vector<1024x128xf32>
    %convert_element_type3A_13 = arith.truncf %get3A_12 : vector<1024x128xf32> to vector<1024x128xbf16>
    %convert_element_type3A_14 = arith.truncf %get3A_6 : vector<1024x128xf32> to vector<1024x128xbf16>
    %concatenate3A = tpu.concatenate %convert_element_type3A_13, %convert_element_type3A_14 in 1 : vector<1024x128xbf16>, vector<1024x128xbf16> -> vector<1024x256xbf16>
    %get3A_15 = arith.constant 0 : index
    %get3A_16 = arith.constant 0 : index
    %get3A_17 = vector.load %arg2[%get3A_15, %get3A_16] : memref<256x512xbf16, #tpu.memory_space<vmem>>, vector<256x512xbf16>
    %dot_general3A = arith.constant dense<0.000000e+00> : vector<1024x512xf32>
    %dot_general3A_18 = tpu.matmul %concatenate3A, %get3A_17, %dot_general3A {dimension_numbers = #tpu.dot_dimension_numbers<[1], [0], [0], [1], [0, 0, 1, 1], [], []>, transpose_lhs_hint = false} : vector<1024x256xbf16>, vector<256x512xbf16>, vector<1024x512xf32> -> vector<1024x512xf32>
    %get3A_19 = arith.constant 0 : index
    %get3A_20 = arith.constant 0 : index
    %get3A_21 = vector.load %arg3[%get3A_19, %get3A_20] : memref<8x512xf32, #tpu.memory_space<vmem>>, vector<1x512xf32>
    %add3A = vector.broadcast %get3A_21 : vector<1x512xf32> to vector<1024x512xf32>
    %add3A_22 = arith.addf %dot_general3A_18, %add3A : vector<1024x512xf32>
    %slice3A = vector.extract_strided_slice %add3A_22 {offsets = [0, 0], sizes = [1024, 128], strides = [1, 1]} : vector<1024x512xf32> to vector<1024x128xf32>
    %tanh3A = math.tanh %slice3A : vector<1024x128xf32>
    %slice3A_23 = vector.extract_strided_slice %add3A_22 {offsets = [0, 128], sizes = [1024, 128], strides = [1, 1]} : vector<1024x512xf32> to vector<1024x128xf32>
    %tanh3A_24 = math.tanh %slice3A_23 : vector<1024x128xf32>
    %slice3A_25 = vector.extract_strided_slice %add3A_22 {offsets = [0, 256], sizes = [1024, 128], strides = [1, 1]} : vector<1024x512xf32> to vector<1024x128xf32>
    %tanh3A_26 = math.tanh %slice3A_25 : vector<1024x128xf32>
    %slice3A_27 = vector.extract_strided_slice %add3A_22 {offsets = [0, 384], sizes = [1024, 128], strides = [1, 1]} : vector<1024x512xf32> to vector<1024x128xf32>
    %tanh3A_28 = math.tanh %slice3A_27 : vector<1024x128xf32>
    %add3A_29 = arith.constant 1.000000e+00 : f32
    %add3A_30 = vector.broadcast %add3A_29 : f32 to vector<1024x128xf32>
    %add3A_31 = arith.addf %add3A_30, %tanh3A_24 : vector<1024x128xf32>
    %mul3A = arith.mulf %add3A_31, %get3A_9 : vector<1024x128xf32>
    %add3A_32 = arith.constant 1.000000e+00 : f32
    %add3A_33 = vector.broadcast %add3A_32 : f32 to vector<1024x128xf32>
    %add3A_34 = arith.addf %add3A_33, %tanh3A : vector<1024x128xf32>
    %mul3A_35 = arith.mulf %add3A_34, %tanh3A_26 : vector<1024x128xf32>
    %add3A_36 = arith.addf %mul3A, %mul3A_35 : vector<1024x128xf32>
    %mul3A_37 = arith.constant 5.000000e-01 : f32
    %mul3A_38 = vector.broadcast %mul3A_37 : f32 to vector<1024x128xf32>
    %mul3A_39 = arith.mulf %mul3A_38, %add3A_36 : vector<1024x128xf32>
    %add3A_40 = arith.constant 1.000000e+00 : f32
    %add3A_41 = vector.broadcast %add3A_40 : f32 to vector<1024x128xf32>
    %add3A_42 = arith.addf %add3A_41, %tanh3A_28 : vector<1024x128xf32>
    %tanh3A_43 = math.tanh %mul3A_39 : vector<1024x128xf32>
    %mul3A_44 = arith.mulf %add3A_42, %tanh3A_43 : vector<1024x128xf32>
    %add3A_45 = arith.addf %get3A_3, %mul3A_44 : vector<1024x128xf32>
    %get3A_46 = arith.constant 1024 : index
    %get3A_47 = arith.constant 0 : index
    %get3A_48 = vector.load %arg1[%get3A_46, %get3A_47] : memref<20480x128xf32, #tpu.memory_space<vmem>>, vector<1024x128xf32>
    %convert_element_type3A_49 = arith.truncf %get3A_48 : vector<1024x128xf32> to vector<1024x128xbf16>
    %convert_element_type3A_50 = arith.truncf %mul3A_44 : vector<1024x128xf32> to vector<1024x128xbf16>
    %concatenate3A_51 = tpu.concatenate %convert_element_type3A_49, %convert_element_type3A_50 in 1 : vector<1024x128xbf16>, vector<1024x128xbf16> -> vector<1024x256xbf16>
    %get3A_52 = arith.constant 0 : index
    %get3A_53 = arith.constant 0 : index
    %get3A_54 = vector.load %arg2[%get3A_52, %get3A_53] : memref<256x512xbf16, #tpu.memory_space<vmem>>, vector<256x512xbf16>
    %dot_general3A_55 = arith.constant dense<0.000000e+00> : vector<1024x512xf32>
    %dot_general3A_56 = tpu.matmul %concatenate3A_51, %get3A_54, %dot_general3A_55 {dimension_numbers = #tpu.dot_dimension_numbers<[1], [0], [0], [1], [0, 0, 1, 1], [], []>, transpose_lhs_hint = false} : vector<1024x256xbf16>, vector<256x512xbf16>, vector<1024x512xf32> -> vector<1024x512xf32>
    %get3A_57 = arith.constant 0 : index
    %get3A_58 = arith.constant 0 : index
    %get3A_59 = vector.load %arg3[%get3A_57, %get3A_58] : memref<8x512xf32, #tpu.memory_space<vmem>>, vector<1x512xf32>
    %add3A_60 = vector.broadcast %get3A_59 : vector<1x512xf32> to vector<1024x512xf32>
    %add3A_61 = arith.addf %dot_general3A_56, %add3A_60 : vector<1024x512xf32>
    %slice3A_62 = vector.extract_strided_slice %add3A_61 {offsets = [0, 0], sizes = [1024, 128], strides = [1, 1]} : vector<1024x512xf32> to vector<1024x128xf32>
    %tanh3A_63 = math.tanh %slice3A_62 : vector<1024x128xf32>
    %slice3A_64 = vector.extract_strided_slice %add3A_61 {offsets = [0, 128], sizes = [1024, 128], strides = [1, 1]} : vector<1024x512xf32> to vector<1024x128xf32>
    %tanh3A_65 = math.tanh %slice3A_64 : vector<1024x128xf32>
    %slice3A_66 = vector.extract_strided_slice %add3A_61 {offsets = [0, 256], sizes = [1024, 128], strides = [1, 1]} : vector<1024x512xf32> to vector<1024x128xf32>
    %tanh3A_67 = math.tanh %slice3A_66 : vector<1024x128xf32>
    %slice3A_68 = vector.extract_strided_slice %add3A_61 {offsets = [0, 384], sizes = [1024, 128], strides = [1, 1]} : vector<1024x512xf32> to vector<1024x128xf32>
    %tanh3A_69 = math.tanh %slice3A_68 : vector<1024x128xf32>
    %add3A_70 = arith.constant 1.000000e+00 : f32
    %add3A_71 = vector.broadcast %add3A_70 : f32 to vector<1024x128xf32>
    %add3A_72 = arith.addf %add3A_71, %tanh3A_65 : vector<1024x128xf32>
    %mul3A_73 = arith.mulf %add3A_72, %mul3A_39 : vector<1024x128xf32>
    %add3A_74 = arith.constant 1.000000e+00 : f32
    %add3A_75 = vector.broadcast %add3A_74 : f32 to vector<1024x128xf32>
    %add3A_76 = arith.addf %add3A_75, %tanh3A_63 : vector<1024x128xf32>
    %mul3A_77 = arith.mulf %add3A_76, %tanh3A_67 : vector<1024x128xf32>
    %add3A_78 = arith.addf %mul3A_73, %mul3A_77 : vector<1024x128xf32>
    %mul3A_79 = arith.constant 5.000000e-01 : f32
    %mul3A_80 = vector.broadcast %mul3A_79 : f32 to vector<1024x128xf32>
    %mul3A_81 = arith.mulf %mul3A_80, %add3A_78 : vector<1024x128xf32>
    %add3A_82 = arith.constant 1.000000e+00 : f32
    %add3A_83 = vector.broadcast %add3A_82 : f32 to vector<1024x128xf32>
    %add3A_84 = arith.addf %add3A_83, %tanh3A_69 : vector<1024x128xf32>
    %tanh3A_85 = math.tanh %mul3A_81 : vector<1024x128xf32>
    %mul3A_86 = arith.mulf %add3A_84, %tanh3A_85 : vector<1024x128xf32>
    %add3A_87 = arith.addf %add3A_45, %mul3A_86 : vector<1024x128xf32>
    %get3A_88 = arith.constant 2048 : index
    %get3A_89 = arith.constant 0 : index
    %get3A_90 = vector.load %arg1[%get3A_88, %get3A_89] : memref<20480x128xf32, #tpu.memory_space<vmem>>, vector<1024x128xf32>
    %convert_element_type3A_91 = arith.truncf %get3A_90 : vector<1024x128xf32> to vector<1024x128xbf16>
    %convert_element_type3A_92 = arith.truncf %mul3A_86 : vector<1024x128xf32> to vector<1024x128xbf16>
    %concatenate3A_93 = tpu.concatenate %convert_element_type3A_91, %convert_element_type3A_92 in 1 : vector<1024x128xbf16>, vector<1024x128xbf16> -> vector<1024x256xbf16>
    %get3A_94 = arith.constant 0 : index
    %get3A_95 = arith.constant 0 : index
    %get3A_96 = vector.load %arg2[%get3A_94, %get3A_95] : memref<256x512xbf16, #tpu.memory_space<vmem>>, vector<256x512xbf16>
    %dot_general3A_97 = arith.constant dense<0.000000e+00> : vector<1024x512xf32>
    %dot_general3A_98 = tpu.matmul %concatenate3A_93, %get3A_96, %dot_general3A_97 {dimension_numbers = #tpu.dot_dimension_numbers<[1], [0], [0], [1], [0, 0, 1, 1], [], []>, transpose_lhs_hint = false} : vector<1024x256xbf16>, vector<256x512xbf16>, vector<1024x512xf32> -> vector<1024x512xf32>
    %get3A_99 = arith.constant 0 : index
    %get3A_100 = arith.constant 0 : index
    %get3A_101 = vector.load %arg3[%get3A_99, %get3A_100] : memref<8x512xf32, #tpu.memory_space<vmem>>, vector<1x512xf32>
    %add3A_102 = vector.broadcast %get3A_101 : vector<1x512xf32> to vector<1024x512xf32>
    %add3A_103 = arith.addf %dot_general3A_98, %add3A_102 : vector<1024x512xf32>
    %slice3A_104 = vector.extract_strided_slice %add3A_103 {offsets = [0, 0], sizes = [1024, 128], strides = [1, 1]} : vector<1024x512xf32> to vector<1024x128xf32>
    %tanh3A_105 = math.tanh %slice3A_104 : vector<1024x128xf32>
    %slice3A_106 = vector.extract_strided_slice %add3A_103 {offsets = [0, 128], sizes = [1024, 128], strides = [1, 1]} : vector<1024x512xf32> to vector<1024x128xf32>
    %tanh3A_107 = math.tanh %slice3A_106 : vector<1024x128xf32>
    %slice3A_108 = vector.extract_strided_slice %add3A_103 {offsets = [0, 256], sizes = [1024, 128], strides = [1, 1]} : vector<1024x512xf32> to vector<1024x128xf32>
    %tanh3A_109 = math.tanh %slice3A_108 : vector<1024x128xf32>
    %slice3A_110 = vector.extract_strided_slice %add3A_103 {offsets = [0, 384], sizes = [1024, 128], strides = [1, 1]} : vector<1024x512xf32> to vector<1024x128xf32>
    %tanh3A_111 = math.tanh %slice3A_110 : vector<1024x128xf32>
    %add3A_112 = arith.constant 1.000000e+00 : f32
    %add3A_113 = vector.broadcast %add3A_112 : f32 to vector<1024x128xf32>
    %add3A_114 = arith.addf %add3A_113, %tanh3A_107 : vector<1024x128xf32>
    %mul3A_115 = arith.mulf %add3A_114, %mul3A_81 : vector<1024x128xf32>
    %add3A_116 = arith.constant 1.000000e+00 : f32
    %add3A_117 = vector.broadcast %add3A_116 : f32 to vector<1024x128xf32>
    %add3A_118 = arith.addf %add3A_117, %tanh3A_105 : vector<1024x128xf32>
    %mul3A_119 = arith.mulf %add3A_118, %tanh3A_109 : vector<1024x128xf32>
    %add3A_120 = arith.addf %mul3A_115, %mul3A_119 : vector<1024x128xf32>
    %mul3A_121 = arith.constant 5.000000e-01 : f32
    %mul3A_122 = vector.broadcast %mul3A_121 : f32 to vector<1024x128xf32>
    %mul3A_123 = arith.mulf %mul3A_122, %add3A_120 : vector<1024x128xf32>
    %add3A_124 = arith.constant 1.000000e+00 : f32
    %add3A_125 = vector.broadcast %add3A_124 : f32 to vector<1024x128xf32>
    %add3A_126 = arith.addf %add3A_125, %tanh3A_111 : vector<1024x128xf32>
    %tanh3A_127 = math.tanh %mul3A_123 : vector<1024x128xf32>
    %mul3A_128 = arith.mulf %add3A_126, %tanh3A_127 : vector<1024x128xf32>
    %add3A_129 = arith.addf %add3A_87, %mul3A_128 : vector<1024x128xf32>
    %get3A_130 = arith.constant 3072 : index
    %get3A_131 = arith.constant 0 : index
    %get3A_132 = vector.load %arg1[%get3A_130, %get3A_131] : memref<20480x128xf32, #tpu.memory_space<vmem>>, vector<1024x128xf32>
    %convert_element_type3A_133 = arith.truncf %get3A_132 : vector<1024x128xf32> to vector<1024x128xbf16>
    %convert_element_type3A_134 = arith.truncf %mul3A_128 : vector<1024x128xf32> to vector<1024x128xbf16>
    %concatenate3A_135 = tpu.concatenate %convert_element_type3A_133, %convert_element_type3A_134 in 1 : vector<1024x128xbf16>, vector<1024x128xbf16> -> vector<1024x256xbf16>
    %get3A_136 = arith.constant 0 : index
    %get3A_137 = arith.constant 0 : index
    %get3A_138 = vector.load %arg2[%get3A_136, %get3A_137] : memref<256x512xbf16, #tpu.memory_space<vmem>>, vector<256x512xbf16>
    %dot_general3A_139 = arith.constant dense<0.000000e+00> : vector<1024x512xf32>
    %dot_general3A_140 = tpu.matmul %concatenate3A_135, %get3A_138, %dot_general3A_139 {dimension_numbers = #tpu.dot_dimension_numbers<[1], [0], [0], [1], [0, 0, 1, 1], [], []>, transpose_lhs_hint = false} : vector<1024x256xbf16>, vector<256x512xbf16>, vector<1024x512xf32> -> vector<1024x512xf32>
    %get3A_141 = arith.constant 0 : index
    %get3A_142 = arith.constant 0 : index
    %get3A_143 = vector.load %arg3[%get3A_141, %get3A_142] : memref<8x512xf32, #tpu.memory_space<vmem>>, vector<1x512xf32>
    %add3A_144 = vector.broadcast %get3A_143 : vector<1x512xf32> to vector<1024x512xf32>
    %add3A_145 = arith.addf %dot_general3A_140, %add3A_144 : vector<1024x512xf32>
    %slice3A_146 = vector.extract_strided_slice %add3A_145 {offsets = [0, 0], sizes = [1024, 128], strides = [1, 1]} : vector<1024x512xf32> to vector<1024x128xf32>
    %tanh3A_147 = math.tanh %slice3A_146 : vector<1024x128xf32>
    %slice3A_148 = vector.extract_strided_slice %add3A_145 {offsets = [0, 128], sizes = [1024, 128], strides = [1, 1]} : vector<1024x512xf32> to vector<1024x128xf32>
    %tanh3A_149 = math.tanh %slice3A_148 : vector<1024x128xf32>
    %slice3A_150 = vector.extract_strided_slice %add3A_145 {offsets = [0, 256], sizes = [1024, 128], strides = [1, 1]} : vector<1024x512xf32> to vector<1024x128xf32>
    %tanh3A_151 = math.tanh %slice3A_150 : vector<1024x128xf32>
    %slice3A_152 = vector.extract_strided_slice %add3A_145 {offsets = [0, 384], sizes = [1024, 128], strides = [1, 1]} : vector<1024x512xf32> to vector<1024x128xf32>
    %tanh3A_153 = math.tanh %slice3A_152 : vector<1024x128xf32>
    %add3A_154 = arith.constant 1.000000e+00 : f32
    %add3A_155 = vector.broadcast %add3A_154 : f32 to vector<1024x128xf32>
    %add3A_156 = arith.addf %add3A_155, %tanh3A_149 : vector<1024x128xf32>
    %mul3A_157 = arith.mulf %add3A_156, %mul3A_123 : vector<1024x128xf32>
    %add3A_158 = arith.constant 1.000000e+00 : f32
    %add3A_159 = vector.broadcast %add3A_158 : f32 to vector<1024x128xf32>
    %add3A_160 = arith.addf %add3A_159, %tanh3A_147 : vector<1024x128xf32>
    %mul3A_161 = arith.mulf %add3A_160, %tanh3A_151 : vector<1024x128xf32>
    %add3A_162 = arith.addf %mul3A_157, %mul3A_161 : vector<1024x128xf32>
    %mul3A_163 = arith.constant 5.000000e-01 : f32
    %mul3A_164 = vector.broadcast %mul3A_163 : f32 to vector<1024x128xf32>
    %mul3A_165 = arith.mulf %mul3A_164, %add3A_162 : vector<1024x128xf32>
    %add3A_166 = arith.constant 1.000000e+00 : f32
    %add3A_167 = vector.broadcast %add3A_166 : f32 to vector<1024x128xf32>
    %add3A_168 = arith.addf %add3A_167, %tanh3A_153 : vector<1024x128xf32>
    %tanh3A_169 = math.tanh %mul3A_165 : vector<1024x128xf32>
    %mul3A_170 = arith.mulf %add3A_168, %tanh3A_169 : vector<1024x128xf32>
    %add3A_171 = arith.addf %add3A_129, %mul3A_170 : vector<1024x128xf32>
    %get3A_172 = arith.constant 4096 : index
    %get3A_173 = arith.constant 0 : index
    %get3A_174 = vector.load %arg1[%get3A_172, %get3A_173] : memref<20480x128xf32, #tpu.memory_space<vmem>>, vector<1024x128xf32>
    %convert_element_type3A_175 = arith.truncf %get3A_174 : vector<1024x128xf32> to vector<1024x128xbf16>
    %convert_element_type3A_176 = arith.truncf %mul3A_170 : vector<1024x128xf32> to vector<1024x128xbf16>
    %concatenate3A_177 = tpu.concatenate %convert_element_type3A_175, %convert_element_type3A_176 in 1 : vector<1024x128xbf16>, vector<1024x128xbf16> -> vector<1024x256xbf16>
    %get3A_178 = arith.constant 0 : index
    %get3A_179 = arith.constant 0 : index
    %get3A_180 = vector.load %arg2[%get3A_178, %get3A_179] : memref<256x512xbf16, #tpu.memory_space<vmem>>, vector<256x512xbf16>
    %dot_general3A_181 = arith.constant dense<0.000000e+00> : vector<1024x512xf32>
    %dot_general3A_182 = tpu.matmul %concatenate3A_177, %get3A_180, %dot_general3A_181 {dimension_numbers = #tpu.dot_dimension_numbers<[1], [0], [0], [1], [0, 0, 1, 1], [], []>, transpose_lhs_hint = false} : vector<1024x256xbf16>, vector<256x512xbf16>, vector<1024x512xf32> -> vector<1024x512xf32>
    %get3A_183 = arith.constant 0 : index
    %get3A_184 = arith.constant 0 : index
    %get3A_185 = vector.load %arg3[%get3A_183, %get3A_184] : memref<8x512xf32, #tpu.memory_space<vmem>>, vector<1x512xf32>
    %add3A_186 = vector.broadcast %get3A_185 : vector<1x512xf32> to vector<1024x512xf32>
    %add3A_187 = arith.addf %dot_general3A_182, %add3A_186 : vector<1024x512xf32>
    %slice3A_188 = vector.extract_strided_slice %add3A_187 {offsets = [0, 0], sizes = [1024, 128], strides = [1, 1]} : vector<1024x512xf32> to vector<1024x128xf32>
    %tanh3A_189 = math.tanh %slice3A_188 : vector<1024x128xf32>
    %slice3A_190 = vector.extract_strided_slice %add3A_187 {offsets = [0, 128], sizes = [1024, 128], strides = [1, 1]} : vector<1024x512xf32> to vector<1024x128xf32>
    %tanh3A_191 = math.tanh %slice3A_190 : vector<1024x128xf32>
    %slice3A_192 = vector.extract_strided_slice %add3A_187 {offsets = [0, 256], sizes = [1024, 128], strides = [1, 1]} : vector<1024x512xf32> to vector<1024x128xf32>
    %tanh3A_193 = math.tanh %slice3A_192 : vector<1024x128xf32>
    %slice3A_194 = vector.extract_strided_slice %add3A_187 {offsets = [0, 384], sizes = [1024, 128], strides = [1, 1]} : vector<1024x512xf32> to vector<1024x128xf32>
    %tanh3A_195 = math.tanh %slice3A_194 : vector<1024x128xf32>
    %add3A_196 = arith.constant 1.000000e+00 : f32
    %add3A_197 = vector.broadcast %add3A_196 : f32 to vector<1024x128xf32>
    %add3A_198 = arith.addf %add3A_197, %tanh3A_191 : vector<1024x128xf32>
    %mul3A_199 = arith.mulf %add3A_198, %mul3A_165 : vector<1024x128xf32>
    %add3A_200 = arith.constant 1.000000e+00 : f32
    %add3A_201 = vector.broadcast %add3A_200 : f32 to vector<1024x128xf32>
    %add3A_202 = arith.addf %add3A_201, %tanh3A_189 : vector<1024x128xf32>
    %mul3A_203 = arith.mulf %add3A_202, %tanh3A_193 : vector<1024x128xf32>
    %add3A_204 = arith.addf %mul3A_199, %mul3A_203 : vector<1024x128xf32>
    %mul3A_205 = arith.constant 5.000000e-01 : f32
    %mul3A_206 = vector.broadcast %mul3A_205 : f32 to vector<1024x128xf32>
    %mul3A_207 = arith.mulf %mul3A_206, %add3A_204 : vector<1024x128xf32>
    %add3A_208 = arith.constant 1.000000e+00 : f32
    %add3A_209 = vector.broadcast %add3A_208 : f32 to vector<1024x128xf32>
    %add3A_210 = arith.addf %add3A_209, %tanh3A_195 : vector<1024x128xf32>
    %tanh3A_211 = math.tanh %mul3A_207 : vector<1024x128xf32>
    %mul3A_212 = arith.mulf %add3A_210, %tanh3A_211 : vector<1024x128xf32>
    %add3A_213 = arith.addf %add3A_171, %mul3A_212 : vector<1024x128xf32>
    %get3A_214 = arith.constant 5120 : index
    %get3A_215 = arith.constant 0 : index
    %get3A_216 = vector.load %arg1[%get3A_214, %get3A_215] : memref<20480x128xf32, #tpu.memory_space<vmem>>, vector<1024x128xf32>
    %convert_element_type3A_217 = arith.truncf %get3A_216 : vector<1024x128xf32> to vector<1024x128xbf16>
    %convert_element_type3A_218 = arith.truncf %mul3A_212 : vector<1024x128xf32> to vector<1024x128xbf16>
    %concatenate3A_219 = tpu.concatenate %convert_element_type3A_217, %convert_element_type3A_218 in 1 : vector<1024x128xbf16>, vector<1024x128xbf16> -> vector<1024x256xbf16>
    %get3A_220 = arith.constant 0 : index
    %get3A_221 = arith.constant 0 : index
    %get3A_222 = vector.load %arg2[%get3A_220, %get3A_221] : memref<256x512xbf16, #tpu.memory_space<vmem>>, vector<256x512xbf16>
    %dot_general3A_223 = arith.constant dense<0.000000e+00> : vector<1024x512xf32>
    %dot_general3A_224 = tpu.matmul %concatenate3A_219, %get3A_222, %dot_general3A_223 {dimension_numbers = #tpu.dot_dimension_numbers<[1], [0], [0], [1], [0, 0, 1, 1], [], []>, transpose_lhs_hint = false} : vector<1024x256xbf16>, vector<256x512xbf16>, vector<1024x512xf32> -> vector<1024x512xf32>
    %get3A_225 = arith.constant 0 : index
    %get3A_226 = arith.constant 0 : index
    %get3A_227 = vector.load %arg3[%get3A_225, %get3A_226] : memref<8x512xf32, #tpu.memory_space<vmem>>, vector<1x512xf32>
    %add3A_228 = vector.broadcast %get3A_227 : vector<1x512xf32> to vector<1024x512xf32>
    %add3A_229 = arith.addf %dot_general3A_224, %add3A_228 : vector<1024x512xf32>
    %slice3A_230 = vector.extract_strided_slice %add3A_229 {offsets = [0, 0], sizes = [1024, 128], strides = [1, 1]} : vector<1024x512xf32> to vector<1024x128xf32>
    %tanh3A_231 = math.tanh %slice3A_230 : vector<1024x128xf32>
    %slice3A_232 = vector.extract_strided_slice %add3A_229 {offsets = [0, 128], sizes = [1024, 128], strides = [1, 1]} : vector<1024x512xf32> to vector<1024x128xf32>
    %tanh3A_233 = math.tanh %slice3A_232 : vector<1024x128xf32>
    %slice3A_234 = vector.extract_strided_slice %add3A_229 {offsets = [0, 256], sizes = [1024, 128], strides = [1, 1]} : vector<1024x512xf32> to vector<1024x128xf32>
    %tanh3A_235 = math.tanh %slice3A_234 : vector<1024x128xf32>
    %slice3A_236 = vector.extract_strided_slice %add3A_229 {offsets = [0, 384], sizes = [1024, 128], strides = [1, 1]} : vector<1024x512xf32> to vector<1024x128xf32>
    %tanh3A_237 = math.tanh %slice3A_236 : vector<1024x128xf32>
    %add3A_238 = arith.constant 1.000000e+00 : f32
    %add3A_239 = vector.broadcast %add3A_238 : f32 to vector<1024x128xf32>
    %add3A_240 = arith.addf %add3A_239, %tanh3A_233 : vector<1024x128xf32>
    %mul3A_241 = arith.mulf %add3A_240, %mul3A_207 : vector<1024x128xf32>
    %add3A_242 = arith.constant 1.000000e+00 : f32
    %add3A_243 = vector.broadcast %add3A_242 : f32 to vector<1024x128xf32>
    %add3A_244 = arith.addf %add3A_243, %tanh3A_231 : vector<1024x128xf32>
    %mul3A_245 = arith.mulf %add3A_244, %tanh3A_235 : vector<1024x128xf32>
    %add3A_246 = arith.addf %mul3A_241, %mul3A_245 : vector<1024x128xf32>
    %mul3A_247 = arith.constant 5.000000e-01 : f32
    %mul3A_248 = vector.broadcast %mul3A_247 : f32 to vector<1024x128xf32>
    %mul3A_249 = arith.mulf %mul3A_248, %add3A_246 : vector<1024x128xf32>
    %add3A_250 = arith.constant 1.000000e+00 : f32
    %add3A_251 = vector.broadcast %add3A_250 : f32 to vector<1024x128xf32>
    %add3A_252 = arith.addf %add3A_251, %tanh3A_237 : vector<1024x128xf32>
    %tanh3A_253 = math.tanh %mul3A_249 : vector<1024x128xf32>
    %mul3A_254 = arith.mulf %add3A_252, %tanh3A_253 : vector<1024x128xf32>
    %add3A_255 = arith.addf %add3A_213, %mul3A_254 : vector<1024x128xf32>
    %get3A_256 = arith.constant 6144 : index
    %get3A_257 = arith.constant 0 : index
    %get3A_258 = vector.load %arg1[%get3A_256, %get3A_257] : memref<20480x128xf32, #tpu.memory_space<vmem>>, vector<1024x128xf32>
    %convert_element_type3A_259 = arith.truncf %get3A_258 : vector<1024x128xf32> to vector<1024x128xbf16>
    %convert_element_type3A_260 = arith.truncf %mul3A_254 : vector<1024x128xf32> to vector<1024x128xbf16>
    %concatenate3A_261 = tpu.concatenate %convert_element_type3A_259, %convert_element_type3A_260 in 1 : vector<1024x128xbf16>, vector<1024x128xbf16> -> vector<1024x256xbf16>
    %get3A_262 = arith.constant 0 : index
    %get3A_263 = arith.constant 0 : index
    %get3A_264 = vector.load %arg2[%get3A_262, %get3A_263] : memref<256x512xbf16, #tpu.memory_space<vmem>>, vector<256x512xbf16>
    %dot_general3A_265 = arith.constant dense<0.000000e+00> : vector<1024x512xf32>
    %dot_general3A_266 = tpu.matmul %concatenate3A_261, %get3A_264, %dot_general3A_265 {dimension_numbers = #tpu.dot_dimension_numbers<[1], [0], [0], [1], [0, 0, 1, 1], [], []>, transpose_lhs_hint = false} : vector<1024x256xbf16>, vector<256x512xbf16>, vector<1024x512xf32> -> vector<1024x512xf32>
    %get3A_267 = arith.constant 0 : index
    %get3A_268 = arith.constant 0 : index
    %get3A_269 = vector.load %arg3[%get3A_267, %get3A_268] : memref<8x512xf32, #tpu.memory_space<vmem>>, vector<1x512xf32>
    %add3A_270 = vector.broadcast %get3A_269 : vector<1x512xf32> to vector<1024x512xf32>
    %add3A_271 = arith.addf %dot_general3A_266, %add3A_270 : vector<1024x512xf32>
    %slice3A_272 = vector.extract_strided_slice %add3A_271 {offsets = [0, 0], sizes = [1024, 128], strides = [1, 1]} : vector<1024x512xf32> to vector<1024x128xf32>
    %tanh3A_273 = math.tanh %slice3A_272 : vector<1024x128xf32>
    %slice3A_274 = vector.extract_strided_slice %add3A_271 {offsets = [0, 128], sizes = [1024, 128], strides = [1, 1]} : vector<1024x512xf32> to vector<1024x128xf32>
    %tanh3A_275 = math.tanh %slice3A_274 : vector<1024x128xf32>
    %slice3A_276 = vector.extract_strided_slice %add3A_271 {offsets = [0, 256], sizes = [1024, 128], strides = [1, 1]} : vector<1024x512xf32> to vector<1024x128xf32>
    %tanh3A_277 = math.tanh %slice3A_276 : vector<1024x128xf32>
    %slice3A_278 = vector.extract_strided_slice %add3A_271 {offsets = [0, 384], sizes = [1024, 128], strides = [1, 1]} : vector<1024x512xf32> to vector<1024x128xf32>
    %tanh3A_279 = math.tanh %slice3A_278 : vector<1024x128xf32>
    %add3A_280 = arith.constant 1.000000e+00 : f32
    %add3A_281 = vector.broadcast %add3A_280 : f32 to vector<1024x128xf32>
    %add3A_282 = arith.addf %add3A_281, %tanh3A_275 : vector<1024x128xf32>
    %mul3A_283 = arith.mulf %add3A_282, %mul3A_249 : vector<1024x128xf32>
    %add3A_284 = arith.constant 1.000000e+00 : f32
    %add3A_285 = vector.broadcast %add3A_284 : f32 to vector<1024x128xf32>
    %add3A_286 = arith.addf %add3A_285, %tanh3A_273 : vector<1024x128xf32>
    %mul3A_287 = arith.mulf %add3A_286, %tanh3A_277 : vector<1024x128xf32>
    %add3A_288 = arith.addf %mul3A_283, %mul3A_287 : vector<1024x128xf32>
    %mul3A_289 = arith.constant 5.000000e-01 : f32
    %mul3A_290 = vector.broadcast %mul3A_289 : f32 to vector<1024x128xf32>
    %mul3A_291 = arith.mulf %mul3A_290, %add3A_288 : vector<1024x128xf32>
    %add3A_292 = arith.constant 1.000000e+00 : f32
    %add3A_293 = vector.broadcast %add3A_292 : f32 to vector<1024x128xf32>
    %add3A_294 = arith.addf %add3A_293, %tanh3A_279 : vector<1024x128xf32>
    %tanh3A_295 = math.tanh %mul3A_291 : vector<1024x128xf32>
    %mul3A_296 = arith.mulf %add3A_294, %tanh3A_295 : vector<1024x128xf32>
    %add3A_297 = arith.addf %add3A_255, %mul3A_296 : vector<1024x128xf32>
    %get3A_298 = arith.constant 7168 : index
    %get3A_299 = arith.constant 0 : index
    %get3A_300 = vector.load %arg1[%get3A_298, %get3A_299] : memref<20480x128xf32, #tpu.memory_space<vmem>>, vector<1024x128xf32>
    %convert_element_type3A_301 = arith.truncf %get3A_300 : vector<1024x128xf32> to vector<1024x128xbf16>
    %convert_element_type3A_302 = arith.truncf %mul3A_296 : vector<1024x128xf32> to vector<1024x128xbf16>
    %concatenate3A_303 = tpu.concatenate %convert_element_type3A_301, %convert_element_type3A_302 in 1 : vector<1024x128xbf16>, vector<1024x128xbf16> -> vector<1024x256xbf16>
    %get3A_304 = arith.constant 0 : index
    %get3A_305 = arith.constant 0 : index
    %get3A_306 = vector.load %arg2[%get3A_304, %get3A_305] : memref<256x512xbf16, #tpu.memory_space<vmem>>, vector<256x512xbf16>
    %dot_general3A_307 = arith.constant dense<0.000000e+00> : vector<1024x512xf32>
    %dot_general3A_308 = tpu.matmul %concatenate3A_303, %get3A_306, %dot_general3A_307 {dimension_numbers = #tpu.dot_dimension_numbers<[1], [0], [0], [1], [0, 0, 1, 1], [], []>, transpose_lhs_hint = false} : vector<1024x256xbf16>, vector<256x512xbf16>, vector<1024x512xf32> -> vector<1024x512xf32>
    %get3A_309 = arith.constant 0 : index
    %get3A_310 = arith.constant 0 : index
    %get3A_311 = vector.load %arg3[%get3A_309, %get3A_310] : memref<8x512xf32, #tpu.memory_space<vmem>>, vector<1x512xf32>
    %add3A_312 = vector.broadcast %get3A_311 : vector<1x512xf32> to vector<1024x512xf32>
    %add3A_313 = arith.addf %dot_general3A_308, %add3A_312 : vector<1024x512xf32>
    %slice3A_314 = vector.extract_strided_slice %add3A_313 {offsets = [0, 0], sizes = [1024, 128], strides = [1, 1]} : vector<1024x512xf32> to vector<1024x128xf32>
    %tanh3A_315 = math.tanh %slice3A_314 : vector<1024x128xf32>
    %slice3A_316 = vector.extract_strided_slice %add3A_313 {offsets = [0, 128], sizes = [1024, 128], strides = [1, 1]} : vector<1024x512xf32> to vector<1024x128xf32>
    %tanh3A_317 = math.tanh %slice3A_316 : vector<1024x128xf32>
    %slice3A_318 = vector.extract_strided_slice %add3A_313 {offsets = [0, 256], sizes = [1024, 128], strides = [1, 1]} : vector<1024x512xf32> to vector<1024x128xf32>
    %tanh3A_319 = math.tanh %slice3A_318 : vector<1024x128xf32>
    %slice3A_320 = vector.extract_strided_slice %add3A_313 {offsets = [0, 384], sizes = [1024, 128], strides = [1, 1]} : vector<1024x512xf32> to vector<1024x128xf32>
    %tanh3A_321 = math.tanh %slice3A_320 : vector<1024x128xf32>
    %add3A_322 = arith.constant 1.000000e+00 : f32
    %add3A_323 = vector.broadcast %add3A_322 : f32 to vector<1024x128xf32>
    %add3A_324 = arith.addf %add3A_323, %tanh3A_317 : vector<1024x128xf32>
    %mul3A_325 = arith.mulf %add3A_324, %mul3A_291 : vector<1024x128xf32>
    %add3A_326 = arith.constant 1.000000e+00 : f32
    %add3A_327 = vector.broadcast %add3A_326 : f32 to vector<1024x128xf32>
    %add3A_328 = arith.addf %add3A_327, %tanh3A_315 : vector<1024x128xf32>
    %mul3A_329 = arith.mulf %add3A_328, %tanh3A_319 : vector<1024x128xf32>
    %add3A_330 = arith.addf %mul3A_325, %mul3A_329 : vector<1024x128xf32>
    %mul3A_331 = arith.constant 5.000000e-01 : f32
    %mul3A_332 = vector.broadcast %mul3A_331 : f32 to vector<1024x128xf32>
    %mul3A_333 = arith.mulf %mul3A_332, %add3A_330 : vector<1024x128xf32>
    %add3A_334 = arith.constant 1.000000e+00 : f32
    %add3A_335 = vector.broadcast %add3A_334 : f32 to vector<1024x128xf32>
    %add3A_336 = arith.addf %add3A_335, %tanh3A_321 : vector<1024x128xf32>
    %tanh3A_337 = math.tanh %mul3A_333 : vector<1024x128xf32>
    %mul3A_338 = arith.mulf %add3A_336, %tanh3A_337 : vector<1024x128xf32>
    %add3A_339 = arith.addf %add3A_297, %mul3A_338 : vector<1024x128xf32>
    %get3A_340 = arith.constant 8192 : index
    %get3A_341 = arith.constant 0 : index
    %get3A_342 = vector.load %arg1[%get3A_340, %get3A_341] : memref<20480x128xf32, #tpu.memory_space<vmem>>, vector<1024x128xf32>
    %convert_element_type3A_343 = arith.truncf %get3A_342 : vector<1024x128xf32> to vector<1024x128xbf16>
    %convert_element_type3A_344 = arith.truncf %mul3A_338 : vector<1024x128xf32> to vector<1024x128xbf16>
    %concatenate3A_345 = tpu.concatenate %convert_element_type3A_343, %convert_element_type3A_344 in 1 : vector<1024x128xbf16>, vector<1024x128xbf16> -> vector<1024x256xbf16>
    %get3A_346 = arith.constant 0 : index
    %get3A_347 = arith.constant 0 : index
    %get3A_348 = vector.load %arg2[%get3A_346, %get3A_347] : memref<256x512xbf16, #tpu.memory_space<vmem>>, vector<256x512xbf16>
    %dot_general3A_349 = arith.constant dense<0.000000e+00> : vector<1024x512xf32>
    %dot_general3A_350 = tpu.matmul %concatenate3A_345, %get3A_348, %dot_general3A_349 {dimension_numbers = #tpu.dot_dimension_numbers<[1], [0], [0], [1], [0, 0, 1, 1], [], []>, transpose_lhs_hint = false} : vector<1024x256xbf16>, vector<256x512xbf16>, vector<1024x512xf32> -> vector<1024x512xf32>
    %get3A_351 = arith.constant 0 : index
    %get3A_352 = arith.constant 0 : index
    %get3A_353 = vector.load %arg3[%get3A_351, %get3A_352] : memref<8x512xf32, #tpu.memory_space<vmem>>, vector<1x512xf32>
    %add3A_354 = vector.broadcast %get3A_353 : vector<1x512xf32> to vector<1024x512xf32>
    %add3A_355 = arith.addf %dot_general3A_350, %add3A_354 : vector<1024x512xf32>
    %slice3A_356 = vector.extract_strided_slice %add3A_355 {offsets = [0, 0], sizes = [1024, 128], strides = [1, 1]} : vector<1024x512xf32> to vector<1024x128xf32>
    %tanh3A_357 = math.tanh %slice3A_356 : vector<1024x128xf32>
    %slice3A_358 = vector.extract_strided_slice %add3A_355 {offsets = [0, 128], sizes = [1024, 128], strides = [1, 1]} : vector<1024x512xf32> to vector<1024x128xf32>
    %tanh3A_359 = math.tanh %slice3A_358 : vector<1024x128xf32>
    %slice3A_360 = vector.extract_strided_slice %add3A_355 {offsets = [0, 256], sizes = [1024, 128], strides = [1, 1]} : vector<1024x512xf32> to vector<1024x128xf32>
    %tanh3A_361 = math.tanh %slice3A_360 : vector<1024x128xf32>
    %slice3A_362 = vector.extract_strided_slice %add3A_355 {offsets = [0, 384], sizes = [1024, 128], strides = [1, 1]} : vector<1024x512xf32> to vector<1024x128xf32>
    %tanh3A_363 = math.tanh %slice3A_362 : vector<1024x128xf32>
    %add3A_364 = arith.constant 1.000000e+00 : f32
    %add3A_365 = vector.broadcast %add3A_364 : f32 to vector<1024x128xf32>
    %add3A_366 = arith.addf %add3A_365, %tanh3A_359 : vector<1024x128xf32>
    %mul3A_367 = arith.mulf %add3A_366, %mul3A_333 : vector<1024x128xf32>
    %add3A_368 = arith.constant 1.000000e+00 : f32
    %add3A_369 = vector.broadcast %add3A_368 : f32 to vector<1024x128xf32>
    %add3A_370 = arith.addf %add3A_369, %tanh3A_357 : vector<1024x128xf32>
    %mul3A_371 = arith.mulf %add3A_370, %tanh3A_361 : vector<1024x128xf32>
    %add3A_372 = arith.addf %mul3A_367, %mul3A_371 : vector<1024x128xf32>
    %mul3A_373 = arith.constant 5.000000e-01 : f32
    %mul3A_374 = vector.broadcast %mul3A_373 : f32 to vector<1024x128xf32>
    %mul3A_375 = arith.mulf %mul3A_374, %add3A_372 : vector<1024x128xf32>
    %add3A_376 = arith.constant 1.000000e+00 : f32
    %add3A_377 = vector.broadcast %add3A_376 : f32 to vector<1024x128xf32>
    %add3A_378 = arith.addf %add3A_377, %tanh3A_363 : vector<1024x128xf32>
    %tanh3A_379 = math.tanh %mul3A_375 : vector<1024x128xf32>
    %mul3A_380 = arith.mulf %add3A_378, %tanh3A_379 : vector<1024x128xf32>
    %add3A_381 = arith.addf %add3A_339, %mul3A_380 : vector<1024x128xf32>
    %get3A_382 = arith.constant 9216 : index
    %get3A_383 = arith.constant 0 : index
    %get3A_384 = vector.load %arg1[%get3A_382, %get3A_383] : memref<20480x128xf32, #tpu.memory_space<vmem>>, vector<1024x128xf32>
    %convert_element_type3A_385 = arith.truncf %get3A_384 : vector<1024x128xf32> to vector<1024x128xbf16>
    %convert_element_type3A_386 = arith.truncf %mul3A_380 : vector<1024x128xf32> to vector<1024x128xbf16>
    %concatenate3A_387 = tpu.concatenate %convert_element_type3A_385, %convert_element_type3A_386 in 1 : vector<1024x128xbf16>, vector<1024x128xbf16> -> vector<1024x256xbf16>
    %get3A_388 = arith.constant 0 : index
    %get3A_389 = arith.constant 0 : index
    %get3A_390 = vector.load %arg2[%get3A_388, %get3A_389] : memref<256x512xbf16, #tpu.memory_space<vmem>>, vector<256x512xbf16>
    %dot_general3A_391 = arith.constant dense<0.000000e+00> : vector<1024x512xf32>
    %dot_general3A_392 = tpu.matmul %concatenate3A_387, %get3A_390, %dot_general3A_391 {dimension_numbers = #tpu.dot_dimension_numbers<[1], [0], [0], [1], [0, 0, 1, 1], [], []>, transpose_lhs_hint = false} : vector<1024x256xbf16>, vector<256x512xbf16>, vector<1024x512xf32> -> vector<1024x512xf32>
    %get3A_393 = arith.constant 0 : index
    %get3A_394 = arith.constant 0 : index
    %get3A_395 = vector.load %arg3[%get3A_393, %get3A_394] : memref<8x512xf32, #tpu.memory_space<vmem>>, vector<1x512xf32>
    %add3A_396 = vector.broadcast %get3A_395 : vector<1x512xf32> to vector<1024x512xf32>
    %add3A_397 = arith.addf %dot_general3A_392, %add3A_396 : vector<1024x512xf32>
    %slice3A_398 = vector.extract_strided_slice %add3A_397 {offsets = [0, 0], sizes = [1024, 128], strides = [1, 1]} : vector<1024x512xf32> to vector<1024x128xf32>
    %tanh3A_399 = math.tanh %slice3A_398 : vector<1024x128xf32>
    %slice3A_400 = vector.extract_strided_slice %add3A_397 {offsets = [0, 128], sizes = [1024, 128], strides = [1, 1]} : vector<1024x512xf32> to vector<1024x128xf32>
    %tanh3A_401 = math.tanh %slice3A_400 : vector<1024x128xf32>
    %slice3A_402 = vector.extract_strided_slice %add3A_397 {offsets = [0, 256], sizes = [1024, 128], strides = [1, 1]} : vector<1024x512xf32> to vector<1024x128xf32>
    %tanh3A_403 = math.tanh %slice3A_402 : vector<1024x128xf32>
    %slice3A_404 = vector.extract_strided_slice %add3A_397 {offsets = [0, 384], sizes = [1024, 128], strides = [1, 1]} : vector<1024x512xf32> to vector<1024x128xf32>
    %tanh3A_405 = math.tanh %slice3A_404 : vector<1024x128xf32>
    %add3A_406 = arith.constant 1.000000e+00 : f32
    %add3A_407 = vector.broadcast %add3A_406 : f32 to vector<1024x128xf32>
    %add3A_408 = arith.addf %add3A_407, %tanh3A_401 : vector<1024x128xf32>
    %mul3A_409 = arith.mulf %add3A_408, %mul3A_375 : vector<1024x128xf32>
    %add3A_410 = arith.constant 1.000000e+00 : f32
    %add3A_411 = vector.broadcast %add3A_410 : f32 to vector<1024x128xf32>
    %add3A_412 = arith.addf %add3A_411, %tanh3A_399 : vector<1024x128xf32>
    %mul3A_413 = arith.mulf %add3A_412, %tanh3A_403 : vector<1024x128xf32>
    %add3A_414 = arith.addf %mul3A_409, %mul3A_413 : vector<1024x128xf32>
    %mul3A_415 = arith.constant 5.000000e-01 : f32
    %mul3A_416 = vector.broadcast %mul3A_415 : f32 to vector<1024x128xf32>
    %mul3A_417 = arith.mulf %mul3A_416, %add3A_414 : vector<1024x128xf32>
    %add3A_418 = arith.constant 1.000000e+00 : f32
    %add3A_419 = vector.broadcast %add3A_418 : f32 to vector<1024x128xf32>
    %add3A_420 = arith.addf %add3A_419, %tanh3A_405 : vector<1024x128xf32>
    %tanh3A_421 = math.tanh %mul3A_417 : vector<1024x128xf32>
    %mul3A_422 = arith.mulf %add3A_420, %tanh3A_421 : vector<1024x128xf32>
    %add3A_423 = arith.addf %add3A_381, %mul3A_422 : vector<1024x128xf32>
    %get3A_424 = arith.constant 10240 : index
    %get3A_425 = arith.constant 0 : index
    %get3A_426 = vector.load %arg1[%get3A_424, %get3A_425] : memref<20480x128xf32, #tpu.memory_space<vmem>>, vector<1024x128xf32>
    %convert_element_type3A_427 = arith.truncf %get3A_426 : vector<1024x128xf32> to vector<1024x128xbf16>
    %convert_element_type3A_428 = arith.truncf %mul3A_422 : vector<1024x128xf32> to vector<1024x128xbf16>
    %concatenate3A_429 = tpu.concatenate %convert_element_type3A_427, %convert_element_type3A_428 in 1 : vector<1024x128xbf16>, vector<1024x128xbf16> -> vector<1024x256xbf16>
    %get3A_430 = arith.constant 0 : index
    %get3A_431 = arith.constant 0 : index
    %get3A_432 = vector.load %arg2[%get3A_430, %get3A_431] : memref<256x512xbf16, #tpu.memory_space<vmem>>, vector<256x512xbf16>
    %dot_general3A_433 = arith.constant dense<0.000000e+00> : vector<1024x512xf32>
    %dot_general3A_434 = tpu.matmul %concatenate3A_429, %get3A_432, %dot_general3A_433 {dimension_numbers = #tpu.dot_dimension_numbers<[1], [0], [0], [1], [0, 0, 1, 1], [], []>, transpose_lhs_hint = false} : vector<1024x256xbf16>, vector<256x512xbf16>, vector<1024x512xf32> -> vector<1024x512xf32>
    %get3A_435 = arith.constant 0 : index
    %get3A_436 = arith.constant 0 : index
    %get3A_437 = vector.load %arg3[%get3A_435, %get3A_436] : memref<8x512xf32, #tpu.memory_space<vmem>>, vector<1x512xf32>
    %add3A_438 = vector.broadcast %get3A_437 : vector<1x512xf32> to vector<1024x512xf32>
    %add3A_439 = arith.addf %dot_general3A_434, %add3A_438 : vector<1024x512xf32>
    %slice3A_440 = vector.extract_strided_slice %add3A_439 {offsets = [0, 0], sizes = [1024, 128], strides = [1, 1]} : vector<1024x512xf32> to vector<1024x128xf32>
    %tanh3A_441 = math.tanh %slice3A_440 : vector<1024x128xf32>
    %slice3A_442 = vector.extract_strided_slice %add3A_439 {offsets = [0, 128], sizes = [1024, 128], strides = [1, 1]} : vector<1024x512xf32> to vector<1024x128xf32>
    %tanh3A_443 = math.tanh %slice3A_442 : vector<1024x128xf32>
    %slice3A_444 = vector.extract_strided_slice %add3A_439 {offsets = [0, 256], sizes = [1024, 128], strides = [1, 1]} : vector<1024x512xf32> to vector<1024x128xf32>
    %tanh3A_445 = math.tanh %slice3A_444 : vector<1024x128xf32>
    %slice3A_446 = vector.extract_strided_slice %add3A_439 {offsets = [0, 384], sizes = [1024, 128], strides = [1, 1]} : vector<1024x512xf32> to vector<1024x128xf32>
    %tanh3A_447 = math.tanh %slice3A_446 : vector<1024x128xf32>
    %add3A_448 = arith.constant 1.000000e+00 : f32
    %add3A_449 = vector.broadcast %add3A_448 : f32 to vector<1024x128xf32>
    %add3A_450 = arith.addf %add3A_449, %tanh3A_443 : vector<1024x128xf32>
    %mul3A_451 = arith.mulf %add3A_450, %mul3A_417 : vector<1024x128xf32>
    %add3A_452 = arith.constant 1.000000e+00 : f32
    %add3A_453 = vector.broadcast %add3A_452 : f32 to vector<1024x128xf32>
    %add3A_454 = arith.addf %add3A_453, %tanh3A_441 : vector<1024x128xf32>
    %mul3A_455 = arith.mulf %add3A_454, %tanh3A_445 : vector<1024x128xf32>
    %add3A_456 = arith.addf %mul3A_451, %mul3A_455 : vector<1024x128xf32>
    %mul3A_457 = arith.constant 5.000000e-01 : f32
    %mul3A_458 = vector.broadcast %mul3A_457 : f32 to vector<1024x128xf32>
    %mul3A_459 = arith.mulf %mul3A_458, %add3A_456 : vector<1024x128xf32>
    %add3A_460 = arith.constant 1.000000e+00 : f32
    %add3A_461 = vector.broadcast %add3A_460 : f32 to vector<1024x128xf32>
    %add3A_462 = arith.addf %add3A_461, %tanh3A_447 : vector<1024x128xf32>
    %tanh3A_463 = math.tanh %mul3A_459 : vector<1024x128xf32>
    %mul3A_464 = arith.mulf %add3A_462, %tanh3A_463 : vector<1024x128xf32>
    %add3A_465 = arith.addf %add3A_423, %mul3A_464 : vector<1024x128xf32>
    %get3A_466 = arith.constant 11264 : index
    %get3A_467 = arith.constant 0 : index
    %get3A_468 = vector.load %arg1[%get3A_466, %get3A_467] : memref<20480x128xf32, #tpu.memory_space<vmem>>, vector<1024x128xf32>
    %convert_element_type3A_469 = arith.truncf %get3A_468 : vector<1024x128xf32> to vector<1024x128xbf16>
    %convert_element_type3A_470 = arith.truncf %mul3A_464 : vector<1024x128xf32> to vector<1024x128xbf16>
    %concatenate3A_471 = tpu.concatenate %convert_element_type3A_469, %convert_element_type3A_470 in 1 : vector<1024x128xbf16>, vector<1024x128xbf16> -> vector<1024x256xbf16>
    %get3A_472 = arith.constant 0 : index
    %get3A_473 = arith.constant 0 : index
    %get3A_474 = vector.load %arg2[%get3A_472, %get3A_473] : memref<256x512xbf16, #tpu.memory_space<vmem>>, vector<256x512xbf16>
    %dot_general3A_475 = arith.constant dense<0.000000e+00> : vector<1024x512xf32>
    %dot_general3A_476 = tpu.matmul %concatenate3A_471, %get3A_474, %dot_general3A_475 {dimension_numbers = #tpu.dot_dimension_numbers<[1], [0], [0], [1], [0, 0, 1, 1], [], []>, transpose_lhs_hint = false} : vector<1024x256xbf16>, vector<256x512xbf16>, vector<1024x512xf32> -> vector<1024x512xf32>
    %get3A_477 = arith.constant 0 : index
    %get3A_478 = arith.constant 0 : index
    %get3A_479 = vector.load %arg3[%get3A_477, %get3A_478] : memref<8x512xf32, #tpu.memory_space<vmem>>, vector<1x512xf32>
    %add3A_480 = vector.broadcast %get3A_479 : vector<1x512xf32> to vector<1024x512xf32>
    %add3A_481 = arith.addf %dot_general3A_476, %add3A_480 : vector<1024x512xf32>
    %slice3A_482 = vector.extract_strided_slice %add3A_481 {offsets = [0, 0], sizes = [1024, 128], strides = [1, 1]} : vector<1024x512xf32> to vector<1024x128xf32>
    %tanh3A_483 = math.tanh %slice3A_482 : vector<1024x128xf32>
    %slice3A_484 = vector.extract_strided_slice %add3A_481 {offsets = [0, 128], sizes = [1024, 128], strides = [1, 1]} : vector<1024x512xf32> to vector<1024x128xf32>
    %tanh3A_485 = math.tanh %slice3A_484 : vector<1024x128xf32>
    %slice3A_486 = vector.extract_strided_slice %add3A_481 {offsets = [0, 256], sizes = [1024, 128], strides = [1, 1]} : vector<1024x512xf32> to vector<1024x128xf32>
    %tanh3A_487 = math.tanh %slice3A_486 : vector<1024x128xf32>
    %slice3A_488 = vector.extract_strided_slice %add3A_481 {offsets = [0, 384], sizes = [1024, 128], strides = [1, 1]} : vector<1024x512xf32> to vector<1024x128xf32>
    %tanh3A_489 = math.tanh %slice3A_488 : vector<1024x128xf32>
    %add3A_490 = arith.constant 1.000000e+00 : f32
    %add3A_491 = vector.broadcast %add3A_490 : f32 to vector<1024x128xf32>
    %add3A_492 = arith.addf %add3A_491, %tanh3A_485 : vector<1024x128xf32>
    %mul3A_493 = arith.mulf %add3A_492, %mul3A_459 : vector<1024x128xf32>
    %add3A_494 = arith.constant 1.000000e+00 : f32
    %add3A_495 = vector.broadcast %add3A_494 : f32 to vector<1024x128xf32>
    %add3A_496 = arith.addf %add3A_495, %tanh3A_483 : vector<1024x128xf32>
    %mul3A_497 = arith.mulf %add3A_496, %tanh3A_487 : vector<1024x128xf32>
    %add3A_498 = arith.addf %mul3A_493, %mul3A_497 : vector<1024x128xf32>
    %mul3A_499 = arith.constant 5.000000e-01 : f32
    %mul3A_500 = vector.broadcast %mul3A_499 : f32 to vector<1024x128xf32>
    %mul3A_501 = arith.mulf %mul3A_500, %add3A_498 : vector<1024x128xf32>
    %add3A_502 = arith.constant 1.000000e+00 : f32
    %add3A_503 = vector.broadcast %add3A_502 : f32 to vector<1024x128xf32>
    %add3A_504 = arith.addf %add3A_503, %tanh3A_489 : vector<1024x128xf32>
    %tanh3A_505 = math.tanh %mul3A_501 : vector<1024x128xf32>
    %mul3A_506 = arith.mulf %add3A_504, %tanh3A_505 : vector<1024x128xf32>
    %add3A_507 = arith.addf %add3A_465, %mul3A_506 : vector<1024x128xf32>
    %get3A_508 = arith.constant 12288 : index
    %get3A_509 = arith.constant 0 : index
    %get3A_510 = vector.load %arg1[%get3A_508, %get3A_509] : memref<20480x128xf32, #tpu.memory_space<vmem>>, vector<1024x128xf32>
    %convert_element_type3A_511 = arith.truncf %get3A_510 : vector<1024x128xf32> to vector<1024x128xbf16>
    %convert_element_type3A_512 = arith.truncf %mul3A_506 : vector<1024x128xf32> to vector<1024x128xbf16>
    %concatenate3A_513 = tpu.concatenate %convert_element_type3A_511, %convert_element_type3A_512 in 1 : vector<1024x128xbf16>, vector<1024x128xbf16> -> vector<1024x256xbf16>
    %get3A_514 = arith.constant 0 : index
    %get3A_515 = arith.constant 0 : index
    %get3A_516 = vector.load %arg2[%get3A_514, %get3A_515] : memref<256x512xbf16, #tpu.memory_space<vmem>>, vector<256x512xbf16>
    %dot_general3A_517 = arith.constant dense<0.000000e+00> : vector<1024x512xf32>
    %dot_general3A_518 = tpu.matmul %concatenate3A_513, %get3A_516, %dot_general3A_517 {dimension_numbers = #tpu.dot_dimension_numbers<[1], [0], [0], [1], [0, 0, 1, 1], [], []>, transpose_lhs_hint = false} : vector<1024x256xbf16>, vector<256x512xbf16>, vector<1024x512xf32> -> vector<1024x512xf32>
    %get3A_519 = arith.constant 0 : index
    %get3A_520 = arith.constant 0 : index
    %get3A_521 = vector.load %arg3[%get3A_519, %get3A_520] : memref<8x512xf32, #tpu.memory_space<vmem>>, vector<1x512xf32>
    %add3A_522 = vector.broadcast %get3A_521 : vector<1x512xf32> to vector<1024x512xf32>
    %add3A_523 = arith.addf %dot_general3A_518, %add3A_522 : vector<1024x512xf32>
    %slice3A_524 = vector.extract_strided_slice %add3A_523 {offsets = [0, 0], sizes = [1024, 128], strides = [1, 1]} : vector<1024x512xf32> to vector<1024x128xf32>
    %tanh3A_525 = math.tanh %slice3A_524 : vector<1024x128xf32>
    %slice3A_526 = vector.extract_strided_slice %add3A_523 {offsets = [0, 128], sizes = [1024, 128], strides = [1, 1]} : vector<1024x512xf32> to vector<1024x128xf32>
    %tanh3A_527 = math.tanh %slice3A_526 : vector<1024x128xf32>
    %slice3A_528 = vector.extract_strided_slice %add3A_523 {offsets = [0, 256], sizes = [1024, 128], strides = [1, 1]} : vector<1024x512xf32> to vector<1024x128xf32>
    %tanh3A_529 = math.tanh %slice3A_528 : vector<1024x128xf32>
    %slice3A_530 = vector.extract_strided_slice %add3A_523 {offsets = [0, 384], sizes = [1024, 128], strides = [1, 1]} : vector<1024x512xf32> to vector<1024x128xf32>
    %tanh3A_531 = math.tanh %slice3A_530 : vector<1024x128xf32>
    %add3A_532 = arith.constant 1.000000e+00 : f32
    %add3A_533 = vector.broadcast %add3A_532 : f32 to vector<1024x128xf32>
    %add3A_534 = arith.addf %add3A_533, %tanh3A_527 : vector<1024x128xf32>
    %mul3A_535 = arith.mulf %add3A_534, %mul3A_501 : vector<1024x128xf32>
    %add3A_536 = arith.constant 1.000000e+00 : f32
    %add3A_537 = vector.broadcast %add3A_536 : f32 to vector<1024x128xf32>
    %add3A_538 = arith.addf %add3A_537, %tanh3A_525 : vector<1024x128xf32>
    %mul3A_539 = arith.mulf %add3A_538, %tanh3A_529 : vector<1024x128xf32>
    %add3A_540 = arith.addf %mul3A_535, %mul3A_539 : vector<1024x128xf32>
    %mul3A_541 = arith.constant 5.000000e-01 : f32
    %mul3A_542 = vector.broadcast %mul3A_541 : f32 to vector<1024x128xf32>
    %mul3A_543 = arith.mulf %mul3A_542, %add3A_540 : vector<1024x128xf32>
    %add3A_544 = arith.constant 1.000000e+00 : f32
    %add3A_545 = vector.broadcast %add3A_544 : f32 to vector<1024x128xf32>
    %add3A_546 = arith.addf %add3A_545, %tanh3A_531 : vector<1024x128xf32>
    %tanh3A_547 = math.tanh %mul3A_543 : vector<1024x128xf32>
    %mul3A_548 = arith.mulf %add3A_546, %tanh3A_547 : vector<1024x128xf32>
    %add3A_549 = arith.addf %add3A_507, %mul3A_548 : vector<1024x128xf32>
    %get3A_550 = arith.constant 13312 : index
    %get3A_551 = arith.constant 0 : index
    %get3A_552 = vector.load %arg1[%get3A_550, %get3A_551] : memref<20480x128xf32, #tpu.memory_space<vmem>>, vector<1024x128xf32>
    %convert_element_type3A_553 = arith.truncf %get3A_552 : vector<1024x128xf32> to vector<1024x128xbf16>
    %convert_element_type3A_554 = arith.truncf %mul3A_548 : vector<1024x128xf32> to vector<1024x128xbf16>
    %concatenate3A_555 = tpu.concatenate %convert_element_type3A_553, %convert_element_type3A_554 in 1 : vector<1024x128xbf16>, vector<1024x128xbf16> -> vector<1024x256xbf16>
    %get3A_556 = arith.constant 0 : index
    %get3A_557 = arith.constant 0 : index
    %get3A_558 = vector.load %arg2[%get3A_556, %get3A_557] : memref<256x512xbf16, #tpu.memory_space<vmem>>, vector<256x512xbf16>
    %dot_general3A_559 = arith.constant dense<0.000000e+00> : vector<1024x512xf32>
    %dot_general3A_560 = tpu.matmul %concatenate3A_555, %get3A_558, %dot_general3A_559 {dimension_numbers = #tpu.dot_dimension_numbers<[1], [0], [0], [1], [0, 0, 1, 1], [], []>, transpose_lhs_hint = false} : vector<1024x256xbf16>, vector<256x512xbf16>, vector<1024x512xf32> -> vector<1024x512xf32>
    %get3A_561 = arith.constant 0 : index
    %get3A_562 = arith.constant 0 : index
    %get3A_563 = vector.load %arg3[%get3A_561, %get3A_562] : memref<8x512xf32, #tpu.memory_space<vmem>>, vector<1x512xf32>
    %add3A_564 = vector.broadcast %get3A_563 : vector<1x512xf32> to vector<1024x512xf32>
    %add3A_565 = arith.addf %dot_general3A_560, %add3A_564 : vector<1024x512xf32>
    %slice3A_566 = vector.extract_strided_slice %add3A_565 {offsets = [0, 0], sizes = [1024, 128], strides = [1, 1]} : vector<1024x512xf32> to vector<1024x128xf32>
    %tanh3A_567 = math.tanh %slice3A_566 : vector<1024x128xf32>
    %slice3A_568 = vector.extract_strided_slice %add3A_565 {offsets = [0, 128], sizes = [1024, 128], strides = [1, 1]} : vector<1024x512xf32> to vector<1024x128xf32>
    %tanh3A_569 = math.tanh %slice3A_568 : vector<1024x128xf32>
    %slice3A_570 = vector.extract_strided_slice %add3A_565 {offsets = [0, 256], sizes = [1024, 128], strides = [1, 1]} : vector<1024x512xf32> to vector<1024x128xf32>
    %tanh3A_571 = math.tanh %slice3A_570 : vector<1024x128xf32>
    %slice3A_572 = vector.extract_strided_slice %add3A_565 {offsets = [0, 384], sizes = [1024, 128], strides = [1, 1]} : vector<1024x512xf32> to vector<1024x128xf32>
    %tanh3A_573 = math.tanh %slice3A_572 : vector<1024x128xf32>
    %add3A_574 = arith.constant 1.000000e+00 : f32
    %add3A_575 = vector.broadcast %add3A_574 : f32 to vector<1024x128xf32>
    %add3A_576 = arith.addf %add3A_575, %tanh3A_569 : vector<1024x128xf32>
    %mul3A_577 = arith.mulf %add3A_576, %mul3A_543 : vector<1024x128xf32>
    %add3A_578 = arith.constant 1.000000e+00 : f32
    %add3A_579 = vector.broadcast %add3A_578 : f32 to vector<1024x128xf32>
    %add3A_580 = arith.addf %add3A_579, %tanh3A_567 : vector<1024x128xf32>
    %mul3A_581 = arith.mulf %add3A_580, %tanh3A_571 : vector<1024x128xf32>
    %add3A_582 = arith.addf %mul3A_577, %mul3A_581 : vector<1024x128xf32>
    %mul3A_583 = arith.constant 5.000000e-01 : f32
    %mul3A_584 = vector.broadcast %mul3A_583 : f32 to vector<1024x128xf32>
    %mul3A_585 = arith.mulf %mul3A_584, %add3A_582 : vector<1024x128xf32>
    %add3A_586 = arith.constant 1.000000e+00 : f32
    %add3A_587 = vector.broadcast %add3A_586 : f32 to vector<1024x128xf32>
    %add3A_588 = arith.addf %add3A_587, %tanh3A_573 : vector<1024x128xf32>
    %tanh3A_589 = math.tanh %mul3A_585 : vector<1024x128xf32>
    %mul3A_590 = arith.mulf %add3A_588, %tanh3A_589 : vector<1024x128xf32>
    %add3A_591 = arith.addf %add3A_549, %mul3A_590 : vector<1024x128xf32>
    %get3A_592 = arith.constant 14336 : index
    %get3A_593 = arith.constant 0 : index
    %get3A_594 = vector.load %arg1[%get3A_592, %get3A_593] : memref<20480x128xf32, #tpu.memory_space<vmem>>, vector<1024x128xf32>
    %convert_element_type3A_595 = arith.truncf %get3A_594 : vector<1024x128xf32> to vector<1024x128xbf16>
    %convert_element_type3A_596 = arith.truncf %mul3A_590 : vector<1024x128xf32> to vector<1024x128xbf16>
    %concatenate3A_597 = tpu.concatenate %convert_element_type3A_595, %convert_element_type3A_596 in 1 : vector<1024x128xbf16>, vector<1024x128xbf16> -> vector<1024x256xbf16>
    %get3A_598 = arith.constant 0 : index
    %get3A_599 = arith.constant 0 : index
    %get3A_600 = vector.load %arg2[%get3A_598, %get3A_599] : memref<256x512xbf16, #tpu.memory_space<vmem>>, vector<256x512xbf16>
    %dot_general3A_601 = arith.constant dense<0.000000e+00> : vector<1024x512xf32>
    %dot_general3A_602 = tpu.matmul %concatenate3A_597, %get3A_600, %dot_general3A_601 {dimension_numbers = #tpu.dot_dimension_numbers<[1], [0], [0], [1], [0, 0, 1, 1], [], []>, transpose_lhs_hint = false} : vector<1024x256xbf16>, vector<256x512xbf16>, vector<1024x512xf32> -> vector<1024x512xf32>
    %get3A_603 = arith.constant 0 : index
    %get3A_604 = arith.constant 0 : index
    %get3A_605 = vector.load %arg3[%get3A_603, %get3A_604] : memref<8x512xf32, #tpu.memory_space<vmem>>, vector<1x512xf32>
    %add3A_606 = vector.broadcast %get3A_605 : vector<1x512xf32> to vector<1024x512xf32>
    %add3A_607 = arith.addf %dot_general3A_602, %add3A_606 : vector<1024x512xf32>
    %slice3A_608 = vector.extract_strided_slice %add3A_607 {offsets = [0, 0], sizes = [1024, 128], strides = [1, 1]} : vector<1024x512xf32> to vector<1024x128xf32>
    %tanh3A_609 = math.tanh %slice3A_608 : vector<1024x128xf32>
    %slice3A_610 = vector.extract_strided_slice %add3A_607 {offsets = [0, 128], sizes = [1024, 128], strides = [1, 1]} : vector<1024x512xf32> to vector<1024x128xf32>
    %tanh3A_611 = math.tanh %slice3A_610 : vector<1024x128xf32>
    %slice3A_612 = vector.extract_strided_slice %add3A_607 {offsets = [0, 256], sizes = [1024, 128], strides = [1, 1]} : vector<1024x512xf32> to vector<1024x128xf32>
    %tanh3A_613 = math.tanh %slice3A_612 : vector<1024x128xf32>
    %slice3A_614 = vector.extract_strided_slice %add3A_607 {offsets = [0, 384], sizes = [1024, 128], strides = [1, 1]} : vector<1024x512xf32> to vector<1024x128xf32>
    %tanh3A_615 = math.tanh %slice3A_614 : vector<1024x128xf32>
    %add3A_616 = arith.constant 1.000000e+00 : f32
    %add3A_617 = vector.broadcast %add3A_616 : f32 to vector<1024x128xf32>
    %add3A_618 = arith.addf %add3A_617, %tanh3A_611 : vector<1024x128xf32>
    %mul3A_619 = arith.mulf %add3A_618, %mul3A_585 : vector<1024x128xf32>
    %add3A_620 = arith.constant 1.000000e+00 : f32
    %add3A_621 = vector.broadcast %add3A_620 : f32 to vector<1024x128xf32>
    %add3A_622 = arith.addf %add3A_621, %tanh3A_609 : vector<1024x128xf32>
    %mul3A_623 = arith.mulf %add3A_622, %tanh3A_613 : vector<1024x128xf32>
    %add3A_624 = arith.addf %mul3A_619, %mul3A_623 : vector<1024x128xf32>
    %mul3A_625 = arith.constant 5.000000e-01 : f32
    %mul3A_626 = vector.broadcast %mul3A_625 : f32 to vector<1024x128xf32>
    %mul3A_627 = arith.mulf %mul3A_626, %add3A_624 : vector<1024x128xf32>
    %add3A_628 = arith.constant 1.000000e+00 : f32
    %add3A_629 = vector.broadcast %add3A_628 : f32 to vector<1024x128xf32>
    %add3A_630 = arith.addf %add3A_629, %tanh3A_615 : vector<1024x128xf32>
    %tanh3A_631 = math.tanh %mul3A_627 : vector<1024x128xf32>
    %mul3A_632 = arith.mulf %add3A_630, %tanh3A_631 : vector<1024x128xf32>
    %add3A_633 = arith.addf %add3A_591, %mul3A_632 : vector<1024x128xf32>
    %get3A_634 = arith.constant 15360 : index
    %get3A_635 = arith.constant 0 : index
    %get3A_636 = vector.load %arg1[%get3A_634, %get3A_635] : memref<20480x128xf32, #tpu.memory_space<vmem>>, vector<1024x128xf32>
    %convert_element_type3A_637 = arith.truncf %get3A_636 : vector<1024x128xf32> to vector<1024x128xbf16>
    %convert_element_type3A_638 = arith.truncf %mul3A_632 : vector<1024x128xf32> to vector<1024x128xbf16>
    %concatenate3A_639 = tpu.concatenate %convert_element_type3A_637, %convert_element_type3A_638 in 1 : vector<1024x128xbf16>, vector<1024x128xbf16> -> vector<1024x256xbf16>
    %get3A_640 = arith.constant 0 : index
    %get3A_641 = arith.constant 0 : index
    %get3A_642 = vector.load %arg2[%get3A_640, %get3A_641] : memref<256x512xbf16, #tpu.memory_space<vmem>>, vector<256x512xbf16>
    %dot_general3A_643 = arith.constant dense<0.000000e+00> : vector<1024x512xf32>
    %dot_general3A_644 = tpu.matmul %concatenate3A_639, %get3A_642, %dot_general3A_643 {dimension_numbers = #tpu.dot_dimension_numbers<[1], [0], [0], [1], [0, 0, 1, 1], [], []>, transpose_lhs_hint = false} : vector<1024x256xbf16>, vector<256x512xbf16>, vector<1024x512xf32> -> vector<1024x512xf32>
    %get3A_645 = arith.constant 0 : index
    %get3A_646 = arith.constant 0 : index
    %get3A_647 = vector.load %arg3[%get3A_645, %get3A_646] : memref<8x512xf32, #tpu.memory_space<vmem>>, vector<1x512xf32>
    %add3A_648 = vector.broadcast %get3A_647 : vector<1x512xf32> to vector<1024x512xf32>
    %add3A_649 = arith.addf %dot_general3A_644, %add3A_648 : vector<1024x512xf32>
    %slice3A_650 = vector.extract_strided_slice %add3A_649 {offsets = [0, 0], sizes = [1024, 128], strides = [1, 1]} : vector<1024x512xf32> to vector<1024x128xf32>
    %tanh3A_651 = math.tanh %slice3A_650 : vector<1024x128xf32>
    %slice3A_652 = vector.extract_strided_slice %add3A_649 {offsets = [0, 128], sizes = [1024, 128], strides = [1, 1]} : vector<1024x512xf32> to vector<1024x128xf32>
    %tanh3A_653 = math.tanh %slice3A_652 : vector<1024x128xf32>
    %slice3A_654 = vector.extract_strided_slice %add3A_649 {offsets = [0, 256], sizes = [1024, 128], strides = [1, 1]} : vector<1024x512xf32> to vector<1024x128xf32>
    %tanh3A_655 = math.tanh %slice3A_654 : vector<1024x128xf32>
    %slice3A_656 = vector.extract_strided_slice %add3A_649 {offsets = [0, 384], sizes = [1024, 128], strides = [1, 1]} : vector<1024x512xf32> to vector<1024x128xf32>
    %tanh3A_657 = math.tanh %slice3A_656 : vector<1024x128xf32>
    %add3A_658 = arith.constant 1.000000e+00 : f32
    %add3A_659 = vector.broadcast %add3A_658 : f32 to vector<1024x128xf32>
    %add3A_660 = arith.addf %add3A_659, %tanh3A_653 : vector<1024x128xf32>
    %mul3A_661 = arith.mulf %add3A_660, %mul3A_627 : vector<1024x128xf32>
    %add3A_662 = arith.constant 1.000000e+00 : f32
    %add3A_663 = vector.broadcast %add3A_662 : f32 to vector<1024x128xf32>
    %add3A_664 = arith.addf %add3A_663, %tanh3A_651 : vector<1024x128xf32>
    %mul3A_665 = arith.mulf %add3A_664, %tanh3A_655 : vector<1024x128xf32>
    %add3A_666 = arith.addf %mul3A_661, %mul3A_665 : vector<1024x128xf32>
    %mul3A_667 = arith.constant 5.000000e-01 : f32
    %mul3A_668 = vector.broadcast %mul3A_667 : f32 to vector<1024x128xf32>
    %mul3A_669 = arith.mulf %mul3A_668, %add3A_666 : vector<1024x128xf32>
    %add3A_670 = arith.constant 1.000000e+00 : f32
    %add3A_671 = vector.broadcast %add3A_670 : f32 to vector<1024x128xf32>
    %add3A_672 = arith.addf %add3A_671, %tanh3A_657 : vector<1024x128xf32>
    %tanh3A_673 = math.tanh %mul3A_669 : vector<1024x128xf32>
    %mul3A_674 = arith.mulf %add3A_672, %tanh3A_673 : vector<1024x128xf32>
    %add3A_675 = arith.addf %add3A_633, %mul3A_674 : vector<1024x128xf32>
    %get3A_676 = arith.constant 16384 : index
    %get3A_677 = arith.constant 0 : index
    %get3A_678 = vector.load %arg1[%get3A_676, %get3A_677] : memref<20480x128xf32, #tpu.memory_space<vmem>>, vector<1024x128xf32>
    %convert_element_type3A_679 = arith.truncf %get3A_678 : vector<1024x128xf32> to vector<1024x128xbf16>
    %convert_element_type3A_680 = arith.truncf %mul3A_674 : vector<1024x128xf32> to vector<1024x128xbf16>
    %concatenate3A_681 = tpu.concatenate %convert_element_type3A_679, %convert_element_type3A_680 in 1 : vector<1024x128xbf16>, vector<1024x128xbf16> -> vector<1024x256xbf16>
    %get3A_682 = arith.constant 0 : index
    %get3A_683 = arith.constant 0 : index
    %get3A_684 = vector.load %arg2[%get3A_682, %get3A_683] : memref<256x512xbf16, #tpu.memory_space<vmem>>, vector<256x512xbf16>
    %dot_general3A_685 = arith.constant dense<0.000000e+00> : vector<1024x512xf32>
    %dot_general3A_686 = tpu.matmul %concatenate3A_681, %get3A_684, %dot_general3A_685 {dimension_numbers = #tpu.dot_dimension_numbers<[1], [0], [0], [1], [0, 0, 1, 1], [], []>, transpose_lhs_hint = false} : vector<1024x256xbf16>, vector<256x512xbf16>, vector<1024x512xf32> -> vector<1024x512xf32>
    %get3A_687 = arith.constant 0 : index
    %get3A_688 = arith.constant 0 : index
    %get3A_689 = vector.load %arg3[%get3A_687, %get3A_688] : memref<8x512xf32, #tpu.memory_space<vmem>>, vector<1x512xf32>
    %add3A_690 = vector.broadcast %get3A_689 : vector<1x512xf32> to vector<1024x512xf32>
    %add3A_691 = arith.addf %dot_general3A_686, %add3A_690 : vector<1024x512xf32>
    %slice3A_692 = vector.extract_strided_slice %add3A_691 {offsets = [0, 0], sizes = [1024, 128], strides = [1, 1]} : vector<1024x512xf32> to vector<1024x128xf32>
    %tanh3A_693 = math.tanh %slice3A_692 : vector<1024x128xf32>
    %slice3A_694 = vector.extract_strided_slice %add3A_691 {offsets = [0, 128], sizes = [1024, 128], strides = [1, 1]} : vector<1024x512xf32> to vector<1024x128xf32>
    %tanh3A_695 = math.tanh %slice3A_694 : vector<1024x128xf32>
    %slice3A_696 = vector.extract_strided_slice %add3A_691 {offsets = [0, 256], sizes = [1024, 128], strides = [1, 1]} : vector<1024x512xf32> to vector<1024x128xf32>
    %tanh3A_697 = math.tanh %slice3A_696 : vector<1024x128xf32>
    %slice3A_698 = vector.extract_strided_slice %add3A_691 {offsets = [0, 384], sizes = [1024, 128], strides = [1, 1]} : vector<1024x512xf32> to vector<1024x128xf32>
    %tanh3A_699 = math.tanh %slice3A_698 : vector<1024x128xf32>
    %add3A_700 = arith.constant 1.000000e+00 : f32
    %add3A_701 = vector.broadcast %add3A_700 : f32 to vector<1024x128xf32>
    %add3A_702 = arith.addf %add3A_701, %tanh3A_695 : vector<1024x128xf32>
    %mul3A_703 = arith.mulf %add3A_702, %mul3A_669 : vector<1024x128xf32>
    %add3A_704 = arith.constant 1.000000e+00 : f32
    %add3A_705 = vector.broadcast %add3A_704 : f32 to vector<1024x128xf32>
    %add3A_706 = arith.addf %add3A_705, %tanh3A_693 : vector<1024x128xf32>
    %mul3A_707 = arith.mulf %add3A_706, %tanh3A_697 : vector<1024x128xf32>
    %add3A_708 = arith.addf %mul3A_703, %mul3A_707 : vector<1024x128xf32>
    %mul3A_709 = arith.constant 5.000000e-01 : f32
    %mul3A_710 = vector.broadcast %mul3A_709 : f32 to vector<1024x128xf32>
    %mul3A_711 = arith.mulf %mul3A_710, %add3A_708 : vector<1024x128xf32>
    %add3A_712 = arith.constant 1.000000e+00 : f32
    %add3A_713 = vector.broadcast %add3A_712 : f32 to vector<1024x128xf32>
    %add3A_714 = arith.addf %add3A_713, %tanh3A_699 : vector<1024x128xf32>
    %tanh3A_715 = math.tanh %mul3A_711 : vector<1024x128xf32>
    %mul3A_716 = arith.mulf %add3A_714, %tanh3A_715 : vector<1024x128xf32>
    %add3A_717 = arith.addf %add3A_675, %mul3A_716 : vector<1024x128xf32>
    %get3A_718 = arith.constant 17408 : index
    %get3A_719 = arith.constant 0 : index
    %get3A_720 = vector.load %arg1[%get3A_718, %get3A_719] : memref<20480x128xf32, #tpu.memory_space<vmem>>, vector<1024x128xf32>
    %convert_element_type3A_721 = arith.truncf %get3A_720 : vector<1024x128xf32> to vector<1024x128xbf16>
    %convert_element_type3A_722 = arith.truncf %mul3A_716 : vector<1024x128xf32> to vector<1024x128xbf16>
    %concatenate3A_723 = tpu.concatenate %convert_element_type3A_721, %convert_element_type3A_722 in 1 : vector<1024x128xbf16>, vector<1024x128xbf16> -> vector<1024x256xbf16>
    %get3A_724 = arith.constant 0 : index
    %get3A_725 = arith.constant 0 : index
    %get3A_726 = vector.load %arg2[%get3A_724, %get3A_725] : memref<256x512xbf16, #tpu.memory_space<vmem>>, vector<256x512xbf16>
    %dot_general3A_727 = arith.constant dense<0.000000e+00> : vector<1024x512xf32>
    %dot_general3A_728 = tpu.matmul %concatenate3A_723, %get3A_726, %dot_general3A_727 {dimension_numbers = #tpu.dot_dimension_numbers<[1], [0], [0], [1], [0, 0, 1, 1], [], []>, transpose_lhs_hint = false} : vector<1024x256xbf16>, vector<256x512xbf16>, vector<1024x512xf32> -> vector<1024x512xf32>
    %get3A_729 = arith.constant 0 : index
    %get3A_730 = arith.constant 0 : index
    %get3A_731 = vector.load %arg3[%get3A_729, %get3A_730] : memref<8x512xf32, #tpu.memory_space<vmem>>, vector<1x512xf32>
    %add3A_732 = vector.broadcast %get3A_731 : vector<1x512xf32> to vector<1024x512xf32>
    %add3A_733 = arith.addf %dot_general3A_728, %add3A_732 : vector<1024x512xf32>
    %slice3A_734 = vector.extract_strided_slice %add3A_733 {offsets = [0, 0], sizes = [1024, 128], strides = [1, 1]} : vector<1024x512xf32> to vector<1024x128xf32>
    %tanh3A_735 = math.tanh %slice3A_734 : vector<1024x128xf32>
    %slice3A_736 = vector.extract_strided_slice %add3A_733 {offsets = [0, 128], sizes = [1024, 128], strides = [1, 1]} : vector<1024x512xf32> to vector<1024x128xf32>
    %tanh3A_737 = math.tanh %slice3A_736 : vector<1024x128xf32>
    %slice3A_738 = vector.extract_strided_slice %add3A_733 {offsets = [0, 256], sizes = [1024, 128], strides = [1, 1]} : vector<1024x512xf32> to vector<1024x128xf32>
    %tanh3A_739 = math.tanh %slice3A_738 : vector<1024x128xf32>
    %slice3A_740 = vector.extract_strided_slice %add3A_733 {offsets = [0, 384], sizes = [1024, 128], strides = [1, 1]} : vector<1024x512xf32> to vector<1024x128xf32>
    %tanh3A_741 = math.tanh %slice3A_740 : vector<1024x128xf32>
    %add3A_742 = arith.constant 1.000000e+00 : f32
    %add3A_743 = vector.broadcast %add3A_742 : f32 to vector<1024x128xf32>
    %add3A_744 = arith.addf %add3A_743, %tanh3A_737 : vector<1024x128xf32>
    %mul3A_745 = arith.mulf %add3A_744, %mul3A_711 : vector<1024x128xf32>
    %add3A_746 = arith.constant 1.000000e+00 : f32
    %add3A_747 = vector.broadcast %add3A_746 : f32 to vector<1024x128xf32>
    %add3A_748 = arith.addf %add3A_747, %tanh3A_735 : vector<1024x128xf32>
    %mul3A_749 = arith.mulf %add3A_748, %tanh3A_739 : vector<1024x128xf32>
    %add3A_750 = arith.addf %mul3A_745, %mul3A_749 : vector<1024x128xf32>
    %mul3A_751 = arith.constant 5.000000e-01 : f32
    %mul3A_752 = vector.broadcast %mul3A_751 : f32 to vector<1024x128xf32>
    %mul3A_753 = arith.mulf %mul3A_752, %add3A_750 : vector<1024x128xf32>
    %add3A_754 = arith.constant 1.000000e+00 : f32
    %add3A_755 = vector.broadcast %add3A_754 : f32 to vector<1024x128xf32>
    %add3A_756 = arith.addf %add3A_755, %tanh3A_741 : vector<1024x128xf32>
    %tanh3A_757 = math.tanh %mul3A_753 : vector<1024x128xf32>
    %mul3A_758 = arith.mulf %add3A_756, %tanh3A_757 : vector<1024x128xf32>
    %add3A_759 = arith.addf %add3A_717, %mul3A_758 : vector<1024x128xf32>
    %get3A_760 = arith.constant 18432 : index
    %get3A_761 = arith.constant 0 : index
    %get3A_762 = vector.load %arg1[%get3A_760, %get3A_761] : memref<20480x128xf32, #tpu.memory_space<vmem>>, vector<1024x128xf32>
    %convert_element_type3A_763 = arith.truncf %get3A_762 : vector<1024x128xf32> to vector<1024x128xbf16>
    %convert_element_type3A_764 = arith.truncf %mul3A_758 : vector<1024x128xf32> to vector<1024x128xbf16>
    %concatenate3A_765 = tpu.concatenate %convert_element_type3A_763, %convert_element_type3A_764 in 1 : vector<1024x128xbf16>, vector<1024x128xbf16> -> vector<1024x256xbf16>
    %get3A_766 = arith.constant 0 : index
    %get3A_767 = arith.constant 0 : index
    %get3A_768 = vector.load %arg2[%get3A_766, %get3A_767] : memref<256x512xbf16, #tpu.memory_space<vmem>>, vector<256x512xbf16>
    %dot_general3A_769 = arith.constant dense<0.000000e+00> : vector<1024x512xf32>
    %dot_general3A_770 = tpu.matmul %concatenate3A_765, %get3A_768, %dot_general3A_769 {dimension_numbers = #tpu.dot_dimension_numbers<[1], [0], [0], [1], [0, 0, 1, 1], [], []>, transpose_lhs_hint = false} : vector<1024x256xbf16>, vector<256x512xbf16>, vector<1024x512xf32> -> vector<1024x512xf32>
    %get3A_771 = arith.constant 0 : index
    %get3A_772 = arith.constant 0 : index
    %get3A_773 = vector.load %arg3[%get3A_771, %get3A_772] : memref<8x512xf32, #tpu.memory_space<vmem>>, vector<1x512xf32>
    %add3A_774 = vector.broadcast %get3A_773 : vector<1x512xf32> to vector<1024x512xf32>
    %add3A_775 = arith.addf %dot_general3A_770, %add3A_774 : vector<1024x512xf32>
    %slice3A_776 = vector.extract_strided_slice %add3A_775 {offsets = [0, 0], sizes = [1024, 128], strides = [1, 1]} : vector<1024x512xf32> to vector<1024x128xf32>
    %tanh3A_777 = math.tanh %slice3A_776 : vector<1024x128xf32>
    %slice3A_778 = vector.extract_strided_slice %add3A_775 {offsets = [0, 128], sizes = [1024, 128], strides = [1, 1]} : vector<1024x512xf32> to vector<1024x128xf32>
    %tanh3A_779 = math.tanh %slice3A_778 : vector<1024x128xf32>
    %slice3A_780 = vector.extract_strided_slice %add3A_775 {offsets = [0, 256], sizes = [1024, 128], strides = [1, 1]} : vector<1024x512xf32> to vector<1024x128xf32>
    %tanh3A_781 = math.tanh %slice3A_780 : vector<1024x128xf32>
    %slice3A_782 = vector.extract_strided_slice %add3A_775 {offsets = [0, 384], sizes = [1024, 128], strides = [1, 1]} : vector<1024x512xf32> to vector<1024x128xf32>
    %tanh3A_783 = math.tanh %slice3A_782 : vector<1024x128xf32>
    %add3A_784 = arith.constant 1.000000e+00 : f32
    %add3A_785 = vector.broadcast %add3A_784 : f32 to vector<1024x128xf32>
    %add3A_786 = arith.addf %add3A_785, %tanh3A_779 : vector<1024x128xf32>
    %mul3A_787 = arith.mulf %add3A_786, %mul3A_753 : vector<1024x128xf32>
    %add3A_788 = arith.constant 1.000000e+00 : f32
    %add3A_789 = vector.broadcast %add3A_788 : f32 to vector<1024x128xf32>
    %add3A_790 = arith.addf %add3A_789, %tanh3A_777 : vector<1024x128xf32>
    %mul3A_791 = arith.mulf %add3A_790, %tanh3A_781 : vector<1024x128xf32>
    %add3A_792 = arith.addf %mul3A_787, %mul3A_791 : vector<1024x128xf32>
    %mul3A_793 = arith.constant 5.000000e-01 : f32
    %mul3A_794 = vector.broadcast %mul3A_793 : f32 to vector<1024x128xf32>
    %mul3A_795 = arith.mulf %mul3A_794, %add3A_792 : vector<1024x128xf32>
    %add3A_796 = arith.constant 1.000000e+00 : f32
    %add3A_797 = vector.broadcast %add3A_796 : f32 to vector<1024x128xf32>
    %add3A_798 = arith.addf %add3A_797, %tanh3A_783 : vector<1024x128xf32>
    %tanh3A_799 = math.tanh %mul3A_795 : vector<1024x128xf32>
    %mul3A_800 = arith.mulf %add3A_798, %tanh3A_799 : vector<1024x128xf32>
    %add3A_801 = arith.addf %add3A_759, %mul3A_800 : vector<1024x128xf32>
    %get3A_802 = arith.constant 19456 : index
    %get3A_803 = arith.constant 0 : index
    %get3A_804 = vector.load %arg1[%get3A_802, %get3A_803] : memref<20480x128xf32, #tpu.memory_space<vmem>>, vector<1024x128xf32>
    %convert_element_type3A_805 = arith.truncf %get3A_804 : vector<1024x128xf32> to vector<1024x128xbf16>
    %convert_element_type3A_806 = arith.truncf %mul3A_800 : vector<1024x128xf32> to vector<1024x128xbf16>
    %concatenate3A_807 = tpu.concatenate %convert_element_type3A_805, %convert_element_type3A_806 in 1 : vector<1024x128xbf16>, vector<1024x128xbf16> -> vector<1024x256xbf16>
    %get3A_808 = arith.constant 0 : index
    %get3A_809 = arith.constant 0 : index
    %get3A_810 = vector.load %arg2[%get3A_808, %get3A_809] : memref<256x512xbf16, #tpu.memory_space<vmem>>, vector<256x512xbf16>
    %dot_general3A_811 = arith.constant dense<0.000000e+00> : vector<1024x512xf32>
    %dot_general3A_812 = tpu.matmul %concatenate3A_807, %get3A_810, %dot_general3A_811 {dimension_numbers = #tpu.dot_dimension_numbers<[1], [0], [0], [1], [0, 0, 1, 1], [], []>, transpose_lhs_hint = false} : vector<1024x256xbf16>, vector<256x512xbf16>, vector<1024x512xf32> -> vector<1024x512xf32>
    %get3A_813 = arith.constant 0 : index
    %get3A_814 = arith.constant 0 : index
    %get3A_815 = vector.load %arg3[%get3A_813, %get3A_814] : memref<8x512xf32, #tpu.memory_space<vmem>>, vector<1x512xf32>
    %add3A_816 = vector.broadcast %get3A_815 : vector<1x512xf32> to vector<1024x512xf32>
    %add3A_817 = arith.addf %dot_general3A_812, %add3A_816 : vector<1024x512xf32>
    %slice3A_818 = vector.extract_strided_slice %add3A_817 {offsets = [0, 0], sizes = [1024, 128], strides = [1, 1]} : vector<1024x512xf32> to vector<1024x128xf32>
    %tanh3A_819 = math.tanh %slice3A_818 : vector<1024x128xf32>
    %slice3A_820 = vector.extract_strided_slice %add3A_817 {offsets = [0, 128], sizes = [1024, 128], strides = [1, 1]} : vector<1024x512xf32> to vector<1024x128xf32>
    %tanh3A_821 = math.tanh %slice3A_820 : vector<1024x128xf32>
    %slice3A_822 = vector.extract_strided_slice %add3A_817 {offsets = [0, 256], sizes = [1024, 128], strides = [1, 1]} : vector<1024x512xf32> to vector<1024x128xf32>
    %tanh3A_823 = math.tanh %slice3A_822 : vector<1024x128xf32>
    %slice3A_824 = vector.extract_strided_slice %add3A_817 {offsets = [0, 384], sizes = [1024, 128], strides = [1, 1]} : vector<1024x512xf32> to vector<1024x128xf32>
    %tanh3A_825 = math.tanh %slice3A_824 : vector<1024x128xf32>
    %add3A_826 = arith.constant 1.000000e+00 : f32
    %add3A_827 = vector.broadcast %add3A_826 : f32 to vector<1024x128xf32>
    %add3A_828 = arith.addf %add3A_827, %tanh3A_821 : vector<1024x128xf32>
    %mul3A_829 = arith.mulf %add3A_828, %mul3A_795 : vector<1024x128xf32>
    %add3A_830 = arith.constant 1.000000e+00 : f32
    %add3A_831 = vector.broadcast %add3A_830 : f32 to vector<1024x128xf32>
    %add3A_832 = arith.addf %add3A_831, %tanh3A_819 : vector<1024x128xf32>
    %mul3A_833 = arith.mulf %add3A_832, %tanh3A_823 : vector<1024x128xf32>
    %add3A_834 = arith.addf %mul3A_829, %mul3A_833 : vector<1024x128xf32>
    %mul3A_835 = arith.constant 5.000000e-01 : f32
    %mul3A_836 = vector.broadcast %mul3A_835 : f32 to vector<1024x128xf32>
    %mul3A_837 = arith.mulf %mul3A_836, %add3A_834 : vector<1024x128xf32>
    %add3A_838 = arith.constant 1.000000e+00 : f32
    %add3A_839 = vector.broadcast %add3A_838 : f32 to vector<1024x128xf32>
    %add3A_840 = arith.addf %add3A_839, %tanh3A_825 : vector<1024x128xf32>
    %tanh3A_841 = math.tanh %mul3A_837 : vector<1024x128xf32>
    %mul3A_842 = arith.mulf %add3A_840, %tanh3A_841 : vector<1024x128xf32>
    %add3A_843 = arith.addf %add3A_801, %mul3A_842 : vector<1024x128xf32>
    %swap3A = arith.constant 0 : index
    %swap3A_844 = arith.constant 0 : index
    %swap3A_845 = vector.load %arg5[%swap3A, %swap3A_844] : memref<1024x128xf32, #tpu.memory_space<vmem>>, vector<1024x128xf32>
    tpu.vector_store %arg5[%swap3A, %swap3A_844], %mul3A_842 {strides = array<i32>} : memref<1024x128xf32, #tpu.memory_space<vmem>>, vector<1024x128xf32>,
    %swap3A_846 = arith.constant 0 : index
    %swap3A_847 = arith.constant 0 : index
    %swap3A_848 = vector.load %arg6[%swap3A_846, %swap3A_847] : memref<1024x128xf32, #tpu.memory_space<vmem>>, vector<1024x128xf32>
    tpu.vector_store %arg6[%swap3A_846, %swap3A_847], %mul3A_837 {strides = array<i32>} : memref<1024x128xf32, #tpu.memory_space<vmem>>, vector<1024x128xf32>,
    %swap3A_849 = arith.constant 0 : index
    %swap3A_850 = arith.constant 0 : index
    %swap3A_851 = vector.load %arg4[%swap3A_849, %swap3A_850] : memref<1024x128xf32, #tpu.memory_space<vmem>>, vector<1024x128xf32>
    tpu.vector_store %arg4[%swap3A_849, %swap3A_850], %add3A_843 {strides = array<i32>} : memref<1024x128xf32, #tpu.memory_space<vmem>>, vector<1024x128xf32>,
    %eq3A_852 = arith.constant 4 : i32
    %eq3A_853 = arith.cmpi eq, %arg0, %eq3A_852 : i32
    %convert_element_type3A_854 = arith.extui %eq3A_853 : i1 to i32
    %cond3A_855 = arith.constant 0 : i32
    %cond3A_856 = arith.cmpi ne, %convert_element_type3A_854, %cond3A_855 : i32
    scf.if %cond3A_856 {
      %mul3A_857 = arith.constant 5.000000e-03 : f32
      %mul3A_858 = vector.broadcast %mul3A_857 : f32 to vector<1024x128xf32>
      %mul3A_859 = arith.mulf %add3A_843, %mul3A_858 : vector<1024x128xf32>
      %swap3A_860 = arith.constant 0 : index
      %swap3A_861 = arith.constant 0 : index
      %swap3A_862 = vector.load %arg4[%swap3A_860, %swap3A_861] : memref<1024x128xf32, #tpu.memory_space<vmem>>, vector<1024x128xf32>
      tpu.vector_store %arg4[%swap3A_860, %swap3A_861], %mul3A_859 {strides = array<i32>} : memref<1024x128xf32, #tpu.memory_space<vmem>>, vector<1024x128xf32>,
    } else {
    }
    return
  }
  func.func @transform_0(%arg0: i32) -> (i32, i32) {
    %c0_i32 = arith.constant 0 : i32
    %c0_i32_0 = arith.constant 0 : i32
    return %arg0, %c0_i32 : i32, i32
  }
  func.func @transform_1(%arg0: i32) -> (i32, i32) {
    %c0_i32 = arith.constant 0 : i32
    %c0_i32_0 = arith.constant 0 : i32
    %c0_i32_1 = arith.constant 0 : i32
    return %c0_i32, %c0_i32_0 : i32, i32
  }
  func.func @transform_2(%arg0: i32) -> (i32, i32) {
    %c0_i32 = arith.constant 0 : i32
    %c0_i32_0 = arith.constant 0 : i32
    %c0_i32_1 = arith.constant 0 : i32
    return %c0_i32, %c0_i32_0 : i32, i32
  }
  func.func @transform_3(%arg0: i32) -> (i32, i32) {
    %c0_i32 = arith.constant 0 : i32
    %c0_i32_0 = arith.constant 0 : i32
    %c0_i32_1 = arith.constant 0 : i32
    return %c0_i32, %c0_i32_0 : i32, i32
  }
}

</mosaic_0001>

<sc_bundles>
// kernel: kernel.12.cloned.1.call-start
scs
__scs_entry_jumppad:
0x0: {  	(pc) =	sbr.rel $0x88, $3  }
0x1: {  	(tag) =	ssettag $0x0;
	lr =	simm.s32 $0x1  }
0x2: {  	[smem:$0x3F9A] =	sst lr;
	_ =	strace $0xD0000000  }
0x3: {  	_ = 	snop  }
0x4: {  	_ = 	snop  }
0x5: {  	_ = 	snop  }
0x6: {  	_ = 	snop  }
0x7: {  	_ = 	snop  }
__scs_overlays_trampoline_lowered:
0x8: {  	[smem:$0x3FA9] =	sst s0  }
0x9: {  	[smem:$0x3FAA] =	sst s1  }
0xa: {  	[smem:$0x3FAB] =	sst s2  }
0xb: {  	[smem:$0x3FAC] =	sst s3  }
0xc: {  	[smem:$0x3FAD] =	sst s4  }
0xd: {  	[smem:$0x3FAE] =	sst s5  }
0xe: {  	[smem:$0x3FAF] =	sst s6  }
0xf: {  	[smem:$0x3FB0] =	sst s7  }
0x10: {  	[smem:$0x3FB1] =	sst s8  }
0x11: {  	[smem:$0x3FB2] =	sst s9;
	s0 =	simm.s32 @!p0 $0x0  }
0x12: {  	s1 =	sld [smem:$0x3F98];
	s0 =	simm.s32 @p0 $0x1  }
0x13: {  	[smem:$0x3FB3] =	sst s0;
	s0 =	simm.s32 @!p1 $0x0  }
0x14: {  	s2 =	sld [smem:$0x3F97];
	s0 =	simm.s32 @p1 $0x1  }
0x15: {  	[smem:$0x3FB4] =	sst s0;
	s0 =	simm.s32 @!p2 $0x0  }
0x16: {  	s3 =	sld [smem:$0x3FDB];
	s0 =	simm.s32 @p2 $0x1  }
0x17: {  	s4 =	simm.s32 $0x1BF5;
	[smem:$0x3FB6] =	sst s0  }
0x18: {  	s0 =	sld [smem:$0x3F99];
	_ =	swait.ge [sflag:s4], $0x0  }
0x19: {  	s7 =	sld [smem:$0x3F9A]  }
0x1a: {  	s8 =	sadd.s32 $0xFFFFE003, lr  }
0x1b: {  	s9 =	sadd.s32 $0xFFFFFEF7, lr;
	s5 =	simm.s32 $0xFFFFFFFF;
	p2 =	slt.u32 s8, $0xFFFFF086  }
0x1c: {  	p1 =	slt.u32 s9, $0xF7A;
	s5 =	simm.s32 @!p2 $0x0  }
0x1d: {  	s5 =	simm.s32 @p1 $0x1;
	p0 =	seq.s32 s7, s2  }
0x1e: {  	s7 =	smul.u32 @!p0 $0xF7A, s2;
	p2 =	seq.s32 @!p0 s5, $0x0  }
0x1f: {  	s9 =	smul.u32 $0xF7A, s1;
	s8 =	simm.s32 @!p0 $0x1BF5;
	p2 =	por !p2, p0  }
0x20: {  	[sflag:s8] =	ssyncset.s32 @!p0 $0xFFFFF086;
	s6 =	sadd.s32 @!p0 s3, s7;
	s7 =	simm.s32 @!p0 $0x108  }
0x21: {  	s3 =	sadd.s32 s3, s9;
	s6 =	sadd.s32 @!p0 $0x88, s6;
	s7 =	simm.s32 @p2 $0x1082  }
0x22: {  	[simem:s7], [sflag:s8] =	dma.local @!p0 [hbm:s6], $0xF7A  }
0x23: {  	s9 =	sor.u32 $0xD0000000, s2;
	s6 =	simm.s32 $0x108;
	_ =	swait.ge @!p0 [sflag:s8], $0x0  }
0x24: {  	s3 =	sadd.s32 $0x88, s3;
	s6 =	simm.s32 @!p1 $0x1082;
	[sflag:s4] =	ssyncset.s32 $0xFFFFF086  }
0x25: {  	[simem:s6], [sflag:s4] =	dma.local [hbm:s3], $0xF7A  }
0x26: {  	[smem:$0x3F9A] =	sst s1;
	(tag) =	ssettag s2;
	_ =	strace s9  }
0x27: {  	s1 =	sld [smem:$0x3FAA]  }
0x28: {  	s2 =	sld [smem:$0x3FAB]  }
0x29: {  	s4 =	sld [smem:$0x3FAD]  }
0x2a: {  	p0 =	seq.s32 s5, $0x0;
	s5 =	sld [smem:$0x3FAE]  }
0x2b: {  	s6 =	sld [smem:$0x3FAF]  }
0x2c: {  	s7 =	sld [smem:$0x3FB0]  }
0x2d: {  	s3 =	simm.s32 $0x108;
	s8 =	sld [smem:$0x3FB1]  }
0x2e: {  	s3 =	simm.s32 @!p0 $0x1082;
	s9 =	sld [smem:$0x3FB2]  }
0x2f: {  	lr =	sadd.s32 s0, s3;
	s0 =	sld [smem:$0x3FA9]  }
0x30: {  	s3 =	sld [smem:$0x3FAC]  }
0x31: {  	[smem:$0x3FB5] =	sst s10  }
0x32: {  	s10 =	sld [smem:$0x3FB3];
	_ =	sdelay $0x3  }
0x33: {  	p0 =	seq.s32 s10, $0x1;
	s10 =	sld [smem:$0x3FB5];
	_ =	sdelay $0x3  }
0x34: {  	[smem:$0x3FB5] =	sst s10  }
0x35: {  	s10 =	sld [smem:$0x3FB4];
	_ =	sdelay $0x3  }
0x36: {  	p1 =	seq.s32 s10, $0x1;
	s10 =	sld [smem:$0x3FB5];
	_ =	sdelay $0x3  }
0x37: {  	[smem:$0x3FB5] =	sst s10  }
0x38: {  	s10 =	sld [smem:$0x3FB6]  }
0x39: {  	_ = 	snop;
	(pc) =	sbr.ind lr, $3  }
0x3a: {  	_ = 	snop  }
0x3b: {  	_ = 	snop  }
0x3c: {  	p2 =	seq.s32 s10, $0x1;
	s10 =	sld [smem:$0x3FB5]  }
0x3d: {  	_ =	shalt  }
0x3e: {  	_ =	shalt  }
0x3f: {  	_ =	shalt  }
0x40: {  	_ =	shalt  }
0x41: {  	_ =	shalt  }
0x42: {  	_ =	shalt  }
0x43: {  	_ =	shalt  }
0x44: {  	_ =	shalt  }
0x45: {  	_ =	shalt  }
0x46: {  	_ =	shalt  }
0x47: {  	_ =	shalt  }
0x48: {  	_ =	shalt  }
0x49: {  	_ =	shalt  }
0x4a: {  	_ =	shalt  }
0x4b: {  	_ =	shalt  }
0x4c: {  	_ =	shalt  }
0x4d: {  	_ =	shalt  }
0x4e: {  	_ =	shalt  }
0x4f: {  	_ =	shalt  }
0x50: {  	_ =	shalt  }
0x51: {  	_ =	shalt  }
0x52: {  	_ =	shalt  }
0x53: {  	_ =	shalt  }
0x54: {  	_ =	shalt  }
0x55: {  	_ =	shalt  }
0x56: {  	_ =	shalt  }
0x57: {  	_ =	shalt  }
0x58: {  	_ =	shalt  }
0x59: {  	_ =	shalt  }
0x5a: {  	_ =	shalt  }
0x5b: {  	_ =	shalt  }
0x5c: {  	_ =	shalt  }
0x5d: {  	_ =	shalt  }
0x5e: {  	_ =	shalt  }
0x5f: {  	_ =	shalt  }
0x60: {  	_ =	shalt  }
0x61: {  	_ =	shalt  }
0x62: {  	_ =	shalt  }
0x63: {  	_ =	shalt  }
0x64: {  	_ =	shalt  }
0x65: {  	_ =	shalt  }
0x66: {  	_ =	shalt  }
0x67: {  	_ =	shalt  }
0x68: {  	_ =	shalt  }
0x69: {  	_ =	shalt  }
0x6a: {  	_ =	shalt  }
0x6b: {  	_ =	shalt  }
0x6c: {  	_ =	shalt  }
0x6d: {  	_ =	shalt  }
0x6e: {  	_ =	shalt  }
0x6f: {  	_ =	shalt  }
0x70: {  	_ =	shalt  }
0x71: {  	_ =	shalt  }
0x72: {  	_ =	shalt  }
0x73: {  	_ =	shalt  }
0x74: {  	_ =	shalt  }
0x75: {  	_ =	shalt  }
0x76: {  	_ =	shalt  }
0x77: {  	_ =	shalt  }
0x78: {  	_ =	shalt  }
0x79: {  	_ =	shalt  }
0x7a: {  	_ =	shalt  }
0x7b: {  	_ =	shalt  }
0x7c: {  	_ =	shalt  }
0x7d: {  	_ =	shalt  }
0x7e: {  	_ =	shalt  }
0x7f: {  	_ =	shalt  }
0x80: {  	_ =	shalt  }
0x81: {  	_ =	shalt  }
0x82: {  	_ =	shalt  }
0x83: {  	_ =	shalt  }
0x84: {  	_ =	shalt  }
0x85: {  	_ =	shalt  }
0x86: {  	_ =	shalt  }
0x87: {  	_ =	shalt  }
.Lfunc_end0:
.L_simem_size_0:
called_computation.1_lowered:
.L_overlay_start_0:
0x88: {  	s2 =	sld [smem:$0x3FD9]  }
0x89: {  	s3 =	sld [smem:$0x3FFE];
	_ =	sdelay $0x1  }
0x8a: {  	s1 =	srdreg.scid  }
0x8b: {  	s0 =	sand.u32 $0x1, s1  }
0x8c: {  	s15 =	sshll.u32 s0, $0xA;
	s2 =	sadd.s32 s3, s2  }
0x8d: {  	s2 =	sadd.s32 s2, s15  }
0x8e: {  	[smem:$0x3FC1] =	sst s2  }
0x8f: {  	_ = 	snop  }
0x90: {  	s16 =	sld [smem:$0x3FD0];
	_ =	sdelay $0x2  }
0x91: {  	s4 =	simm.s32 $0xC;
	s5 =	simm.s32 $0x10;
	s2 =	sld [smem:$0x3FC8]  }
0x92: {  	[smem:s5], [sflag:s4] =	dma.local [hbm:s16], $0x1  }
0x93: {  	_ =	swait.eq [sflag:s4], $0x1  }
0x94: {  	[sflag:s4] =	ssyncset.done $0x0  }
0x95: {  	[sflag:s4] =	ssyncadd.s32 $0xFFFFFFFF  }
0x96: {  	s17 =	sld [smem:$0x11];
	(tm) =	ssettm $0x1  }
0x97: {  	s18 =	sld [smem:$0x3FFB];
	_ =	sdelay $0x3  }
0x98: {  	_ =	strace s18  }
0x99: {  	s3 =	sld [smem:$0x3FFC];
	_ =	sdelay $0x3  }
0x9a: {  	_ =	strace s3  }
0x9b: {  	s3 =	sld [smem:$0x3FFD];
	_ =	sdelay $0x3  }
0x9c: {  	_ =	strace s3  }
0x9d: {  	_ =	strace $0x8FFFFFFF  }
0x9e: {  	s19 =	sld [smem:$0x3FDB];
	_ =	sdelay $0x1  }
0x9f: {  	s20 =	simm.s32 $_scs_section_size  }
0xa0: {  	s6 =	simm.s32 $_size__tile_overlayer_lowered;
	s7 =	simm.s32 $_tile_overlayer_lowered  }
0xa1: {  	s8 =	simm.s32 $0x1BFF;
	s21 =	sshll.u32 s7, $0x1;
	s5 =	sadd.s32 s20, s19  }
0xa2: {  	s22 =	simm.s32 $0x0;
	s6 =	sshll.u32 s6, $0x1;
	s7 =	sadd.s32 s21, s5  }
0xa3: {  	[timem:s22], [sflag:s8] =	dma.local [hbm:s7], s6  }
0xa4: {  	_ =	swait.ge [sflag:s8], s6  }
0xa5: {  	s6 =	ssub.s32 $0x0, s6;
	[sflag:s8] =	ssyncset.done $0x0  }
0xa6: {  	[sflag:s8] =	ssyncadd.s32 s6;
	_ =	sdelay $0x1  }
0xa7: {  	s23 =	simm.s32 $0x1B8B  }
0xa8: {  	_ =	swait.ge [sflag:s23], $0x1  }
0xa9: {  	[sflag:s23] =	ssyncset.done $0x0  }
0xaa: {  	[sflag:s23] =	ssyncadd.s32 $0xFFFFFFFF  }
0xab: {  	s6 =	sld [smem:$0x0]  }
0xac: {  	s7 =	sand.u32 $0xFFFFFFFE, s1  }
0xad: {  	p0 =	sne.s32 s1, s7  }
0xae: {  	s7 =	sshll.u32 @p0 s7, $0xE  }
0xaf: {  	s7 =	sadd.s32 @p0 $0x11B8D, s7;
	s8 =	sshll.u32 @p0 s6, $0x11  }
0xb0: {  	s7 =	sor.u32 @p0 s8, s7  }
0xb1: {  	[sflag:s7] =	ssyncadd.remote.s32 @p0 $0x1;
	_ =	sdelay $0x1  }
0xb2: {  	s7 =	simm.s32 @p0 $0x1B8D  }
0xb3: {  	_ =	swait.eq @p0 [sflag:s7], $0x1  }
0xb4: {  	[sflag:s7] =	ssyncadd.s32 @p0 $0xFFFFFFFF  }
0xb5: {  	s8 =	sshll.u32 @!p0 s1, $0xE  }
0xb6: {  	s8 =	sor.u32 @!p0 $0x4000, s8;
	s7 =	simm.s32 @!p0 $0x1B8D  }
0xb7: {  	s6 =	sshll.u32 @!p0 s6, $0x11;
	s8 =	sadd.s32 @!p0 $0x11B8D, s8;
	_ =	swait.eq @!p0 [sflag:s7], $0x1  }
0xb8: {  	s6 =	sor.u32 @!p0 s6, s8;
	[sflag:s7] =	ssyncadd.s32 @!p0 $0xFFFFFFFF  }
0xb9: {  	s25 =	simm.s32 $0x1B8E;
	s24 =	sld [smem:$0x3FFE];
	[sflag:s6] =	ssyncadd.remote.s32 @!p0 $0x1  }
0xba: {  	s26 =	simm.s32 $execute0_lowered;
	[smem:$0x3FD2] =	sst s25  }
0xbb: {  	s7 =	sshll.u32 s26, $0x1;
	_ =	strace $0x80000049;
	[dreg:$0x1] =	wrdreg $0xFFFFFFFF  }
0xbc: {  	s28 =	simm.s32 $_size_execute0_lowered;
	s5 =	sadd.s32 s5, s7;
	[dreg:$0x0] =	wrdreg $0x0  }
0xbd: {  	s7 =	sshll.u32 s28, $0x1;
	[dreg:$0x2] =	wrdreg s5  }
0xbe: {  	[dreg:$0x3] =	wrdreg s7  }
0xbf: {  	[dreg:$0x4] =	wrdreg $0xC0  }
0xc0: {  	_ =	task [dreg:s22], $0x5FFFF  }
0xc1: {  	[dreg:$0x1] =	wrdreg $0xFFFFFFFF  }
0xc2: {  	[dreg:$0x0] =	wrdreg $0x60  }
0xc3: {  	[dreg:$0x2] =	wrdreg s17  }
0xc4: {  	[dreg:$0x3] =	wrdreg s24  }
0xc5: {  	[dreg:$0x4] =	wrdreg s2  }
0xc6: {  	[dreg:$0x5] =	wrdreg $0xA  }
0xc7: {  	_ =	task.clear_ibuf [dreg:s22], $0x6FFFF;
	_ =	strace $0x90000049  }
0xc8: {  	s29 =	simm.s32 $0xA;
	_ =	strace $0x8000004B  }
0xc9: {  	_ =	swait.ge [sflag:s29], $0x1  }
0xca: {  	[sflag:s29] =	ssyncadd.s32 $0xFFFFFFFF  }
0xcb: {  	_ =	strace $0x9000004B  }
0xcc: {  	_ =	sfence  }
0xcd: {  	s30 =	sld [smem:$0x0];
	_ =	sdelay $0x2  }
0xce: {  	s31 =	sshll.u32 s1, $0xD;
	s1 =	sshrl.u32 s1, $0x2  }
0xcf: {  	s4 =	sand.u32 $0x4000, s31;
	s1 =	sadd.s32 s1, s30  }
0xd0: {  	s0 =	sor.u32 s4, s0;
	s1 =	sshll.u32 s1, $0x11  }
0xd1: {  	s0 =	sor.u32 s1, s0  }
0xd2: {  	s0 =	sadd.s32 $0x8F2B, s0  }
0xd3: {  	[sflag:s0] =	ssyncadd.remote.s32 $0x1  }
0xd4: {  	_ =	sfence.sel $0xFFFF  }
0xd5: {  	[dreg:$0x0] =	wrdreg $0xFFFFFFFF;
	(pc) =	sbr.abs _section_cstart, $3  }
0xd6: {  	[dreg:$0x1] =	wrdreg $0xFFFFFFFF  }
0xd7: {  	_ =	task.clear_ibuf [dreg:s22], $0x2FFFF;
	_ =	strace $0x9FFFFFFF  }
0xd8: {  	(tm) =	ssettm $0x7FFFFFFF  }
0xd9: {  	_ =	shalt  }
tec
execute0_lowered:
.L_overlay_start_1:
0x0: {  	(tag) =	ssettag $0x1  }
0x1: {  	s0 =	rddreg [dreg:$0x0]  }
0x2: {  	s2 =	rddreg [dreg:$0x1]  }
0x3: {  	s1 =	rddreg [dreg:$0x2];
	s3 =	simm.s32 $0x0;
	s4 =	srdreg.scid  }
0x4: {  	s9 =	stileid.u32;
	s14 =	simm.s32 $0x80;
	s15 =	simm.s32 $0x1  }
0x5: {  	s17 =	simm.s32 $0x1D00;
	s19 =	simm.s32 $0x5D00;
	s28 =	simm.s32 $0x8D00  }
0x6: {  	s29 =	simm.s32 $0xDD00;
	s30 =	simm.s32 $0x3;
	s31 =	simm.s32 $0xAD00  }
0x7: {  	s13 =	simm.s32 $0x5;
	s16 =	simm.s32 $0x4;
	s18 =	simm.s32 $0xED00  }
0x8: {  	[smem:$0x7FF] =	sst s3;
	s4 =	sand.u32 $0x1, s4;
	s5 =	sadd.s32 $0x1C00, s2  }
0x9: {  	s20 =	sshll.u32 s9, $0x6;
	s2 =	sadd.s32 $0x1DFE00, s2;
	s24 =	sshll.u32 s9, $0xA  }
0xa: {  	s9 =	simm.s32 $0x0;
	_ =	strace $0x8000004A;
	[dreg:$0x4] =	wrdreg s5  }
0xb: {  	s6 =	sshll.u32 s4, $0x5;
	s7 =	ssub.s32 $0x2, s4;
	s4 =	sshll.u32 s4, $0x9  }
0xc: {  	s5 =	sor.u32 s6, s20;
	s21 =	sshrl.u32 s7, $0x1;
	s20 =	simm.s32 $0x2D00  }
0xd: {  	s8 =	sshrl.u32 s5, $0x3;
	s5 =	sshll.u32 s5, $0x4;
	s6 =	ssub.s32 s7, s21  }
0xe: {  	s21 =	simm.s32 $0x3D00;
	s0 =	sadd.s32 s0, s8;
	s22 =	sadd.s32 s5, s2  }
0xf: {  	s2 =	sadd.s32 s24, s2;
	s26 =	smax.u32 s6, $0x1;
	s24 =	simm.s32 $0x2  }
0x10: {  	s6 =	simm.s32 $0x6;
	[dreg:$0x5] =	wrdreg s0;
	s5 =	sadd.s32 $0x180000, s22  }
0x11: {  	s23 =	sadd.s32 $0x184000, s22;
	s25 =	sadd.s32 $0x188000, s22;
	[dreg:$0xa] =	wrdreg s26  }
.Ltmp0:
0x12: {  	s0 =	sadd.s32 $0x18C000, s22;
	[dreg:$0x6] =	wrdreg s5;
	(pc) =	sbr.rel .LBB2_1-.Ltmp0, $4  }
0x13: {  	v0 =	vlaneseq.u32;
	s11 =	sadd.s32 s4, s2;
	s22 =	simm.s32 $0x4D00;
	[dreg:$0x7] =	wrdreg s23  }
0x14: {  	v0 =	vmul.u32 $0x80, v0;
	s26 =	simm.s32 $0x7D00;
	s2 =	simm.s32 $0xCD00;
	[dreg:$0x8] =	wrdreg s25  }
0x15: {  	s4 =	simm.s32 $0xFD00;
	[dreg:$0x9] =	wrdreg s0;
	s23 =	simm.s32 $0x9D00  }
0x16: {  	v1 =	vor.u32 $0x800, v0;
	s25 =	simm.s32 $0x6D00;
	s0 =	simm.s32 $0xBD00;
	s5 =	simm.s32 $0x10D00  }
.LBB2_6:
0x17: {  	_ =	swait.ge [sflag:s15], $0x4000  }
0x18: {  	[sflag:s15] =	ssyncset.done $0x0  }
0x19: {  	s7 =	rddreg [dreg:$0x6];
	[sflag:s15] =	ssyncadd.s32 $0xFFFFC000  }
0x1a: {  	[hbm4b:s7+s3] =	stream.linear.scatter [tilespmem:s17], [sflag:$0x5], $0x1000, $0x38;
	[tilespmem:$0x11D00] =	vst v63  }
0x1b: {  	s10 =	rddreg [dreg:$0x7]  }
0x1c: {  	[hbm4b:s10+s3] =	stream.linear.scatter [tilespmem:s20], [sflag:$0x5], $0x1000, $0x38;
	[tilespmem:$0x11D00] =	vst v63  }
0x1d: {  	s12 =	rddreg [dreg:$0x8]  }
0x1e: {  	[hbm4b:s12+s3] =	stream.linear.scatter [tilespmem:s21], [sflag:$0x5], $0x1000, $0x38;
	[tilespmem:$0x11D00] =	vst v63  }
0x1f: {  	s8 =	rddreg [dreg:$0x9]  }
0x20: {  	[hbm4b:s8+s3] =	stream.linear.scatter [tilespmem:s22], [sflag:$0x5], $0x1000, $0x38;
	[tilespmem:$0x11D00] =	vst v63  }
0x21: {  	_ =	swait.ge [sflag:s13], $0x4000  }
0x22: {  	[sflag:s13] =	ssyncset.done $0x0  }
0x23: {  	[sflag:s13] =	ssyncadd.s32 $0xFFFFC000  }
0x24: {  	_ =	swait.ge [sflag:s6], $0x4000  }
0x25: {  	[sflag:s6] =	ssyncset.done $0x0  }
0x26: {  	s10 =	simm.s32 $0x7;
	[sflag:s6] =	ssyncadd.s32 $0xFFFFC000  }
0x27: {  	_ =	swait.ge [sflag:s10], $0x4000  }
0x28: {  	[sflag:s10] =	ssyncset.done $0x0  }
0x29: {  	s8 =	simm.s32 $0x8;
	[sflag:s10] =	ssyncadd.s32 $0xFFFFC000  }
0x2a: {  	_ =	swait.ge [sflag:s8], $0x4000  }
0x2b: {  	s9 =	sadd.s32 $0x1, s9;
	s12 =	rddreg [dreg:$0xa]  }
0x2c: {  	p0 =	sne.s32 s9, s12  }
.Ltmp1:
0x2d: {  	_ = 	snop;
	(pc) =	sbr.rel @!p0 .LBB2_7-.Ltmp1, $3  }
0x2e: {  	_ =	sdelay $0x1  }
0x2f: {  	[sflag:s8] =	ssyncset.done $0x0  }
0x30: {  	[sflag:s8] =	ssyncadd.s32 $0xFFFFC000  }
.LBB2_1:
0x31: {  	v2 =	vmov s3;
	s7 =	rddreg [dreg:$0x5];
	s10 =	simm.s32 $0x9  }
0x32: {  	[tilespmem:s3], [sflag:$0x9] =	stream.linear.gather [hbm4b:s7+s3], $0x20, $0x38;
	v2 =	vand.u32 $0x7F, v2;
	[tilespmem:$0x11D00] =	vst v63  }
0x33: {  	_ =	swait.ge [sflag:s10], $0x20;
	v2 =	vbroadcast v2, $0x0  }
0x34: {  	[sflag:s10] =	ssyncset.done $0x0  }
0x35: {  	s8 =	simm.s32 $0x20;
	s12 =	rddreg [dreg:$0x4];
	[sflag:s10] =	ssyncadd.s32 $0xFFFFFFE0;
	v3 =	vor.u32 v0, v2  }
0x36: {  	[tilespmem:s14], [sflag:$0x1] =	stream.indirect.gather [hbm4b:s12+s8], $0x80, s3, s8, $0xb8;
	[tilespmem:$0x11D00] =	vst v63  }
0x37: {  	_ =	swait.ge [sflag:s15], $0x1000  }
0x38: {  	[sflag:s15] =	ssyncset.done $0x0  }
0x39: {  	[sflag:s15] =	ssyncadd.s32 $0xFFFFF000  }
0x3a: {  	v3 =	vld.idx.msk [tilespmem:v3+s14+$0x0], $0xffff  }
0x3b: {  	v2 =	vor.u32 v1, v2;
	_ =	sdelay $0x1  }
0x3c: {  	s12 =	simm.s32 $0x1  }
0x3d: {  	s10 =	simm.s32 $0x1090;
	v4 =	vmov s12;
	s12 =	simm.s32 $0x2  }
.LBB2_2:
0x3e: {  	p0 =	sne.s32 s12, $0x63;
	v4 =	vand.u32 $0x7F, v4;
	[tilespmem:s10+$0xFFFFFFF0] =	vst v3  }
0x3f: {  	v4 =	vbroadcast v4, $0x0;
	v2 =	vld.idx.msk [tilespmem:v2+s14+$0x0], $0xffff;
	_ =	sdelay $0x1  }
0x40: {  	v3 =	vor.u32 v0, v4;
	_ =	sdelay $0x3  }
0x41: {  	[tilespmem:s10+$0x0] =	vst v2  }
0x42: {  	v3 =	vld.idx.msk [tilespmem:v3+s14+$0x0], $0xffff  }
.Ltmp2:
0x43: {  	(pc) =	sbr.rel @p0 .LBB2_2-.Ltmp2, $2  }
0x44: {  	v2 =	vor.u32 v1, v4;
	_ =	sdelay $0x2  }
0x45: {  	v4 =	vmov s12;
	s12 =	sadd.s32 $0x1, s12;
	s10 =	sadd.s32 $0x20, s10  }
0x46: {  	_ =	sdelay $0x1  }
0x47: {  	v4 =	vand.u32 $0x7F, v4  }
0x48: {  	[tilespmem:s10+$0xFFFFFFF0] =	vst v3;
	v3 =	vbroadcast v4, $0x0  }
0x49: {  	v2 =	vld.idx.msk [tilespmem:v2+s14+$0x0], $0xffff  }
0x4a: {  	v4 =	vor.u32 v0, v3;
	_ =	sdelay $0x3  }
0x4b: {  	[tilespmem:s10+$0x0] =	vst v2  }
0x4c: {  	v2 =	vld.idx.msk [tilespmem:v4+s14+$0x0], $0xffff  }
0x4d: {  	v3 =	vor.u32 v1, v3;
	_ =	sdelay $0x2  }
0x4e: {  	s8 =	sadd.s32 $0x20, s10  }
0x4f: {  	[tilespmem:s8+$0xFFFFFFF0] =	vst v2  }
0x50: {  	v2 =	vld.idx.msk [tilespmem:v3+s14+$0x0], $0xffff;
	_ =	sdelay $0x4  }
0x51: {  	s7 =	simm.s32 $0x1080;
	[tilespmem:s8+$0x0] =	vst v2  }
0x52: {  	[tilespmem:s17], [sflag:$0x1] =	stream.indirect.gather [hbm4b:s1+s14], $0x80, s7, s14, $0xb8;
	[tilespmem:$0x11D00] =	vst v63  }
0x53: {  	s12 =	simm.s32 $0x1100  }
0x54: {  	[tilespmem:s19], [sflag:$0x2] =	stream.indirect.gather [hbm4b:s1+s14], $0x80, s12, s14, $0xb8;
	[tilespmem:$0x11D00] =	vst v63  }
0x55: {  	s10 =	simm.s32 $0x0;
	s12 =	simm.s32 $0x1200  }
.LBB2_4:
0x56: {  	_ =	swait.ge [sflag:s15], $0x4000  }
0x57: {  	[sflag:s15] =	ssyncset.done $0x0  }
0x58: {  	s7 =	sadd.s32 s10, s11;
	[sflag:s15] =	ssyncadd.s32 $0xFFFFC000  }
0x59: {  	[hbm4b:s7+s3] =	stream.linear.scatter [tilespmem:s17], [sflag:$0x5], $0x1000, $0x38;
	[tilespmem:$0x11D00] =	vst v63  }
0x5a: {  	s8 =	sadd.s32 $0x4000, s7  }
0x5b: {  	[hbm4b:s8+s3] =	stream.linear.scatter [tilespmem:s20], [sflag:$0x5], $0x1000, $0x38;
	[tilespmem:$0x11D00] =	vst v63  }
0x5c: {  	s8 =	sadd.s32 $0x8000, s7  }
0x5d: {  	[hbm4b:s8+s3] =	stream.linear.scatter [tilespmem:s21], [sflag:$0x5], $0x1000, $0x38;
	[tilespmem:$0x11D00] =	vst v63  }
0x5e: {  	p0 =	seq.s32 s10, $0x0;
	s8 =	sadd.s32 $0xC000, s7  }
0x5f: {  	[hbm4b:s8+s3] =	stream.linear.scatter [tilespmem:s22], [sflag:$0x5], $0x1000, $0x38;
	[tilespmem:$0x11D00] =	vst v63  }
0x60: {  	s8 =	simm.s32 @!p0 $0x7  }
0x61: {  	_ =	swait.ge @!p0 [sflag:s8], $0x4000  }
0x62: {  	[sflag:s8] =	ssyncset.done @!p0 $0x0  }
0x63: {  	[sflag:s8] =	ssyncadd.s32 @!p0 $0xFFFFC000;
	s8 =	sadd.s32 $0xFFFFFF80, s12  }
0x64: {  	[tilespmem:s23], [sflag:$0x3] =	stream.indirect.gather [hbm4b:s1+s14], $0x80, s8, s14, $0xb8;
	[tilespmem:$0x11D00] =	vst v63  }
0x65: {  	_ =	swait.ge [sflag:s24], $0x4000  }
0x66: {  	[sflag:s24] =	ssyncset.done $0x0  }
0x67: {  	s8 =	sadd.s32 $0x10000, s7;
	[sflag:s24] =	ssyncadd.s32 $0xFFFFC000  }
0x68: {  	[hbm4b:s8+s3] =	stream.linear.scatter [tilespmem:s19], [sflag:$0x6], $0x1000, $0x38;
	[tilespmem:$0x11D00] =	vst v63  }
0x69: {  	s8 =	sadd.s32 $0x14000, s7  }
0x6a: {  	[hbm4b:s8+s3] =	stream.linear.scatter [tilespmem:s25], [sflag:$0x6], $0x1000, $0x38;
	[tilespmem:$0x11D00] =	vst v63  }
0x6b: {  	s8 =	sadd.s32 $0x18000, s7  }
0x6c: {  	[hbm4b:s8+s3] =	stream.linear.scatter [tilespmem:s26], [sflag:$0x6], $0x1000, $0x38;
	[tilespmem:$0x11D00] =	vst v63  }
0x6d: {  	s8 =	sadd.s32 $0x1C000, s7  }
0x6e: {  	[hbm4b:s8+s3] =	stream.linear.scatter [tilespmem:s28], [sflag:$0x6], $0x1000, $0x38;
	[tilespmem:$0x11D00] =	vst v63  }
0x6f: {  	s8 =	simm.s32 @!p0 $0x8  }
0x70: {  	_ =	swait.ge @!p0 [sflag:s8], $0x4000  }
0x71: {  	[sflag:s8] =	ssyncset.done @!p0 $0x0  }
0x72: {  	[sflag:s8] =	ssyncadd.s32 @!p0 $0xFFFFC000  }
0x73: {  	[tilespmem:s29], [sflag:$0x4] =	stream.indirect.gather [hbm4b:s1+s14], $0x80, s12, s14, $0xb8;
	[tilespmem:$0x11D00] =	vst v63  }
0x74: {  	_ =	swait.ge [sflag:s30], $0x4000  }
0x75: {  	[sflag:s30] =	ssyncset.done $0x0  }
0x76: {  	s8 =	sadd.s32 $0x20000, s7;
	[sflag:s30] =	ssyncadd.s32 $0xFFFFC000  }
0x77: {  	[hbm4b:s8+s3] =	stream.linear.scatter [tilespmem:s23], [sflag:$0x7], $0x1000, $0x38;
	[tilespmem:$0x11D00] =	vst v63  }
0x78: {  	s8 =	sadd.s32 $0x24000, s7  }
0x79: {  	[hbm4b:s8+s3] =	stream.linear.scatter [tilespmem:s31], [sflag:$0x7], $0x1000, $0x38;
	[tilespmem:$0x11D00] =	vst v63  }
0x7a: {  	s8 =	sadd.s32 $0x28000, s7  }
0x7b: {  	[hbm4b:s8+s3] =	stream.linear.scatter [tilespmem:s0], [sflag:$0x7], $0x1000, $0x38;
	[tilespmem:$0x11D00] =	vst v63  }
0x7c: {  	s8 =	sadd.s32 $0x2C000, s7  }
0x7d: {  	[hbm4b:s8+s3] =	stream.linear.scatter [tilespmem:s2], [sflag:$0x7], $0x1000, $0x38;
	[tilespmem:$0x11D00] =	vst v63  }
0x7e: {  	_ =	swait.ge [sflag:s13], $0x4000  }
0x7f: {  	[sflag:s13] =	ssyncset.done $0x0  }
0x80: {  	s8 =	sadd.s32 $0x80, s12;
	[sflag:s13] =	ssyncadd.s32 $0xFFFFC000  }
0x81: {  	[tilespmem:s17], [sflag:$0x1] =	stream.indirect.gather [hbm4b:s1+s14], $0x80, s8, s14, $0xb8;
	[tilespmem:$0x11D00] =	vst v63  }
0x82: {  	_ =	swait.ge [sflag:s16], $0x4000  }
0x83: {  	[sflag:s16] =	ssyncset.done $0x0  }
0x84: {  	s8 =	sadd.s32 $0x30000, s7;
	[sflag:s16] =	ssyncadd.s32 $0xFFFFC000  }
0x85: {  	[hbm4b:s8+s3] =	stream.linear.scatter [tilespmem:s29], [sflag:$0x8], $0x1000, $0x38;
	[tilespmem:$0x11D00] =	vst v63  }
0x86: {  	p0 =	seq.s32 s10, $0x140000;
	s8 =	sadd.s32 $0x34000, s7  }
0x87: {  	[hbm4b:s8+s3] =	stream.linear.scatter [tilespmem:s18], [sflag:$0x8], $0x1000, $0x38;
	[tilespmem:$0x11D00] =	vst v63  }
.Ltmp3:
0x88: {  	_ = 	snop;
	(pc) =	sbr.rel @p0 .LBB2_6-.Ltmp3, $4  }
0x89: {  	s8 =	sadd.s32 $0x38000, s7  }
0x8a: {  	[hbm4b:s8+s3] =	stream.linear.scatter [tilespmem:s4], [sflag:$0x8], $0x1000, $0x38;
	[tilespmem:$0x11D00] =	vst v63  }
0x8b: {  	s7 =	sadd.s32 $0x3C000, s7  }
0x8c: {  	[hbm4b:s7+s3] =	stream.linear.scatter [tilespmem:s5], [sflag:$0x8], $0x1000, $0x38;
	[tilespmem:$0x11D00] =	vst v63  }
.Ltmp4:
0x8d: {  	(pc) =	sbr.rel .LBB2_4-.Ltmp4, $4  }
0x8e: {  	_ =	swait.ge [sflag:s6], $0x4000  }
0x8f: {  	s7 =	sadd.s32 $0x100, s12;
	[sflag:s6] =	ssyncset.done $0x0  }
0x90: {  	s10 =	sadd.s32 $0x40000, s10;
	s12 =	sadd.s32 $0x200, s12;
	[sflag:s6] =	ssyncadd.s32 $0xFFFFC000  }
0x91: {  	[tilespmem:s19], [sflag:$0x2] =	stream.indirect.gather [hbm4b:s1+s14], $0x80, s7, s14, $0xb8;
	[tilespmem:$0x11D00] =	vst v63  }
.LBB2_7:
0x92: {  	_ =	sfence.sel $0x180000  }
0x93: {  	[bflag:$0x0] =	sbarrier.arrive $0xFFFF  }
0x94: {  	_ =	strace $0x9000004A  }
0x95: {  	s0 =	stileid.u32;
	[bflag:$0x2] =	sbarrier.arrive $0xFFFF  }
0x96: {  	p0 =	sne.s32 s0, $0x0;
	s0 =	rddreg [dreg:$0x3]  }
0x97: {  	s0 =	sadd.s32 @!p0 $0x100000, s0  }
0x98: {  	[sflag:s0] =	ssyncadd.tile.s32 @!p0 $0x1;
	_ =	shalt  }
.Lfunc_end2:
_tile_overlayer_lowered:
.L_overlay_start_2:
0x99: {  	(tag) =	ssettag $0x2  }
0x9a: {  	s0 =	rddreg [dreg:$0x0];
	s2 =	stileid.u32  }
0x9b: {  	s1 =	rddreg [dreg:$0x1];
	p0 =	sne.s32 s2, $0x0  }
0x9c: {  	s3 =	rddreg [dreg:$0x2];
	[bflag:$0x3] =	sbarrier.arrive $0xFFFF;
	s2 =	simm.s32 @!p0 $0x1C09  }
0x9d: {  	[timem:s3], [sflag:s2] =	dma.local @!p0 [hbm:s0], s1  }
0x9e: {  	s0 =	simm.s32 @!p0 $0x9  }
0x9f: {  	_ =	swait.ge @!p0 [sflag:s0], s1  }
0xa0: {  	s1 =	ssub.s32 @!p0 $0x0, s1;
	[sflag:s0] =	ssyncset.done @!p0 $0x0  }
0xa1: {  	[sflag:s0] =	ssyncadd.s32 @!p0 s1  }
0xa2: {  	[bflag:$0x3] =	sbarrier.arrive $0xFFFF  }
0xa3: {  	_ =	shalt  }

// kernel: kernel.15.cloned.1.call-start
scs
__scs_entry_jumppad:
0x0: {  	(pc) =	sbr.rel $0x88, $3  }
0x1: {  	(tag) =	ssettag $0x0;
	lr =	simm.s32 $0x1  }
0x2: {  	[smem:$0x3F9A] =	sst lr;
	_ =	strace $0xD0000000  }
0x3: {  	_ = 	snop  }
0x4: {  	_ = 	snop  }
0x5: {  	_ = 	snop  }
0x6: {  	_ = 	snop  }
0x7: {  	_ = 	snop  }
__scs_overlays_trampoline_lowered:
0x8: {  	[smem:$0x3FA9] =	sst s0  }
0x9: {  	[smem:$0x3FAA] =	sst s1  }
0xa: {  	[smem:$0x3FAB] =	sst s2  }
0xb: {  	[smem:$0x3FAC] =	sst s3  }
0xc: {  	[smem:$0x3FAD] =	sst s4  }
0xd: {  	[smem:$0x3FAE] =	sst s5  }
0xe: {  	[smem:$0x3FAF] =	sst s6  }
0xf: {  	[smem:$0x3FB0] =	sst s7  }
0x10: {  	[smem:$0x3FB1] =	sst s8  }
0x11: {  	[smem:$0x3FB2] =	sst s9;
	s0 =	simm.s32 @!p0 $0x0  }
0x12: {  	s1 =	sld [smem:$0x3F98];
	s0 =	simm.s32 @p0 $0x1  }
0x13: {  	[smem:$0x3FB3] =	sst s0;
	s0 =	simm.s32 @!p1 $0x0  }
0x14: {  	s2 =	sld [smem:$0x3F97];
	s0 =	simm.s32 @p1 $0x1  }
0x15: {  	[smem:$0x3FB4] =	sst s0;
	s0 =	simm.s32 @!p2 $0x0  }
0x16: {  	s3 =	sld [smem:$0x3FDB];
	s0 =	simm.s32 @p2 $0x1  }
0x17: {  	s4 =	simm.s32 $0x1BF5;
	[smem:$0x3FB6] =	sst s0  }
0x18: {  	s0 =	sld [smem:$0x3F99];
	_ =	swait.ge [sflag:s4], $0x0  }
0x19: {  	s7 =	sld [smem:$0x3F9A]  }
0x1a: {  	s8 =	sadd.s32 $0xFFFFE003, lr  }
0x1b: {  	s9 =	sadd.s32 $0xFFFFFEF7, lr;
	s5 =	simm.s32 $0xFFFFFFFF;
	p2 =	slt.u32 s8, $0xFFFFF086  }
0x1c: {  	p1 =	slt.u32 s9, $0xF7A;
	s5 =	simm.s32 @!p2 $0x0  }
0x1d: {  	s5 =	simm.s32 @p1 $0x1;
	p0 =	seq.s32 s7, s2  }
0x1e: {  	s7 =	smul.u32 @!p0 $0xF7A, s2;
	p2 =	seq.s32 @!p0 s5, $0x0  }
0x1f: {  	s9 =	smul.u32 $0xF7A, s1;
	s8 =	simm.s32 @!p0 $0x1BF5;
	p2 =	por !p2, p0  }
0x20: {  	[sflag:s8] =	ssyncset.s32 @!p0 $0xFFFFF086;
	s6 =	sadd.s32 @!p0 s3, s7;
	s7 =	simm.s32 @!p0 $0x108  }
0x21: {  	s3 =	sadd.s32 s3, s9;
	s6 =	sadd.s32 @!p0 $0x88, s6;
	s7 =	simm.s32 @p2 $0x1082  }
0x22: {  	[simem:s7], [sflag:s8] =	dma.local @!p0 [hbm:s6], $0xF7A  }
0x23: {  	s9 =	sor.u32 $0xD0000000, s2;
	s6 =	simm.s32 $0x108;
	_ =	swait.ge @!p0 [sflag:s8], $0x0  }
0x24: {  	s3 =	sadd.s32 $0x88, s3;
	s6 =	simm.s32 @!p1 $0x1082;
	[sflag:s4] =	ssyncset.s32 $0xFFFFF086  }
0x25: {  	[simem:s6], [sflag:s4] =	dma.local [hbm:s3], $0xF7A  }
0x26: {  	[smem:$0x3F9A] =	sst s1;
	(tag) =	ssettag s2;
	_ =	strace s9  }
0x27: {  	s1 =	sld [smem:$0x3FAA]  }
0x28: {  	s2 =	sld [smem:$0x3FAB]  }
0x29: {  	s4 =	sld [smem:$0x3FAD]  }
0x2a: {  	p0 =	seq.s32 s5, $0x0;
	s5 =	sld [smem:$0x3FAE]  }
0x2b: {  	s6 =	sld [smem:$0x3FAF]  }
0x2c: {  	s7 =	sld [smem:$0x3FB0]  }
0x2d: {  	s3 =	simm.s32 $0x108;
	s8 =	sld [smem:$0x3FB1]  }
0x2e: {  	s3 =	simm.s32 @!p0 $0x1082;
	s9 =	sld [smem:$0x3FB2]  }
0x2f: {  	lr =	sadd.s32 s0, s3;
	s0 =	sld [smem:$0x3FA9]  }
0x30: {  	s3 =	sld [smem:$0x3FAC]  }
0x31: {  	[smem:$0x3FB5] =	sst s10  }
0x32: {  	s10 =	sld [smem:$0x3FB3];
	_ =	sdelay $0x3  }
0x33: {  	p0 =	seq.s32 s10, $0x1;
	s10 =	sld [smem:$0x3FB5];
	_ =	sdelay $0x3  }
0x34: {  	[smem:$0x3FB5] =	sst s10  }
0x35: {  	s10 =	sld [smem:$0x3FB4];
	_ =	sdelay $0x3  }
0x36: {  	p1 =	seq.s32 s10, $0x1;
	s10 =	sld [smem:$0x3FB5];
	_ =	sdelay $0x3  }
0x37: {  	[smem:$0x3FB5] =	sst s10  }
0x38: {  	s10 =	sld [smem:$0x3FB6]  }
0x39: {  	_ = 	snop;
	(pc) =	sbr.ind lr, $3  }
0x3a: {  	_ = 	snop  }
0x3b: {  	_ = 	snop  }
0x3c: {  	p2 =	seq.s32 s10, $0x1;
	s10 =	sld [smem:$0x3FB5]  }
0x3d: {  	_ =	shalt  }
0x3e: {  	_ =	shalt  }
0x3f: {  	_ =	shalt  }
0x40: {  	_ =	shalt  }
0x41: {  	_ =	shalt  }
0x42: {  	_ =	shalt  }
0x43: {  	_ =	shalt  }
0x44: {  	_ =	shalt  }
0x45: {  	_ =	shalt  }
0x46: {  	_ =	shalt  }
0x47: {  	_ =	shalt  }
0x48: {  	_ =	shalt  }
0x49: {  	_ =	shalt  }
0x4a: {  	_ =	shalt  }
0x4b: {  	_ =	shalt  }
0x4c: {  	_ =	shalt  }
0x4d: {  	_ =	shalt  }
0x4e: {  	_ =	shalt  }
0x4f: {  	_ =	shalt  }
0x50: {  	_ =	shalt  }
0x51: {  	_ =	shalt  }
0x52: {  	_ =	shalt  }
0x53: {  	_ =	shalt  }
0x54: {  	_ =	shalt  }
0x55: {  	_ =	shalt  }
0x56: {  	_ =	shalt  }
0x57: {  	_ =	shalt  }
0x58: {  	_ =	shalt  }
0x59: {  	_ =	shalt  }
0x5a: {  	_ =	shalt  }
0x5b: {  	_ =	shalt  }
0x5c: {  	_ =	shalt  }
0x5d: {  	_ =	shalt  }
0x5e: {  	_ =	shalt  }
0x5f: {  	_ =	shalt  }
0x60: {  	_ =	shalt  }
0x61: {  	_ =	shalt  }
0x62: {  	_ =	shalt  }
0x63: {  	_ =	shalt  }
0x64: {  	_ =	shalt  }
0x65: {  	_ =	shalt  }
0x66: {  	_ =	shalt  }
0x67: {  	_ =	shalt  }
0x68: {  	_ =	shalt  }
0x69: {  	_ =	shalt  }
0x6a: {  	_ =	shalt  }
0x6b: {  	_ =	shalt  }
0x6c: {  	_ =	shalt  }
0x6d: {  	_ =	shalt  }
0x6e: {  	_ =	shalt  }
0x6f: {  	_ =	shalt  }
0x70: {  	_ =	shalt  }
0x71: {  	_ =	shalt  }
0x72: {  	_ =	shalt  }
0x73: {  	_ =	shalt  }
0x74: {  	_ =	shalt  }
0x75: {  	_ =	shalt  }
0x76: {  	_ =	shalt  }
0x77: {  	_ =	shalt  }
0x78: {  	_ =	shalt  }
0x79: {  	_ =	shalt  }
0x7a: {  	_ =	shalt  }
0x7b: {  	_ =	shalt  }
0x7c: {  	_ =	shalt  }
0x7d: {  	_ =	shalt  }
0x7e: {  	_ =	shalt  }
0x7f: {  	_ =	shalt  }
0x80: {  	_ =	shalt  }
0x81: {  	_ =	shalt  }
0x82: {  	_ =	shalt  }
0x83: {  	_ =	shalt  }
0x84: {  	_ =	shalt  }
0x85: {  	_ =	shalt  }
0x86: {  	_ =	shalt  }
0x87: {  	_ =	shalt  }
.Lfunc_end0:
.L_simem_size_0:
called_computation.2_lowered:
.L_overlay_start_0:
0x88: {  	s2 =	sld [smem:$0x3FD9]  }
0x89: {  	s3 =	sld [smem:$0x3FFE];
	_ =	sdelay $0x1  }
0x8a: {  	s1 =	srdreg.scid  }
0x8b: {  	s0 =	sand.u32 $0x1, s1  }
0x8c: {  	s14 =	sshll.u32 s0, $0xA;
	s2 =	sadd.s32 s3, s2  }
0x8d: {  	s2 =	sadd.s32 s2, s14  }
0x8e: {  	[smem:$0x3FC1] =	sst s2  }
0x8f: {  	_ = 	snop  }
0x90: {  	s2 =	sld [smem:$0x3FD0];
	_ =	sdelay $0x2  }
0x91: {  	s4 =	simm.s32 $0xC;
	s5 =	simm.s32 $0x10;
	s15 =	sld [smem:$0x3FC8]  }
0x92: {  	[smem:s5], [sflag:s4] =	dma.local [hbm:s2], $0x1  }
0x93: {  	_ =	swait.eq [sflag:s4], $0x1  }
0x94: {  	[sflag:s4] =	ssyncset.done $0x0  }
0x95: {  	[sflag:s4] =	ssyncadd.s32 $0xFFFFFFFF  }
0x96: {  	s16 =	sld [smem:$0x12];
	(tm) =	ssettm $0x1  }
0x97: {  	s17 =	sld [smem:$0x3FFB];
	_ =	sdelay $0x3  }
0x98: {  	_ =	strace s17  }
0x99: {  	s4 =	sld [smem:$0x3FFC];
	_ =	sdelay $0x3  }
0x9a: {  	_ =	strace s4  }
0x9b: {  	s4 =	sld [smem:$0x3FFD];
	_ =	sdelay $0x3  }
0x9c: {  	_ =	strace s4  }
0x9d: {  	_ =	strace $0x8FFFFFFF  }
0x9e: {  	s18 =	sld [smem:$0x3FDB];
	_ =	sdelay $0x1  }
0x9f: {  	s19 =	simm.s32 $_scs_section_size  }
0xa0: {  	s6 =	simm.s32 $_size__tile_overlayer_lowered;
	s7 =	simm.s32 $_tile_overlayer_lowered  }
0xa1: {  	s22 =	simm.s32 $0x1BFF;
	s21 =	sshll.u32 s7, $0x1;
	s4 =	sadd.s32 s19, s18  }
0xa2: {  	s8 =	simm.s32 $0x0;
	s20 =	sshll.u32 s6, $0x1;
	s6 =	sadd.s32 s21, s4  }
0xa3: {  	[timem:s8], [sflag:s22] =	dma.local [hbm:s6], s20  }
0xa4: {  	_ =	swait.ge [sflag:s22], s20  }
0xa5: {  	s5 =	ssub.s32 $0x0, s20;
	[sflag:s22] =	ssyncset.done $0x0  }
0xa6: {  	[sflag:s22] =	ssyncadd.s32 s5;
	_ =	sdelay $0x1  }
0xa7: {  	s23 =	simm.s32 $0x1B8B  }
0xa8: {  	_ =	swait.ge [sflag:s23], $0x1  }
0xa9: {  	[sflag:s23] =	ssyncset.done $0x0  }
0xaa: {  	s25 =	simm.s32 $0x1B8E;
	s24 =	sld [smem:$0x3FFE];
	[sflag:s23] =	ssyncadd.s32 $0xFFFFFFFF  }
0xab: {  	s26 =	simm.s32 $execute0_lowered;
	[smem:$0x3FD2] =	sst s25  }
0xac: {  	s6 =	sshll.u32 s26, $0x1;
	_ =	strace $0x80000046;
	[dreg:$0x1] =	wrdreg $0xFFFFFFFF  }
0xad: {  	s28 =	simm.s32 $_size_execute0_lowered;
	s4 =	sadd.s32 s4, s6;
	[dreg:$0x0] =	wrdreg $0x0  }
0xae: {  	s6 =	sshll.u32 s28, $0x1;
	[dreg:$0x2] =	wrdreg s4  }
0xaf: {  	[dreg:$0x3] =	wrdreg s6  }
0xb0: {  	[dreg:$0x4] =	wrdreg $0xC0  }
0xb1: {  	_ =	task [dreg:s8], $0x5FFFF  }
0xb2: {  	[dreg:$0x1] =	wrdreg $0xFFFFFFFF  }
0xb3: {  	[dreg:$0x0] =	wrdreg $0x60  }
0xb4: {  	[dreg:$0x2] =	wrdreg s16  }
0xb5: {  	[dreg:$0x3] =	wrdreg s24  }
0xb6: {  	[dreg:$0x4] =	wrdreg s15  }
0xb7: {  	[dreg:$0x5] =	wrdreg $0xB  }
0xb8: {  	_ =	task.clear_ibuf [dreg:s8], $0x6FFFF;
	_ =	strace $0x90000046  }
0xb9: {  	s29 =	simm.s32 $0xB;
	_ =	strace $0x80000048  }
0xba: {  	_ =	swait.ge [sflag:s29], $0x1  }
0xbb: {  	[sflag:s29] =	ssyncadd.s32 $0xFFFFFFFF  }
0xbc: {  	_ =	strace $0x90000048  }
0xbd: {  	_ =	sfence  }
0xbe: {  	s30 =	sld [smem:$0x0];
	_ =	sdelay $0x2  }
0xbf: {  	s31 =	sshll.u32 s1, $0xD;
	s1 =	sshrl.u32 s1, $0x2  }
0xc0: {  	s3 =	sand.u32 $0x4000, s31;
	s1 =	sadd.s32 s1, s30  }
0xc1: {  	s0 =	sor.u32 s3, s0;
	s1 =	sshll.u32 s1, $0x11  }
0xc2: {  	s0 =	sor.u32 s1, s0  }
0xc3: {  	s0 =	sadd.s32 $0x8F2B, s0  }
0xc4: {  	[sflag:s0] =	ssyncadd.remote.s32 $0x1  }
0xc5: {  	_ =	sfence.sel $0xFFFF  }
0xc6: {  	[dreg:$0x0] =	wrdreg $0xFFFFFFFF;
	(pc) =	sbr.abs _section_cstart, $3  }
0xc7: {  	[dreg:$0x1] =	wrdreg $0xFFFFFFFF  }
0xc8: {  	_ =	task.clear_ibuf [dreg:s8], $0x2FFFF;
	_ =	strace $0x9FFFFFFF  }
0xc9: {  	(tm) =	ssettm $0x7FFFFFFF  }
tec
execute0_lowered:
.L_overlay_start_1:
0x0: {  	(tag) =	ssettag $0x1  }
0x1: {  	s0 =	rddreg [dreg:$0x0]  }
0x2: {  	s2 =	rddreg [dreg:$0x1]  }
0x3: {  	s1 =	rddreg [dreg:$0x2];
	s3 =	simm.s32 $0x0;
	s4 =	srdreg.scid  }
0x4: {  	s9 =	stileid.u32;
	s14 =	simm.s32 $0x80;
	s15 =	simm.s32 $0x1  }
0x5: {  	s17 =	simm.s32 $0x1D00;
	s19 =	simm.s32 $0x5D00;
	s28 =	simm.s32 $0x8D00  }
0x6: {  	s29 =	simm.s32 $0xDD00;
	s30 =	simm.s32 $0x3;
	s31 =	simm.s32 $0xAD00  }
0x7: {  	s13 =	simm.s32 $0x5;
	s16 =	simm.s32 $0x4;
	s18 =	simm.s32 $0xED00  }
0x8: {  	[smem:$0x7FF] =	sst s3;
	s4 =	sand.u32 $0x1, s4;
	s5 =	sadd.s32 $0x1C00, s2  }
0x9: {  	s20 =	sshll.u32 s9, $0x6;
	s2 =	sadd.s32 $0x4FE00, s2;
	s24 =	sshll.u32 s9, $0xA  }
0xa: {  	s9 =	simm.s32 $0x0;
	_ =	strace $0x80000047;
	[dreg:$0x4] =	wrdreg s5  }
0xb: {  	s6 =	sshll.u32 s4, $0x5;
	s7 =	ssub.s32 $0x2, s4;
	s4 =	sshll.u32 s4, $0x9  }
0xc: {  	s5 =	sor.u32 s6, s20;
	s21 =	sshrl.u32 s7, $0x1;
	s20 =	simm.s32 $0x2D00  }
0xd: {  	s8 =	sshrl.u32 s5, $0x3;
	s5 =	sshll.u32 s5, $0x4;
	s6 =	ssub.s32 s7, s21  }
0xe: {  	s21 =	simm.s32 $0x3D00;
	s0 =	sadd.s32 s0, s8;
	s22 =	sadd.s32 s5, s2  }
0xf: {  	s2 =	sadd.s32 s24, s2;
	s26 =	smax.u32 s6, $0x1;
	s24 =	simm.s32 $0x2  }
0x10: {  	s6 =	simm.s32 $0x6;
	[dreg:$0x5] =	wrdreg s0;
	s5 =	sadd.s32 $0x180000, s22  }
0x11: {  	s23 =	sadd.s32 $0x184000, s22;
	s25 =	sadd.s32 $0x188000, s22;
	[dreg:$0xa] =	wrdreg s26  }
.Ltmp0:
0x12: {  	s0 =	sadd.s32 $0x18C000, s22;
	[dreg:$0x6] =	wrdreg s5;
	(pc) =	sbr.rel .LBB2_1-.Ltmp0, $4  }
0x13: {  	v0 =	vlaneseq.u32;
	s11 =	sadd.s32 s4, s2;
	s22 =	simm.s32 $0x4D00;
	[dreg:$0x7] =	wrdreg s23  }
0x14: {  	v0 =	vmul.u32 $0x80, v0;
	s26 =	simm.s32 $0x7D00;
	s2 =	simm.s32 $0xCD00;
	[dreg:$0x8] =	wrdreg s25  }
0x15: {  	s4 =	simm.s32 $0xFD00;
	[dreg:$0x9] =	wrdreg s0;
	s23 =	simm.s32 $0x9D00  }
0x16: {  	v1 =	vor.u32 $0x800, v0;
	s25 =	simm.s32 $0x6D00;
	s0 =	simm.s32 $0xBD00;
	s5 =	simm.s32 $0x10D00  }
.LBB2_6:
0x17: {  	_ =	swait.ge [sflag:s15], $0x4000  }
0x18: {  	[sflag:s15] =	ssyncset.done $0x0  }
0x19: {  	s7 =	rddreg [dreg:$0x6];
	[sflag:s15] =	ssyncadd.s32 $0xFFFFC000  }
0x1a: {  	[hbm4b:s7+s3] =	stream.linear.scatter [tilespmem:s17], [sflag:$0x5], $0x1000, $0x38;
	[tilespmem:$0x11D00] =	vst v63  }
0x1b: {  	s10 =	rddreg [dreg:$0x7]  }
0x1c: {  	[hbm4b:s10+s3] =	stream.linear.scatter [tilespmem:s20], [sflag:$0x5], $0x1000, $0x38;
	[tilespmem:$0x11D00] =	vst v63  }
0x1d: {  	s12 =	rddreg [dreg:$0x8]  }
0x1e: {  	[hbm4b:s12+s3] =	stream.linear.scatter [tilespmem:s21], [sflag:$0x5], $0x1000, $0x38;
	[tilespmem:$0x11D00] =	vst v63  }
0x1f: {  	s8 =	rddreg [dreg:$0x9]  }
0x20: {  	[hbm4b:s8+s3] =	stream.linear.scatter [tilespmem:s22], [sflag:$0x5], $0x1000, $0x38;
	[tilespmem:$0x11D00] =	vst v63  }
0x21: {  	_ =	swait.ge [sflag:s13], $0x4000  }
0x22: {  	[sflag:s13] =	ssyncset.done $0x0  }
0x23: {  	[sflag:s13] =	ssyncadd.s32 $0xFFFFC000  }
0x24: {  	_ =	swait.ge [sflag:s6], $0x4000  }
0x25: {  	[sflag:s6] =	ssyncset.done $0x0  }
0x26: {  	s10 =	simm.s32 $0x7;
	[sflag:s6] =	ssyncadd.s32 $0xFFFFC000  }
0x27: {  	_ =	swait.ge [sflag:s10], $0x4000  }
0x28: {  	[sflag:s10] =	ssyncset.done $0x0  }
0x29: {  	s8 =	simm.s32 $0x8;
	[sflag:s10] =	ssyncadd.s32 $0xFFFFC000  }
0x2a: {  	_ =	swait.ge [sflag:s8], $0x4000  }
0x2b: {  	s9 =	sadd.s32 $0x1, s9;
	s12 =	rddreg [dreg:$0xa]  }
0x2c: {  	p0 =	sne.s32 s9, s12  }
.Ltmp1:
0x2d: {  	_ = 	snop;
	(pc) =	sbr.rel @!p0 .LBB2_7-.Ltmp1, $3  }
0x2e: {  	_ =	sdelay $0x1  }
0x2f: {  	[sflag:s8] =	ssyncset.done $0x0  }
0x30: {  	[sflag:s8] =	ssyncadd.s32 $0xFFFFC000  }
.LBB2_1:
0x31: {  	v2 =	vmov s3;
	s7 =	rddreg [dreg:$0x5];
	s10 =	simm.s32 $0x9  }
0x32: {  	[tilespmem:s3], [sflag:$0x9] =	stream.linear.gather [hbm4b:s7+s3], $0x20, $0x38;
	v2 =	vand.u32 $0x7F, v2;
	[tilespmem:$0x11D00] =	vst v63  }
0x33: {  	_ =	swait.ge [sflag:s10], $0x20;
	v2 =	vbroadcast v2, $0x0  }
0x34: {  	[sflag:s10] =	ssyncset.done $0x0  }
0x35: {  	s8 =	simm.s32 $0x20;
	s12 =	rddreg [dreg:$0x4];
	[sflag:s10] =	ssyncadd.s32 $0xFFFFFFE0;
	v3 =	vor.u32 v0, v2  }
0x36: {  	[tilespmem:s14], [sflag:$0x1] =	stream.indirect.gather [hbm4b:s12+s8], $0x80, s3, s8, $0xb8;
	[tilespmem:$0x11D00] =	vst v63  }
0x37: {  	_ =	swait.ge [sflag:s15], $0x1000  }
0x38: {  	[sflag:s15] =	ssyncset.done $0x0  }
0x39: {  	[sflag:s15] =	ssyncadd.s32 $0xFFFFF000  }
0x3a: {  	v3 =	vld.idx.msk [tilespmem:v3+s14+$0x0], $0xffff  }
0x3b: {  	v2 =	vor.u32 v1, v2;
	_ =	sdelay $0x1  }
0x3c: {  	s12 =	simm.s32 $0x1  }
0x3d: {  	s10 =	simm.s32 $0x1090;
	v4 =	vmov s12;
	s12 =	simm.s32 $0x2  }
.LBB2_2:
0x3e: {  	p0 =	sne.s32 s12, $0x63;
	v4 =	vand.u32 $0x7F, v4;
	[tilespmem:s10+$0xFFFFFFF0] =	vst v3  }
0x3f: {  	v4 =	vbroadcast v4, $0x0;
	v2 =	vld.idx.msk [tilespmem:v2+s14+$0x0], $0xffff;
	_ =	sdelay $0x1  }
0x40: {  	v3 =	vor.u32 v0, v4;
	_ =	sdelay $0x3  }
0x41: {  	[tilespmem:s10+$0x0] =	vst v2  }
0x42: {  	v3 =	vld.idx.msk [tilespmem:v3+s14+$0x0], $0xffff  }
.Ltmp2:
0x43: {  	(pc) =	sbr.rel @p0 .LBB2_2-.Ltmp2, $2  }
0x44: {  	v2 =	vor.u32 v1, v4;
	_ =	sdelay $0x2  }
0x45: {  	v4 =	vmov s12;
	s12 =	sadd.s32 $0x1, s12;
	s10 =	sadd.s32 $0x20, s10  }
0x46: {  	_ =	sdelay $0x1  }
0x47: {  	v4 =	vand.u32 $0x7F, v4  }
0x48: {  	[tilespmem:s10+$0xFFFFFFF0] =	vst v3;
	v3 =	vbroadcast v4, $0x0  }
0x49: {  	v2 =	vld.idx.msk [tilespmem:v2+s14+$0x0], $0xffff  }
0x4a: {  	v4 =	vor.u32 v0, v3;
	_ =	sdelay $0x3  }
0x4b: {  	[tilespmem:s10+$0x0] =	vst v2  }
0x4c: {  	v2 =	vld.idx.msk [tilespmem:v4+s14+$0x0], $0xffff  }
0x4d: {  	v3 =	vor.u32 v1, v3;
	_ =	sdelay $0x2  }
0x4e: {  	s8 =	sadd.s32 $0x20, s10  }
0x4f: {  	[tilespmem:s8+$0xFFFFFFF0] =	vst v2  }
0x50: {  	v2 =	vld.idx.msk [tilespmem:v3+s14+$0x0], $0xffff;
	_ =	sdelay $0x4  }
0x51: {  	s7 =	simm.s32 $0x1080;
	[tilespmem:s8+$0x0] =	vst v2  }
0x52: {  	[tilespmem:s17], [sflag:$0x1] =	stream.indirect.gather [hbm4b:s1+s14], $0x80, s7, s14, $0xb8;
	[tilespmem:$0x11D00] =	vst v63  }
0x53: {  	s12 =	simm.s32 $0x1100  }
0x54: {  	[tilespmem:s19], [sflag:$0x2] =	stream.indirect.gather [hbm4b:s1+s14], $0x80, s12, s14, $0xb8;
	[tilespmem:$0x11D00] =	vst v63  }
0x55: {  	s10 =	simm.s32 $0x0;
	s12 =	simm.s32 $0x1200  }
.LBB2_4:
0x56: {  	_ =	swait.ge [sflag:s15], $0x4000  }
0x57: {  	[sflag:s15] =	ssyncset.done $0x0  }
0x58: {  	s7 =	sadd.s32 s10, s11;
	[sflag:s15] =	ssyncadd.s32 $0xFFFFC000  }
0x59: {  	[hbm4b:s7+s3] =	stream.linear.scatter [tilespmem:s17], [sflag:$0x5], $0x1000, $0x38;
	[tilespmem:$0x11D00] =	vst v63  }
0x5a: {  	s8 =	sadd.s32 $0x4000, s7  }
0x5b: {  	[hbm4b:s8+s3] =	stream.linear.scatter [tilespmem:s20], [sflag:$0x5], $0x1000, $0x38;
	[tilespmem:$0x11D00] =	vst v63  }
0x5c: {  	s8 =	sadd.s32 $0x8000, s7  }
0x5d: {  	[hbm4b:s8+s3] =	stream.linear.scatter [tilespmem:s21], [sflag:$0x5], $0x1000, $0x38;
	[tilespmem:$0x11D00] =	vst v63  }
0x5e: {  	p0 =	seq.s32 s10, $0x0;
	s8 =	sadd.s32 $0xC000, s7  }
0x5f: {  	[hbm4b:s8+s3] =	stream.linear.scatter [tilespmem:s22], [sflag:$0x5], $0x1000, $0x38;
	[tilespmem:$0x11D00] =	vst v63  }
0x60: {  	s8 =	simm.s32 @!p0 $0x7  }
0x61: {  	_ =	swait.ge @!p0 [sflag:s8], $0x4000  }
0x62: {  	[sflag:s8] =	ssyncset.done @!p0 $0x0  }
0x63: {  	[sflag:s8] =	ssyncadd.s32 @!p0 $0xFFFFC000;
	s8 =	sadd.s32 $0xFFFFFF80, s12  }
0x64: {  	[tilespmem:s23], [sflag:$0x3] =	stream.indirect.gather [hbm4b:s1+s14], $0x80, s8, s14, $0xb8;
	[tilespmem:$0x11D00] =	vst v63  }
0x65: {  	_ =	swait.ge [sflag:s24], $0x4000  }
0x66: {  	[sflag:s24] =	ssyncset.done $0x0  }
0x67: {  	s8 =	sadd.s32 $0x10000, s7;
	[sflag:s24] =	ssyncadd.s32 $0xFFFFC000  }
0x68: {  	[hbm4b:s8+s3] =	stream.linear.scatter [tilespmem:s19], [sflag:$0x6], $0x1000, $0x38;
	[tilespmem:$0x11D00] =	vst v63  }
0x69: {  	s8 =	sadd.s32 $0x14000, s7  }
0x6a: {  	[hbm4b:s8+s3] =	stream.linear.scatter [tilespmem:s25], [sflag:$0x6], $0x1000, $0x38;
	[tilespmem:$0x11D00] =	vst v63  }
0x6b: {  	s8 =	sadd.s32 $0x18000, s7  }
0x6c: {  	[hbm4b:s8+s3] =	stream.linear.scatter [tilespmem:s26], [sflag:$0x6], $0x1000, $0x38;
	[tilespmem:$0x11D00] =	vst v63  }
0x6d: {  	s8 =	sadd.s32 $0x1C000, s7  }
0x6e: {  	[hbm4b:s8+s3] =	stream.linear.scatter [tilespmem:s28], [sflag:$0x6], $0x1000, $0x38;
	[tilespmem:$0x11D00] =	vst v63  }
0x6f: {  	s8 =	simm.s32 @!p0 $0x8  }
0x70: {  	_ =	swait.ge @!p0 [sflag:s8], $0x4000  }
0x71: {  	[sflag:s8] =	ssyncset.done @!p0 $0x0  }
0x72: {  	[sflag:s8] =	ssyncadd.s32 @!p0 $0xFFFFC000  }
0x73: {  	[tilespmem:s29], [sflag:$0x4] =	stream.indirect.gather [hbm4b:s1+s14], $0x80, s12, s14, $0xb8;
	[tilespmem:$0x11D00] =	vst v63  }
0x74: {  	_ =	swait.ge [sflag:s30], $0x4000  }
0x75: {  	[sflag:s30] =	ssyncset.done $0x0  }
0x76: {  	s8 =	sadd.s32 $0x20000, s7;
	[sflag:s30] =	ssyncadd.s32 $0xFFFFC000  }
0x77: {  	[hbm4b:s8+s3] =	stream.linear.scatter [tilespmem:s23], [sflag:$0x7], $0x1000, $0x38;
	[tilespmem:$0x11D00] =	vst v63  }
0x78: {  	s8 =	sadd.s32 $0x24000, s7  }
0x79: {  	[hbm4b:s8+s3] =	stream.linear.scatter [tilespmem:s31], [sflag:$0x7], $0x1000, $0x38;
	[tilespmem:$0x11D00] =	vst v63  }
0x7a: {  	s8 =	sadd.s32 $0x28000, s7  }
0x7b: {  	[hbm4b:s8+s3] =	stream.linear.scatter [tilespmem:s0], [sflag:$0x7], $0x1000, $0x38;
	[tilespmem:$0x11D00] =	vst v63  }
0x7c: {  	s8 =	sadd.s32 $0x2C000, s7  }
0x7d: {  	[hbm4b:s8+s3] =	stream.linear.scatter [tilespmem:s2], [sflag:$0x7], $0x1000, $0x38;
	[tilespmem:$0x11D00] =	vst v63  }
0x7e: {  	_ =	swait.ge [sflag:s13], $0x4000  }
0x7f: {  	[sflag:s13] =	ssyncset.done $0x0  }
0x80: {  	s8 =	sadd.s32 $0x80, s12;
	[sflag:s13] =	ssyncadd.s32 $0xFFFFC000  }
0x81: {  	[tilespmem:s17], [sflag:$0x1] =	stream.indirect.gather [hbm4b:s1+s14], $0x80, s8, s14, $0xb8;
	[tilespmem:$0x11D00] =	vst v63  }
0x82: {  	_ =	swait.ge [sflag:s16], $0x4000  }
0x83: {  	[sflag:s16] =	ssyncset.done $0x0  }
0x84: {  	s8 =	sadd.s32 $0x30000, s7;
	[sflag:s16] =	ssyncadd.s32 $0xFFFFC000  }
0x85: {  	[hbm4b:s8+s3] =	stream.linear.scatter [tilespmem:s29], [sflag:$0x8], $0x1000, $0x38;
	[tilespmem:$0x11D00] =	vst v63  }
0x86: {  	p0 =	seq.s32 s10, $0x140000;
	s8 =	sadd.s32 $0x34000, s7  }
0x87: {  	[hbm4b:s8+s3] =	stream.linear.scatter [tilespmem:s18], [sflag:$0x8], $0x1000, $0x38;
	[tilespmem:$0x11D00] =	vst v63  }
.Ltmp3:
0x88: {  	_ = 	snop;
	(pc) =	sbr.rel @p0 .LBB2_6-.Ltmp3, $4  }
0x89: {  	s8 =	sadd.s32 $0x38000, s7  }
0x8a: {  	[hbm4b:s8+s3] =	stream.linear.scatter [tilespmem:s4], [sflag:$0x8], $0x1000, $0x38;
	[tilespmem:$0x11D00] =	vst v63  }
0x8b: {  	s7 =	sadd.s32 $0x3C000, s7  }
0x8c: {  	[hbm4b:s7+s3] =	stream.linear.scatter [tilespmem:s5], [sflag:$0x8], $0x1000, $0x38;
	[tilespmem:$0x11D00] =	vst v63  }
.Ltmp4:
0x8d: {  	(pc) =	sbr.rel .LBB2_4-.Ltmp4, $4  }
0x8e: {  	_ =	swait.ge [sflag:s6], $0x4000  }
0x8f: {  	s7 =	sadd.s32 $0x100, s12;
	[sflag:s6] =	ssyncset.done $0x0  }
0x90: {  	s10 =	sadd.s32 $0x40000, s10;
	s12 =	sadd.s32 $0x200, s12;
	[sflag:s6] =	ssyncadd.s32 $0xFFFFC000  }
0x91: {  	[tilespmem:s19], [sflag:$0x2] =	stream.indirect.gather [hbm4b:s1+s14], $0x80, s7, s14, $0xb8;
	[tilespmem:$0x11D00] =	vst v63  }
.LBB2_7:
0x92: {  	_ =	sfence.sel $0x180000  }
0x93: {  	[bflag:$0x0] =	sbarrier.arrive $0xFFFF  }
0x94: {  	_ =	strace $0x90000047  }
0x95: {  	s0 =	stileid.u32;
	[bflag:$0x2] =	sbarrier.arrive $0xFFFF  }
0x96: {  	p0 =	sne.s32 s0, $0x0;
	s0 =	rddreg [dreg:$0x3]  }
0x97: {  	s0 =	sadd.s32 @!p0 $0x100000, s0  }
0x98: {  	[sflag:s0] =	ssyncadd.tile.s32 @!p0 $0x1;
	_ =	shalt  }
.Lfunc_end2:
_tile_overlayer_lowered:
.L_overlay_start_2:
0x99: {  	(tag) =	ssettag $0x2  }
0x9a: {  	s0 =	rddreg [dreg:$0x0];
	s2 =	stileid.u32  }
0x9b: {  	s1 =	rddreg [dreg:$0x1];
	p0 =	sne.s32 s2, $0x0  }
0x9c: {  	s3 =	rddreg [dreg:$0x2];
	[bflag:$0x3] =	sbarrier.arrive $0xFFFF;
	s2 =	simm.s32 @!p0 $0x1C09  }
0x9d: {  	[timem:s3], [sflag:s2] =	dma.local @!p0 [hbm:s0], s1  }
0x9e: {  	s0 =	simm.s32 @!p0 $0x9  }
0x9f: {  	_ =	swait.ge @!p0 [sflag:s0], s1  }
0xa0: {  	s1 =	ssub.s32 @!p0 $0x0, s1;
	[sflag:s0] =	ssyncset.done @!p0 $0x0  }
0xa1: {  	[sflag:s0] =	ssyncadd.s32 @!p0 s1  }
0xa2: {  	[bflag:$0x3] =	sbarrier.arrive $0xFFFF  }
0xa3: {  	_ =	shalt  }

// kernel: kernel.9.cloned.1.call-start
scs
__scs_entry_jumppad:
0x0: {  	(pc) =	sbr.rel $0x88, $3  }
0x1: {  	(tag) =	ssettag $0x0;
	lr =	simm.s32 $0x1  }
0x2: {  	[smem:$0x3F9A] =	sst lr;
	_ =	strace $0xD0000000  }
0x3: {  	_ = 	snop  }
0x4: {  	_ = 	snop  }
0x5: {  	_ = 	snop  }
0x6: {  	_ = 	snop  }
0x7: {  	_ = 	snop  }
__scs_overlays_trampoline_lowered:
0x8: {  	[smem:$0x3FA9] =	sst s0  }
0x9: {  	[smem:$0x3FAA] =	sst s1  }
0xa: {  	[smem:$0x3FAB] =	sst s2  }
0xb: {  	[smem:$0x3FAC] =	sst s3  }
0xc: {  	[smem:$0x3FAD] =	sst s4  }
0xd: {  	[smem:$0x3FAE] =	sst s5  }
0xe: {  	[smem:$0x3FAF] =	sst s6  }
0xf: {  	[smem:$0x3FB0] =	sst s7  }
0x10: {  	[smem:$0x3FB1] =	sst s8  }
0x11: {  	[smem:$0x3FB2] =	sst s9;
	s0 =	simm.s32 @!p0 $0x0  }
0x12: {  	s1 =	sld [smem:$0x3F98];
	s0 =	simm.s32 @p0 $0x1  }
0x13: {  	[smem:$0x3FB3] =	sst s0;
	s0 =	simm.s32 @!p1 $0x0  }
0x14: {  	s2 =	sld [smem:$0x3F97];
	s0 =	simm.s32 @p1 $0x1  }
0x15: {  	[smem:$0x3FB4] =	sst s0;
	s0 =	simm.s32 @!p2 $0x0  }
0x16: {  	s3 =	sld [smem:$0x3FDB];
	s0 =	simm.s32 @p2 $0x1  }
0x17: {  	s4 =	simm.s32 $0x1BF5;
	[smem:$0x3FB6] =	sst s0  }
0x18: {  	s0 =	sld [smem:$0x3F99];
	_ =	swait.ge [sflag:s4], $0x0  }
0x19: {  	s7 =	sld [smem:$0x3F9A]  }
0x1a: {  	s8 =	sadd.s32 $0xFFFFE003, lr  }
0x1b: {  	s9 =	sadd.s32 $0xFFFFFEF7, lr;
	s5 =	simm.s32 $0xFFFFFFFF;
	p2 =	slt.u32 s8, $0xFFFFF086  }
0x1c: {  	p1 =	slt.u32 s9, $0xF7A;
	s5 =	simm.s32 @!p2 $0x0  }
0x1d: {  	s5 =	simm.s32 @p1 $0x1;
	p0 =	seq.s32 s7, s2  }
0x1e: {  	s7 =	smul.u32 @!p0 $0xF7A, s2;
	p2 =	seq.s32 @!p0 s5, $0x0  }
0x1f: {  	s9 =	smul.u32 $0xF7A, s1;
	s8 =	simm.s32 @!p0 $0x1BF5;
	p2 =	por !p2, p0  }
0x20: {  	[sflag:s8] =	ssyncset.s32 @!p0 $0xFFFFF086;
	s6 =	sadd.s32 @!p0 s3, s7;
	s7 =	simm.s32 @!p0 $0x108  }
0x21: {  	s3 =	sadd.s32 s3, s9;
	s6 =	sadd.s32 @!p0 $0x88, s6;
	s7 =	simm.s32 @p2 $0x1082  }
0x22: {  	[simem:s7], [sflag:s8] =	dma.local @!p0 [hbm:s6], $0xF7A  }
0x23: {  	s9 =	sor.u32 $0xD0000000, s2;
	s6 =	simm.s32 $0x108;
	_ =	swait.ge @!p0 [sflag:s8], $0x0  }
0x24: {  	s3 =	sadd.s32 $0x88, s3;
	s6 =	simm.s32 @!p1 $0x1082;
	[sflag:s4] =	ssyncset.s32 $0xFFFFF086  }
0x25: {  	[simem:s6], [sflag:s4] =	dma.local [hbm:s3], $0xF7A  }
0x26: {  	[smem:$0x3F9A] =	sst s1;
	(tag) =	ssettag s2;
	_ =	strace s9  }
0x27: {  	s1 =	sld [smem:$0x3FAA]  }
0x28: {  	s2 =	sld [smem:$0x3FAB]  }
0x29: {  	s4 =	sld [smem:$0x3FAD]  }
0x2a: {  	p0 =	seq.s32 s5, $0x0;
	s5 =	sld [smem:$0x3FAE]  }
0x2b: {  	s6 =	sld [smem:$0x3FAF]  }
0x2c: {  	s7 =	sld [smem:$0x3FB0]  }
0x2d: {  	s3 =	simm.s32 $0x108;
	s8 =	sld [smem:$0x3FB1]  }
0x2e: {  	s3 =	simm.s32 @!p0 $0x1082;
	s9 =	sld [smem:$0x3FB2]  }
0x2f: {  	lr =	sadd.s32 s0, s3;
	s0 =	sld [smem:$0x3FA9]  }
0x30: {  	s3 =	sld [smem:$0x3FAC]  }
0x31: {  	[smem:$0x3FB5] =	sst s10  }
0x32: {  	s10 =	sld [smem:$0x3FB3];
	_ =	sdelay $0x3  }
0x33: {  	p0 =	seq.s32 s10, $0x1;
	s10 =	sld [smem:$0x3FB5];
	_ =	sdelay $0x3  }
0x34: {  	[smem:$0x3FB5] =	sst s10  }
0x35: {  	s10 =	sld [smem:$0x3FB4];
	_ =	sdelay $0x3  }
0x36: {  	p1 =	seq.s32 s10, $0x1;
	s10 =	sld [smem:$0x3FB5];
	_ =	sdelay $0x3  }
0x37: {  	[smem:$0x3FB5] =	sst s10  }
0x38: {  	s10 =	sld [smem:$0x3FB6]  }
0x39: {  	_ = 	snop;
	(pc) =	sbr.ind lr, $3  }
0x3a: {  	_ = 	snop  }
0x3b: {  	_ = 	snop  }
0x3c: {  	p2 =	seq.s32 s10, $0x1;
	s10 =	sld [smem:$0x3FB5]  }
0x3d: {  	_ =	shalt  }
0x3e: {  	_ =	shalt  }
0x3f: {  	_ =	shalt  }
0x40: {  	_ =	shalt  }
0x41: {  	_ =	shalt  }
0x42: {  	_ =	shalt  }
0x43: {  	_ =	shalt  }
0x44: {  	_ =	shalt  }
0x45: {  	_ =	shalt  }
0x46: {  	_ =	shalt  }
0x47: {  	_ =	shalt  }
0x48: {  	_ =	shalt  }
0x49: {  	_ =	shalt  }
0x4a: {  	_ =	shalt  }
0x4b: {  	_ =	shalt  }
0x4c: {  	_ =	shalt  }
0x4d: {  	_ =	shalt  }
0x4e: {  	_ =	shalt  }
0x4f: {  	_ =	shalt  }
0x50: {  	_ =	shalt  }
0x51: {  	_ =	shalt  }
0x52: {  	_ =	shalt  }
0x53: {  	_ =	shalt  }
0x54: {  	_ =	shalt  }
0x55: {  	_ =	shalt  }
0x56: {  	_ =	shalt  }
0x57: {  	_ =	shalt  }
0x58: {  	_ =	shalt  }
0x59: {  	_ =	shalt  }
0x5a: {  	_ =	shalt  }
0x5b: {  	_ =	shalt  }
0x5c: {  	_ =	shalt  }
0x5d: {  	_ =	shalt  }
0x5e: {  	_ =	shalt  }
0x5f: {  	_ =	shalt  }
0x60: {  	_ =	shalt  }
0x61: {  	_ =	shalt  }
0x62: {  	_ =	shalt  }
0x63: {  	_ =	shalt  }
0x64: {  	_ =	shalt  }
0x65: {  	_ =	shalt  }
0x66: {  	_ =	shalt  }
0x67: {  	_ =	shalt  }
0x68: {  	_ =	shalt  }
0x69: {  	_ =	shalt  }
0x6a: {  	_ =	shalt  }
0x6b: {  	_ =	shalt  }
0x6c: {  	_ =	shalt  }
0x6d: {  	_ =	shalt  }
0x6e: {  	_ =	shalt  }
0x6f: {  	_ =	shalt  }
0x70: {  	_ =	shalt  }
0x71: {  	_ =	shalt  }
0x72: {  	_ =	shalt  }
0x73: {  	_ =	shalt  }
0x74: {  	_ =	shalt  }
0x75: {  	_ =	shalt  }
0x76: {  	_ =	shalt  }
0x77: {  	_ =	shalt  }
0x78: {  	_ =	shalt  }
0x79: {  	_ =	shalt  }
0x7a: {  	_ =	shalt  }
0x7b: {  	_ =	shalt  }
0x7c: {  	_ =	shalt  }
0x7d: {  	_ =	shalt  }
0x7e: {  	_ =	shalt  }
0x7f: {  	_ =	shalt  }
0x80: {  	_ =	shalt  }
0x81: {  	_ =	shalt  }
0x82: {  	_ =	shalt  }
0x83: {  	_ =	shalt  }
0x84: {  	_ =	shalt  }
0x85: {  	_ =	shalt  }
0x86: {  	_ =	shalt  }
0x87: {  	_ =	shalt  }
.Lfunc_end0:
.L_simem_size_0:
called_computation_lowered:
.L_overlay_start_0:
0x88: {  	s2 =	sld [smem:$0x3FD9]  }
0x89: {  	s3 =	sld [smem:$0x3FFE];
	_ =	sdelay $0x1  }
0x8a: {  	s1 =	srdreg.scid  }
0x8b: {  	s0 =	sand.u32 $0x1, s1  }
0x8c: {  	s15 =	sshll.u32 s0, $0xA;
	s2 =	sadd.s32 s3, s2  }
0x8d: {  	s2 =	sadd.s32 s2, s15  }
0x8e: {  	[smem:$0x3FC1] =	sst s2  }
0x8f: {  	_ = 	snop  }
0x90: {  	s16 =	sld [smem:$0x3FD0];
	_ =	sdelay $0x2  }
0x91: {  	s4 =	simm.s32 $0xC;
	s5 =	simm.s32 $0x10;
	s2 =	sld [smem:$0x3FC8]  }
0x92: {  	[smem:s5], [sflag:s4] =	dma.local [hbm:s16], $0x1  }
0x93: {  	_ =	swait.eq [sflag:s4], $0x1  }
0x94: {  	[sflag:s4] =	ssyncset.done $0x0  }
0x95: {  	[sflag:s4] =	ssyncadd.s32 $0xFFFFFFFF  }
0x96: {  	s17 =	sld [smem:$0x10];
	(tm) =	ssettm $0x1  }
0x97: {  	s18 =	sld [smem:$0x3FFB];
	_ =	sdelay $0x3  }
0x98: {  	_ =	strace s18  }
0x99: {  	s3 =	sld [smem:$0x3FFC];
	_ =	sdelay $0x3  }
0x9a: {  	_ =	strace s3  }
0x9b: {  	s3 =	sld [smem:$0x3FFD];
	_ =	sdelay $0x3  }
0x9c: {  	_ =	strace s3  }
0x9d: {  	_ =	strace $0x8FFFFFFF  }
0x9e: {  	s19 =	sld [smem:$0x3FDB];
	_ =	sdelay $0x1  }
0x9f: {  	s20 =	simm.s32 $_scs_section_size  }
0xa0: {  	s6 =	simm.s32 $_size__tile_overlayer_lowered;
	s7 =	simm.s32 $_tile_overlayer_lowered  }
0xa1: {  	s8 =	simm.s32 $0x1BFF;
	s21 =	sshll.u32 s7, $0x1;
	s5 =	sadd.s32 s20, s19  }
0xa2: {  	s22 =	simm.s32 $0x0;
	s6 =	sshll.u32 s6, $0x1;
	s7 =	sadd.s32 s21, s5  }
0xa3: {  	[timem:s22], [sflag:s8] =	dma.local [hbm:s7], s6  }
0xa4: {  	_ =	swait.ge [sflag:s8], s6  }
0xa5: {  	s6 =	ssub.s32 $0x0, s6;
	[sflag:s8] =	ssyncset.done $0x0  }
0xa6: {  	[sflag:s8] =	ssyncadd.s32 s6;
	_ =	sdelay $0x1  }
0xa7: {  	s23 =	simm.s32 $0x1B8B  }
0xa8: {  	_ =	swait.ge [sflag:s23], $0x1  }
0xa9: {  	[sflag:s23] =	ssyncset.done $0x0  }
0xaa: {  	[sflag:s23] =	ssyncadd.s32 $0xFFFFFFFF  }
0xab: {  	s6 =	sld [smem:$0x0]  }
0xac: {  	s7 =	sand.u32 $0xFFFFFFFE, s1  }
0xad: {  	p0 =	sne.s32 s1, s7  }
0xae: {  	s7 =	sshll.u32 @p0 s7, $0xE  }
0xaf: {  	s7 =	sadd.s32 @p0 $0x11B8D, s7;
	s8 =	sshll.u32 @p0 s6, $0x11  }
0xb0: {  	s7 =	sor.u32 @p0 s8, s7  }
0xb1: {  	[sflag:s7] =	ssyncadd.remote.s32 @p0 $0x1;
	_ =	sdelay $0x1  }
0xb2: {  	s7 =	simm.s32 @p0 $0x1B8D  }
0xb3: {  	_ =	swait.eq @p0 [sflag:s7], $0x1  }
0xb4: {  	[sflag:s7] =	ssyncadd.s32 @p0 $0xFFFFFFFF  }
0xb5: {  	s8 =	sshll.u32 @!p0 s1, $0xE  }
0xb6: {  	s8 =	sor.u32 @!p0 $0x4000, s8;
	s7 =	simm.s32 @!p0 $0x1B8D  }
0xb7: {  	s6 =	sshll.u32 @!p0 s6, $0x11;
	s8 =	sadd.s32 @!p0 $0x11B8D, s8;
	_ =	swait.eq @!p0 [sflag:s7], $0x1  }
0xb8: {  	s6 =	sor.u32 @!p0 s6, s8;
	[sflag:s7] =	ssyncadd.s32 @!p0 $0xFFFFFFFF  }
0xb9: {  	s25 =	simm.s32 $0x1B8E;
	s24 =	sld [smem:$0x3FFE];
	[sflag:s6] =	ssyncadd.remote.s32 @!p0 $0x1  }
0xba: {  	s26 =	simm.s32 $execute0_lowered;
	[smem:$0x3FD2] =	sst s25  }
0xbb: {  	s7 =	sshll.u32 s26, $0x1;
	_ =	strace $0x8000004C;
	[dreg:$0x1] =	wrdreg $0xFFFFFFFF  }
0xbc: {  	s28 =	simm.s32 $_size_execute0_lowered;
	s5 =	sadd.s32 s5, s7;
	[dreg:$0x0] =	wrdreg $0x0  }
0xbd: {  	s7 =	sshll.u32 s28, $0x1;
	[dreg:$0x2] =	wrdreg s5  }
0xbe: {  	[dreg:$0x3] =	wrdreg s7  }
0xbf: {  	[dreg:$0x4] =	wrdreg $0xC0  }
0xc0: {  	_ =	task [dreg:s22], $0x5FFFF  }
0xc1: {  	[dreg:$0x1] =	wrdreg $0xFFFFFFFF  }
0xc2: {  	[dreg:$0x0] =	wrdreg $0x60  }
0xc3: {  	[dreg:$0x2] =	wrdreg s17  }
0xc4: {  	[dreg:$0x3] =	wrdreg s24  }
0xc5: {  	[dreg:$0x4] =	wrdreg s2  }
0xc6: {  	[dreg:$0x5] =	wrdreg $0x9  }
0xc7: {  	_ =	task.clear_ibuf [dreg:s22], $0x6FFFF;
	_ =	strace $0x9000004C  }
0xc8: {  	s29 =	simm.s32 $0x9;
	_ =	strace $0x8000004E  }
0xc9: {  	_ =	swait.ge [sflag:s29], $0x1  }
0xca: {  	[sflag:s29] =	ssyncadd.s32 $0xFFFFFFFF  }
0xcb: {  	_ =	strace $0x9000004E  }
0xcc: {  	_ =	sfence  }
0xcd: {  	s30 =	sld [smem:$0x0];
	_ =	sdelay $0x2  }
0xce: {  	s31 =	sshll.u32 s1, $0xD;
	s1 =	sshrl.u32 s1, $0x2  }
0xcf: {  	s4 =	sand.u32 $0x4000, s31;
	s1 =	sadd.s32 s1, s30  }
0xd0: {  	s0 =	sor.u32 s4, s0;
	s1 =	sshll.u32 s1, $0x11  }
0xd1: {  	s0 =	sor.u32 s1, s0  }
0xd2: {  	s0 =	sadd.s32 $0x8F2B, s0  }
0xd3: {  	[sflag:s0] =	ssyncadd.remote.s32 $0x1  }
0xd4: {  	_ =	sfence.sel $0xFFFF  }
0xd5: {  	[dreg:$0x0] =	wrdreg $0xFFFFFFFF;
	(pc) =	sbr.abs _section_cstart, $3  }
0xd6: {  	[dreg:$0x1] =	wrdreg $0xFFFFFFFF  }
0xd7: {  	_ =	task.clear_ibuf [dreg:s22], $0x2FFFF;
	_ =	strace $0x9FFFFFFF  }
0xd8: {  	(tm) =	ssettm $0x7FFFFFFF  }
0xd9: {  	_ =	shalt  }
tec
execute0_lowered:
.L_overlay_start_1:
0x0: {  	(tag) =	ssettag $0x1  }
0x1: {  	s0 =	rddreg [dreg:$0x0]  }
0x2: {  	s2 =	rddreg [dreg:$0x1]  }
0x3: {  	s1 =	rddreg [dreg:$0x2];
	s3 =	simm.s32 $0x0;
	s4 =	srdreg.scid  }
0x4: {  	s9 =	stileid.u32;
	s14 =	simm.s32 $0x80;
	s15 =	simm.s32 $0x1  }
0x5: {  	s17 =	simm.s32 $0x1D00;
	s19 =	simm.s32 $0x5D00;
	s28 =	simm.s32 $0x8D00  }
0x6: {  	s29 =	simm.s32 $0xDD00;
	s30 =	simm.s32 $0x3;
	s31 =	simm.s32 $0xAD00  }
0x7: {  	s13 =	simm.s32 $0x5;
	s16 =	simm.s32 $0x4;
	s18 =	simm.s32 $0xED00  }
0x8: {  	[smem:$0x7FF] =	sst s3;
	s4 =	sand.u32 $0x1, s4;
	s5 =	sadd.s32 $0x1C00, s2  }
0x9: {  	s20 =	sshll.u32 s9, $0x6;
	s2 =	sadd.s32 $0x36FE00, s2;
	s24 =	sshll.u32 s9, $0xA  }
0xa: {  	s9 =	simm.s32 $0x0;
	_ =	strace $0x8000004D;
	[dreg:$0x4] =	wrdreg s5  }
0xb: {  	s6 =	sshll.u32 s4, $0x5;
	s7 =	ssub.s32 $0x2, s4;
	s4 =	sshll.u32 s4, $0x9  }
0xc: {  	s5 =	sor.u32 s6, s20;
	s21 =	sshrl.u32 s7, $0x1;
	s20 =	simm.s32 $0x2D00  }
0xd: {  	s8 =	sshrl.u32 s5, $0x3;
	s5 =	sshll.u32 s5, $0x4;
	s6 =	ssub.s32 s7, s21  }
0xe: {  	s21 =	simm.s32 $0x3D00;
	s0 =	sadd.s32 s0, s8;
	s22 =	sadd.s32 s5, s2  }
0xf: {  	s2 =	sadd.s32 s24, s2;
	s26 =	smax.u32 s6, $0x1;
	s24 =	simm.s32 $0x2  }
0x10: {  	s6 =	simm.s32 $0x6;
	[dreg:$0x5] =	wrdreg s0;
	s5 =	sadd.s32 $0x180000, s22  }
0x11: {  	s23 =	sadd.s32 $0x184000, s22;
	s25 =	sadd.s32 $0x188000, s22;
	[dreg:$0xa] =	wrdreg s26  }
.Ltmp0:
0x12: {  	s0 =	sadd.s32 $0x18C000, s22;
	[dreg:$0x6] =	wrdreg s5;
	(pc) =	sbr.rel .LBB2_1-.Ltmp0, $4  }
0x13: {  	v0 =	vlaneseq.u32;
	s11 =	sadd.s32 s4, s2;
	s22 =	simm.s32 $0x4D00;
	[dreg:$0x7] =	wrdreg s23  }
0x14: {  	v0 =	vmul.u32 $0x80, v0;
	s26 =	simm.s32 $0x7D00;
	s2 =	simm.s32 $0xCD00;
	[dreg:$0x8] =	wrdreg s25  }
0x15: {  	s4 =	simm.s32 $0xFD00;
	[dreg:$0x9] =	wrdreg s0;
	s23 =	simm.s32 $0x9D00  }
0x16: {  	v1 =	vor.u32 $0x800, v0;
	s25 =	simm.s32 $0x6D00;
	s0 =	simm.s32 $0xBD00;
	s5 =	simm.s32 $0x10D00  }
.LBB2_6:
0x17: {  	_ =	swait.ge [sflag:s15], $0x4000  }
0x18: {  	[sflag:s15] =	ssyncset.done $0x0  }
0x19: {  	s7 =	rddreg [dreg:$0x6];
	[sflag:s15] =	ssyncadd.s32 $0xFFFFC000  }
0x1a: {  	[hbm4b:s7+s3] =	stream.linear.scatter [tilespmem:s17], [sflag:$0x5], $0x1000, $0x38;
	[tilespmem:$0x11D00] =	vst v63  }
0x1b: {  	s10 =	rddreg [dreg:$0x7]  }
0x1c: {  	[hbm4b:s10+s3] =	stream.linear.scatter [tilespmem:s20], [sflag:$0x5], $0x1000, $0x38;
	[tilespmem:$0x11D00] =	vst v63  }
0x1d: {  	s12 =	rddreg [dreg:$0x8]  }
0x1e: {  	[hbm4b:s12+s3] =	stream.linear.scatter [tilespmem:s21], [sflag:$0x5], $0x1000, $0x38;
	[tilespmem:$0x11D00] =	vst v63  }
0x1f: {  	s8 =	rddreg [dreg:$0x9]  }
0x20: {  	[hbm4b:s8+s3] =	stream.linear.scatter [tilespmem:s22], [sflag:$0x5], $0x1000, $0x38;
	[tilespmem:$0x11D00] =	vst v63  }
0x21: {  	_ =	swait.ge [sflag:s13], $0x4000  }
0x22: {  	[sflag:s13] =	ssyncset.done $0x0  }
0x23: {  	[sflag:s13] =	ssyncadd.s32 $0xFFFFC000  }
0x24: {  	_ =	swait.ge [sflag:s6], $0x4000  }
0x25: {  	[sflag:s6] =	ssyncset.done $0x0  }
0x26: {  	s10 =	simm.s32 $0x7;
	[sflag:s6] =	ssyncadd.s32 $0xFFFFC000  }
0x27: {  	_ =	swait.ge [sflag:s10], $0x4000  }
0x28: {  	[sflag:s10] =	ssyncset.done $0x0  }
0x29: {  	s8 =	simm.s32 $0x8;
	[sflag:s10] =	ssyncadd.s32 $0xFFFFC000  }
0x2a: {  	_ =	swait.ge [sflag:s8], $0x4000  }
0x2b: {  	s9 =	sadd.s32 $0x1, s9;
	s12 =	rddreg [dreg:$0xa]  }
0x2c: {  	p0 =	sne.s32 s9, s12  }
.Ltmp1:
0x2d: {  	_ = 	snop;
	(pc) =	sbr.rel @!p0 .LBB2_7-.Ltmp1, $3  }
0x2e: {  	_ =	sdelay $0x1  }
0x2f: {  	[sflag:s8] =	ssyncset.done $0x0  }
0x30: {  	[sflag:s8] =	ssyncadd.s32 $0xFFFFC000  }
.LBB2_1:
0x31: {  	v2 =	vmov s3;
	s7 =	rddreg [dreg:$0x5];
	s10 =	simm.s32 $0x9  }
0x32: {  	[tilespmem:s3], [sflag:$0x9] =	stream.linear.gather [hbm4b:s7+s3], $0x20, $0x38;
	v2 =	vand.u32 $0x7F, v2;
	[tilespmem:$0x11D00] =	vst v63  }
0x33: {  	_ =	swait.ge [sflag:s10], $0x20;
	v2 =	vbroadcast v2, $0x0  }
0x34: {  	[sflag:s10] =	ssyncset.done $0x0  }
0x35: {  	s8 =	simm.s32 $0x20;
	s12 =	rddreg [dreg:$0x4];
	[sflag:s10] =	ssyncadd.s32 $0xFFFFFFE0;
	v3 =	vor.u32 v0, v2  }
0x36: {  	[tilespmem:s14], [sflag:$0x1] =	stream.indirect.gather [hbm4b:s12+s8], $0x80, s3, s8, $0xb8;
	[tilespmem:$0x11D00] =	vst v63  }
0x37: {  	_ =	swait.ge [sflag:s15], $0x1000  }
0x38: {  	[sflag:s15] =	ssyncset.done $0x0  }
0x39: {  	[sflag:s15] =	ssyncadd.s32 $0xFFFFF000  }
0x3a: {  	v3 =	vld.idx.msk [tilespmem:v3+s14+$0x0], $0xffff  }
0x3b: {  	v2 =	vor.u32 v1, v2;
	_ =	sdelay $0x1  }
0x3c: {  	s12 =	simm.s32 $0x1  }
0x3d: {  	s10 =	simm.s32 $0x1090;
	v4 =	vmov s12;
	s12 =	simm.s32 $0x2  }
.LBB2_2:
0x3e: {  	p0 =	sne.s32 s12, $0x63;
	v4 =	vand.u32 $0x7F, v4;
	[tilespmem:s10+$0xFFFFFFF0] =	vst v3  }
0x3f: {  	v4 =	vbroadcast v4, $0x0;
	v2 =	vld.idx.msk [tilespmem:v2+s14+$0x0], $0xffff;
	_ =	sdelay $0x1  }
0x40: {  	v3 =	vor.u32 v0, v4;
	_ =	sdelay $0x3  }
0x41: {  	[tilespmem:s10+$0x0] =	vst v2  }
0x42: {  	v3 =	vld.idx.msk [tilespmem:v3+s14+$0x0], $0xffff  }
.Ltmp2:
0x43: {  	(pc) =	sbr.rel @p0 .LBB2_2-.Ltmp2, $2  }
0x44: {  	v2 =	vor.u32 v1, v4;
	_ =	sdelay $0x2  }
0x45: {  	v4 =	vmov s12;
	s12 =	sadd.s32 $0x1, s12;
	s10 =	sadd.s32 $0x20, s10  }
0x46: {  	_ =	sdelay $0x1  }
0x47: {  	v4 =	vand.u32 $0x7F, v4  }
0x48: {  	[tilespmem:s10+$0xFFFFFFF0] =	vst v3;
	v3 =	vbroadcast v4, $0x0  }
0x49: {  	v2 =	vld.idx.msk [tilespmem:v2+s14+$0x0], $0xffff  }
0x4a: {  	v4 =	vor.u32 v0, v3;
	_ =	sdelay $0x3  }
0x4b: {  	[tilespmem:s10+$0x0] =	vst v2  }
0x4c: {  	v2 =	vld.idx.msk [tilespmem:v4+s14+$0x0], $0xffff  }
0x4d: {  	v3 =	vor.u32 v1, v3;
	_ =	sdelay $0x2  }
0x4e: {  	s8 =	sadd.s32 $0x20, s10  }
0x4f: {  	[tilespmem:s8+$0xFFFFFFF0] =	vst v2  }
0x50: {  	v2 =	vld.idx.msk [tilespmem:v3+s14+$0x0], $0xffff;
	_ =	sdelay $0x4  }
0x51: {  	s7 =	simm.s32 $0x1080;
	[tilespmem:s8+$0x0] =	vst v2  }
0x52: {  	[tilespmem:s17], [sflag:$0x1] =	stream.indirect.gather [hbm4b:s1+s14], $0x80, s7, s14, $0xb8;
	[tilespmem:$0x11D00] =	vst v63  }
0x53: {  	s12 =	simm.s32 $0x1100  }
0x54: {  	[tilespmem:s19], [sflag:$0x2] =	stream.indirect.gather [hbm4b:s1+s14], $0x80, s12, s14, $0xb8;
	[tilespmem:$0x11D00] =	vst v63  }
0x55: {  	s10 =	simm.s32 $0x0;
	s12 =	simm.s32 $0x1200  }
.LBB2_4:
0x56: {  	_ =	swait.ge [sflag:s15], $0x4000  }
0x57: {  	[sflag:s15] =	ssyncset.done $0x0  }
0x58: {  	s7 =	sadd.s32 s10, s11;
	[sflag:s15] =	ssyncadd.s32 $0xFFFFC000  }
0x59: {  	[hbm4b:s7+s3] =	stream.linear.scatter [tilespmem:s17], [sflag:$0x5], $0x1000, $0x38;
	[tilespmem:$0x11D00] =	vst v63  }
0x5a: {  	s8 =	sadd.s32 $0x4000, s7  }
0x5b: {  	[hbm4b:s8+s3] =	stream.linear.scatter [tilespmem:s20], [sflag:$0x5], $0x1000, $0x38;
	[tilespmem:$0x11D00] =	vst v63  }
0x5c: {  	s8 =	sadd.s32 $0x8000, s7  }
0x5d: {  	[hbm4b:s8+s3] =	stream.linear.scatter [tilespmem:s21], [sflag:$0x5], $0x1000, $0x38;
	[tilespmem:$0x11D00] =	vst v63  }
0x5e: {  	p0 =	seq.s32 s10, $0x0;
	s8 =	sadd.s32 $0xC000, s7  }
0x5f: {  	[hbm4b:s8+s3] =	stream.linear.scatter [tilespmem:s22], [sflag:$0x5], $0x1000, $0x38;
	[tilespmem:$0x11D00] =	vst v63  }
0x60: {  	s8 =	simm.s32 @!p0 $0x7  }
0x61: {  	_ =	swait.ge @!p0 [sflag:s8], $0x4000  }
0x62: {  	[sflag:s8] =	ssyncset.done @!p0 $0x0  }
0x63: {  	[sflag:s8] =	ssyncadd.s32 @!p0 $0xFFFFC000;
	s8 =	sadd.s32 $0xFFFFFF80, s12  }
0x64: {  	[tilespmem:s23], [sflag:$0x3] =	stream.indirect.gather [hbm4b:s1+s14], $0x80, s8, s14, $0xb8;
	[tilespmem:$0x11D00] =	vst v63  }
0x65: {  	_ =	swait.ge [sflag:s24], $0x4000  }
0x66: {  	[sflag:s24] =	ssyncset.done $0x0  }
0x67: {  	s8 =	sadd.s32 $0x10000, s7;
	[sflag:s24] =	ssyncadd.s32 $0xFFFFC000  }
0x68: {  	[hbm4b:s8+s3] =	stream.linear.scatter [tilespmem:s19], [sflag:$0x6], $0x1000, $0x38;
	[tilespmem:$0x11D00] =	vst v63  }
0x69: {  	s8 =	sadd.s32 $0x14000, s7  }
0x6a: {  	[hbm4b:s8+s3] =	stream.linear.scatter [tilespmem:s25], [sflag:$0x6], $0x1000, $0x38;
	[tilespmem:$0x11D00] =	vst v63  }
0x6b: {  	s8 =	sadd.s32 $0x18000, s7  }
0x6c: {  	[hbm4b:s8+s3] =	stream.linear.scatter [tilespmem:s26], [sflag:$0x6], $0x1000, $0x38;
	[tilespmem:$0x11D00] =	vst v63  }
0x6d: {  	s8 =	sadd.s32 $0x1C000, s7  }
0x6e: {  	[hbm4b:s8+s3] =	stream.linear.scatter [tilespmem:s28], [sflag:$0x6], $0x1000, $0x38;
	[tilespmem:$0x11D00] =	vst v63  }
0x6f: {  	s8 =	simm.s32 @!p0 $0x8  }
0x70: {  	_ =	swait.ge @!p0 [sflag:s8], $0x4000  }
0x71: {  	[sflag:s8] =	ssyncset.done @!p0 $0x0  }
0x72: {  	[sflag:s8] =	ssyncadd.s32 @!p0 $0xFFFFC000  }
0x73: {  	[tilespmem:s29], [sflag:$0x4] =	stream.indirect.gather [hbm4b:s1+s14], $0x80, s12, s14, $0xb8;
	[tilespmem:$0x11D00] =	vst v63  }
0x74: {  	_ =	swait.ge [sflag:s30], $0x4000  }
0x75: {  	[sflag:s30] =	ssyncset.done $0x0  }
0x76: {  	s8 =	sadd.s32 $0x20000, s7;
	[sflag:s30] =	ssyncadd.s32 $0xFFFFC000  }
0x77: {  	[hbm4b:s8+s3] =	stream.linear.scatter [tilespmem:s23], [sflag:$0x7], $0x1000, $0x38;
	[tilespmem:$0x11D00] =	vst v63  }
0x78: {  	s8 =	sadd.s32 $0x24000, s7  }
0x79: {  	[hbm4b:s8+s3] =	stream.linear.scatter [tilespmem:s31], [sflag:$0x7], $0x1000, $0x38;
	[tilespmem:$0x11D00] =	vst v63  }
0x7a: {  	s8 =	sadd.s32 $0x28000, s7  }
0x7b: {  	[hbm4b:s8+s3] =	stream.linear.scatter [tilespmem:s0], [sflag:$0x7], $0x1000, $0x38;
	[tilespmem:$0x11D00] =	vst v63  }
0x7c: {  	s8 =	sadd.s32 $0x2C000, s7  }
0x7d: {  	[hbm4b:s8+s3] =	stream.linear.scatter [tilespmem:s2], [sflag:$0x7], $0x1000, $0x38;
	[tilespmem:$0x11D00] =	vst v63  }
0x7e: {  	_ =	swait.ge [sflag:s13], $0x4000  }
0x7f: {  	[sflag:s13] =	ssyncset.done $0x0  }
0x80: {  	s8 =	sadd.s32 $0x80, s12;
	[sflag:s13] =	ssyncadd.s32 $0xFFFFC000  }
0x81: {  	[tilespmem:s17], [sflag:$0x1] =	stream.indirect.gather [hbm4b:s1+s14], $0x80, s8, s14, $0xb8;
	[tilespmem:$0x11D00] =	vst v63  }
0x82: {  	_ =	swait.ge [sflag:s16], $0x4000  }
0x83: {  	[sflag:s16] =	ssyncset.done $0x0  }
0x84: {  	s8 =	sadd.s32 $0x30000, s7;
	[sflag:s16] =	ssyncadd.s32 $0xFFFFC000  }
0x85: {  	[hbm4b:s8+s3] =	stream.linear.scatter [tilespmem:s29], [sflag:$0x8], $0x1000, $0x38;
	[tilespmem:$0x11D00] =	vst v63  }
0x86: {  	p0 =	seq.s32 s10, $0x140000;
	s8 =	sadd.s32 $0x34000, s7  }
0x87: {  	[hbm4b:s8+s3] =	stream.linear.scatter [tilespmem:s18], [sflag:$0x8], $0x1000, $0x38;
	[tilespmem:$0x11D00] =	vst v63  }
.Ltmp3:
0x88: {  	_ = 	snop;
	(pc) =	sbr.rel @p0 .LBB2_6-.Ltmp3, $4  }
0x89: {  	s8 =	sadd.s32 $0x38000, s7  }
0x8a: {  	[hbm4b:s8+s3] =	stream.linear.scatter [tilespmem:s4], [sflag:$0x8], $0x1000, $0x38;
	[tilespmem:$0x11D00] =	vst v63  }
0x8b: {  	s7 =	sadd.s32 $0x3C000, s7  }
0x8c: {  	[hbm4b:s7+s3] =	stream.linear.scatter [tilespmem:s5], [sflag:$0x8], $0x1000, $0x38;
	[tilespmem:$0x11D00] =	vst v63  }
.Ltmp4:
0x8d: {  	(pc) =	sbr.rel .LBB2_4-.Ltmp4, $4  }
0x8e: {  	_ =	swait.ge [sflag:s6], $0x4000  }
0x8f: {  	s7 =	sadd.s32 $0x100, s12;
	[sflag:s6] =	ssyncset.done $0x0  }
0x90: {  	s10 =	sadd.s32 $0x40000, s10;
	s12 =	sadd.s32 $0x200, s12;
	[sflag:s6] =	ssyncadd.s32 $0xFFFFC000  }
0x91: {  	[tilespmem:s19], [sflag:$0x2] =	stream.indirect.gather [hbm4b:s1+s14], $0x80, s7, s14, $0xb8;
	[tilespmem:$0x11D00] =	vst v63  }
.LBB2_7:
0x92: {  	_ =	sfence.sel $0x180000  }
0x93: {  	[bflag:$0x0] =	sbarrier.arrive $0xFFFF  }
0x94: {  	_ =	strace $0x9000004D  }
0x95: {  	s0 =	stileid.u32;
	[bflag:$0x2] =	sbarrier.arrive $0xFFFF  }
0x96: {  	p0 =	sne.s32 s0, $0x0;
	s0 =	rddreg [dreg:$0x3]  }
0x97: {  	s0 =	sadd.s32 @!p0 $0x100000, s0  }
0x98: {  	[sflag:s0] =	ssyncadd.tile.s32 @!p0 $0x1;
	_ =	shalt  }
.Lfunc_end2:
_tile_overlayer_lowered:
.L_overlay_start_2:
0x99: {  	(tag) =	ssettag $0x2  }
0x9a: {  	s0 =	rddreg [dreg:$0x0];
	s2 =	stileid.u32  }
0x9b: {  	s1 =	rddreg [dreg:$0x1];
	p0 =	sne.s32 s2, $0x0  }
0x9c: {  	s3 =	rddreg [dreg:$0x2];
	[bflag:$0x3] =	sbarrier.arrive $0xFFFF;
	s2 =	simm.s32 @!p0 $0x1C09  }
0x9d: {  	[timem:s3], [sflag:s2] =	dma.local @!p0 [hbm:s0], s1  }
0x9e: {  	s0 =	simm.s32 @!p0 $0x9  }
0x9f: {  	_ =	swait.ge @!p0 [sflag:s0], s1  }
0xa0: {  	s1 =	ssub.s32 @!p0 $0x0, s1;
	[sflag:s0] =	ssyncset.done @!p0 $0x0  }
0xa1: {  	[sflag:s0] =	ssyncadd.s32 @!p0 s1  }
0xa2: {  	[bflag:$0x3] =	sbarrier.arrive $0xFFFF  }
0xa3: {  	_ =	shalt  }

</sc_bundles>
